<compile_context>
chip_gen: v7x
topology: tpu7x:2x2x1
jax: 0.10.2.dev20260603
libtpu: 0.0.44.dev20260713+nightly
codegen_flags: <defaults>
</compile_context>

<pallas_src>
import functools

import jax
import jax.numpy as jnp
from jax import lax
from jax.experimental import pallas as pl
from jax.experimental.pallas import tpu as pltpu
from jax.experimental.pallas import tpu_sc as plsc

_N = 10000
_E = 320000
_G = 32
_D_IN = 128
_H1 = 128
_H2 = 64
_OUT = 10
_NPAD = 10240
_BT = 1024
_NSUB = 8
_CH = 32
_EPT = _E // _NSUB
_NCH = _EPT // _CH
_NR = _NPAD // 2
_NRP = _NR + 128


def _logit_block(h, asr, adr, as_ref, ad_ref, cmax_ref, i):
    a_s = jnp.sum(h * asr, axis=1)
    a_d = jnp.sum(h * adr, axis=1)
    as_ref[...] = a_s.reshape(_BT // 128, 128)
    ad_ref[...] = a_d.reshape(_BT // 128, 128)

    @pl.when(i == 0)
    def _():
        cmax_ref[...] = jnp.full((8, 128), -1e30, jnp.float32)

    upd = jnp.concatenate(
        [jnp.full((1, 128), jnp.max(a_s)), jnp.full((1, 128), jnp.max(a_d)),
         jnp.full((6, 128), -1e30)], axis=0)
    cmax_ref[...] = jnp.maximum(cmax_ref[...], upd)


def _t1_body(x_ref, w_ref, asr_ref, adr_ref, h_ref, as_ref, ad_ref, cmax_ref):
    i = pl.program_id(0)
    h = jnp.dot(x_ref[...], w_ref[...], preferred_element_type=jnp.float32)
    h_ref[...] = h
    _logit_block(h, asr_ref[...], adr_ref[...], as_ref, ad_ref, cmax_ref, i)


def _t1(x_pad, W1, a_src, a_dst):
    n_blk = _NPAD // _BT
    H = _H1
    return pl.pallas_call(
        _t1_body,
        grid=(n_blk,),
        in_specs=[
            pl.BlockSpec((_BT, _D_IN), lambda i: (i, 0)),
            pl.BlockSpec((_D_IN, H), lambda i: (0, 0)),
            pl.BlockSpec((1, H), lambda i: (0, 0)),
            pl.BlockSpec((1, H), lambda i: (0, 0)),
        ],
        out_specs=[
            pl.BlockSpec((_BT, H), lambda i: (i, 0)),
            pl.BlockSpec((_BT // 128, 128), lambda i: (i, 0)),
            pl.BlockSpec((_BT // 128, 128), lambda i: (i, 0)),
            pl.BlockSpec((8, 128), lambda i: (0, 0)),
        ],
        out_shape=[
            jax.ShapeDtypeStruct((_NPAD, H), jnp.float32),
            jax.ShapeDtypeStruct((_NPAD // 128, 128), jnp.float32),
            jax.ShapeDtypeStruct((_NPAD // 128, 128), jnp.float32),
            jax.ShapeDtypeStruct((8, 128), jnp.float32),
        ],
    )(x_pad, W1, a_src.reshape(1, H), a_dst.reshape(1, H))


def _t2_body(acc_ref, den_ref, b_ref, w_ref, asr_ref, adr_ref,
             h_ref, as_ref, ad_ref, cmax_ref):
    i = pl.program_id(0)
    den = jnp.sum(den_ref[...], axis=1, keepdims=True)
    h1 = jnp.maximum(acc_ref[...] / jnp.maximum(den, 1e-16) + b_ref[...], 0.0)
    h2 = jnp.dot(h1, w_ref[...], preferred_element_type=jnp.float32)
    h_ref[...] = jnp.concatenate(
        [h2, jnp.zeros((_BT, _H1 - _H2), jnp.float32)], axis=1)
    _logit_block(h2, asr_ref[...], adr_ref[...], as_ref, ad_ref, cmax_ref, i)


def _t2(acc, den, b1, W2, a_src2, a_dst2):
    n_blk = _NPAD // _BT
    return pl.pallas_call(
        _t2_body,
        grid=(n_blk,),
        in_specs=[
            pl.BlockSpec((_BT, _H1), lambda i: (i, 0)),
            pl.BlockSpec((_BT, 16), lambda i: (i, 0)),
            pl.BlockSpec((1, _H1), lambda i: (0, 0)),
            pl.BlockSpec((_H1, _H2), lambda i: (0, 0)),
            pl.BlockSpec((1, _H2), lambda i: (0, 0)),
            pl.BlockSpec((1, _H2), lambda i: (0, 0)),
        ],
        out_specs=[
            pl.BlockSpec((_BT, _H1), lambda i: (i, 0)),
            pl.BlockSpec((_BT // 128, 128), lambda i: (i, 0)),
            pl.BlockSpec((_BT // 128, 128), lambda i: (i, 0)),
            pl.BlockSpec((8, 128), lambda i: (0, 0)),
        ],
        out_shape=[
            jax.ShapeDtypeStruct((_NPAD, _H1), jnp.float32),
            jax.ShapeDtypeStruct((_NPAD // 128, 128), jnp.float32),
            jax.ShapeDtypeStruct((_NPAD // 128, 128), jnp.float32),
            jax.ShapeDtypeStruct((8, 128), jnp.float32),
        ],
    )(acc, den, b1.reshape(1, _H1), W2,
      a_src2.reshape(1, _H2), a_dst2.reshape(1, _H2))


def _t3_body(acc_ref, den_ref, b_ref, batch_ref, wl_ref, bl_ref,
             out_ref, p_s, c_s):
    i = pl.program_id(0)
    den = jnp.sum(den_ref[...], axis=1, keepdims=True)
    h2 = jnp.maximum(
        acc_ref[:, :_H2] / jnp.maximum(den, 1e-16) + b_ref[...], 0.0)
    m = batch_ref[...]
    onehot = (m == lax.broadcasted_iota(jnp.int32, (1, _G), 1)
              ).astype(jnp.float32)

    @pl.when(i == 0)
    def _():
        p_s[...] = jnp.zeros((_G, _H2), jnp.float32)
        c_s[...] = jnp.zeros((_G, 128), jnp.float32)

    p_s[...] += lax.dot_general(onehot, h2, (((0,), (0,)), ((), ())),
                                preferred_element_type=jnp.float32)
    c_s[...] += lax.dot_general(onehot, jnp.ones((_BT, 128), jnp.float32),
                                (((0,), (0,)), ((), ())),
                                preferred_element_type=jnp.float32)

    @pl.when(i == pl.num_programs(0) - 1)
    def _():
        cnt = c_s[:, 0:1]
        pooled = p_s[...] / jnp.maximum(cnt, 1.0)
        out_ref[...] = jnp.dot(pooled, wl_ref[...],
                               preferred_element_type=jnp.float32) + bl_ref[...]


def _t3(acc2, den2, b2, batch_pad, Wlin, blin):
    n_blk = _NPAD // _BT
    return pl.pallas_call(
        _t3_body,
        grid=(n_blk,),
        in_specs=[
            pl.BlockSpec((_BT, _H1), lambda i: (i, 0)),
            pl.BlockSpec((_BT, 16), lambda i: (i, 0)),
            pl.BlockSpec((1, _H2), lambda i: (0, 0)),
            pl.BlockSpec((_BT, 1), lambda i: (i, 0)),
            pl.BlockSpec((_H2, _OUT), lambda i: (0, 0)),
            pl.BlockSpec((1, _OUT), lambda i: (0, 0)),
        ],
        out_specs=pl.BlockSpec((_G, _OUT), lambda i: (0, 0)),
        out_shape=jax.ShapeDtypeStruct((_G, _OUT), jnp.float32),
        scratch_shapes=[
            pltpu.VMEM((_G, _H2), jnp.float32),
            pltpu.VMEM((_G, 128), jnp.float32),
        ],
    )(acc2, den2, b2.reshape(1, _H2), batch_pad.reshape(_NPAD, 1),
      Wlin, blin.reshape(1, _OUT))


def _make_sc_edge():
    mesh = plsc.VectorSubcoreMesh(core_axis_name="c", subcore_axis_name="s",
                                  num_subcores=_NSUB)
    CR = _NR // _NSUB

    @functools.partial(
        pl.kernel,
        out_type=[
            jax.ShapeDtypeStruct((_NPAD, _H1), jnp.float32),
            jax.ShapeDtypeStruct((_NPAD, 16), jnp.float32),
        ],
        mesh=mesh,
        compiler_params=pltpu.CompilerParams(needs_layout_passes=False),
        scratch_types=[
            pltpu.VMEM_SHARED((_NR, _H1), jnp.float32),
            pltpu.VMEM_SHARED((_NR, 16), jnp.float32),
            pltpu.VMEM((_CH,), jnp.int32),
            pltpu.VMEM((_CH,), jnp.int32),
            pltpu.VMEM((_NPAD // 128, 128), jnp.float32),
            pltpu.VMEM((_NPAD // 128, 128), jnp.float32),
            pltpu.VMEM((16,), jnp.float32),
            pltpu.VMEM((16,), jnp.float32),
            pltpu.VMEM((_CH, _H1), jnp.float32),
            pltpu.VMEM((_CH,), jnp.float32),
            pltpu.VMEM((_CH, 16), jnp.float32),
            pltpu.SMEM((2,), jnp.int32),
            pltpu.SemaphoreType.DMA,
        ],
    )
    def f(h_hbm, srcf, dstf, asad, cflat, acc_out, den_out,
          acc_sh, den_sh, sbuf, dbuf, asv, adv, ca, cd, rows, exc, exb,
          cnt, sem):
        ci = lax.axis_index("c")
        si = lax.axis_index("s")

        @pl.when(si == 0)
        def _():
            cnt[0] = 0
            cnt[1] = 0

        def sc_barrier(phase):
            plsc.fetch_and_add(cnt.at[phase], 1, subcore_id=0)
            lax.while_loop(
                lambda v: v < _NSUB,
                lambda v: plsc.fetch_and_add(cnt.at[phase], 0, subcore_id=0),
                0)

        pltpu.sync_copy(asad.at[0], asv)
        pltpu.sync_copy(asad.at[1], adv)
        pltpu.sync_copy(cflat.at[pl.ds(0, 16)], ca)
        pltpu.sync_copy(cflat.at[pl.ds(128, 16)], cd)
        s = ca[...] + cd[...]
        cvec = jnp.where(s >= 0.0, s, 0.2 * s)
        lane0 = jnp.where(lax.iota(jnp.int32, 16) == 0, 1.0, 0.0)
        z16 = jnp.zeros((16,), jnp.float32)
        off = ci * _NR

        def zrow_body(r, carry):
            for k in range(_H1 // 16):
                rows[r, pl.ds(k * 16, 16)] = z16
            exb[r, pl.ds(0, 16)] = z16
            return carry

        lax.fori_loop(0, _CH, zrow_body, 0)
        base = si * CR
        for j in range(CR // _CH):
            pltpu.sync_copy(rows, acc_sh.at[pl.ds(base + j * _CH, _CH)])
            pltpu.sync_copy(exb, den_sh.at[pl.ds(base + j * _CH, _CH)])
        sc_barrier(0)

        def chunk(cidx, carry):
            ebase = (si * _NCH + cidx) * _CH
            pltpu.sync_copy(srcf.at[pl.ds(ebase, _CH)], sbuf)
            pltpu.sync_copy(dstf.at[pl.ds(ebase, _CH)], dbuf)
            gat = pltpu.async_copy(h_hbm.at[sbuf], rows, sem)
            for k in range(_CH // 16):
                s16 = sbuf[pl.ds(k * 16, 16)]
                d16 = dbuf[pl.ds(k * 16, 16)]
                sv = plsc.load_gather(asv, [s16 >> 7, s16 & 127])
                dv = plsc.load_gather(adv, [d16 >> 7, d16 & 127])
                al = sv + dv
                al = jnp.where(al >= 0.0, al, 0.2 * al)
                ex = jnp.exp(al - cvec)
                d2 = d16 - off
                inr = (d2 >= 0) & (d2 < _NR)
                exc[pl.ds(k * 16, 16)] = jnp.where(inr, ex, 0.0)
                d2 = jnp.where(d2 < 0, d2 + _NR, d2)
                d2 = jnp.where(d2 >= _NR, d2 - _NR, d2)
                dbuf[pl.ds(k * 16, 16)] = d2
            gat.wait()

            def edge(e, ecarry):
                z = jnp.zeros((16,), jnp.int32)
                eb = plsc.load_gather(exc, [z + e])
                exb[e, pl.ds(0, 16)] = eb * lane0
                for k in range(_H1 // 16):
                    rows[e, pl.ds(k * 16, 16)] = rows[e, pl.ds(k * 16, 16)] * eb
                return ecarry

            lax.fori_loop(0, _CH, edge, 0)
            pltpu.sync_copy(rows, acc_sh.at[dbuf], add=True)
            pltpu.sync_copy(exb, den_sh.at[dbuf], add=True)
            return carry

        lax.fori_loop(0, _NCH, chunk, 0)
        sc_barrier(1)
        pltpu.sync_copy(acc_sh.at[pl.ds(si * CR, CR)],
                        acc_out.at[pl.ds(off + si * CR, CR)])
        pltpu.sync_copy(den_sh.at[pl.ds(si * CR, CR)],
                        den_out.at[pl.ds(off + si * CR, CR)])

    return f


_SC_EDGE = _make_sc_edge()


def _edge_phase_sc(h, srcr, dstr, as2d, ad2d, cmax):
    asad = jnp.stack([as2d, ad2d])
    return _SC_EDGE(h, srcr, dstr, asad, cmax.reshape(1024))


def kernel(x, edge_index, batch, W1, a_src1, a_dst1, b1,
           W2, a_src2, a_dst2, b2, Wlin, blin):
    x_pad = jnp.zeros((_NPAD, _D_IN), jnp.float32).at[:_N].set(x)
    src = edge_index[0].astype(jnp.int32)
    dst = edge_index[1].astype(jnp.int32)
    batch_pad = jnp.concatenate(
        [batch.astype(jnp.int32), jnp.full((_NPAD - _N,), _G, jnp.int32)])
    h1, as1, ad1, cmax1 = _t1(x_pad, W1, a_src1, a_dst1)
    acc1, den1 = _edge_phase_sc(h1, src, dst, as1, ad1, cmax1)
    h2, as2, ad2, cmax2 = _t2(acc1, den1, b1, W2, a_src2, a_dst2)
    acc2, den2 = _edge_phase_sc(h2, src, dst, as2, ad2, cmax2)
    return _t3(acc2, den2, b2, batch_pad, Wlin, blin)

# --- scband reference (transcript-rebuilt; emitter-appended) ---
"""Pipeline reference for scband-gat-74036646248596 (READ-ONLY COPY).

The authoritative reference and input builder live on the scoring server;
editing this copy changes nothing except your own understanding.
"""

import jax, jax.numpy as jnp
import numpy as np

N = 10000
E = 320000
G = 32
D_IN = 128
H1 = 128
H2 = 64
OUT = 10


def setup_inputs(seed: int = 0) -> dict:
    key = jax.random.key(seed)
    ks = jax.random.split(key, 14)
    x = jax.random.normal(ks[0], (N, D_IN), dtype=jnp.float32)
    edge_index = jax.random.randint(ks[1], (2, E), 0, N)
    batch = jnp.sort(jax.random.randint(ks[2], (N,), 0, G))
    W1 = jax.random.normal(ks[3], (D_IN, H1), dtype=jnp.float32) * (1.0 / np.sqrt(D_IN))
    a_src1 = jax.random.normal(ks[4], (H1,), dtype=jnp.float32) * (1.0 / np.sqrt(H1))
    a_dst1 = jax.random.normal(ks[5], (H1,), dtype=jnp.float32) * (1.0 / np.sqrt(H1))
    b1 = jnp.zeros((H1,), dtype=jnp.float32)
    W2 = jax.random.normal(ks[6], (H1, H2), dtype=jnp.float32) * (1.0 / np.sqrt(H1))
    a_src2 = jax.random.normal(ks[7], (H2,), dtype=jnp.float32) * (1.0 / np.sqrt(H2))
    a_dst2 = jax.random.normal(ks[8], (H2,), dtype=jnp.float32) * (1.0 / np.sqrt(H2))
    b2 = jnp.zeros((H2,), dtype=jnp.float32)
    Wlin = jax.random.normal(ks[9], (H2, OUT), dtype=jnp.float32) * (1.0 / np.sqrt(H2))
    blin = jnp.zeros((OUT,), dtype=jnp.float32)
    return {"x": x, "edge_index": edge_index, "batch": batch,
            "W1": W1, "a_src1": a_src1, "a_dst1": a_dst1, "b1": b1,
            "W2": W2, "a_src2": a_src2, "a_dst2": a_dst2, "b2": b2,
            "Wlin": Wlin, "blin": blin}


def _gat_conv(x, edge_index, W, a_src, a_dst, bias, num_nodes):
    # PyG-style single-head GATConv (dropout inactive in eval mode)
    h = x @ W
    src = edge_index[0]
    dst = edge_index[1]
    alpha_src = (h * a_src).sum(axis=-1)
    alpha_dst = (h * a_dst).sum(axis=-1)
    alpha = alpha_src[src] + alpha_dst[dst]
    alpha = jax.nn.leaky_relu(alpha, negative_slope=0.2)
    amax = jax.ops.segment_max(alpha, dst, num_segments=num_nodes)
    amax = jnp.where(jnp.isfinite(amax), amax, 0.0)
    ex = jnp.exp(alpha - amax[dst])
    denom = jax.ops.segment_sum(ex, dst, num_segments=num_nodes)
    w = ex / jnp.maximum(denom[dst], 1e-16)
    out = jax.ops.segment_sum(h[src] * w[:, None], dst, num_segments=num_nodes)
    return out + bias


def reference(x, edge_index, batch, W1, a_src1, a_dst1, b1, W2, a_src2, a_dst2, b2, Wlin, blin):
    h = _gat_conv(x, edge_index, W1, a_src1, a_dst1, b1, N)
    h = jax.nn.relu(h)
    h = _gat_conv(h, edge_index, W2, a_src2, a_dst2, b2, N)
    h = jax.nn.relu(h)
    # global_mean_pool over batch assignment
    s = jax.ops.segment_sum(h, batch, num_segments=G)
    cnt = jax.ops.segment_sum(jnp.ones((N,), dtype=h.dtype), batch, num_segments=G)
    pooled = s / jnp.maximum(cnt, 1.0)[:, None]
    return pooled @ Wlin + blin

if __name__ == "__main__":
    import jax
    _d = setup_inputs()
    print(jax.jit(kernel)(*tuple(_d.values())))

</pallas_src>

<mosaic_0001>
#map = affine_map<(d0, d1) -> (0, 0)>
#map1 = affine_map<(d0, d1) -> (0)>
#map2 = affine_map<(d0, d1) -> (0, 0, 0)>
module attributes {stable_mosaic.version = 14 : i64} {
  func.func @f(%arg0: i32, %arg1: i32, %arg2: memref<10240x128xf32, #tpu.memory_space<hbm>>, %arg3: memref<320000xi32, #tpu.memory_space<hbm>>, %arg4: memref<320000xi32, #tpu.memory_space<hbm>>, %arg5: memref<2x80x128xf32, #tpu.memory_space<hbm>>, %arg6: memref<1024xf32, #tpu.memory_space<hbm>>, %arg7: memref<10240x128xf32, #tpu.memory_space<hbm>>, %arg8: memref<10240x16xf32, #tpu.memory_space<hbm>>, %arg9: memref<5120x128xf32, #tpu.memory_space<vmem_shared>>, %arg10: memref<5120x16xf32, #tpu.memory_space<vmem_shared>>, %arg11: memref<32xi32, #tpu.memory_space<vmem>>, %arg12: memref<32xi32, #tpu.memory_space<vmem>>, %arg13: memref<80x128xf32, #tpu.memory_space<vmem>>, %arg14: memref<80x128xf32, #tpu.memory_space<vmem>>, %arg15: memref<16xf32, #tpu.memory_space<vmem>>, %arg16: memref<16xf32, #tpu.memory_space<vmem>>, %arg17: memref<32x128xf32, #tpu.memory_space<vmem>>, %arg18: memref<32xf32, #tpu.memory_space<vmem>>, %arg19: memref<32x16xf32, #tpu.memory_space<vmem>>, %arg20: memref<2xi32, #tpu.memory_space<smem>>, %arg21: memref<!tpu.dma_semaphore, #tpu.memory_space<semaphore_mem>>) attributes {dimension_semantics = [#tpu.dimension_semantics<core_parallel>, #tpu.dimension_semantics<subcore_parallel>], iteration_bounds = array<i64: 2, 8>, scalar_prefetch = 0 : i64, scratch_operands = 13 : i64, tpu.core_type = #tpu.core_type<sc_vector_subcore>, window_params = [{transform_indices = #map}, {transform_indices = #map1}, {transform_indices = #map1}, {transform_indices = #map2}, {transform_indices = #map1}, {transform_indices = #map}, {transform_indices = #map}]} {
    %eq3A = arith.constant 0 : i32
    %eq3A_0 = arith.cmpi eq, %arg1, %eq3A : i32
    %convert_element_type3A = arith.extui %eq3A_0 : i1 to i32
    %cond3A = arith.constant 0 : i32
    %cond3A_1 = arith.cmpi ne, %convert_element_type3A, %cond3A : i32
    scf.if %cond3A_1 {
      %swap3A = arith.constant 0 : i32
      %swap3A_133 = arith.constant 0 : i32
      %swap3A_134 = arith.index_cast %swap3A_133 : i32 to index
      %swap3A_135 = memref.load %arg20[%swap3A_134] : memref<2xi32, #tpu.memory_space<smem>>
      memref.store %swap3A, %arg20[%swap3A_134] : memref<2xi32, #tpu.memory_space<smem>>
      %swap3A_136 = arith.constant 0 : i32
      %swap3A_137 = arith.constant 1 : i32
      %swap3A_138 = arith.index_cast %swap3A_137 : i32 to index
      %swap3A_139 = memref.load %arg20[%swap3A_138] : memref<2xi32, #tpu.memory_space<smem>>
      memref.store %swap3A_136, %arg20[%swap3A_138] : memref<2xi32, #tpu.memory_space<smem>>
    } else {
    }
    %run_scoped3A = arith.constant 0 : i32
    "tpu.region"() ({
      %run_scoped3A_133 = tpu.sem_alloc : memref<!tpu.dma_semaphore, #tpu.memory_space<semaphore_mem>>
      %dma_start3A = arith.constant 0 : i32
      %dma_start3A_134 = arith.constant 0 : i32
      %dma_start3A_135 = tpu.memref_slice %arg5[%run_scoped3A, %dma_start3A, %dma_start3A_134] : memref<2x80x128xf32, #tpu.memory_space<hbm>> -> memref<1x80x128xf32, #tpu.memory_space<hbm>>
      %dma_start3A_136 = tpu.memref_squeeze %dma_start3A_135 : memref<1x80x128xf32, #tpu.memory_space<hbm>> -> memref<80x128xf32, #tpu.memory_space<hbm>>
      %dma_start3A_137 = arith.constant 0 : i32
      %dma_start3A_138 = arith.constant 0 : i32
      %dma_start3A_139 = tpu.memref_slice %arg5[%run_scoped3A, %dma_start3A_137, %dma_start3A_138] : memref<2x80x128xf32, #tpu.memory_space<hbm>> -> memref<1x80x128xf32, #tpu.memory_space<hbm>>
      %dma_start3A_140 = tpu.memref_squeeze %dma_start3A_139 : memref<1x80x128xf32, #tpu.memory_space<hbm>> -> memref<80x128xf32, #tpu.memory_space<hbm>>
      tpu.enqueue_dma source(%dma_start3A_140 : memref<80x128xf32, #tpu.memory_space<hbm>>) target(%arg13 : memref<80x128xf32, #tpu.memory_space<vmem>>) target_semaphore(%run_scoped3A_133 : memref<!tpu.dma_semaphore, #tpu.memory_space<semaphore_mem>>)
      %dma_wait3A = arith.constant 0 : i32
      %dma_wait3A_141 = arith.constant 0 : i32
      %dma_wait3A_142 = tpu.memref_slice %arg5[%run_scoped3A, %dma_wait3A, %dma_wait3A_141] : memref<2x80x128xf32, #tpu.memory_space<hbm>> -> memref<1x80x128xf32, #tpu.memory_space<hbm>>
      %dma_wait3A_143 = tpu.memref_squeeze %dma_wait3A_142 : memref<1x80x128xf32, #tpu.memory_space<hbm>> -> memref<80x128xf32, #tpu.memory_space<hbm>>
      %dma_wait3A_144 = arith.constant 0 : i32
      %dma_wait3A_145 = arith.constant 0 : i32
      %dma_wait3A_146 = tpu.memref_slice %arg5[%run_scoped3A, %dma_wait3A_144, %dma_wait3A_145] : memref<2x80x128xf32, #tpu.memory_space<hbm>> -> memref<1x80x128xf32, #tpu.memory_space<hbm>>
      %dma_wait3A_147 = tpu.memref_squeeze %dma_wait3A_146 : memref<1x80x128xf32, #tpu.memory_space<hbm>> -> memref<80x128xf32, #tpu.memory_space<hbm>>
      tpu.wait_dma2 semaphore(%run_scoped3A_133 : memref<!tpu.dma_semaphore, #tpu.memory_space<semaphore_mem>>) src(%dma_wait3A_147 : memref<80x128xf32, #tpu.memory_space<hbm>>) dst(%arg13 : memref<80x128xf32, #tpu.memory_space<vmem>>)
      tpu.yield
    }) : () -> ()
    %run_scoped3A_2 = arith.constant 1 : i32
    "tpu.region"() ({
      %run_scoped3A_133 = tpu.sem_alloc : memref<!tpu.dma_semaphore, #tpu.memory_space<semaphore_mem>>
      %dma_start3A = arith.constant 0 : i32
      %dma_start3A_134 = arith.constant 0 : i32
      %dma_start3A_135 = tpu.memref_slice %arg5[%run_scoped3A_2, %dma_start3A, %dma_start3A_134] : memref<2x80x128xf32, #tpu.memory_space<hbm>> -> memref<1x80x128xf32, #tpu.memory_space<hbm>>
      %dma_start3A_136 = tpu.memref_squeeze %dma_start3A_135 : memref<1x80x128xf32, #tpu.memory_space<hbm>> -> memref<80x128xf32, #tpu.memory_space<hbm>>
      %dma_start3A_137 = arith.constant 0 : i32
      %dma_start3A_138 = arith.constant 0 : i32
      %dma_start3A_139 = tpu.memref_slice %arg5[%run_scoped3A_2, %dma_start3A_137, %dma_start3A_138] : memref<2x80x128xf32, #tpu.memory_space<hbm>> -> memref<1x80x128xf32, #tpu.memory_space<hbm>>
      %dma_start3A_140 = tpu.memref_squeeze %dma_start3A_139 : memref<1x80x128xf32, #tpu.memory_space<hbm>> -> memref<80x128xf32, #tpu.memory_space<hbm>>
      tpu.enqueue_dma source(%dma_start3A_140 : memref<80x128xf32, #tpu.memory_space<hbm>>) target(%arg14 : memref<80x128xf32, #tpu.memory_space<vmem>>) target_semaphore(%run_scoped3A_133 : memref<!tpu.dma_semaphore, #tpu.memory_space<semaphore_mem>>)
      %dma_wait3A = arith.constant 0 : i32
      %dma_wait3A_141 = arith.constant 0 : i32
      %dma_wait3A_142 = tpu.memref_slice %arg5[%run_scoped3A_2, %dma_wait3A, %dma_wait3A_141] : memref<2x80x128xf32, #tpu.memory_space<hbm>> -> memref<1x80x128xf32, #tpu.memory_space<hbm>>
      %dma_wait3A_143 = tpu.memref_squeeze %dma_wait3A_142 : memref<1x80x128xf32, #tpu.memory_space<hbm>> -> memref<80x128xf32, #tpu.memory_space<hbm>>
      %dma_wait3A_144 = arith.constant 0 : i32
      %dma_wait3A_145 = arith.constant 0 : i32
      %dma_wait3A_146 = tpu.memref_slice %arg5[%run_scoped3A_2, %dma_wait3A_144, %dma_wait3A_145] : memref<2x80x128xf32, #tpu.memory_space<hbm>> -> memref<1x80x128xf32, #tpu.memory_space<hbm>>
      %dma_wait3A_147 = tpu.memref_squeeze %dma_wait3A_146 : memref<1x80x128xf32, #tpu.memory_space<hbm>> -> memref<80x128xf32, #tpu.memory_space<hbm>>
      tpu.wait_dma2 semaphore(%run_scoped3A_133 : memref<!tpu.dma_semaphore, #tpu.memory_space<semaphore_mem>>) src(%dma_wait3A_147 : memref<80x128xf32, #tpu.memory_space<hbm>>) dst(%arg14 : memref<80x128xf32, #tpu.memory_space<vmem>>)
      tpu.yield
    }) : () -> ()
    "tpu.region"() ({
      %run_scoped3A_133 = tpu.sem_alloc : memref<!tpu.dma_semaphore, #tpu.memory_space<semaphore_mem>>
      %dma_start3A = arith.constant 0 : i32
      %dma_start3A_134 = tpu.memref_slice %arg6[%dma_start3A] : memref<1024xf32, #tpu.memory_space<hbm>> -> memref<16xf32, #tpu.memory_space<hbm>>
      %dma_start3A_135 = arith.constant 0 : i32
      %dma_start3A_136 = tpu.memref_slice %arg6[%dma_start3A_135] : memref<1024xf32, #tpu.memory_space<hbm>> -> memref<16xf32, #tpu.memory_space<hbm>>
      tpu.enqueue_dma source(%dma_start3A_136 : memref<16xf32, #tpu.memory_space<hbm>>) target(%arg15 : memref<16xf32, #tpu.memory_space<vmem>>) target_semaphore(%run_scoped3A_133 : memref<!tpu.dma_semaphore, #tpu.memory_space<semaphore_mem>>)
      %dma_wait3A = arith.constant 0 : i32
      %dma_wait3A_137 = tpu.memref_slice %arg6[%dma_wait3A] : memref<1024xf32, #tpu.memory_space<hbm>> -> memref<16xf32, #tpu.memory_space<hbm>>
      %dma_wait3A_138 = arith.constant 0 : i32
      %dma_wait3A_139 = tpu.memref_slice %arg6[%dma_wait3A_138] : memref<1024xf32, #tpu.memory_space<hbm>> -> memref<16xf32, #tpu.memory_space<hbm>>
      tpu.wait_dma2 semaphore(%run_scoped3A_133 : memref<!tpu.dma_semaphore, #tpu.memory_space<semaphore_mem>>) src(%dma_wait3A_139 : memref<16xf32, #tpu.memory_space<hbm>>) dst(%arg15 : memref<16xf32, #tpu.memory_space<vmem>>)
      tpu.yield
    }) : () -> ()
    "tpu.region"() ({
      %run_scoped3A_133 = tpu.sem_alloc : memref<!tpu.dma_semaphore, #tpu.memory_space<semaphore_mem>>
      %dma_start3A = arith.constant 128 : i32
      %dma_start3A_134 = tpu.memref_slice %arg6[%dma_start3A] : memref<1024xf32, #tpu.memory_space<hbm>> -> memref<16xf32, #tpu.memory_space<hbm>>
      %dma_start3A_135 = arith.constant 128 : i32
      %dma_start3A_136 = tpu.memref_slice %arg6[%dma_start3A_135] : memref<1024xf32, #tpu.memory_space<hbm>> -> memref<16xf32, #tpu.memory_space<hbm>>
      tpu.enqueue_dma source(%dma_start3A_136 : memref<16xf32, #tpu.memory_space<hbm>>) target(%arg16 : memref<16xf32, #tpu.memory_space<vmem>>) target_semaphore(%run_scoped3A_133 : memref<!tpu.dma_semaphore, #tpu.memory_space<semaphore_mem>>)
      %dma_wait3A = arith.constant 128 : i32
      %dma_wait3A_137 = tpu.memref_slice %arg6[%dma_wait3A] : memref<1024xf32, #tpu.memory_space<hbm>> -> memref<16xf32, #tpu.memory_space<hbm>>
      %dma_wait3A_138 = arith.constant 128 : i32
      %dma_wait3A_139 = tpu.memref_slice %arg6[%dma_wait3A_138] : memref<1024xf32, #tpu.memory_space<hbm>> -> memref<16xf32, #tpu.memory_space<hbm>>
      tpu.wait_dma2 semaphore(%run_scoped3A_133 : memref<!tpu.dma_semaphore, #tpu.memory_space<semaphore_mem>>) src(%dma_wait3A_139 : memref<16xf32, #tpu.memory_space<hbm>>) dst(%arg16 : memref<16xf32, #tpu.memory_space<vmem>>)
      tpu.yield
    }) : () -> ()
    %get3A = arith.constant 0 : index
    %get3A_3 = tpu.vector_load %arg15[%get3A] {strides = array<i32>} : memref<16xf32, #tpu.memory_space<vmem>>, vector<16xf32>,
    %get3A_4 = arith.constant 0 : index
    %get3A_5 = tpu.vector_load %arg16[%get3A_4] {strides = array<i32>} : memref<16xf32, #tpu.memory_space<vmem>>, vector<16xf32>,
    %add3A = arith.addf %get3A_3, %get3A_5 : vector<16xf32>
    %ge3A = arith.constant 0.000000e+00 : f32
    %ge3A_6 = vector.broadcast %ge3A : f32 to vector<16xf32>
    %ge3A_7 = arith.cmpf oge, %add3A, %ge3A_6 : vector<16xf32>
    %mul3A = arith.constant 2.000000e-01 : f32
    %mul3A_8 = vector.broadcast %mul3A : f32 to vector<16xf32>
    %mul3A_9 = arith.mulf %mul3A_8, %add3A : vector<16xf32>
    %select_n3A = arith.select %ge3A_7, %add3A, %mul3A_9 : vector<16xi1>, vector<16xf32>
    %iota3A = tpu.iota {dimensions = array<i32: 0>} : vector<16xi32>
    %eq3A_10 = arith.constant 0 : i32
    %eq3A_11 = vector.broadcast %eq3A_10 : i32 to vector<16xi32>
    %eq3A_12 = arith.cmpi eq, %iota3A, %eq3A_11 : vector<16xi32>
    %jit3A = arith.constant 1.000000e+00 : f32
    %jit3A_13 = arith.constant 0.000000e+00 : f32
    %broadcast_in_dim3A = vector.broadcast %jit3A : f32 to vector<16xf32>
    %broadcast_in_dim3A_14 = vector.broadcast %jit3A_13 : f32 to vector<16xf32>
    %select_n3A_15 = arith.select %eq3A_12, %broadcast_in_dim3A, %broadcast_in_dim3A_14 : vector<16xi1>, vector<16xf32>
    %broadcast_in_dim3A_16 = arith.constant 0.000000e+00 : f32
    %broadcast_in_dim3A_17 = vector.broadcast %broadcast_in_dim3A_16 : f32 to vector<16xf32>
    %mul3A_18 = arith.constant 5120 : i32
    %mul3A_19 = arith.muli %arg0, %mul3A_18 : i32
    %scan3A = arith.constant 0 : i32
    %scan3A_20 = arith.constant 0 : i32
    %scan3A_21 = arith.constant 32 : i32
    %scan3A_22 = arith.addi %scan3A_20, %scan3A_21 : i32
    %scan3A_23 = arith.constant 1 : i32
    scf.for %scan3A_133 = %scan3A_20 to %scan3A_22 step %scan3A_23  : i32 {
      %swap3A = arith.index_cast %scan3A_133 : i32 to index
      %swap3A_134 = arith.constant 0 : index
      %swap3A_135 = tpu.vector_load %arg17[%swap3A, %swap3A_134] {strides = array<i32>} : memref<32x128xf32, #tpu.memory_space<vmem>>, vector<16xf32>,
      tpu.vector_store %arg17[%swap3A, %swap3A_134], %broadcast_in_dim3A_17 {strides = array<i32>} : memref<32x128xf32, #tpu.memory_space<vmem>>, vector<16xf32>,
      %swap3A_136 = arith.index_cast %scan3A_133 : i32 to index
      %swap3A_137 = arith.constant 16 : index
      %swap3A_138 = tpu.vector_load %arg17[%swap3A_136, %swap3A_137] {strides = array<i32>} : memref<32x128xf32, #tpu.memory_space<vmem>>, vector<16xf32>,
      tpu.vector_store %arg17[%swap3A_136, %swap3A_137], %broadcast_in_dim3A_17 {strides = array<i32>} : memref<32x128xf32, #tpu.memory_space<vmem>>, vector<16xf32>,
      %swap3A_139 = arith.index_cast %scan3A_133 : i32 to index
      %swap3A_140 = arith.constant 32 : index
      %swap3A_141 = tpu.vector_load %arg17[%swap3A_139, %swap3A_140] {strides = array<i32>} : memref<32x128xf32, #tpu.memory_space<vmem>>, vector<16xf32>,
      tpu.vector_store %arg17[%swap3A_139, %swap3A_140], %broadcast_in_dim3A_17 {strides = array<i32>} : memref<32x128xf32, #tpu.memory_space<vmem>>, vector<16xf32>,
      %swap3A_142 = arith.index_cast %scan3A_133 : i32 to index
      %swap3A_143 = arith.constant 48 : index
      %swap3A_144 = tpu.vector_load %arg17[%swap3A_142, %swap3A_143] {strides = array<i32>} : memref<32x128xf32, #tpu.memory_space<vmem>>, vector<16xf32>,
      tpu.vector_store %arg17[%swap3A_142, %swap3A_143], %broadcast_in_dim3A_17 {strides = array<i32>} : memref<32x128xf32, #tpu.memory_space<vmem>>, vector<16xf32>,
      %swap3A_145 = arith.index_cast %scan3A_133 : i32 to index
      %swap3A_146 = arith.constant 64 : index
      %swap3A_147 = tpu.vector_load %arg17[%swap3A_145, %swap3A_146] {strides = array<i32>} : memref<32x128xf32, #tpu.memory_space<vmem>>, vector<16xf32>,
      tpu.vector_store %arg17[%swap3A_145, %swap3A_146], %broadcast_in_dim3A_17 {strides = array<i32>} : memref<32x128xf32, #tpu.memory_space<vmem>>, vector<16xf32>,
      %swap3A_148 = arith.index_cast %scan3A_133 : i32 to index
      %swap3A_149 = arith.constant 80 : index
      %swap3A_150 = tpu.vector_load %arg17[%swap3A_148, %swap3A_149] {strides = array<i32>} : memref<32x128xf32, #tpu.memory_space<vmem>>, vector<16xf32>,
      tpu.vector_store %arg17[%swap3A_148, %swap3A_149], %broadcast_in_dim3A_17 {strides = array<i32>} : memref<32x128xf32, #tpu.memory_space<vmem>>, vector<16xf32>,
      %swap3A_151 = arith.index_cast %scan3A_133 : i32 to index
      %swap3A_152 = arith.constant 96 : index
      %swap3A_153 = tpu.vector_load %arg17[%swap3A_151, %swap3A_152] {strides = array<i32>} : memref<32x128xf32, #tpu.memory_space<vmem>>, vector<16xf32>,
      tpu.vector_store %arg17[%swap3A_151, %swap3A_152], %broadcast_in_dim3A_17 {strides = array<i32>} : memref<32x128xf32, #tpu.memory_space<vmem>>, vector<16xf32>,
      %swap3A_154 = arith.index_cast %scan3A_133 : i32 to index
      %swap3A_155 = arith.constant 112 : index
      %swap3A_156 = tpu.vector_load %arg17[%swap3A_154, %swap3A_155] {strides = array<i32>} : memref<32x128xf32, #tpu.memory_space<vmem>>, vector<16xf32>,
      tpu.vector_store %arg17[%swap3A_154, %swap3A_155], %broadcast_in_dim3A_17 {strides = array<i32>} : memref<32x128xf32, #tpu.memory_space<vmem>>, vector<16xf32>,
      %swap3A_157 = arith.index_cast %scan3A_133 : i32 to index
      %swap3A_158 = arith.constant 0 : index
      %swap3A_159 = tpu.vector_load %arg19[%swap3A_157, %swap3A_158] {strides = array<i32>} : memref<32x16xf32, #tpu.memory_space<vmem>>, vector<16xf32>,
      tpu.vector_store %arg19[%swap3A_157, %swap3A_158], %broadcast_in_dim3A_17 {strides = array<i32>} : memref<32x16xf32, #tpu.memory_space<vmem>>, vector<16xf32>,
    }
    %scan3A_24 = arith.constant 32 : i32
    %mul3A_25 = arith.constant 640 : i32
    %mul3A_26 = arith.muli %arg1, %mul3A_25 : i32
    %add3A_27 = arith.constant 0 : i32
    %add3A_28 = arith.addi %mul3A_26, %add3A_27 : i32
    "tpu.region"() ({
      %run_scoped3A_133 = tpu.sem_alloc : memref<!tpu.dma_semaphore, #tpu.memory_space<semaphore_mem>>
      %dma_start3A = arith.constant 0 : i32
      %dma_start3A_134 = tpu.memref_slice %arg9[%add3A_28, %dma_start3A] : memref<5120x128xf32, #tpu.memory_space<vmem_shared>> -> memref<32x128xf32, #tpu.memory_space<vmem_shared>>
      %dma_start3A_135 = arith.constant 0 : i32
      %dma_start3A_136 = tpu.memref_slice %arg9[%add3A_28, %dma_start3A_135] : memref<5120x128xf32, #tpu.memory_space<vmem_shared>> -> memref<32x128xf32, #tpu.memory_space<vmem_shared>>
      tpu.enqueue_dma source(%arg17 : memref<32x128xf32, #tpu.memory_space<vmem>>) target(%dma_start3A_136 : memref<32x128xf32, #tpu.memory_space<vmem_shared>>) target_semaphore(%run_scoped3A_133 : memref<!tpu.dma_semaphore, #tpu.memory_space<semaphore_mem>>)
      %dma_wait3A = arith.constant 0 : i32
      %dma_wait3A_137 = tpu.memref_slice %arg9[%add3A_28, %dma_wait3A] : memref<5120x128xf32, #tpu.memory_space<vmem_shared>> -> memref<32x128xf32, #tpu.memory_space<vmem_shared>>
      %dma_wait3A_138 = arith.constant 0 : i32
      %dma_wait3A_139 = tpu.memref_slice %arg9[%add3A_28, %dma_wait3A_138] : memref<5120x128xf32, #tpu.memory_space<vmem_shared>> -> memref<32x128xf32, #tpu.memory_space<vmem_shared>>
      tpu.wait_dma2 semaphore(%run_scoped3A_133 : memref<!tpu.dma_semaphore, #tpu.memory_space<semaphore_mem>>) src(%arg17 : memref<32x128xf32, #tpu.memory_space<vmem>>) dst(%dma_wait3A_139 : memref<32x128xf32, #tpu.memory_space<vmem_shared>>)
      tpu.yield
    }) : () -> ()
    %add3A_29 = arith.constant 0 : i32
    %add3A_30 = arith.addi %mul3A_26, %add3A_29 : i32
    "tpu.region"() ({
      %run_scoped3A_133 = tpu.sem_alloc : memref<!tpu.dma_semaphore, #tpu.memory_space<semaphore_mem>>
      %dma_start3A = arith.constant 0 : i32
      %dma_start3A_134 = tpu.memref_slice %arg10[%add3A_30, %dma_start3A] : memref<5120x16xf32, #tpu.memory_space<vmem_shared>> -> memref<32x16xf32, #tpu.memory_space<vmem_shared>>
      %dma_start3A_135 = arith.constant 0 : i32
      %dma_start3A_136 = tpu.memref_slice %arg10[%add3A_30, %dma_start3A_135] : memref<5120x16xf32, #tpu.memory_space<vmem_shared>> -> memref<32x16xf32, #tpu.memory_space<vmem_shared>>
      tpu.enqueue_dma source(%arg19 : memref<32x16xf32, #tpu.memory_space<vmem>>) target(%dma_start3A_136 : memref<32x16xf32, #tpu.memory_space<vmem_shared>>) target_semaphore(%run_scoped3A_133 : memref<!tpu.dma_semaphore, #tpu.memory_space<semaphore_mem>>)
      %dma_wait3A = arith.constant 0 : i32
      %dma_wait3A_137 = tpu.memref_slice %arg10[%add3A_30, %dma_wait3A] : memref<5120x16xf32, #tpu.memory_space<vmem_shared>> -> memref<32x16xf32, #tpu.memory_space<vmem_shared>>
      %dma_wait3A_138 = arith.constant 0 : i32
      %dma_wait3A_139 = tpu.memref_slice %arg10[%add3A_30, %dma_wait3A_138] : memref<5120x16xf32, #tpu.memory_space<vmem_shared>> -> memref<32x16xf32, #tpu.memory_space<vmem_shared>>
      tpu.wait_dma2 semaphore(%run_scoped3A_133 : memref<!tpu.dma_semaphore, #tpu.memory_space<semaphore_mem>>) src(%arg19 : memref<32x16xf32, #tpu.memory_space<vmem>>) dst(%dma_wait3A_139 : memref<32x16xf32, #tpu.memory_space<vmem_shared>>)
      tpu.yield
    }) : () -> ()
    %add3A_31 = arith.constant 32 : i32
    %add3A_32 = arith.addi %mul3A_26, %add3A_31 : i32
    "tpu.region"() ({
      %run_scoped3A_133 = tpu.sem_alloc : memref<!tpu.dma_semaphore, #tpu.memory_space<semaphore_mem>>
      %dma_start3A = arith.constant 0 : i32
      %dma_start3A_134 = tpu.memref_slice %arg9[%add3A_32, %dma_start3A] : memref<5120x128xf32, #tpu.memory_space<vmem_shared>> -> memref<32x128xf32, #tpu.memory_space<vmem_shared>>
      %dma_start3A_135 = arith.constant 0 : i32
      %dma_start3A_136 = tpu.memref_slice %arg9[%add3A_32, %dma_start3A_135] : memref<5120x128xf32, #tpu.memory_space<vmem_shared>> -> memref<32x128xf32, #tpu.memory_space<vmem_shared>>
      tpu.enqueue_dma source(%arg17 : memref<32x128xf32, #tpu.memory_space<vmem>>) target(%dma_start3A_136 : memref<32x128xf32, #tpu.memory_space<vmem_shared>>) target_semaphore(%run_scoped3A_133 : memref<!tpu.dma_semaphore, #tpu.memory_space<semaphore_mem>>)
      %dma_wait3A = arith.constant 0 : i32
      %dma_wait3A_137 = tpu.memref_slice %arg9[%add3A_32, %dma_wait3A] : memref<5120x128xf32, #tpu.memory_space<vmem_shared>> -> memref<32x128xf32, #tpu.memory_space<vmem_shared>>
      %dma_wait3A_138 = arith.constant 0 : i32
      %dma_wait3A_139 = tpu.memref_slice %arg9[%add3A_32, %dma_wait3A_138] : memref<5120x128xf32, #tpu.memory_space<vmem_shared>> -> memref<32x128xf32, #tpu.memory_space<vmem_shared>>
      tpu.wait_dma2 semaphore(%run_scoped3A_133 : memref<!tpu.dma_semaphore, #tpu.memory_space<semaphore_mem>>) src(%arg17 : memref<32x128xf32, #tpu.memory_space<vmem>>) dst(%dma_wait3A_139 : memref<32x128xf32, #tpu.memory_space<vmem_shared>>)
      tpu.yield
    }) : () -> ()
    %add3A_33 = arith.constant 32 : i32
    %add3A_34 = arith.addi %mul3A_26, %add3A_33 : i32
    "tpu.region"() ({
      %run_scoped3A_133 = tpu.sem_alloc : memref<!tpu.dma_semaphore, #tpu.memory_space<semaphore_mem>>
      %dma_start3A = arith.constant 0 : i32
      %dma_start3A_134 = tpu.memref_slice %arg10[%add3A_34, %dma_start3A] : memref<5120x16xf32, #tpu.memory_space<vmem_shared>> -> memref<32x16xf32, #tpu.memory_space<vmem_shared>>
      %dma_start3A_135 = arith.constant 0 : i32
      %dma_start3A_136 = tpu.memref_slice %arg10[%add3A_34, %dma_start3A_135] : memref<5120x16xf32, #tpu.memory_space<vmem_shared>> -> memref<32x16xf32, #tpu.memory_space<vmem_shared>>
      tpu.enqueue_dma source(%arg19 : memref<32x16xf32, #tpu.memory_space<vmem>>) target(%dma_start3A_136 : memref<32x16xf32, #tpu.memory_space<vmem_shared>>) target_semaphore(%run_scoped3A_133 : memref<!tpu.dma_semaphore, #tpu.memory_space<semaphore_mem>>)
      %dma_wait3A = arith.constant 0 : i32
      %dma_wait3A_137 = tpu.memref_slice %arg10[%add3A_34, %dma_wait3A] : memref<5120x16xf32, #tpu.memory_space<vmem_shared>> -> memref<32x16xf32, #tpu.memory_space<vmem_shared>>
      %dma_wait3A_138 = arith.constant 0 : i32
      %dma_wait3A_139 = tpu.memref_slice %arg10[%add3A_34, %dma_wait3A_138] : memref<5120x16xf32, #tpu.memory_space<vmem_shared>> -> memref<32x16xf32, #tpu.memory_space<vmem_shared>>
      tpu.wait_dma2 semaphore(%run_scoped3A_133 : memref<!tpu.dma_semaphore, #tpu.memory_space<semaphore_mem>>) src(%arg19 : memref<32x16xf32, #tpu.memory_space<vmem>>) dst(%dma_wait3A_139 : memref<32x16xf32, #tpu.memory_space<vmem_shared>>)
      tpu.yield
    }) : () -> ()
    %add3A_35 = arith.constant 64 : i32
    %add3A_36 = arith.addi %mul3A_26, %add3A_35 : i32
    "tpu.region"() ({
      %run_scoped3A_133 = tpu.sem_alloc : memref<!tpu.dma_semaphore, #tpu.memory_space<semaphore_mem>>
      %dma_start3A = arith.constant 0 : i32
      %dma_start3A_134 = tpu.memref_slice %arg9[%add3A_36, %dma_start3A] : memref<5120x128xf32, #tpu.memory_space<vmem_shared>> -> memref<32x128xf32, #tpu.memory_space<vmem_shared>>
      %dma_start3A_135 = arith.constant 0 : i32
      %dma_start3A_136 = tpu.memref_slice %arg9[%add3A_36, %dma_start3A_135] : memref<5120x128xf32, #tpu.memory_space<vmem_shared>> -> memref<32x128xf32, #tpu.memory_space<vmem_shared>>
      tpu.enqueue_dma source(%arg17 : memref<32x128xf32, #tpu.memory_space<vmem>>) target(%dma_start3A_136 : memref<32x128xf32, #tpu.memory_space<vmem_shared>>) target_semaphore(%run_scoped3A_133 : memref<!tpu.dma_semaphore, #tpu.memory_space<semaphore_mem>>)
      %dma_wait3A = arith.constant 0 : i32
      %dma_wait3A_137 = tpu.memref_slice %arg9[%add3A_36, %dma_wait3A] : memref<5120x128xf32, #tpu.memory_space<vmem_shared>> -> memref<32x128xf32, #tpu.memory_space<vmem_shared>>
      %dma_wait3A_138 = arith.constant 0 : i32
      %dma_wait3A_139 = tpu.memref_slice %arg9[%add3A_36, %dma_wait3A_138] : memref<5120x128xf32, #tpu.memory_space<vmem_shared>> -> memref<32x128xf32, #tpu.memory_space<vmem_shared>>
      tpu.wait_dma2 semaphore(%run_scoped3A_133 : memref<!tpu.dma_semaphore, #tpu.memory_space<semaphore_mem>>) src(%arg17 : memref<32x128xf32, #tpu.memory_space<vmem>>) dst(%dma_wait3A_139 : memref<32x128xf32, #tpu.memory_space<vmem_shared>>)
      tpu.yield
    }) : () -> ()
    %add3A_37 = arith.constant 64 : i32
    %add3A_38 = arith.addi %mul3A_26, %add3A_37 : i32
    "tpu.region"() ({
      %run_scoped3A_133 = tpu.sem_alloc : memref<!tpu.dma_semaphore, #tpu.memory_space<semaphore_mem>>
      %dma_start3A = arith.constant 0 : i32
      %dma_start3A_134 = tpu.memref_slice %arg10[%add3A_38, %dma_start3A] : memref<5120x16xf32, #tpu.memory_space<vmem_shared>> -> memref<32x16xf32, #tpu.memory_space<vmem_shared>>
      %dma_start3A_135 = arith.constant 0 : i32
      %dma_start3A_136 = tpu.memref_slice %arg10[%add3A_38, %dma_start3A_135] : memref<5120x16xf32, #tpu.memory_space<vmem_shared>> -> memref<32x16xf32, #tpu.memory_space<vmem_shared>>
      tpu.enqueue_dma source(%arg19 : memref<32x16xf32, #tpu.memory_space<vmem>>) target(%dma_start3A_136 : memref<32x16xf32, #tpu.memory_space<vmem_shared>>) target_semaphore(%run_scoped3A_133 : memref<!tpu.dma_semaphore, #tpu.memory_space<semaphore_mem>>)
      %dma_wait3A = arith.constant 0 : i32
      %dma_wait3A_137 = tpu.memref_slice %arg10[%add3A_38, %dma_wait3A] : memref<5120x16xf32, #tpu.memory_space<vmem_shared>> -> memref<32x16xf32, #tpu.memory_space<vmem_shared>>
      %dma_wait3A_138 = arith.constant 0 : i32
      %dma_wait3A_139 = tpu.memref_slice %arg10[%add3A_38, %dma_wait3A_138] : memref<5120x16xf32, #tpu.memory_space<vmem_shared>> -> memref<32x16xf32, #tpu.memory_space<vmem_shared>>
      tpu.wait_dma2 semaphore(%run_scoped3A_133 : memref<!tpu.dma_semaphore, #tpu.memory_space<semaphore_mem>>) src(%arg19 : memref<32x16xf32, #tpu.memory_space<vmem>>) dst(%dma_wait3A_139 : memref<32x16xf32, #tpu.memory_space<vmem_shared>>)
      tpu.yield
    }) : () -> ()
    %add3A_39 = arith.constant 96 : i32
    %add3A_40 = arith.addi %mul3A_26, %add3A_39 : i32
    "tpu.region"() ({
      %run_scoped3A_133 = tpu.sem_alloc : memref<!tpu.dma_semaphore, #tpu.memory_space<semaphore_mem>>
      %dma_start3A = arith.constant 0 : i32
      %dma_start3A_134 = tpu.memref_slice %arg9[%add3A_40, %dma_start3A] : memref<5120x128xf32, #tpu.memory_space<vmem_shared>> -> memref<32x128xf32, #tpu.memory_space<vmem_shared>>
      %dma_start3A_135 = arith.constant 0 : i32
      %dma_start3A_136 = tpu.memref_slice %arg9[%add3A_40, %dma_start3A_135] : memref<5120x128xf32, #tpu.memory_space<vmem_shared>> -> memref<32x128xf32, #tpu.memory_space<vmem_shared>>
      tpu.enqueue_dma source(%arg17 : memref<32x128xf32, #tpu.memory_space<vmem>>) target(%dma_start3A_136 : memref<32x128xf32, #tpu.memory_space<vmem_shared>>) target_semaphore(%run_scoped3A_133 : memref<!tpu.dma_semaphore, #tpu.memory_space<semaphore_mem>>)
      %dma_wait3A = arith.constant 0 : i32
      %dma_wait3A_137 = tpu.memref_slice %arg9[%add3A_40, %dma_wait3A] : memref<5120x128xf32, #tpu.memory_space<vmem_shared>> -> memref<32x128xf32, #tpu.memory_space<vmem_shared>>
      %dma_wait3A_138 = arith.constant 0 : i32
      %dma_wait3A_139 = tpu.memref_slice %arg9[%add3A_40, %dma_wait3A_138] : memref<5120x128xf32, #tpu.memory_space<vmem_shared>> -> memref<32x128xf32, #tpu.memory_space<vmem_shared>>
      tpu.wait_dma2 semaphore(%run_scoped3A_133 : memref<!tpu.dma_semaphore, #tpu.memory_space<semaphore_mem>>) src(%arg17 : memref<32x128xf32, #tpu.memory_space<vmem>>) dst(%dma_wait3A_139 : memref<32x128xf32, #tpu.memory_space<vmem_shared>>)
      tpu.yield
    }) : () -> ()
    %add3A_41 = arith.constant 96 : i32
    %add3A_42 = arith.addi %mul3A_26, %add3A_41 : i32
    "tpu.region"() ({
      %run_scoped3A_133 = tpu.sem_alloc : memref<!tpu.dma_semaphore, #tpu.memory_space<semaphore_mem>>
      %dma_start3A = arith.constant 0 : i32
      %dma_start3A_134 = tpu.memref_slice %arg10[%add3A_42, %dma_start3A] : memref<5120x16xf32, #tpu.memory_space<vmem_shared>> -> memref<32x16xf32, #tpu.memory_space<vmem_shared>>
      %dma_start3A_135 = arith.constant 0 : i32
      %dma_start3A_136 = tpu.memref_slice %arg10[%add3A_42, %dma_start3A_135] : memref<5120x16xf32, #tpu.memory_space<vmem_shared>> -> memref<32x16xf32, #tpu.memory_space<vmem_shared>>
      tpu.enqueue_dma source(%arg19 : memref<32x16xf32, #tpu.memory_space<vmem>>) target(%dma_start3A_136 : memref<32x16xf32, #tpu.memory_space<vmem_shared>>) target_semaphore(%run_scoped3A_133 : memref<!tpu.dma_semaphore, #tpu.memory_space<semaphore_mem>>)
      %dma_wait3A = arith.constant 0 : i32
      %dma_wait3A_137 = tpu.memref_slice %arg10[%add3A_42, %dma_wait3A] : memref<5120x16xf32, #tpu.memory_space<vmem_shared>> -> memref<32x16xf32, #tpu.memory_space<vmem_shared>>
      %dma_wait3A_138 = arith.constant 0 : i32
      %dma_wait3A_139 = tpu.memref_slice %arg10[%add3A_42, %dma_wait3A_138] : memref<5120x16xf32, #tpu.memory_space<vmem_shared>> -> memref<32x16xf32, #tpu.memory_space<vmem_shared>>
      tpu.wait_dma2 semaphore(%run_scoped3A_133 : memref<!tpu.dma_semaphore, #tpu.memory_space<semaphore_mem>>) src(%arg19 : memref<32x16xf32, #tpu.memory_space<vmem>>) dst(%dma_wait3A_139 : memref<32x16xf32, #tpu.memory_space<vmem_shared>>)
      tpu.yield
    }) : () -> ()
    %add3A_43 = arith.constant 128 : i32
    %add3A_44 = arith.addi %mul3A_26, %add3A_43 : i32
    "tpu.region"() ({
      %run_scoped3A_133 = tpu.sem_alloc : memref<!tpu.dma_semaphore, #tpu.memory_space<semaphore_mem>>
      %dma_start3A = arith.constant 0 : i32
      %dma_start3A_134 = tpu.memref_slice %arg9[%add3A_44, %dma_start3A] : memref<5120x128xf32, #tpu.memory_space<vmem_shared>> -> memref<32x128xf32, #tpu.memory_space<vmem_shared>>
      %dma_start3A_135 = arith.constant 0 : i32
      %dma_start3A_136 = tpu.memref_slice %arg9[%add3A_44, %dma_start3A_135] : memref<5120x128xf32, #tpu.memory_space<vmem_shared>> -> memref<32x128xf32, #tpu.memory_space<vmem_shared>>
      tpu.enqueue_dma source(%arg17 : memref<32x128xf32, #tpu.memory_space<vmem>>) target(%dma_start3A_136 : memref<32x128xf32, #tpu.memory_space<vmem_shared>>) target_semaphore(%run_scoped3A_133 : memref<!tpu.dma_semaphore, #tpu.memory_space<semaphore_mem>>)
      %dma_wait3A = arith.constant 0 : i32
      %dma_wait3A_137 = tpu.memref_slice %arg9[%add3A_44, %dma_wait3A] : memref<5120x128xf32, #tpu.memory_space<vmem_shared>> -> memref<32x128xf32, #tpu.memory_space<vmem_shared>>
      %dma_wait3A_138 = arith.constant 0 : i32
      %dma_wait3A_139 = tpu.memref_slice %arg9[%add3A_44, %dma_wait3A_138] : memref<5120x128xf32, #tpu.memory_space<vmem_shared>> -> memref<32x128xf32, #tpu.memory_space<vmem_shared>>
      tpu.wait_dma2 semaphore(%run_scoped3A_133 : memref<!tpu.dma_semaphore, #tpu.memory_space<semaphore_mem>>) src(%arg17 : memref<32x128xf32, #tpu.memory_space<vmem>>) dst(%dma_wait3A_139 : memref<32x128xf32, #tpu.memory_space<vmem_shared>>)
      tpu.yield
    }) : () -> ()
    %add3A_45 = arith.constant 128 : i32
    %add3A_46 = arith.addi %mul3A_26, %add3A_45 : i32
    "tpu.region"() ({
      %run_scoped3A_133 = tpu.sem_alloc : memref<!tpu.dma_semaphore, #tpu.memory_space<semaphore_mem>>
      %dma_start3A = arith.constant 0 : i32
      %dma_start3A_134 = tpu.memref_slice %arg10[%add3A_46, %dma_start3A] : memref<5120x16xf32, #tpu.memory_space<vmem_shared>> -> memref<32x16xf32, #tpu.memory_space<vmem_shared>>
      %dma_start3A_135 = arith.constant 0 : i32
      %dma_start3A_136 = tpu.memref_slice %arg10[%add3A_46, %dma_start3A_135] : memref<5120x16xf32, #tpu.memory_space<vmem_shared>> -> memref<32x16xf32, #tpu.memory_space<vmem_shared>>
      tpu.enqueue_dma source(%arg19 : memref<32x16xf32, #tpu.memory_space<vmem>>) target(%dma_start3A_136 : memref<32x16xf32, #tpu.memory_space<vmem_shared>>) target_semaphore(%run_scoped3A_133 : memref<!tpu.dma_semaphore, #tpu.memory_space<semaphore_mem>>)
      %dma_wait3A = arith.constant 0 : i32
      %dma_wait3A_137 = tpu.memref_slice %arg10[%add3A_46, %dma_wait3A] : memref<5120x16xf32, #tpu.memory_space<vmem_shared>> -> memref<32x16xf32, #tpu.memory_space<vmem_shared>>
      %dma_wait3A_138 = arith.constant 0 : i32
      %dma_wait3A_139 = tpu.memref_slice %arg10[%add3A_46, %dma_wait3A_138] : memref<5120x16xf32, #tpu.memory_space<vmem_shared>> -> memref<32x16xf32, #tpu.memory_space<vmem_shared>>
      tpu.wait_dma2 semaphore(%run_scoped3A_133 : memref<!tpu.dma_semaphore, #tpu.memory_space<semaphore_mem>>) src(%arg19 : memref<32x16xf32, #tpu.memory_space<vmem>>) dst(%dma_wait3A_139 : memref<32x16xf32, #tpu.memory_space<vmem_shared>>)
      tpu.yield
    }) : () -> ()
    %add3A_47 = arith.constant 160 : i32
    %add3A_48 = arith.addi %mul3A_26, %add3A_47 : i32
    "tpu.region"() ({
      %run_scoped3A_133 = tpu.sem_alloc : memref<!tpu.dma_semaphore, #tpu.memory_space<semaphore_mem>>
      %dma_start3A = arith.constant 0 : i32
      %dma_start3A_134 = tpu.memref_slice %arg9[%add3A_48, %dma_start3A] : memref<5120x128xf32, #tpu.memory_space<vmem_shared>> -> memref<32x128xf32, #tpu.memory_space<vmem_shared>>
      %dma_start3A_135 = arith.constant 0 : i32
      %dma_start3A_136 = tpu.memref_slice %arg9[%add3A_48, %dma_start3A_135] : memref<5120x128xf32, #tpu.memory_space<vmem_shared>> -> memref<32x128xf32, #tpu.memory_space<vmem_shared>>
      tpu.enqueue_dma source(%arg17 : memref<32x128xf32, #tpu.memory_space<vmem>>) target(%dma_start3A_136 : memref<32x128xf32, #tpu.memory_space<vmem_shared>>) target_semaphore(%run_scoped3A_133 : memref<!tpu.dma_semaphore, #tpu.memory_space<semaphore_mem>>)
      %dma_wait3A = arith.constant 0 : i32
      %dma_wait3A_137 = tpu.memref_slice %arg9[%add3A_48, %dma_wait3A] : memref<5120x128xf32, #tpu.memory_space<vmem_shared>> -> memref<32x128xf32, #tpu.memory_space<vmem_shared>>
      %dma_wait3A_138 = arith.constant 0 : i32
      %dma_wait3A_139 = tpu.memref_slice %arg9[%add3A_48, %dma_wait3A_138] : memref<5120x128xf32, #tpu.memory_space<vmem_shared>> -> memref<32x128xf32, #tpu.memory_space<vmem_shared>>
      tpu.wait_dma2 semaphore(%run_scoped3A_133 : memref<!tpu.dma_semaphore, #tpu.memory_space<semaphore_mem>>) src(%arg17 : memref<32x128xf32, #tpu.memory_space<vmem>>) dst(%dma_wait3A_139 : memref<32x128xf32, #tpu.memory_space<vmem_shared>>)
      tpu.yield
    }) : () -> ()
    %add3A_49 = arith.constant 160 : i32
    %add3A_50 = arith.addi %mul3A_26, %add3A_49 : i32
    "tpu.region"() ({
      %run_scoped3A_133 = tpu.sem_alloc : memref<!tpu.dma_semaphore, #tpu.memory_space<semaphore_mem>>
      %dma_start3A = arith.constant 0 : i32
      %dma_start3A_134 = tpu.memref_slice %arg10[%add3A_50, %dma_start3A] : memref<5120x16xf32, #tpu.memory_space<vmem_shared>> -> memref<32x16xf32, #tpu.memory_space<vmem_shared>>
      %dma_start3A_135 = arith.constant 0 : i32
      %dma_start3A_136 = tpu.memref_slice %arg10[%add3A_50, %dma_start3A_135] : memref<5120x16xf32, #tpu.memory_space<vmem_shared>> -> memref<32x16xf32, #tpu.memory_space<vmem_shared>>
      tpu.enqueue_dma source(%arg19 : memref<32x16xf32, #tpu.memory_space<vmem>>) target(%dma_start3A_136 : memref<32x16xf32, #tpu.memory_space<vmem_shared>>) target_semaphore(%run_scoped3A_133 : memref<!tpu.dma_semaphore, #tpu.memory_space<semaphore_mem>>)
      %dma_wait3A = arith.constant 0 : i32
      %dma_wait3A_137 = tpu.memref_slice %arg10[%add3A_50, %dma_wait3A] : memref<5120x16xf32, #tpu.memory_space<vmem_shared>> -> memref<32x16xf32, #tpu.memory_space<vmem_shared>>
      %dma_wait3A_138 = arith.constant 0 : i32
      %dma_wait3A_139 = tpu.memref_slice %arg10[%add3A_50, %dma_wait3A_138] : memref<5120x16xf32, #tpu.memory_space<vmem_shared>> -> memref<32x16xf32, #tpu.memory_space<vmem_shared>>
      tpu.wait_dma2 semaphore(%run_scoped3A_133 : memref<!tpu.dma_semaphore, #tpu.memory_space<semaphore_mem>>) src(%arg19 : memref<32x16xf32, #tpu.memory_space<vmem>>) dst(%dma_wait3A_139 : memref<32x16xf32, #tpu.memory_space<vmem_shared>>)
      tpu.yield
    }) : () -> ()
    %add3A_51 = arith.constant 192 : i32
    %add3A_52 = arith.addi %mul3A_26, %add3A_51 : i32
    "tpu.region"() ({
      %run_scoped3A_133 = tpu.sem_alloc : memref<!tpu.dma_semaphore, #tpu.memory_space<semaphore_mem>>
      %dma_start3A = arith.constant 0 : i32
      %dma_start3A_134 = tpu.memref_slice %arg9[%add3A_52, %dma_start3A] : memref<5120x128xf32, #tpu.memory_space<vmem_shared>> -> memref<32x128xf32, #tpu.memory_space<vmem_shared>>
      %dma_start3A_135 = arith.constant 0 : i32
      %dma_start3A_136 = tpu.memref_slice %arg9[%add3A_52, %dma_start3A_135] : memref<5120x128xf32, #tpu.memory_space<vmem_shared>> -> memref<32x128xf32, #tpu.memory_space<vmem_shared>>
      tpu.enqueue_dma source(%arg17 : memref<32x128xf32, #tpu.memory_space<vmem>>) target(%dma_start3A_136 : memref<32x128xf32, #tpu.memory_space<vmem_shared>>) target_semaphore(%run_scoped3A_133 : memref<!tpu.dma_semaphore, #tpu.memory_space<semaphore_mem>>)
      %dma_wait3A = arith.constant 0 : i32
      %dma_wait3A_137 = tpu.memref_slice %arg9[%add3A_52, %dma_wait3A] : memref<5120x128xf32, #tpu.memory_space<vmem_shared>> -> memref<32x128xf32, #tpu.memory_space<vmem_shared>>
      %dma_wait3A_138 = arith.constant 0 : i32
      %dma_wait3A_139 = tpu.memref_slice %arg9[%add3A_52, %dma_wait3A_138] : memref<5120x128xf32, #tpu.memory_space<vmem_shared>> -> memref<32x128xf32, #tpu.memory_space<vmem_shared>>
      tpu.wait_dma2 semaphore(%run_scoped3A_133 : memref<!tpu.dma_semaphore, #tpu.memory_space<semaphore_mem>>) src(%arg17 : memref<32x128xf32, #tpu.memory_space<vmem>>) dst(%dma_wait3A_139 : memref<32x128xf32, #tpu.memory_space<vmem_shared>>)
      tpu.yield
    }) : () -> ()
    %add3A_53 = arith.constant 192 : i32
    %add3A_54 = arith.addi %mul3A_26, %add3A_53 : i32
    "tpu.region"() ({
      %run_scoped3A_133 = tpu.sem_alloc : memref<!tpu.dma_semaphore, #tpu.memory_space<semaphore_mem>>
      %dma_start3A = arith.constant 0 : i32
      %dma_start3A_134 = tpu.memref_slice %arg10[%add3A_54, %dma_start3A] : memref<5120x16xf32, #tpu.memory_space<vmem_shared>> -> memref<32x16xf32, #tpu.memory_space<vmem_shared>>
      %dma_start3A_135 = arith.constant 0 : i32
      %dma_start3A_136 = tpu.memref_slice %arg10[%add3A_54, %dma_start3A_135] : memref<5120x16xf32, #tpu.memory_space<vmem_shared>> -> memref<32x16xf32, #tpu.memory_space<vmem_shared>>
      tpu.enqueue_dma source(%arg19 : memref<32x16xf32, #tpu.memory_space<vmem>>) target(%dma_start3A_136 : memref<32x16xf32, #tpu.memory_space<vmem_shared>>) target_semaphore(%run_scoped3A_133 : memref<!tpu.dma_semaphore, #tpu.memory_space<semaphore_mem>>)
      %dma_wait3A = arith.constant 0 : i32
      %dma_wait3A_137 = tpu.memref_slice %arg10[%add3A_54, %dma_wait3A] : memref<5120x16xf32, #tpu.memory_space<vmem_shared>> -> memref<32x16xf32, #tpu.memory_space<vmem_shared>>
      %dma_wait3A_138 = arith.constant 0 : i32
      %dma_wait3A_139 = tpu.memref_slice %arg10[%add3A_54, %dma_wait3A_138] : memref<5120x16xf32, #tpu.memory_space<vmem_shared>> -> memref<32x16xf32, #tpu.memory_space<vmem_shared>>
      tpu.wait_dma2 semaphore(%run_scoped3A_133 : memref<!tpu.dma_semaphore, #tpu.memory_space<semaphore_mem>>) src(%arg19 : memref<32x16xf32, #tpu.memory_space<vmem>>) dst(%dma_wait3A_139 : memref<32x16xf32, #tpu.memory_space<vmem_shared>>)
      tpu.yield
    }) : () -> ()
    %add3A_55 = arith.constant 224 : i32
    %add3A_56 = arith.addi %mul3A_26, %add3A_55 : i32
    "tpu.region"() ({
      %run_scoped3A_133 = tpu.sem_alloc : memref<!tpu.dma_semaphore, #tpu.memory_space<semaphore_mem>>
      %dma_start3A = arith.constant 0 : i32
      %dma_start3A_134 = tpu.memref_slice %arg9[%add3A_56, %dma_start3A] : memref<5120x128xf32, #tpu.memory_space<vmem_shared>> -> memref<32x128xf32, #tpu.memory_space<vmem_shared>>
      %dma_start3A_135 = arith.constant 0 : i32
      %dma_start3A_136 = tpu.memref_slice %arg9[%add3A_56, %dma_start3A_135] : memref<5120x128xf32, #tpu.memory_space<vmem_shared>> -> memref<32x128xf32, #tpu.memory_space<vmem_shared>>
      tpu.enqueue_dma source(%arg17 : memref<32x128xf32, #tpu.memory_space<vmem>>) target(%dma_start3A_136 : memref<32x128xf32, #tpu.memory_space<vmem_shared>>) target_semaphore(%run_scoped3A_133 : memref<!tpu.dma_semaphore, #tpu.memory_space<semaphore_mem>>)
      %dma_wait3A = arith.constant 0 : i32
      %dma_wait3A_137 = tpu.memref_slice %arg9[%add3A_56, %dma_wait3A] : memref<5120x128xf32, #tpu.memory_space<vmem_shared>> -> memref<32x128xf32, #tpu.memory_space<vmem_shared>>
      %dma_wait3A_138 = arith.constant 0 : i32
      %dma_wait3A_139 = tpu.memref_slice %arg9[%add3A_56, %dma_wait3A_138] : memref<5120x128xf32, #tpu.memory_space<vmem_shared>> -> memref<32x128xf32, #tpu.memory_space<vmem_shared>>
      tpu.wait_dma2 semaphore(%run_scoped3A_133 : memref<!tpu.dma_semaphore, #tpu.memory_space<semaphore_mem>>) src(%arg17 : memref<32x128xf32, #tpu.memory_space<vmem>>) dst(%dma_wait3A_139 : memref<32x128xf32, #tpu.memory_space<vmem_shared>>)
      tpu.yield
    }) : () -> ()
    %add3A_57 = arith.constant 224 : i32
    %add3A_58 = arith.addi %mul3A_26, %add3A_57 : i32
    "tpu.region"() ({
      %run_scoped3A_133 = tpu.sem_alloc : memref<!tpu.dma_semaphore, #tpu.memory_space<semaphore_mem>>
      %dma_start3A = arith.constant 0 : i32
      %dma_start3A_134 = tpu.memref_slice %arg10[%add3A_58, %dma_start3A] : memref<5120x16xf32, #tpu.memory_space<vmem_shared>> -> memref<32x16xf32, #tpu.memory_space<vmem_shared>>
      %dma_start3A_135 = arith.constant 0 : i32
      %dma_start3A_136 = tpu.memref_slice %arg10[%add3A_58, %dma_start3A_135] : memref<5120x16xf32, #tpu.memory_space<vmem_shared>> -> memref<32x16xf32, #tpu.memory_space<vmem_shared>>
      tpu.enqueue_dma source(%arg19 : memref<32x16xf32, #tpu.memory_space<vmem>>) target(%dma_start3A_136 : memref<32x16xf32, #tpu.memory_space<vmem_shared>>) target_semaphore(%run_scoped3A_133 : memref<!tpu.dma_semaphore, #tpu.memory_space<semaphore_mem>>)
      %dma_wait3A = arith.constant 0 : i32
      %dma_wait3A_137 = tpu.memref_slice %arg10[%add3A_58, %dma_wait3A] : memref<5120x16xf32, #tpu.memory_space<vmem_shared>> -> memref<32x16xf32, #tpu.memory_space<vmem_shared>>
      %dma_wait3A_138 = arith.constant 0 : i32
      %dma_wait3A_139 = tpu.memref_slice %arg10[%add3A_58, %dma_wait3A_138] : memref<5120x16xf32, #tpu.memory_space<vmem_shared>> -> memref<32x16xf32, #tpu.memory_space<vmem_shared>>
      tpu.wait_dma2 semaphore(%run_scoped3A_133 : memref<!tpu.dma_semaphore, #tpu.memory_space<semaphore_mem>>) src(%arg19 : memref<32x16xf32, #tpu.memory_space<vmem>>) dst(%dma_wait3A_139 : memref<32x16xf32, #tpu.memory_space<vmem_shared>>)
      tpu.yield
    }) : () -> ()
    %add3A_59 = arith.constant 256 : i32
    %add3A_60 = arith.addi %mul3A_26, %add3A_59 : i32
    "tpu.region"() ({
      %run_scoped3A_133 = tpu.sem_alloc : memref<!tpu.dma_semaphore, #tpu.memory_space<semaphore_mem>>
      %dma_start3A = arith.constant 0 : i32
      %dma_start3A_134 = tpu.memref_slice %arg9[%add3A_60, %dma_start3A] : memref<5120x128xf32, #tpu.memory_space<vmem_shared>> -> memref<32x128xf32, #tpu.memory_space<vmem_shared>>
      %dma_start3A_135 = arith.constant 0 : i32
      %dma_start3A_136 = tpu.memref_slice %arg9[%add3A_60, %dma_start3A_135] : memref<5120x128xf32, #tpu.memory_space<vmem_shared>> -> memref<32x128xf32, #tpu.memory_space<vmem_shared>>
      tpu.enqueue_dma source(%arg17 : memref<32x128xf32, #tpu.memory_space<vmem>>) target(%dma_start3A_136 : memref<32x128xf32, #tpu.memory_space<vmem_shared>>) target_semaphore(%run_scoped3A_133 : memref<!tpu.dma_semaphore, #tpu.memory_space<semaphore_mem>>)
      %dma_wait3A = arith.constant 0 : i32
      %dma_wait3A_137 = tpu.memref_slice %arg9[%add3A_60, %dma_wait3A] : memref<5120x128xf32, #tpu.memory_space<vmem_shared>> -> memref<32x128xf32, #tpu.memory_space<vmem_shared>>
      %dma_wait3A_138 = arith.constant 0 : i32
      %dma_wait3A_139 = tpu.memref_slice %arg9[%add3A_60, %dma_wait3A_138] : memref<5120x128xf32, #tpu.memory_space<vmem_shared>> -> memref<32x128xf32, #tpu.memory_space<vmem_shared>>
      tpu.wait_dma2 semaphore(%run_scoped3A_133 : memref<!tpu.dma_semaphore, #tpu.memory_space<semaphore_mem>>) src(%arg17 : memref<32x128xf32, #tpu.memory_space<vmem>>) dst(%dma_wait3A_139 : memref<32x128xf32, #tpu.memory_space<vmem_shared>>)
      tpu.yield
    }) : () -> ()
    %add3A_61 = arith.constant 256 : i32
    %add3A_62 = arith.addi %mul3A_26, %add3A_61 : i32
    "tpu.region"() ({
      %run_scoped3A_133 = tpu.sem_alloc : memref<!tpu.dma_semaphore, #tpu.memory_space<semaphore_mem>>
      %dma_start3A = arith.constant 0 : i32
      %dma_start3A_134 = tpu.memref_slice %arg10[%add3A_62, %dma_start3A] : memref<5120x16xf32, #tpu.memory_space<vmem_shared>> -> memref<32x16xf32, #tpu.memory_space<vmem_shared>>
      %dma_start3A_135 = arith.constant 0 : i32
      %dma_start3A_136 = tpu.memref_slice %arg10[%add3A_62, %dma_start3A_135] : memref<5120x16xf32, #tpu.memory_space<vmem_shared>> -> memref<32x16xf32, #tpu.memory_space<vmem_shared>>
      tpu.enqueue_dma source(%arg19 : memref<32x16xf32, #tpu.memory_space<vmem>>) target(%dma_start3A_136 : memref<32x16xf32, #tpu.memory_space<vmem_shared>>) target_semaphore(%run_scoped3A_133 : memref<!tpu.dma_semaphore, #tpu.memory_space<semaphore_mem>>)
      %dma_wait3A = arith.constant 0 : i32
      %dma_wait3A_137 = tpu.memref_slice %arg10[%add3A_62, %dma_wait3A] : memref<5120x16xf32, #tpu.memory_space<vmem_shared>> -> memref<32x16xf32, #tpu.memory_space<vmem_shared>>
      %dma_wait3A_138 = arith.constant 0 : i32
      %dma_wait3A_139 = tpu.memref_slice %arg10[%add3A_62, %dma_wait3A_138] : memref<5120x16xf32, #tpu.memory_space<vmem_shared>> -> memref<32x16xf32, #tpu.memory_space<vmem_shared>>
      tpu.wait_dma2 semaphore(%run_scoped3A_133 : memref<!tpu.dma_semaphore, #tpu.memory_space<semaphore_mem>>) src(%arg19 : memref<32x16xf32, #tpu.memory_space<vmem>>) dst(%dma_wait3A_139 : memref<32x16xf32, #tpu.memory_space<vmem_shared>>)
      tpu.yield
    }) : () -> ()
    %add3A_63 = arith.constant 288 : i32
    %add3A_64 = arith.addi %mul3A_26, %add3A_63 : i32
    "tpu.region"() ({
      %run_scoped3A_133 = tpu.sem_alloc : memref<!tpu.dma_semaphore, #tpu.memory_space<semaphore_mem>>
      %dma_start3A = arith.constant 0 : i32
      %dma_start3A_134 = tpu.memref_slice %arg9[%add3A_64, %dma_start3A] : memref<5120x128xf32, #tpu.memory_space<vmem_shared>> -> memref<32x128xf32, #tpu.memory_space<vmem_shared>>
      %dma_start3A_135 = arith.constant 0 : i32
      %dma_start3A_136 = tpu.memref_slice %arg9[%add3A_64, %dma_start3A_135] : memref<5120x128xf32, #tpu.memory_space<vmem_shared>> -> memref<32x128xf32, #tpu.memory_space<vmem_shared>>
      tpu.enqueue_dma source(%arg17 : memref<32x128xf32, #tpu.memory_space<vmem>>) target(%dma_start3A_136 : memref<32x128xf32, #tpu.memory_space<vmem_shared>>) target_semaphore(%run_scoped3A_133 : memref<!tpu.dma_semaphore, #tpu.memory_space<semaphore_mem>>)
      %dma_wait3A = arith.constant 0 : i32
      %dma_wait3A_137 = tpu.memref_slice %arg9[%add3A_64, %dma_wait3A] : memref<5120x128xf32, #tpu.memory_space<vmem_shared>> -> memref<32x128xf32, #tpu.memory_space<vmem_shared>>
      %dma_wait3A_138 = arith.constant 0 : i32
      %dma_wait3A_139 = tpu.memref_slice %arg9[%add3A_64, %dma_wait3A_138] : memref<5120x128xf32, #tpu.memory_space<vmem_shared>> -> memref<32x128xf32, #tpu.memory_space<vmem_shared>>
      tpu.wait_dma2 semaphore(%run_scoped3A_133 : memref<!tpu.dma_semaphore, #tpu.memory_space<semaphore_mem>>) src(%arg17 : memref<32x128xf32, #tpu.memory_space<vmem>>) dst(%dma_wait3A_139 : memref<32x128xf32, #tpu.memory_space<vmem_shared>>)
      tpu.yield
    }) : () -> ()
    %add3A_65 = arith.constant 288 : i32
    %add3A_66 = arith.addi %mul3A_26, %add3A_65 : i32
    "tpu.region"() ({
      %run_scoped3A_133 = tpu.sem_alloc : memref<!tpu.dma_semaphore, #tpu.memory_space<semaphore_mem>>
      %dma_start3A = arith.constant 0 : i32
      %dma_start3A_134 = tpu.memref_slice %arg10[%add3A_66, %dma_start3A] : memref<5120x16xf32, #tpu.memory_space<vmem_shared>> -> memref<32x16xf32, #tpu.memory_space<vmem_shared>>
      %dma_start3A_135 = arith.constant 0 : i32
      %dma_start3A_136 = tpu.memref_slice %arg10[%add3A_66, %dma_start3A_135] : memref<5120x16xf32, #tpu.memory_space<vmem_shared>> -> memref<32x16xf32, #tpu.memory_space<vmem_shared>>
      tpu.enqueue_dma source(%arg19 : memref<32x16xf32, #tpu.memory_space<vmem>>) target(%dma_start3A_136 : memref<32x16xf32, #tpu.memory_space<vmem_shared>>) target_semaphore(%run_scoped3A_133 : memref<!tpu.dma_semaphore, #tpu.memory_space<semaphore_mem>>)
      %dma_wait3A = arith.constant 0 : i32
      %dma_wait3A_137 = tpu.memref_slice %arg10[%add3A_66, %dma_wait3A] : memref<5120x16xf32, #tpu.memory_space<vmem_shared>> -> memref<32x16xf32, #tpu.memory_space<vmem_shared>>
      %dma_wait3A_138 = arith.constant 0 : i32
      %dma_wait3A_139 = tpu.memref_slice %arg10[%add3A_66, %dma_wait3A_138] : memref<5120x16xf32, #tpu.memory_space<vmem_shared>> -> memref<32x16xf32, #tpu.memory_space<vmem_shared>>
      tpu.wait_dma2 semaphore(%run_scoped3A_133 : memref<!tpu.dma_semaphore, #tpu.memory_space<semaphore_mem>>) src(%arg19 : memref<32x16xf32, #tpu.memory_space<vmem>>) dst(%dma_wait3A_139 : memref<32x16xf32, #tpu.memory_space<vmem_shared>>)
      tpu.yield
    }) : () -> ()
    %add3A_67 = arith.constant 320 : i32
    %add3A_68 = arith.addi %mul3A_26, %add3A_67 : i32
    "tpu.region"() ({
      %run_scoped3A_133 = tpu.sem_alloc : memref<!tpu.dma_semaphore, #tpu.memory_space<semaphore_mem>>
      %dma_start3A = arith.constant 0 : i32
      %dma_start3A_134 = tpu.memref_slice %arg9[%add3A_68, %dma_start3A] : memref<5120x128xf32, #tpu.memory_space<vmem_shared>> -> memref<32x128xf32, #tpu.memory_space<vmem_shared>>
      %dma_start3A_135 = arith.constant 0 : i32
      %dma_start3A_136 = tpu.memref_slice %arg9[%add3A_68, %dma_start3A_135] : memref<5120x128xf32, #tpu.memory_space<vmem_shared>> -> memref<32x128xf32, #tpu.memory_space<vmem_shared>>
      tpu.enqueue_dma source(%arg17 : memref<32x128xf32, #tpu.memory_space<vmem>>) target(%dma_start3A_136 : memref<32x128xf32, #tpu.memory_space<vmem_shared>>) target_semaphore(%run_scoped3A_133 : memref<!tpu.dma_semaphore, #tpu.memory_space<semaphore_mem>>)
      %dma_wait3A = arith.constant 0 : i32
      %dma_wait3A_137 = tpu.memref_slice %arg9[%add3A_68, %dma_wait3A] : memref<5120x128xf32, #tpu.memory_space<vmem_shared>> -> memref<32x128xf32, #tpu.memory_space<vmem_shared>>
      %dma_wait3A_138 = arith.constant 0 : i32
      %dma_wait3A_139 = tpu.memref_slice %arg9[%add3A_68, %dma_wait3A_138] : memref<5120x128xf32, #tpu.memory_space<vmem_shared>> -> memref<32x128xf32, #tpu.memory_space<vmem_shared>>
      tpu.wait_dma2 semaphore(%run_scoped3A_133 : memref<!tpu.dma_semaphore, #tpu.memory_space<semaphore_mem>>) src(%arg17 : memref<32x128xf32, #tpu.memory_space<vmem>>) dst(%dma_wait3A_139 : memref<32x128xf32, #tpu.memory_space<vmem_shared>>)
      tpu.yield
    }) : () -> ()
    %add3A_69 = arith.constant 320 : i32
    %add3A_70 = arith.addi %mul3A_26, %add3A_69 : i32
    "tpu.region"() ({
      %run_scoped3A_133 = tpu.sem_alloc : memref<!tpu.dma_semaphore, #tpu.memory_space<semaphore_mem>>
      %dma_start3A = arith.constant 0 : i32
      %dma_start3A_134 = tpu.memref_slice %arg10[%add3A_70, %dma_start3A] : memref<5120x16xf32, #tpu.memory_space<vmem_shared>> -> memref<32x16xf32, #tpu.memory_space<vmem_shared>>
      %dma_start3A_135 = arith.constant 0 : i32
      %dma_start3A_136 = tpu.memref_slice %arg10[%add3A_70, %dma_start3A_135] : memref<5120x16xf32, #tpu.memory_space<vmem_shared>> -> memref<32x16xf32, #tpu.memory_space<vmem_shared>>
      tpu.enqueue_dma source(%arg19 : memref<32x16xf32, #tpu.memory_space<vmem>>) target(%dma_start3A_136 : memref<32x16xf32, #tpu.memory_space<vmem_shared>>) target_semaphore(%run_scoped3A_133 : memref<!tpu.dma_semaphore, #tpu.memory_space<semaphore_mem>>)
      %dma_wait3A = arith.constant 0 : i32
      %dma_wait3A_137 = tpu.memref_slice %arg10[%add3A_70, %dma_wait3A] : memref<5120x16xf32, #tpu.memory_space<vmem_shared>> -> memref<32x16xf32, #tpu.memory_space<vmem_shared>>
      %dma_wait3A_138 = arith.constant 0 : i32
      %dma_wait3A_139 = tpu.memref_slice %arg10[%add3A_70, %dma_wait3A_138] : memref<5120x16xf32, #tpu.memory_space<vmem_shared>> -> memref<32x16xf32, #tpu.memory_space<vmem_shared>>
      tpu.wait_dma2 semaphore(%run_scoped3A_133 : memref<!tpu.dma_semaphore, #tpu.memory_space<semaphore_mem>>) src(%arg19 : memref<32x16xf32, #tpu.memory_space<vmem>>) dst(%dma_wait3A_139 : memref<32x16xf32, #tpu.memory_space<vmem_shared>>)
      tpu.yield
    }) : () -> ()
    %add3A_71 = arith.constant 352 : i32
    %add3A_72 = arith.addi %mul3A_26, %add3A_71 : i32
    "tpu.region"() ({
      %run_scoped3A_133 = tpu.sem_alloc : memref<!tpu.dma_semaphore, #tpu.memory_space<semaphore_mem>>
      %dma_start3A = arith.constant 0 : i32
      %dma_start3A_134 = tpu.memref_slice %arg9[%add3A_72, %dma_start3A] : memref<5120x128xf32, #tpu.memory_space<vmem_shared>> -> memref<32x128xf32, #tpu.memory_space<vmem_shared>>
      %dma_start3A_135 = arith.constant 0 : i32
      %dma_start3A_136 = tpu.memref_slice %arg9[%add3A_72, %dma_start3A_135] : memref<5120x128xf32, #tpu.memory_space<vmem_shared>> -> memref<32x128xf32, #tpu.memory_space<vmem_shared>>
      tpu.enqueue_dma source(%arg17 : memref<32x128xf32, #tpu.memory_space<vmem>>) target(%dma_start3A_136 : memref<32x128xf32, #tpu.memory_space<vmem_shared>>) target_semaphore(%run_scoped3A_133 : memref<!tpu.dma_semaphore, #tpu.memory_space<semaphore_mem>>)
      %dma_wait3A = arith.constant 0 : i32
      %dma_wait3A_137 = tpu.memref_slice %arg9[%add3A_72, %dma_wait3A] : memref<5120x128xf32, #tpu.memory_space<vmem_shared>> -> memref<32x128xf32, #tpu.memory_space<vmem_shared>>
      %dma_wait3A_138 = arith.constant 0 : i32
      %dma_wait3A_139 = tpu.memref_slice %arg9[%add3A_72, %dma_wait3A_138] : memref<5120x128xf32, #tpu.memory_space<vmem_shared>> -> memref<32x128xf32, #tpu.memory_space<vmem_shared>>
      tpu.wait_dma2 semaphore(%run_scoped3A_133 : memref<!tpu.dma_semaphore, #tpu.memory_space<semaphore_mem>>) src(%arg17 : memref<32x128xf32, #tpu.memory_space<vmem>>) dst(%dma_wait3A_139 : memref<32x128xf32, #tpu.memory_space<vmem_shared>>)
      tpu.yield
    }) : () -> ()
    %add3A_73 = arith.constant 352 : i32
    %add3A_74 = arith.addi %mul3A_26, %add3A_73 : i32
    "tpu.region"() ({
      %run_scoped3A_133 = tpu.sem_alloc : memref<!tpu.dma_semaphore, #tpu.memory_space<semaphore_mem>>
      %dma_start3A = arith.constant 0 : i32
      %dma_start3A_134 = tpu.memref_slice %arg10[%add3A_74, %dma_start3A] : memref<5120x16xf32, #tpu.memory_space<vmem_shared>> -> memref<32x16xf32, #tpu.memory_space<vmem_shared>>
      %dma_start3A_135 = arith.constant 0 : i32
      %dma_start3A_136 = tpu.memref_slice %arg10[%add3A_74, %dma_start3A_135] : memref<5120x16xf32, #tpu.memory_space<vmem_shared>> -> memref<32x16xf32, #tpu.memory_space<vmem_shared>>
      tpu.enqueue_dma source(%arg19 : memref<32x16xf32, #tpu.memory_space<vmem>>) target(%dma_start3A_136 : memref<32x16xf32, #tpu.memory_space<vmem_shared>>) target_semaphore(%run_scoped3A_133 : memref<!tpu.dma_semaphore, #tpu.memory_space<semaphore_mem>>)
      %dma_wait3A = arith.constant 0 : i32
      %dma_wait3A_137 = tpu.memref_slice %arg10[%add3A_74, %dma_wait3A] : memref<5120x16xf32, #tpu.memory_space<vmem_shared>> -> memref<32x16xf32, #tpu.memory_space<vmem_shared>>
      %dma_wait3A_138 = arith.constant 0 : i32
      %dma_wait3A_139 = tpu.memref_slice %arg10[%add3A_74, %dma_wait3A_138] : memref<5120x16xf32, #tpu.memory_space<vmem_shared>> -> memref<32x16xf32, #tpu.memory_space<vmem_shared>>
      tpu.wait_dma2 semaphore(%run_scoped3A_133 : memref<!tpu.dma_semaphore, #tpu.memory_space<semaphore_mem>>) src(%arg19 : memref<32x16xf32, #tpu.memory_space<vmem>>) dst(%dma_wait3A_139 : memref<32x16xf32, #tpu.memory_space<vmem_shared>>)
      tpu.yield
    }) : () -> ()
    %add3A_75 = arith.constant 384 : i32
    %add3A_76 = arith.addi %mul3A_26, %add3A_75 : i32
    "tpu.region"() ({
      %run_scoped3A_133 = tpu.sem_alloc : memref<!tpu.dma_semaphore, #tpu.memory_space<semaphore_mem>>
      %dma_start3A = arith.constant 0 : i32
      %dma_start3A_134 = tpu.memref_slice %arg9[%add3A_76, %dma_start3A] : memref<5120x128xf32, #tpu.memory_space<vmem_shared>> -> memref<32x128xf32, #tpu.memory_space<vmem_shared>>
      %dma_start3A_135 = arith.constant 0 : i32
      %dma_start3A_136 = tpu.memref_slice %arg9[%add3A_76, %dma_start3A_135] : memref<5120x128xf32, #tpu.memory_space<vmem_shared>> -> memref<32x128xf32, #tpu.memory_space<vmem_shared>>
      tpu.enqueue_dma source(%arg17 : memref<32x128xf32, #tpu.memory_space<vmem>>) target(%dma_start3A_136 : memref<32x128xf32, #tpu.memory_space<vmem_shared>>) target_semaphore(%run_scoped3A_133 : memref<!tpu.dma_semaphore, #tpu.memory_space<semaphore_mem>>)
      %dma_wait3A = arith.constant 0 : i32
      %dma_wait3A_137 = tpu.memref_slice %arg9[%add3A_76, %dma_wait3A] : memref<5120x128xf32, #tpu.memory_space<vmem_shared>> -> memref<32x128xf32, #tpu.memory_space<vmem_shared>>
      %dma_wait3A_138 = arith.constant 0 : i32
      %dma_wait3A_139 = tpu.memref_slice %arg9[%add3A_76, %dma_wait3A_138] : memref<5120x128xf32, #tpu.memory_space<vmem_shared>> -> memref<32x128xf32, #tpu.memory_space<vmem_shared>>
      tpu.wait_dma2 semaphore(%run_scoped3A_133 : memref<!tpu.dma_semaphore, #tpu.memory_space<semaphore_mem>>) src(%arg17 : memref<32x128xf32, #tpu.memory_space<vmem>>) dst(%dma_wait3A_139 : memref<32x128xf32, #tpu.memory_space<vmem_shared>>)
      tpu.yield
    }) : () -> ()
    %add3A_77 = arith.constant 384 : i32
    %add3A_78 = arith.addi %mul3A_26, %add3A_77 : i32
    "tpu.region"() ({
      %run_scoped3A_133 = tpu.sem_alloc : memref<!tpu.dma_semaphore, #tpu.memory_space<semaphore_mem>>
      %dma_start3A = arith.constant 0 : i32
      %dma_start3A_134 = tpu.memref_slice %arg10[%add3A_78, %dma_start3A] : memref<5120x16xf32, #tpu.memory_space<vmem_shared>> -> memref<32x16xf32, #tpu.memory_space<vmem_shared>>
      %dma_start3A_135 = arith.constant 0 : i32
      %dma_start3A_136 = tpu.memref_slice %arg10[%add3A_78, %dma_start3A_135] : memref<5120x16xf32, #tpu.memory_space<vmem_shared>> -> memref<32x16xf32, #tpu.memory_space<vmem_shared>>
      tpu.enqueue_dma source(%arg19 : memref<32x16xf32, #tpu.memory_space<vmem>>) target(%dma_start3A_136 : memref<32x16xf32, #tpu.memory_space<vmem_shared>>) target_semaphore(%run_scoped3A_133 : memref<!tpu.dma_semaphore, #tpu.memory_space<semaphore_mem>>)
      %dma_wait3A = arith.constant 0 : i32
      %dma_wait3A_137 = tpu.memref_slice %arg10[%add3A_78, %dma_wait3A] : memref<5120x16xf32, #tpu.memory_space<vmem_shared>> -> memref<32x16xf32, #tpu.memory_space<vmem_shared>>
      %dma_wait3A_138 = arith.constant 0 : i32
      %dma_wait3A_139 = tpu.memref_slice %arg10[%add3A_78, %dma_wait3A_138] : memref<5120x16xf32, #tpu.memory_space<vmem_shared>> -> memref<32x16xf32, #tpu.memory_space<vmem_shared>>
      tpu.wait_dma2 semaphore(%run_scoped3A_133 : memref<!tpu.dma_semaphore, #tpu.memory_space<semaphore_mem>>) src(%arg19 : memref<32x16xf32, #tpu.memory_space<vmem>>) dst(%dma_wait3A_139 : memref<32x16xf32, #tpu.memory_space<vmem_shared>>)
      tpu.yield
    }) : () -> ()
    %add3A_79 = arith.constant 416 : i32
    %add3A_80 = arith.addi %mul3A_26, %add3A_79 : i32
    "tpu.region"() ({
      %run_scoped3A_133 = tpu.sem_alloc : memref<!tpu.dma_semaphore, #tpu.memory_space<semaphore_mem>>
      %dma_start3A = arith.constant 0 : i32
      %dma_start3A_134 = tpu.memref_slice %arg9[%add3A_80, %dma_start3A] : memref<5120x128xf32, #tpu.memory_space<vmem_shared>> -> memref<32x128xf32, #tpu.memory_space<vmem_shared>>
      %dma_start3A_135 = arith.constant 0 : i32
      %dma_start3A_136 = tpu.memref_slice %arg9[%add3A_80, %dma_start3A_135] : memref<5120x128xf32, #tpu.memory_space<vmem_shared>> -> memref<32x128xf32, #tpu.memory_space<vmem_shared>>
      tpu.enqueue_dma source(%arg17 : memref<32x128xf32, #tpu.memory_space<vmem>>) target(%dma_start3A_136 : memref<32x128xf32, #tpu.memory_space<vmem_shared>>) target_semaphore(%run_scoped3A_133 : memref<!tpu.dma_semaphore, #tpu.memory_space<semaphore_mem>>)
      %dma_wait3A = arith.constant 0 : i32
      %dma_wait3A_137 = tpu.memref_slice %arg9[%add3A_80, %dma_wait3A] : memref<5120x128xf32, #tpu.memory_space<vmem_shared>> -> memref<32x128xf32, #tpu.memory_space<vmem_shared>>
      %dma_wait3A_138 = arith.constant 0 : i32
      %dma_wait3A_139 = tpu.memref_slice %arg9[%add3A_80, %dma_wait3A_138] : memref<5120x128xf32, #tpu.memory_space<vmem_shared>> -> memref<32x128xf32, #tpu.memory_space<vmem_shared>>
      tpu.wait_dma2 semaphore(%run_scoped3A_133 : memref<!tpu.dma_semaphore, #tpu.memory_space<semaphore_mem>>) src(%arg17 : memref<32x128xf32, #tpu.memory_space<vmem>>) dst(%dma_wait3A_139 : memref<32x128xf32, #tpu.memory_space<vmem_shared>>)
      tpu.yield
    }) : () -> ()
    %add3A_81 = arith.constant 416 : i32
    %add3A_82 = arith.addi %mul3A_26, %add3A_81 : i32
    "tpu.region"() ({
      %run_scoped3A_133 = tpu.sem_alloc : memref<!tpu.dma_semaphore, #tpu.memory_space<semaphore_mem>>
      %dma_start3A = arith.constant 0 : i32
      %dma_start3A_134 = tpu.memref_slice %arg10[%add3A_82, %dma_start3A] : memref<5120x16xf32, #tpu.memory_space<vmem_shared>> -> memref<32x16xf32, #tpu.memory_space<vmem_shared>>
      %dma_start3A_135 = arith.constant 0 : i32
      %dma_start3A_136 = tpu.memref_slice %arg10[%add3A_82, %dma_start3A_135] : memref<5120x16xf32, #tpu.memory_space<vmem_shared>> -> memref<32x16xf32, #tpu.memory_space<vmem_shared>>
      tpu.enqueue_dma source(%arg19 : memref<32x16xf32, #tpu.memory_space<vmem>>) target(%dma_start3A_136 : memref<32x16xf32, #tpu.memory_space<vmem_shared>>) target_semaphore(%run_scoped3A_133 : memref<!tpu.dma_semaphore, #tpu.memory_space<semaphore_mem>>)
      %dma_wait3A = arith.constant 0 : i32
      %dma_wait3A_137 = tpu.memref_slice %arg10[%add3A_82, %dma_wait3A] : memref<5120x16xf32, #tpu.memory_space<vmem_shared>> -> memref<32x16xf32, #tpu.memory_space<vmem_shared>>
      %dma_wait3A_138 = arith.constant 0 : i32
      %dma_wait3A_139 = tpu.memref_slice %arg10[%add3A_82, %dma_wait3A_138] : memref<5120x16xf32, #tpu.memory_space<vmem_shared>> -> memref<32x16xf32, #tpu.memory_space<vmem_shared>>
      tpu.wait_dma2 semaphore(%run_scoped3A_133 : memref<!tpu.dma_semaphore, #tpu.memory_space<semaphore_mem>>) src(%arg19 : memref<32x16xf32, #tpu.memory_space<vmem>>) dst(%dma_wait3A_139 : memref<32x16xf32, #tpu.memory_space<vmem_shared>>)
      tpu.yield
    }) : () -> ()
    %add3A_83 = arith.constant 448 : i32
    %add3A_84 = arith.addi %mul3A_26, %add3A_83 : i32
    "tpu.region"() ({
      %run_scoped3A_133 = tpu.sem_alloc : memref<!tpu.dma_semaphore, #tpu.memory_space<semaphore_mem>>
      %dma_start3A = arith.constant 0 : i32
      %dma_start3A_134 = tpu.memref_slice %arg9[%add3A_84, %dma_start3A] : memref<5120x128xf32, #tpu.memory_space<vmem_shared>> -> memref<32x128xf32, #tpu.memory_space<vmem_shared>>
      %dma_start3A_135 = arith.constant 0 : i32
      %dma_start3A_136 = tpu.memref_slice %arg9[%add3A_84, %dma_start3A_135] : memref<5120x128xf32, #tpu.memory_space<vmem_shared>> -> memref<32x128xf32, #tpu.memory_space<vmem_shared>>
      tpu.enqueue_dma source(%arg17 : memref<32x128xf32, #tpu.memory_space<vmem>>) target(%dma_start3A_136 : memref<32x128xf32, #tpu.memory_space<vmem_shared>>) target_semaphore(%run_scoped3A_133 : memref<!tpu.dma_semaphore, #tpu.memory_space<semaphore_mem>>)
      %dma_wait3A = arith.constant 0 : i32
      %dma_wait3A_137 = tpu.memref_slice %arg9[%add3A_84, %dma_wait3A] : memref<5120x128xf32, #tpu.memory_space<vmem_shared>> -> memref<32x128xf32, #tpu.memory_space<vmem_shared>>
      %dma_wait3A_138 = arith.constant 0 : i32
      %dma_wait3A_139 = tpu.memref_slice %arg9[%add3A_84, %dma_wait3A_138] : memref<5120x128xf32, #tpu.memory_space<vmem_shared>> -> memref<32x128xf32, #tpu.memory_space<vmem_shared>>
      tpu.wait_dma2 semaphore(%run_scoped3A_133 : memref<!tpu.dma_semaphore, #tpu.memory_space<semaphore_mem>>) src(%arg17 : memref<32x128xf32, #tpu.memory_space<vmem>>) dst(%dma_wait3A_139 : memref<32x128xf32, #tpu.memory_space<vmem_shared>>)
      tpu.yield
    }) : () -> ()
    %add3A_85 = arith.constant 448 : i32
    %add3A_86 = arith.addi %mul3A_26, %add3A_85 : i32
    "tpu.region"() ({
      %run_scoped3A_133 = tpu.sem_alloc : memref<!tpu.dma_semaphore, #tpu.memory_space<semaphore_mem>>
      %dma_start3A = arith.constant 0 : i32
      %dma_start3A_134 = tpu.memref_slice %arg10[%add3A_86, %dma_start3A] : memref<5120x16xf32, #tpu.memory_space<vmem_shared>> -> memref<32x16xf32, #tpu.memory_space<vmem_shared>>
      %dma_start3A_135 = arith.constant 0 : i32
      %dma_start3A_136 = tpu.memref_slice %arg10[%add3A_86, %dma_start3A_135] : memref<5120x16xf32, #tpu.memory_space<vmem_shared>> -> memref<32x16xf32, #tpu.memory_space<vmem_shared>>
      tpu.enqueue_dma source(%arg19 : memref<32x16xf32, #tpu.memory_space<vmem>>) target(%dma_start3A_136 : memref<32x16xf32, #tpu.memory_space<vmem_shared>>) target_semaphore(%run_scoped3A_133 : memref<!tpu.dma_semaphore, #tpu.memory_space<semaphore_mem>>)
      %dma_wait3A = arith.constant 0 : i32
      %dma_wait3A_137 = tpu.memref_slice %arg10[%add3A_86, %dma_wait3A] : memref<5120x16xf32, #tpu.memory_space<vmem_shared>> -> memref<32x16xf32, #tpu.memory_space<vmem_shared>>
      %dma_wait3A_138 = arith.constant 0 : i32
      %dma_wait3A_139 = tpu.memref_slice %arg10[%add3A_86, %dma_wait3A_138] : memref<5120x16xf32, #tpu.memory_space<vmem_shared>> -> memref<32x16xf32, #tpu.memory_space<vmem_shared>>
      tpu.wait_dma2 semaphore(%run_scoped3A_133 : memref<!tpu.dma_semaphore, #tpu.memory_space<semaphore_mem>>) src(%arg19 : memref<32x16xf32, #tpu.memory_space<vmem>>) dst(%dma_wait3A_139 : memref<32x16xf32, #tpu.memory_space<vmem_shared>>)
      tpu.yield
    }) : () -> ()
    %add3A_87 = arith.constant 480 : i32
    %add3A_88 = arith.addi %mul3A_26, %add3A_87 : i32
    "tpu.region"() ({
      %run_scoped3A_133 = tpu.sem_alloc : memref<!tpu.dma_semaphore, #tpu.memory_space<semaphore_mem>>
      %dma_start3A = arith.constant 0 : i32
      %dma_start3A_134 = tpu.memref_slice %arg9[%add3A_88, %dma_start3A] : memref<5120x128xf32, #tpu.memory_space<vmem_shared>> -> memref<32x128xf32, #tpu.memory_space<vmem_shared>>
      %dma_start3A_135 = arith.constant 0 : i32
      %dma_start3A_136 = tpu.memref_slice %arg9[%add3A_88, %dma_start3A_135] : memref<5120x128xf32, #tpu.memory_space<vmem_shared>> -> memref<32x128xf32, #tpu.memory_space<vmem_shared>>
      tpu.enqueue_dma source(%arg17 : memref<32x128xf32, #tpu.memory_space<vmem>>) target(%dma_start3A_136 : memref<32x128xf32, #tpu.memory_space<vmem_shared>>) target_semaphore(%run_scoped3A_133 : memref<!tpu.dma_semaphore, #tpu.memory_space<semaphore_mem>>)
      %dma_wait3A = arith.constant 0 : i32
      %dma_wait3A_137 = tpu.memref_slice %arg9[%add3A_88, %dma_wait3A] : memref<5120x128xf32, #tpu.memory_space<vmem_shared>> -> memref<32x128xf32, #tpu.memory_space<vmem_shared>>
      %dma_wait3A_138 = arith.constant 0 : i32
      %dma_wait3A_139 = tpu.memref_slice %arg9[%add3A_88, %dma_wait3A_138] : memref<5120x128xf32, #tpu.memory_space<vmem_shared>> -> memref<32x128xf32, #tpu.memory_space<vmem_shared>>
      tpu.wait_dma2 semaphore(%run_scoped3A_133 : memref<!tpu.dma_semaphore, #tpu.memory_space<semaphore_mem>>) src(%arg17 : memref<32x128xf32, #tpu.memory_space<vmem>>) dst(%dma_wait3A_139 : memref<32x128xf32, #tpu.memory_space<vmem_shared>>)
      tpu.yield
    }) : () -> ()
    %add3A_89 = arith.constant 480 : i32
    %add3A_90 = arith.addi %mul3A_26, %add3A_89 : i32
    "tpu.region"() ({
      %run_scoped3A_133 = tpu.sem_alloc : memref<!tpu.dma_semaphore, #tpu.memory_space<semaphore_mem>>
      %dma_start3A = arith.constant 0 : i32
      %dma_start3A_134 = tpu.memref_slice %arg10[%add3A_90, %dma_start3A] : memref<5120x16xf32, #tpu.memory_space<vmem_shared>> -> memref<32x16xf32, #tpu.memory_space<vmem_shared>>
      %dma_start3A_135 = arith.constant 0 : i32
      %dma_start3A_136 = tpu.memref_slice %arg10[%add3A_90, %dma_start3A_135] : memref<5120x16xf32, #tpu.memory_space<vmem_shared>> -> memref<32x16xf32, #tpu.memory_space<vmem_shared>>
      tpu.enqueue_dma source(%arg19 : memref<32x16xf32, #tpu.memory_space<vmem>>) target(%dma_start3A_136 : memref<32x16xf32, #tpu.memory_space<vmem_shared>>) target_semaphore(%run_scoped3A_133 : memref<!tpu.dma_semaphore, #tpu.memory_space<semaphore_mem>>)
      %dma_wait3A = arith.constant 0 : i32
      %dma_wait3A_137 = tpu.memref_slice %arg10[%add3A_90, %dma_wait3A] : memref<5120x16xf32, #tpu.memory_space<vmem_shared>> -> memref<32x16xf32, #tpu.memory_space<vmem_shared>>
      %dma_wait3A_138 = arith.constant 0 : i32
      %dma_wait3A_139 = tpu.memref_slice %arg10[%add3A_90, %dma_wait3A_138] : memref<5120x16xf32, #tpu.memory_space<vmem_shared>> -> memref<32x16xf32, #tpu.memory_space<vmem_shared>>
      tpu.wait_dma2 semaphore(%run_scoped3A_133 : memref<!tpu.dma_semaphore, #tpu.memory_space<semaphore_mem>>) src(%arg19 : memref<32x16xf32, #tpu.memory_space<vmem>>) dst(%dma_wait3A_139 : memref<32x16xf32, #tpu.memory_space<vmem_shared>>)
      tpu.yield
    }) : () -> ()
    %add3A_91 = arith.constant 512 : i32
    %add3A_92 = arith.addi %mul3A_26, %add3A_91 : i32
    "tpu.region"() ({
      %run_scoped3A_133 = tpu.sem_alloc : memref<!tpu.dma_semaphore, #tpu.memory_space<semaphore_mem>>
      %dma_start3A = arith.constant 0 : i32
      %dma_start3A_134 = tpu.memref_slice %arg9[%add3A_92, %dma_start3A] : memref<5120x128xf32, #tpu.memory_space<vmem_shared>> -> memref<32x128xf32, #tpu.memory_space<vmem_shared>>
      %dma_start3A_135 = arith.constant 0 : i32
      %dma_start3A_136 = tpu.memref_slice %arg9[%add3A_92, %dma_start3A_135] : memref<5120x128xf32, #tpu.memory_space<vmem_shared>> -> memref<32x128xf32, #tpu.memory_space<vmem_shared>>
      tpu.enqueue_dma source(%arg17 : memref<32x128xf32, #tpu.memory_space<vmem>>) target(%dma_start3A_136 : memref<32x128xf32, #tpu.memory_space<vmem_shared>>) target_semaphore(%run_scoped3A_133 : memref<!tpu.dma_semaphore, #tpu.memory_space<semaphore_mem>>)
      %dma_wait3A = arith.constant 0 : i32
      %dma_wait3A_137 = tpu.memref_slice %arg9[%add3A_92, %dma_wait3A] : memref<5120x128xf32, #tpu.memory_space<vmem_shared>> -> memref<32x128xf32, #tpu.memory_space<vmem_shared>>
      %dma_wait3A_138 = arith.constant 0 : i32
      %dma_wait3A_139 = tpu.memref_slice %arg9[%add3A_92, %dma_wait3A_138] : memref<5120x128xf32, #tpu.memory_space<vmem_shared>> -> memref<32x128xf32, #tpu.memory_space<vmem_shared>>
      tpu.wait_dma2 semaphore(%run_scoped3A_133 : memref<!tpu.dma_semaphore, #tpu.memory_space<semaphore_mem>>) src(%arg17 : memref<32x128xf32, #tpu.memory_space<vmem>>) dst(%dma_wait3A_139 : memref<32x128xf32, #tpu.memory_space<vmem_shared>>)
      tpu.yield
    }) : () -> ()
    %add3A_93 = arith.constant 512 : i32
    %add3A_94 = arith.addi %mul3A_26, %add3A_93 : i32
    "tpu.region"() ({
      %run_scoped3A_133 = tpu.sem_alloc : memref<!tpu.dma_semaphore, #tpu.memory_space<semaphore_mem>>
      %dma_start3A = arith.constant 0 : i32
      %dma_start3A_134 = tpu.memref_slice %arg10[%add3A_94, %dma_start3A] : memref<5120x16xf32, #tpu.memory_space<vmem_shared>> -> memref<32x16xf32, #tpu.memory_space<vmem_shared>>
      %dma_start3A_135 = arith.constant 0 : i32
      %dma_start3A_136 = tpu.memref_slice %arg10[%add3A_94, %dma_start3A_135] : memref<5120x16xf32, #tpu.memory_space<vmem_shared>> -> memref<32x16xf32, #tpu.memory_space<vmem_shared>>
      tpu.enqueue_dma source(%arg19 : memref<32x16xf32, #tpu.memory_space<vmem>>) target(%dma_start3A_136 : memref<32x16xf32, #tpu.memory_space<vmem_shared>>) target_semaphore(%run_scoped3A_133 : memref<!tpu.dma_semaphore, #tpu.memory_space<semaphore_mem>>)
      %dma_wait3A = arith.constant 0 : i32
      %dma_wait3A_137 = tpu.memref_slice %arg10[%add3A_94, %dma_wait3A] : memref<5120x16xf32, #tpu.memory_space<vmem_shared>> -> memref<32x16xf32, #tpu.memory_space<vmem_shared>>
      %dma_wait3A_138 = arith.constant 0 : i32
      %dma_wait3A_139 = tpu.memref_slice %arg10[%add3A_94, %dma_wait3A_138] : memref<5120x16xf32, #tpu.memory_space<vmem_shared>> -> memref<32x16xf32, #tpu.memory_space<vmem_shared>>
      tpu.wait_dma2 semaphore(%run_scoped3A_133 : memref<!tpu.dma_semaphore, #tpu.memory_space<semaphore_mem>>) src(%arg19 : memref<32x16xf32, #tpu.memory_space<vmem>>) dst(%dma_wait3A_139 : memref<32x16xf32, #tpu.memory_space<vmem_shared>>)
      tpu.yield
    }) : () -> ()
    %add3A_95 = arith.constant 544 : i32
    %add3A_96 = arith.addi %mul3A_26, %add3A_95 : i32
    "tpu.region"() ({
      %run_scoped3A_133 = tpu.sem_alloc : memref<!tpu.dma_semaphore, #tpu.memory_space<semaphore_mem>>
      %dma_start3A = arith.constant 0 : i32
      %dma_start3A_134 = tpu.memref_slice %arg9[%add3A_96, %dma_start3A] : memref<5120x128xf32, #tpu.memory_space<vmem_shared>> -> memref<32x128xf32, #tpu.memory_space<vmem_shared>>
      %dma_start3A_135 = arith.constant 0 : i32
      %dma_start3A_136 = tpu.memref_slice %arg9[%add3A_96, %dma_start3A_135] : memref<5120x128xf32, #tpu.memory_space<vmem_shared>> -> memref<32x128xf32, #tpu.memory_space<vmem_shared>>
      tpu.enqueue_dma source(%arg17 : memref<32x128xf32, #tpu.memory_space<vmem>>) target(%dma_start3A_136 : memref<32x128xf32, #tpu.memory_space<vmem_shared>>) target_semaphore(%run_scoped3A_133 : memref<!tpu.dma_semaphore, #tpu.memory_space<semaphore_mem>>)
      %dma_wait3A = arith.constant 0 : i32
      %dma_wait3A_137 = tpu.memref_slice %arg9[%add3A_96, %dma_wait3A] : memref<5120x128xf32, #tpu.memory_space<vmem_shared>> -> memref<32x128xf32, #tpu.memory_space<vmem_shared>>
      %dma_wait3A_138 = arith.constant 0 : i32
      %dma_wait3A_139 = tpu.memref_slice %arg9[%add3A_96, %dma_wait3A_138] : memref<5120x128xf32, #tpu.memory_space<vmem_shared>> -> memref<32x128xf32, #tpu.memory_space<vmem_shared>>
      tpu.wait_dma2 semaphore(%run_scoped3A_133 : memref<!tpu.dma_semaphore, #tpu.memory_space<semaphore_mem>>) src(%arg17 : memref<32x128xf32, #tpu.memory_space<vmem>>) dst(%dma_wait3A_139 : memref<32x128xf32, #tpu.memory_space<vmem_shared>>)
      tpu.yield
    }) : () -> ()
    %add3A_97 = arith.constant 544 : i32
    %add3A_98 = arith.addi %mul3A_26, %add3A_97 : i32
    "tpu.region"() ({
      %run_scoped3A_133 = tpu.sem_alloc : memref<!tpu.dma_semaphore, #tpu.memory_space<semaphore_mem>>
      %dma_start3A = arith.constant 0 : i32
      %dma_start3A_134 = tpu.memref_slice %arg10[%add3A_98, %dma_start3A] : memref<5120x16xf32, #tpu.memory_space<vmem_shared>> -> memref<32x16xf32, #tpu.memory_space<vmem_shared>>
      %dma_start3A_135 = arith.constant 0 : i32
      %dma_start3A_136 = tpu.memref_slice %arg10[%add3A_98, %dma_start3A_135] : memref<5120x16xf32, #tpu.memory_space<vmem_shared>> -> memref<32x16xf32, #tpu.memory_space<vmem_shared>>
      tpu.enqueue_dma source(%arg19 : memref<32x16xf32, #tpu.memory_space<vmem>>) target(%dma_start3A_136 : memref<32x16xf32, #tpu.memory_space<vmem_shared>>) target_semaphore(%run_scoped3A_133 : memref<!tpu.dma_semaphore, #tpu.memory_space<semaphore_mem>>)
      %dma_wait3A = arith.constant 0 : i32
      %dma_wait3A_137 = tpu.memref_slice %arg10[%add3A_98, %dma_wait3A] : memref<5120x16xf32, #tpu.memory_space<vmem_shared>> -> memref<32x16xf32, #tpu.memory_space<vmem_shared>>
      %dma_wait3A_138 = arith.constant 0 : i32
      %dma_wait3A_139 = tpu.memref_slice %arg10[%add3A_98, %dma_wait3A_138] : memref<5120x16xf32, #tpu.memory_space<vmem_shared>> -> memref<32x16xf32, #tpu.memory_space<vmem_shared>>
      tpu.wait_dma2 semaphore(%run_scoped3A_133 : memref<!tpu.dma_semaphore, #tpu.memory_space<semaphore_mem>>) src(%arg19 : memref<32x16xf32, #tpu.memory_space<vmem>>) dst(%dma_wait3A_139 : memref<32x16xf32, #tpu.memory_space<vmem_shared>>)
      tpu.yield
    }) : () -> ()
    %add3A_99 = arith.constant 576 : i32
    %add3A_100 = arith.addi %mul3A_26, %add3A_99 : i32
    "tpu.region"() ({
      %run_scoped3A_133 = tpu.sem_alloc : memref<!tpu.dma_semaphore, #tpu.memory_space<semaphore_mem>>
      %dma_start3A = arith.constant 0 : i32
      %dma_start3A_134 = tpu.memref_slice %arg9[%add3A_100, %dma_start3A] : memref<5120x128xf32, #tpu.memory_space<vmem_shared>> -> memref<32x128xf32, #tpu.memory_space<vmem_shared>>
      %dma_start3A_135 = arith.constant 0 : i32
      %dma_start3A_136 = tpu.memref_slice %arg9[%add3A_100, %dma_start3A_135] : memref<5120x128xf32, #tpu.memory_space<vmem_shared>> -> memref<32x128xf32, #tpu.memory_space<vmem_shared>>
      tpu.enqueue_dma source(%arg17 : memref<32x128xf32, #tpu.memory_space<vmem>>) target(%dma_start3A_136 : memref<32x128xf32, #tpu.memory_space<vmem_shared>>) target_semaphore(%run_scoped3A_133 : memref<!tpu.dma_semaphore, #tpu.memory_space<semaphore_mem>>)
      %dma_wait3A = arith.constant 0 : i32
      %dma_wait3A_137 = tpu.memref_slice %arg9[%add3A_100, %dma_wait3A] : memref<5120x128xf32, #tpu.memory_space<vmem_shared>> -> memref<32x128xf32, #tpu.memory_space<vmem_shared>>
      %dma_wait3A_138 = arith.constant 0 : i32
      %dma_wait3A_139 = tpu.memref_slice %arg9[%add3A_100, %dma_wait3A_138] : memref<5120x128xf32, #tpu.memory_space<vmem_shared>> -> memref<32x128xf32, #tpu.memory_space<vmem_shared>>
      tpu.wait_dma2 semaphore(%run_scoped3A_133 : memref<!tpu.dma_semaphore, #tpu.memory_space<semaphore_mem>>) src(%arg17 : memref<32x128xf32, #tpu.memory_space<vmem>>) dst(%dma_wait3A_139 : memref<32x128xf32, #tpu.memory_space<vmem_shared>>)
      tpu.yield
    }) : () -> ()
    %add3A_101 = arith.constant 576 : i32
    %add3A_102 = arith.addi %mul3A_26, %add3A_101 : i32
    "tpu.region"() ({
      %run_scoped3A_133 = tpu.sem_alloc : memref<!tpu.dma_semaphore, #tpu.memory_space<semaphore_mem>>
      %dma_start3A = arith.constant 0 : i32
      %dma_start3A_134 = tpu.memref_slice %arg10[%add3A_102, %dma_start3A] : memref<5120x16xf32, #tpu.memory_space<vmem_shared>> -> memref<32x16xf32, #tpu.memory_space<vmem_shared>>
      %dma_start3A_135 = arith.constant 0 : i32
      %dma_start3A_136 = tpu.memref_slice %arg10[%add3A_102, %dma_start3A_135] : memref<5120x16xf32, #tpu.memory_space<vmem_shared>> -> memref<32x16xf32, #tpu.memory_space<vmem_shared>>
      tpu.enqueue_dma source(%arg19 : memref<32x16xf32, #tpu.memory_space<vmem>>) target(%dma_start3A_136 : memref<32x16xf32, #tpu.memory_space<vmem_shared>>) target_semaphore(%run_scoped3A_133 : memref<!tpu.dma_semaphore, #tpu.memory_space<semaphore_mem>>)
      %dma_wait3A = arith.constant 0 : i32
      %dma_wait3A_137 = tpu.memref_slice %arg10[%add3A_102, %dma_wait3A] : memref<5120x16xf32, #tpu.memory_space<vmem_shared>> -> memref<32x16xf32, #tpu.memory_space<vmem_shared>>
      %dma_wait3A_138 = arith.constant 0 : i32
      %dma_wait3A_139 = tpu.memref_slice %arg10[%add3A_102, %dma_wait3A_138] : memref<5120x16xf32, #tpu.memory_space<vmem_shared>> -> memref<32x16xf32, #tpu.memory_space<vmem_shared>>
      tpu.wait_dma2 semaphore(%run_scoped3A_133 : memref<!tpu.dma_semaphore, #tpu.memory_space<semaphore_mem>>) src(%arg19 : memref<32x16xf32, #tpu.memory_space<vmem>>) dst(%dma_wait3A_139 : memref<32x16xf32, #tpu.memory_space<vmem_shared>>)
      tpu.yield
    }) : () -> ()
    %add3A_103 = arith.constant 608 : i32
    %add3A_104 = arith.addi %mul3A_26, %add3A_103 : i32
    "tpu.region"() ({
      %run_scoped3A_133 = tpu.sem_alloc : memref<!tpu.dma_semaphore, #tpu.memory_space<semaphore_mem>>
      %dma_start3A = arith.constant 0 : i32
      %dma_start3A_134 = tpu.memref_slice %arg9[%add3A_104, %dma_start3A] : memref<5120x128xf32, #tpu.memory_space<vmem_shared>> -> memref<32x128xf32, #tpu.memory_space<vmem_shared>>
      %dma_start3A_135 = arith.constant 0 : i32
      %dma_start3A_136 = tpu.memref_slice %arg9[%add3A_104, %dma_start3A_135] : memref<5120x128xf32, #tpu.memory_space<vmem_shared>> -> memref<32x128xf32, #tpu.memory_space<vmem_shared>>
      tpu.enqueue_dma source(%arg17 : memref<32x128xf32, #tpu.memory_space<vmem>>) target(%dma_start3A_136 : memref<32x128xf32, #tpu.memory_space<vmem_shared>>) target_semaphore(%run_scoped3A_133 : memref<!tpu.dma_semaphore, #tpu.memory_space<semaphore_mem>>)
      %dma_wait3A = arith.constant 0 : i32
      %dma_wait3A_137 = tpu.memref_slice %arg9[%add3A_104, %dma_wait3A] : memref<5120x128xf32, #tpu.memory_space<vmem_shared>> -> memref<32x128xf32, #tpu.memory_space<vmem_shared>>
      %dma_wait3A_138 = arith.constant 0 : i32
      %dma_wait3A_139 = tpu.memref_slice %arg9[%add3A_104, %dma_wait3A_138] : memref<5120x128xf32, #tpu.memory_space<vmem_shared>> -> memref<32x128xf32, #tpu.memory_space<vmem_shared>>
      tpu.wait_dma2 semaphore(%run_scoped3A_133 : memref<!tpu.dma_semaphore, #tpu.memory_space<semaphore_mem>>) src(%arg17 : memref<32x128xf32, #tpu.memory_space<vmem>>) dst(%dma_wait3A_139 : memref<32x128xf32, #tpu.memory_space<vmem_shared>>)
      tpu.yield
    }) : () -> ()
    %add3A_105 = arith.constant 608 : i32
    %add3A_106 = arith.addi %mul3A_26, %add3A_105 : i32
    "tpu.region"() ({
      %run_scoped3A_133 = tpu.sem_alloc : memref<!tpu.dma_semaphore, #tpu.memory_space<semaphore_mem>>
      %dma_start3A = arith.constant 0 : i32
      %dma_start3A_134 = tpu.memref_slice %arg10[%add3A_106, %dma_start3A] : memref<5120x16xf32, #tpu.memory_space<vmem_shared>> -> memref<32x16xf32, #tpu.memory_space<vmem_shared>>
      %dma_start3A_135 = arith.constant 0 : i32
      %dma_start3A_136 = tpu.memref_slice %arg10[%add3A_106, %dma_start3A_135] : memref<5120x16xf32, #tpu.memory_space<vmem_shared>> -> memref<32x16xf32, #tpu.memory_space<vmem_shared>>
      tpu.enqueue_dma source(%arg19 : memref<32x16xf32, #tpu.memory_space<vmem>>) target(%dma_start3A_136 : memref<32x16xf32, #tpu.memory_space<vmem_shared>>) target_semaphore(%run_scoped3A_133 : memref<!tpu.dma_semaphore, #tpu.memory_space<semaphore_mem>>)
      %dma_wait3A = arith.constant 0 : i32
      %dma_wait3A_137 = tpu.memref_slice %arg10[%add3A_106, %dma_wait3A] : memref<5120x16xf32, #tpu.memory_space<vmem_shared>> -> memref<32x16xf32, #tpu.memory_space<vmem_shared>>
      %dma_wait3A_138 = arith.constant 0 : i32
      %dma_wait3A_139 = tpu.memref_slice %arg10[%add3A_106, %dma_wait3A_138] : memref<5120x16xf32, #tpu.memory_space<vmem_shared>> -> memref<32x16xf32, #tpu.memory_space<vmem_shared>>
      tpu.wait_dma2 semaphore(%run_scoped3A_133 : memref<!tpu.dma_semaphore, #tpu.memory_space<semaphore_mem>>) src(%arg19 : memref<32x16xf32, #tpu.memory_space<vmem>>) dst(%dma_wait3A_139 : memref<32x16xf32, #tpu.memory_space<vmem_shared>>)
      tpu.yield
    }) : () -> ()
    %sc_fetch_and_add3A = arith.constant 1 : i32
    %sc_fetch_and_add3A_107 = arith.constant 0 : i32
    %sc_fetch_and_add3A_108 = arith.constant 0 : i32
    %sc_fetch_and_add3A_109 = tpu.fetch_and_add_sync %arg20[%sc_fetch_and_add3A_107], %sc_fetch_and_add3A, %sc_fetch_and_add3A_108 : memref<2xi32, #tpu.memory_space<smem>>, i32 -> i32
    %while3A = arith.constant 0 : i32
    %while3A_110 = scf.while (%while3A_133 = %while3A) : (i32) -> i32 {
      %lt3A = arith.constant 8 : i32
      %lt3A_134 = arith.cmpi slt, %while3A_133, %lt3A : i32
      scf.condition(%lt3A_134) %while3A_133 : i32
    } do {
    ^bb0(%while3A_133: i32):
      %sc_fetch_and_add3A_134 = arith.constant 0 : i32
      %sc_fetch_and_add3A_135 = arith.constant 0 : i32
      %sc_fetch_and_add3A_136 = arith.constant 0 : i32
      %sc_fetch_and_add3A_137 = tpu.fetch_and_add_sync %arg20[%sc_fetch_and_add3A_135], %sc_fetch_and_add3A_134, %sc_fetch_and_add3A_136 : memref<2xi32, #tpu.memory_space<smem>>, i32 -> i32
      scf.yield %sc_fetch_and_add3A_137 : i32
    }
    %scan3A_111 = arith.constant 0 : i32
    %scan3A_112 = arith.constant 0 : i32
    %scan3A_113 = arith.constant 1250 : i32
    %scan3A_114 = arith.addi %scan3A_112, %scan3A_113 : i32
    %scan3A_115 = arith.constant 1 : i32
    scf.for %scan3A_133 = %scan3A_112 to %scan3A_114 step %scan3A_115  : i32 {
      %mul3A_134 = arith.constant 1250 : i32
      %mul3A_135 = arith.muli %arg1, %mul3A_134 : i32
      %add3A_136 = arith.addi %mul3A_135, %scan3A_133 : i32
      %mul3A_137 = arith.constant 32 : i32
      %mul3A_138 = arith.muli %add3A_136, %mul3A_137 : i32
      "tpu.region"() ({
        %run_scoped3A_258 = tpu.sem_alloc : memref<!tpu.dma_semaphore, #tpu.memory_space<semaphore_mem>>
        %dma_start3A_259 = tpu.memref_slice %arg3[%mul3A_138] : memref<320000xi32, #tpu.memory_space<hbm>> -> memref<32xi32, #tpu.memory_space<hbm>>
        %dma_start3A_260 = tpu.memref_slice %arg3[%mul3A_138] : memref<320000xi32, #tpu.memory_space<hbm>> -> memref<32xi32, #tpu.memory_space<hbm>>
        tpu.enqueue_dma source(%dma_start3A_260 : memref<32xi32, #tpu.memory_space<hbm>>) target(%arg11 : memref<32xi32, #tpu.memory_space<vmem>>) target_semaphore(%run_scoped3A_258 : memref<!tpu.dma_semaphore, #tpu.memory_space<semaphore_mem>>)
        %dma_wait3A_261 = tpu.memref_slice %arg3[%mul3A_138] : memref<320000xi32, #tpu.memory_space<hbm>> -> memref<32xi32, #tpu.memory_space<hbm>>
        %dma_wait3A_262 = tpu.memref_slice %arg3[%mul3A_138] : memref<320000xi32, #tpu.memory_space<hbm>> -> memref<32xi32, #tpu.memory_space<hbm>>
        tpu.wait_dma2 semaphore(%run_scoped3A_258 : memref<!tpu.dma_semaphore, #tpu.memory_space<semaphore_mem>>) src(%dma_wait3A_262 : memref<32xi32, #tpu.memory_space<hbm>>) dst(%arg11 : memref<32xi32, #tpu.memory_space<vmem>>)
        tpu.yield
      }) : () -> ()
      "tpu.region"() ({
        %run_scoped3A_258 = tpu.sem_alloc : memref<!tpu.dma_semaphore, #tpu.memory_space<semaphore_mem>>
        %dma_start3A_259 = tpu.memref_slice %arg4[%mul3A_138] : memref<320000xi32, #tpu.memory_space<hbm>> -> memref<32xi32, #tpu.memory_space<hbm>>
        %dma_start3A_260 = tpu.memref_slice %arg4[%mul3A_138] : memref<320000xi32, #tpu.memory_space<hbm>> -> memref<32xi32, #tpu.memory_space<hbm>>
        tpu.enqueue_dma source(%dma_start3A_260 : memref<32xi32, #tpu.memory_space<hbm>>) target(%arg12 : memref<32xi32, #tpu.memory_space<vmem>>) target_semaphore(%run_scoped3A_258 : memref<!tpu.dma_semaphore, #tpu.memory_space<semaphore_mem>>)
        %dma_wait3A_261 = tpu.memref_slice %arg4[%mul3A_138] : memref<320000xi32, #tpu.memory_space<hbm>> -> memref<32xi32, #tpu.memory_space<hbm>>
        %dma_wait3A_262 = tpu.memref_slice %arg4[%mul3A_138] : memref<320000xi32, #tpu.memory_space<hbm>> -> memref<32xi32, #tpu.memory_space<hbm>>
        tpu.wait_dma2 semaphore(%run_scoped3A_258 : memref<!tpu.dma_semaphore, #tpu.memory_space<semaphore_mem>>) src(%dma_wait3A_262 : memref<32xi32, #tpu.memory_space<hbm>>) dst(%arg12 : memref<32xi32, #tpu.memory_space<vmem>>)
        tpu.yield
      }) : () -> ()
      %dma_start3A = arith.constant 0 : i32
      %dma_start3A_139 = arith.constant 0 : i32
      %dma_start3A_140 = tpu.memref_slice %arg2[%dma_start3A, %dma_start3A_139] : memref<10240x128xf32, #tpu.memory_space<hbm>> -> memref<10240x128xf32, #tpu.memory_space<hbm>>
      tpu.enqueue_indirect_dma source(%dma_start3A_140 : memref<10240x128xf32, #tpu.memory_space<hbm>>) target(%arg17 : memref<32x128xf32, #tpu.memory_space<vmem>>) offsets(%arg11 : memref<32xi32, #tpu.memory_space<vmem>>) semaphore(%arg21 : memref<!tpu.dma_semaphore, #tpu.memory_space<semaphore_mem>>)
      %get3A_141 = arith.constant 0 : index
      %get3A_142 = tpu.vector_load %arg11[%get3A_141] {strides = array<i32>} : memref<32xi32, #tpu.memory_space<vmem>>, vector<16xi32>,
      %get3A_143 = arith.constant 0 : index
      %get3A_144 = tpu.vector_load %arg12[%get3A_143] {strides = array<i32>} : memref<32xi32, #tpu.memory_space<vmem>>, vector<16xi32>,
      %shift_right_arithmetic3A = arith.constant 7 : i32
      %shift_right_arithmetic3A_145 = vector.broadcast %shift_right_arithmetic3A : i32 to vector<16xi32>
      %shift_right_arithmetic3A_146 = arith.shrsi %get3A_142, %shift_right_arithmetic3A_145 : vector<16xi32>
      %and3A = arith.constant 127 : i32
      %and3A_147 = vector.broadcast %and3A : i32 to vector<16xi32>
      %and3A_148 = arith.andi %get3A_142, %and3A_147 : vector<16xi32>
      %gather3A = tpu.vector_load_idx %arg13[%shift_right_arithmetic3A_146, %and3A_148] : memref<80x128xf32, #tpu.memory_space<vmem>>[vector<16xi32>, vector<16xi32>], vector<16xf32>,
      %shift_right_arithmetic3A_149 = arith.constant 7 : i32
      %shift_right_arithmetic3A_150 = vector.broadcast %shift_right_arithmetic3A_149 : i32 to vector<16xi32>
      %shift_right_arithmetic3A_151 = arith.shrsi %get3A_144, %shift_right_arithmetic3A_150 : vector<16xi32>
      %and3A_152 = arith.constant 127 : i32
      %and3A_153 = vector.broadcast %and3A_152 : i32 to vector<16xi32>
      %and3A_154 = arith.andi %get3A_144, %and3A_153 : vector<16xi32>
      %gather3A_155 = tpu.vector_load_idx %arg14[%shift_right_arithmetic3A_151, %and3A_154] : memref<80x128xf32, #tpu.memory_space<vmem>>[vector<16xi32>, vector<16xi32>], vector<16xf32>,
      %add3A_156 = arith.addf %gather3A, %gather3A_155 : vector<16xf32>
      %ge3A_157 = arith.constant 0.000000e+00 : f32
      %ge3A_158 = vector.broadcast %ge3A_157 : f32 to vector<16xf32>
      %ge3A_159 = arith.cmpf oge, %add3A_156, %ge3A_158 : vector<16xf32>
      %mul3A_160 = arith.constant 2.000000e-01 : f32
      %mul3A_161 = vector.broadcast %mul3A_160 : f32 to vector<16xf32>
      %mul3A_162 = arith.mulf %mul3A_161, %add3A_156 : vector<16xf32>
      %select_n3A_163 = arith.select %ge3A_159, %add3A_156, %mul3A_162 : vector<16xi1>, vector<16xf32>
      %sub3A = arith.subf %select_n3A_163, %select_n3A : vector<16xf32>
      %exp3A = math.exp %sub3A : vector<16xf32>
      %sub3A_164 = vector.broadcast %mul3A_19 : i32 to vector<16xi32>
      %sub3A_165 = arith.subi %get3A_144, %sub3A_164 : vector<16xi32>
      %ge3A_166 = arith.constant 0 : i32
      %ge3A_167 = vector.broadcast %ge3A_166 : i32 to vector<16xi32>
      %ge3A_168 = arith.cmpi sge, %sub3A_165, %ge3A_167 : vector<16xi32>
      %lt3A = arith.constant 5120 : i32
      %lt3A_169 = vector.broadcast %lt3A : i32 to vector<16xi32>
      %lt3A_170 = arith.cmpi slt, %sub3A_165, %lt3A_169 : vector<16xi32>
      %and3A_171 = arith.andi %ge3A_168, %lt3A_170 : vector<16xi1>
      %jit3A_172 = arith.constant 0.000000e+00 : f32
      %broadcast_in_dim3A_173 = vector.broadcast %jit3A_172 : f32 to vector<16xf32>
      %select_n3A_174 = arith.select %and3A_171, %exp3A, %broadcast_in_dim3A_173 : vector<16xi1>, vector<16xf32>
      %swap3A = arith.constant 0 : index
      %swap3A_175 = tpu.vector_load %arg18[%swap3A] {strides = array<i32>} : memref<32xf32, #tpu.memory_space<vmem>>, vector<16xf32>,
      tpu.vector_store %arg18[%swap3A], %select_n3A_174 {strides = array<i32>} : memref<32xf32, #tpu.memory_space<vmem>>, vector<16xf32>,
      %lt3A_176 = arith.constant 0 : i32
      %lt3A_177 = vector.broadcast %lt3A_176 : i32 to vector<16xi32>
      %lt3A_178 = arith.cmpi slt, %sub3A_165, %lt3A_177 : vector<16xi32>
      %add3A_179 = arith.constant 5120 : i32
      %add3A_180 = vector.broadcast %add3A_179 : i32 to vector<16xi32>
      %add3A_181 = arith.addi %sub3A_165, %add3A_180 : vector<16xi32>
      %select_n3A_182 = arith.select %lt3A_178, %add3A_181, %sub3A_165 : vector<16xi1>, vector<16xi32>
      %ge3A_183 = arith.constant 5120 : i32
      %ge3A_184 = vector.broadcast %ge3A_183 : i32 to vector<16xi32>
      %ge3A_185 = arith.cmpi sge, %select_n3A_182, %ge3A_184 : vector<16xi32>
      %sub3A_186 = arith.constant 5120 : i32
      %sub3A_187 = vector.broadcast %sub3A_186 : i32 to vector<16xi32>
      %sub3A_188 = arith.subi %select_n3A_182, %sub3A_187 : vector<16xi32>
      %select_n3A_189 = arith.select %ge3A_185, %sub3A_188, %select_n3A_182 : vector<16xi1>, vector<16xi32>
      %swap3A_190 = arith.constant 0 : index
      %swap3A_191 = tpu.vector_load %arg12[%swap3A_190] {strides = array<i32>} : memref<32xi32, #tpu.memory_space<vmem>>, vector<16xi32>,
      tpu.vector_store %arg12[%swap3A_190], %select_n3A_189 {strides = array<i32>} : memref<32xi32, #tpu.memory_space<vmem>>, vector<16xi32>,
      %get3A_192 = arith.constant 16 : index
      %get3A_193 = tpu.vector_load %arg11[%get3A_192] {strides = array<i32>} : memref<32xi32, #tpu.memory_space<vmem>>, vector<16xi32>,
      %get3A_194 = arith.constant 16 : index
      %get3A_195 = tpu.vector_load %arg12[%get3A_194] {strides = array<i32>} : memref<32xi32, #tpu.memory_space<vmem>>, vector<16xi32>,
      %shift_right_arithmetic3A_196 = arith.constant 7 : i32
      %shift_right_arithmetic3A_197 = vector.broadcast %shift_right_arithmetic3A_196 : i32 to vector<16xi32>
      %shift_right_arithmetic3A_198 = arith.shrsi %get3A_193, %shift_right_arithmetic3A_197 : vector<16xi32>
      %and3A_199 = arith.constant 127 : i32
      %and3A_200 = vector.broadcast %and3A_199 : i32 to vector<16xi32>
      %and3A_201 = arith.andi %get3A_193, %and3A_200 : vector<16xi32>
      %gather3A_202 = tpu.vector_load_idx %arg13[%shift_right_arithmetic3A_198, %and3A_201] : memref<80x128xf32, #tpu.memory_space<vmem>>[vector<16xi32>, vector<16xi32>], vector<16xf32>,
      %shift_right_arithmetic3A_203 = arith.constant 7 : i32
      %shift_right_arithmetic3A_204 = vector.broadcast %shift_right_arithmetic3A_203 : i32 to vector<16xi32>
      %shift_right_arithmetic3A_205 = arith.shrsi %get3A_195, %shift_right_arithmetic3A_204 : vector<16xi32>
      %and3A_206 = arith.constant 127 : i32
      %and3A_207 = vector.broadcast %and3A_206 : i32 to vector<16xi32>
      %and3A_208 = arith.andi %get3A_195, %and3A_207 : vector<16xi32>
      %gather3A_209 = tpu.vector_load_idx %arg14[%shift_right_arithmetic3A_205, %and3A_208] : memref<80x128xf32, #tpu.memory_space<vmem>>[vector<16xi32>, vector<16xi32>], vector<16xf32>,
      %add3A_210 = arith.addf %gather3A_202, %gather3A_209 : vector<16xf32>
      %ge3A_211 = arith.constant 0.000000e+00 : f32
      %ge3A_212 = vector.broadcast %ge3A_211 : f32 to vector<16xf32>
      %ge3A_213 = arith.cmpf oge, %add3A_210, %ge3A_212 : vector<16xf32>
      %mul3A_214 = arith.constant 2.000000e-01 : f32
      %mul3A_215 = vector.broadcast %mul3A_214 : f32 to vector<16xf32>
      %mul3A_216 = arith.mulf %mul3A_215, %add3A_210 : vector<16xf32>
      %select_n3A_217 = arith.select %ge3A_213, %add3A_210, %mul3A_216 : vector<16xi1>, vector<16xf32>
      %sub3A_218 = arith.subf %select_n3A_217, %select_n3A : vector<16xf32>
      %exp3A_219 = math.exp %sub3A_218 : vector<16xf32>
      %sub3A_220 = vector.broadcast %mul3A_19 : i32 to vector<16xi32>
      %sub3A_221 = arith.subi %get3A_195, %sub3A_220 : vector<16xi32>
      %ge3A_222 = arith.constant 0 : i32
      %ge3A_223 = vector.broadcast %ge3A_222 : i32 to vector<16xi32>
      %ge3A_224 = arith.cmpi sge, %sub3A_221, %ge3A_223 : vector<16xi32>
      %lt3A_225 = arith.constant 5120 : i32
      %lt3A_226 = vector.broadcast %lt3A_225 : i32 to vector<16xi32>
      %lt3A_227 = arith.cmpi slt, %sub3A_221, %lt3A_226 : vector<16xi32>
      %and3A_228 = arith.andi %ge3A_224, %lt3A_227 : vector<16xi1>
      %jit3A_229 = arith.constant 0.000000e+00 : f32
      %broadcast_in_dim3A_230 = vector.broadcast %jit3A_229 : f32 to vector<16xf32>
      %select_n3A_231 = arith.select %and3A_228, %exp3A_219, %broadcast_in_dim3A_230 : vector<16xi1>, vector<16xf32>
      %swap3A_232 = arith.constant 16 : index
      %swap3A_233 = tpu.vector_load %arg18[%swap3A_232] {strides = array<i32>} : memref<32xf32, #tpu.memory_space<vmem>>, vector<16xf32>,
      tpu.vector_store %arg18[%swap3A_232], %select_n3A_231 {strides = array<i32>} : memref<32xf32, #tpu.memory_space<vmem>>, vector<16xf32>,
      %lt3A_234 = arith.constant 0 : i32
      %lt3A_235 = vector.broadcast %lt3A_234 : i32 to vector<16xi32>
      %lt3A_236 = arith.cmpi slt, %sub3A_221, %lt3A_235 : vector<16xi32>
      %add3A_237 = arith.constant 5120 : i32
      %add3A_238 = vector.broadcast %add3A_237 : i32 to vector<16xi32>
      %add3A_239 = arith.addi %sub3A_221, %add3A_238 : vector<16xi32>
      %select_n3A_240 = arith.select %lt3A_236, %add3A_239, %sub3A_221 : vector<16xi1>, vector<16xi32>
      %ge3A_241 = arith.constant 5120 : i32
      %ge3A_242 = vector.broadcast %ge3A_241 : i32 to vector<16xi32>
      %ge3A_243 = arith.cmpi sge, %select_n3A_240, %ge3A_242 : vector<16xi32>
      %sub3A_244 = arith.constant 5120 : i32
      %sub3A_245 = vector.broadcast %sub3A_244 : i32 to vector<16xi32>
      %sub3A_246 = arith.subi %select_n3A_240, %sub3A_245 : vector<16xi32>
      %select_n3A_247 = arith.select %ge3A_243, %sub3A_246, %select_n3A_240 : vector<16xi1>, vector<16xi32>
      %swap3A_248 = arith.constant 16 : index
      %swap3A_249 = tpu.vector_load %arg12[%swap3A_248] {strides = array<i32>} : memref<32xi32, #tpu.memory_space<vmem>>, vector<16xi32>,
      tpu.vector_store %arg12[%swap3A_248], %select_n3A_247 {strides = array<i32>} : memref<32xi32, #tpu.memory_space<vmem>>, vector<16xi32>,
      %dma_wait3A = arith.constant 0 : i32
      %dma_wait3A_250 = arith.constant 0 : i32
      %dma_wait3A_251 = tpu.memref_slice %arg2[%dma_wait3A, %dma_wait3A_250] : memref<10240x128xf32, #tpu.memory_space<hbm>> -> memref<10240x128xf32, #tpu.memory_space<hbm>>
      tpu.wait_indirect_dma semaphore(%arg21 : memref<!tpu.dma_semaphore, #tpu.memory_space<semaphore_mem>>) src(%dma_wait3A_251 : memref<10240x128xf32, #tpu.memory_space<hbm>>) dst(%arg17 : memref<32x128xf32, #tpu.memory_space<vmem>>)
      %scan3A_252 = arith.constant 0 : i32
      %scan3A_253 = arith.constant 0 : i32
      %scan3A_254 = arith.constant 32 : i32
      %scan3A_255 = arith.addi %scan3A_253, %scan3A_254 : i32
      %scan3A_256 = arith.constant 1 : i32
      scf.for %scan3A_258 = %scan3A_253 to %scan3A_255 step %scan3A_256  : i32 {
        %broadcast_in_dim3A_259 = arith.constant 0 : i32
        %broadcast_in_dim3A_260 = vector.broadcast %broadcast_in_dim3A_259 : i32 to vector<16xi32>
        %add3A_261 = vector.broadcast %scan3A_258 : i32 to vector<16xi32>
        %add3A_262 = arith.addi %broadcast_in_dim3A_260, %add3A_261 : vector<16xi32>
        %gather3A_263 = tpu.vector_load_idx %arg18[%add3A_262] : memref<32xf32, #tpu.memory_space<vmem>>[vector<16xi32>], vector<16xf32>,
        %mul3A_264 = arith.mulf %gather3A_263, %select_n3A_15 : vector<16xf32>
        %swap3A_265 = arith.index_cast %scan3A_258 : i32 to index
        %swap3A_266 = arith.constant 0 : index
        %swap3A_267 = tpu.vector_load %arg19[%swap3A_265, %swap3A_266] {strides = array<i32>} : memref<32x16xf32, #tpu.memory_space<vmem>>, vector<16xf32>,
        tpu.vector_store %arg19[%swap3A_265, %swap3A_266], %mul3A_264 {strides = array<i32>} : memref<32x16xf32, #tpu.memory_space<vmem>>, vector<16xf32>,
        %get3A_268 = arith.index_cast %scan3A_258 : i32 to index
        %get3A_269 = arith.constant 0 : index
        %get3A_270 = tpu.vector_load %arg17[%get3A_268, %get3A_269] {strides = array<i32>} : memref<32x128xf32, #tpu.memory_space<vmem>>, vector<16xf32>,
        %mul3A_271 = arith.mulf %get3A_270, %gather3A_263 : vector<16xf32>
        %swap3A_272 = arith.index_cast %scan3A_258 : i32 to index
        %swap3A_273 = arith.constant 0 : index
        %swap3A_274 = tpu.vector_load %arg17[%swap3A_272, %swap3A_273] {strides = array<i32>} : memref<32x128xf32, #tpu.memory_space<vmem>>, vector<16xf32>,
        tpu.vector_store %arg17[%swap3A_272, %swap3A_273], %mul3A_271 {strides = array<i32>} : memref<32x128xf32, #tpu.memory_space<vmem>>, vector<16xf32>,
        %get3A_275 = arith.index_cast %scan3A_258 : i32 to index
        %get3A_276 = arith.constant 16 : index
        %get3A_277 = tpu.vector_load %arg17[%get3A_275, %get3A_276] {strides = array<i32>} : memref<32x128xf32, #tpu.memory_space<vmem>>, vector<16xf32>,
        %mul3A_278 = arith.mulf %get3A_277, %gather3A_263 : vector<16xf32>
        %swap3A_279 = arith.index_cast %scan3A_258 : i32 to index
        %swap3A_280 = arith.constant 16 : index
        %swap3A_281 = tpu.vector_load %arg17[%swap3A_279, %swap3A_280] {strides = array<i32>} : memref<32x128xf32, #tpu.memory_space<vmem>>, vector<16xf32>,
        tpu.vector_store %arg17[%swap3A_279, %swap3A_280], %mul3A_278 {strides = array<i32>} : memref<32x128xf32, #tpu.memory_space<vmem>>, vector<16xf32>,
        %get3A_282 = arith.index_cast %scan3A_258 : i32 to index
        %get3A_283 = arith.constant 32 : index
        %get3A_284 = tpu.vector_load %arg17[%get3A_282, %get3A_283] {strides = array<i32>} : memref<32x128xf32, #tpu.memory_space<vmem>>, vector<16xf32>,
        %mul3A_285 = arith.mulf %get3A_284, %gather3A_263 : vector<16xf32>
        %swap3A_286 = arith.index_cast %scan3A_258 : i32 to index
        %swap3A_287 = arith.constant 32 : index
        %swap3A_288 = tpu.vector_load %arg17[%swap3A_286, %swap3A_287] {strides = array<i32>} : memref<32x128xf32, #tpu.memory_space<vmem>>, vector<16xf32>,
        tpu.vector_store %arg17[%swap3A_286, %swap3A_287], %mul3A_285 {strides = array<i32>} : memref<32x128xf32, #tpu.memory_space<vmem>>, vector<16xf32>,
        %get3A_289 = arith.index_cast %scan3A_258 : i32 to index
        %get3A_290 = arith.constant 48 : index
        %get3A_291 = tpu.vector_load %arg17[%get3A_289, %get3A_290] {strides = array<i32>} : memref<32x128xf32, #tpu.memory_space<vmem>>, vector<16xf32>,
        %mul3A_292 = arith.mulf %get3A_291, %gather3A_263 : vector<16xf32>
        %swap3A_293 = arith.index_cast %scan3A_258 : i32 to index
        %swap3A_294 = arith.constant 48 : index
        %swap3A_295 = tpu.vector_load %arg17[%swap3A_293, %swap3A_294] {strides = array<i32>} : memref<32x128xf32, #tpu.memory_space<vmem>>, vector<16xf32>,
        tpu.vector_store %arg17[%swap3A_293, %swap3A_294], %mul3A_292 {strides = array<i32>} : memref<32x128xf32, #tpu.memory_space<vmem>>, vector<16xf32>,
        %get3A_296 = arith.index_cast %scan3A_258 : i32 to index
        %get3A_297 = arith.constant 64 : index
        %get3A_298 = tpu.vector_load %arg17[%get3A_296, %get3A_297] {strides = array<i32>} : memref<32x128xf32, #tpu.memory_space<vmem>>, vector<16xf32>,
        %mul3A_299 = arith.mulf %get3A_298, %gather3A_263 : vector<16xf32>
        %swap3A_300 = arith.index_cast %scan3A_258 : i32 to index
        %swap3A_301 = arith.constant 64 : index
        %swap3A_302 = tpu.vector_load %arg17[%swap3A_300, %swap3A_301] {strides = array<i32>} : memref<32x128xf32, #tpu.memory_space<vmem>>, vector<16xf32>,
        tpu.vector_store %arg17[%swap3A_300, %swap3A_301], %mul3A_299 {strides = array<i32>} : memref<32x128xf32, #tpu.memory_space<vmem>>, vector<16xf32>,
        %get3A_303 = arith.index_cast %scan3A_258 : i32 to index
        %get3A_304 = arith.constant 80 : index
        %get3A_305 = tpu.vector_load %arg17[%get3A_303, %get3A_304] {strides = array<i32>} : memref<32x128xf32, #tpu.memory_space<vmem>>, vector<16xf32>,
        %mul3A_306 = arith.mulf %get3A_305, %gather3A_263 : vector<16xf32>
        %swap3A_307 = arith.index_cast %scan3A_258 : i32 to index
        %swap3A_308 = arith.constant 80 : index
        %swap3A_309 = tpu.vector_load %arg17[%swap3A_307, %swap3A_308] {strides = array<i32>} : memref<32x128xf32, #tpu.memory_space<vmem>>, vector<16xf32>,
        tpu.vector_store %arg17[%swap3A_307, %swap3A_308], %mul3A_306 {strides = array<i32>} : memref<32x128xf32, #tpu.memory_space<vmem>>, vector<16xf32>,
        %get3A_310 = arith.index_cast %scan3A_258 : i32 to index
        %get3A_311 = arith.constant 96 : index
        %get3A_312 = tpu.vector_load %arg17[%get3A_310, %get3A_311] {strides = array<i32>} : memref<32x128xf32, #tpu.memory_space<vmem>>, vector<16xf32>,
        %mul3A_313 = arith.mulf %get3A_312, %gather3A_263 : vector<16xf32>
        %swap3A_314 = arith.index_cast %scan3A_258 : i32 to index
        %swap3A_315 = arith.constant 96 : index
        %swap3A_316 = tpu.vector_load %arg17[%swap3A_314, %swap3A_315] {strides = array<i32>} : memref<32x128xf32, #tpu.memory_space<vmem>>, vector<16xf32>,
        tpu.vector_store %arg17[%swap3A_314, %swap3A_315], %mul3A_313 {strides = array<i32>} : memref<32x128xf32, #tpu.memory_space<vmem>>, vector<16xf32>,
        %get3A_317 = arith.index_cast %scan3A_258 : i32 to index
        %get3A_318 = arith.constant 112 : index
        %get3A_319 = tpu.vector_load %arg17[%get3A_317, %get3A_318] {strides = array<i32>} : memref<32x128xf32, #tpu.memory_space<vmem>>, vector<16xf32>,
        %mul3A_320 = arith.mulf %get3A_319, %gather3A_263 : vector<16xf32>
        %swap3A_321 = arith.index_cast %scan3A_258 : i32 to index
        %swap3A_322 = arith.constant 112 : index
        %swap3A_323 = tpu.vector_load %arg17[%swap3A_321, %swap3A_322] {strides = array<i32>} : memref<32x128xf32, #tpu.memory_space<vmem>>, vector<16xf32>,
        tpu.vector_store %arg17[%swap3A_321, %swap3A_322], %mul3A_320 {strides = array<i32>} : memref<32x128xf32, #tpu.memory_space<vmem>>, vector<16xf32>,
      }
      %scan3A_257 = arith.constant 32 : i32
      "tpu.region"() ({
        %run_scoped3A_258 = tpu.sem_alloc : memref<!tpu.dma_semaphore, #tpu.memory_space<semaphore_mem>>
        %dma_start3A_259 = arith.constant 0 : i32
        %dma_start3A_260 = arith.constant 0 : i32
        %dma_start3A_261 = tpu.memref_slice %arg9[%dma_start3A_259, %dma_start3A_260] : memref<5120x128xf32, #tpu.memory_space<vmem_shared>> -> memref<5120x128xf32, #tpu.memory_space<vmem_shared>>
        tpu.enqueue_indirect_dma source(%arg17 : memref<32x128xf32, #tpu.memory_space<vmem>>) target(%dma_start3A_261 : memref<5120x128xf32, #tpu.memory_space<vmem_shared>>) offsets(%arg12 : memref<32xi32, #tpu.memory_space<vmem>>) semaphore(%run_scoped3A_258 : memref<!tpu.dma_semaphore, #tpu.memory_space<semaphore_mem>>) {add = true}
        %dma_wait3A_262 = arith.constant 0 : i32
        %dma_wait3A_263 = arith.constant 0 : i32
        %dma_wait3A_264 = tpu.memref_slice %arg9[%dma_wait3A_262, %dma_wait3A_263] : memref<5120x128xf32, #tpu.memory_space<vmem_shared>> -> memref<5120x128xf32, #tpu.memory_space<vmem_shared>>
        tpu.wait_indirect_dma semaphore(%run_scoped3A_258 : memref<!tpu.dma_semaphore, #tpu.memory_space<semaphore_mem>>) src(%arg17 : memref<32x128xf32, #tpu.memory_space<vmem>>) dst(%dma_wait3A_264 : memref<5120x128xf32, #tpu.memory_space<vmem_shared>>)
        tpu.yield
      }) : () -> ()
      "tpu.region"() ({
        %run_scoped3A_258 = tpu.sem_alloc : memref<!tpu.dma_semaphore, #tpu.memory_space<semaphore_mem>>
        %dma_start3A_259 = arith.constant 0 : i32
        %dma_start3A_260 = arith.constant 0 : i32
        %dma_start3A_261 = tpu.memref_slice %arg10[%dma_start3A_259, %dma_start3A_260] : memref<5120x16xf32, #tpu.memory_space<vmem_shared>> -> memref<5120x16xf32, #tpu.memory_space<vmem_shared>>
        tpu.enqueue_indirect_dma source(%arg19 : memref<32x16xf32, #tpu.memory_space<vmem>>) target(%dma_start3A_261 : memref<5120x16xf32, #tpu.memory_space<vmem_shared>>) offsets(%arg12 : memref<32xi32, #tpu.memory_space<vmem>>) semaphore(%run_scoped3A_258 : memref<!tpu.dma_semaphore, #tpu.memory_space<semaphore_mem>>) {add = true}
        %dma_wait3A_262 = arith.constant 0 : i32
        %dma_wait3A_263 = arith.constant 0 : i32
        %dma_wait3A_264 = tpu.memref_slice %arg10[%dma_wait3A_262, %dma_wait3A_263] : memref<5120x16xf32, #tpu.memory_space<vmem_shared>> -> memref<5120x16xf32, #tpu.memory_space<vmem_shared>>
        tpu.wait_indirect_dma semaphore(%run_scoped3A_258 : memref<!tpu.dma_semaphore, #tpu.memory_space<semaphore_mem>>) src(%arg19 : memref<32x16xf32, #tpu.memory_space<vmem>>) dst(%dma_wait3A_264 : memref<5120x16xf32, #tpu.memory_space<vmem_shared>>)
        tpu.yield
      }) : () -> ()
    }
    %scan3A_116 = arith.constant 1250 : i32
    %sc_fetch_and_add3A_117 = arith.constant 1 : i32
    %sc_fetch_and_add3A_118 = arith.constant 1 : i32
    %sc_fetch_and_add3A_119 = arith.constant 0 : i32
    %sc_fetch_and_add3A_120 = tpu.fetch_and_add_sync %arg20[%sc_fetch_and_add3A_118], %sc_fetch_and_add3A_117, %sc_fetch_and_add3A_119 : memref<2xi32, #tpu.memory_space<smem>>, i32 -> i32
    %while3A_121 = arith.constant 0 : i32
    %while3A_122 = scf.while (%while3A_133 = %while3A_121) : (i32) -> i32 {
      %lt3A = arith.constant 8 : i32
      %lt3A_134 = arith.cmpi slt, %while3A_133, %lt3A : i32
      scf.condition(%lt3A_134) %while3A_133 : i32
    } do {
    ^bb0(%while3A_133: i32):
      %sc_fetch_and_add3A_134 = arith.constant 0 : i32
      %sc_fetch_and_add3A_135 = arith.constant 1 : i32
      %sc_fetch_and_add3A_136 = arith.constant 0 : i32
      %sc_fetch_and_add3A_137 = tpu.fetch_and_add_sync %arg20[%sc_fetch_and_add3A_135], %sc_fetch_and_add3A_134, %sc_fetch_and_add3A_136 : memref<2xi32, #tpu.memory_space<smem>>, i32 -> i32
      scf.yield %sc_fetch_and_add3A_137 : i32
    }
    %mul3A_123 = arith.constant 640 : i32
    %mul3A_124 = arith.muli %arg1, %mul3A_123 : i32
    %mul3A_125 = arith.constant 640 : i32
    %mul3A_126 = arith.muli %arg1, %mul3A_125 : i32
    %add3A_127 = arith.addi %mul3A_19, %mul3A_126 : i32
    "tpu.region"() ({
      %run_scoped3A_133 = tpu.sem_alloc : memref<!tpu.dma_semaphore, #tpu.memory_space<semaphore_mem>>
      %dma_start3A = arith.constant 0 : i32
      %dma_start3A_134 = tpu.memref_slice %arg7[%add3A_127, %dma_start3A] : memref<10240x128xf32, #tpu.memory_space<hbm>> -> memref<640x128xf32, #tpu.memory_space<hbm>>
      %dma_start3A_135 = arith.constant 0 : i32
      %dma_start3A_136 = tpu.memref_slice %arg9[%mul3A_124, %dma_start3A_135] : memref<5120x128xf32, #tpu.memory_space<vmem_shared>> -> memref<640x128xf32, #tpu.memory_space<vmem_shared>>
      tpu.enqueue_dma source(%dma_start3A_136 : memref<640x128xf32, #tpu.memory_space<vmem_shared>>) target(%dma_start3A_134 : memref<640x128xf32, #tpu.memory_space<hbm>>) target_semaphore(%run_scoped3A_133 : memref<!tpu.dma_semaphore, #tpu.memory_space<semaphore_mem>>)
      %dma_wait3A = arith.constant 0 : i32
      %dma_wait3A_137 = tpu.memref_slice %arg7[%add3A_127, %dma_wait3A] : memref<10240x128xf32, #tpu.memory_space<hbm>> -> memref<640x128xf32, #tpu.memory_space<hbm>>
      %dma_wait3A_138 = arith.constant 0 : i32
      %dma_wait3A_139 = tpu.memref_slice %arg9[%mul3A_124, %dma_wait3A_138] : memref<5120x128xf32, #tpu.memory_space<vmem_shared>> -> memref<640x128xf32, #tpu.memory_space<vmem_shared>>
      tpu.wait_dma2 semaphore(%run_scoped3A_133 : memref<!tpu.dma_semaphore, #tpu.memory_space<semaphore_mem>>) src(%dma_wait3A_139 : memref<640x128xf32, #tpu.memory_space<vmem_shared>>) dst(%dma_wait3A_137 : memref<640x128xf32, #tpu.memory_space<hbm>>)
      tpu.yield
    }) : () -> ()
    %mul3A_128 = arith.constant 640 : i32
    %mul3A_129 = arith.muli %arg1, %mul3A_128 : i32
    %mul3A_130 = arith.constant 640 : i32
    %mul3A_131 = arith.muli %arg1, %mul3A_130 : i32
    %add3A_132 = arith.addi %mul3A_19, %mul3A_131 : i32
    "tpu.region"() ({
      %run_scoped3A_133 = tpu.sem_alloc : memref<!tpu.dma_semaphore, #tpu.memory_space<semaphore_mem>>
      %dma_start3A = arith.constant 0 : i32
      %dma_start3A_134 = tpu.memref_slice %arg8[%add3A_132, %dma_start3A] : memref<10240x16xf32, #tpu.memory_space<hbm>> -> memref<640x16xf32, #tpu.memory_space<hbm>>
      %dma_start3A_135 = arith.constant 0 : i32
      %dma_start3A_136 = tpu.memref_slice %arg10[%mul3A_129, %dma_start3A_135] : memref<5120x16xf32, #tpu.memory_space<vmem_shared>> -> memref<640x16xf32, #tpu.memory_space<vmem_shared>>
      tpu.enqueue_dma source(%dma_start3A_136 : memref<640x16xf32, #tpu.memory_space<vmem_shared>>) target(%dma_start3A_134 : memref<640x16xf32, #tpu.memory_space<hbm>>) target_semaphore(%run_scoped3A_133 : memref<!tpu.dma_semaphore, #tpu.memory_space<semaphore_mem>>)
      %dma_wait3A = arith.constant 0 : i32
      %dma_wait3A_137 = tpu.memref_slice %arg8[%add3A_132, %dma_wait3A] : memref<10240x16xf32, #tpu.memory_space<hbm>> -> memref<640x16xf32, #tpu.memory_space<hbm>>
      %dma_wait3A_138 = arith.constant 0 : i32
      %dma_wait3A_139 = tpu.memref_slice %arg10[%mul3A_129, %dma_wait3A_138] : memref<5120x16xf32, #tpu.memory_space<vmem_shared>> -> memref<640x16xf32, #tpu.memory_space<vmem_shared>>
      tpu.wait_dma2 semaphore(%run_scoped3A_133 : memref<!tpu.dma_semaphore, #tpu.memory_space<semaphore_mem>>) src(%dma_wait3A_139 : memref<640x16xf32, #tpu.memory_space<vmem_shared>>) dst(%dma_wait3A_137 : memref<640x16xf32, #tpu.memory_space<hbm>>)
      tpu.yield
    }) : () -> ()
    return
  }
}

#map = affine_map<(d0, d1) -> (0, 0)>
#map1 = affine_map<(d0, d1) -> (0)>
#map2 = affine_map<(d0, d1) -> (0, 0, 0)>
module attributes {stable_mosaic.version = 14 : i64} {
  func.func @f(%arg0: i32, %arg1: i32, %arg2: memref<10240x128xf32, #tpu.memory_space<hbm>>, %arg3: memref<320000xi32, #tpu.memory_space<hbm>>, %arg4: memref<320000xi32, #tpu.memory_space<hbm>>, %arg5: memref<2x80x128xf32, #tpu.memory_space<hbm>>, %arg6: memref<1024xf32, #tpu.memory_space<hbm>>, %arg7: memref<10240x128xf32, #tpu.memory_space<hbm>>, %arg8: memref<10240x16xf32, #tpu.memory_space<hbm>>, %arg9: memref<5120x128xf32, #tpu.memory_space<vmem_shared>>, %arg10: memref<5120x16xf32, #tpu.memory_space<vmem_shared>>, %arg11: memref<32xi32, #tpu.memory_space<vmem>>, %arg12: memref<32xi32, #tpu.memory_space<vmem>>, %arg13: memref<80x128xf32, #tpu.memory_space<vmem>>, %arg14: memref<80x128xf32, #tpu.memory_space<vmem>>, %arg15: memref<16xf32, #tpu.memory_space<vmem>>, %arg16: memref<16xf32, #tpu.memory_space<vmem>>, %arg17: memref<32x128xf32, #tpu.memory_space<vmem>>, %arg18: memref<32xf32, #tpu.memory_space<vmem>>, %arg19: memref<32x16xf32, #tpu.memory_space<vmem>>, %arg20: memref<2xi32, #tpu.memory_space<smem>>, %arg21: memref<!tpu.dma_semaphore, #tpu.memory_space<semaphore_mem>>) attributes {dimension_semantics = [#tpu.dimension_semantics<core_parallel>, #tpu.dimension_semantics<subcore_parallel>], iteration_bounds = array<i64: 2, 8>, scalar_prefetch = 0 : i64, scratch_operands = 13 : i64, tpu.core_type = #tpu.core_type<sc_vector_subcore>, window_params = [{transform_indices = #map}, {transform_indices = #map1}, {transform_indices = #map1}, {transform_indices = #map2}, {transform_indices = #map1}, {transform_indices = #map}, {transform_indices = #map}]} {
    %eq3A = arith.constant 0 : i32
    %eq3A_0 = arith.cmpi eq, %arg1, %eq3A : i32
    %convert_element_type3A = arith.extui %eq3A_0 : i1 to i32
    %cond3A = arith.constant 0 : i32
    %cond3A_1 = arith.cmpi ne, %convert_element_type3A, %cond3A : i32
    scf.if %cond3A_1 {
      %swap3A = arith.constant 0 : i32
      %swap3A_133 = arith.constant 0 : i32
      %swap3A_134 = arith.index_cast %swap3A_133 : i32 to index
      %swap3A_135 = memref.load %arg20[%swap3A_134] : memref<2xi32, #tpu.memory_space<smem>>
      memref.store %swap3A, %arg20[%swap3A_134] : memref<2xi32, #tpu.memory_space<smem>>
      %swap3A_136 = arith.constant 0 : i32
      %swap3A_137 = arith.constant 1 : i32
      %swap3A_138 = arith.index_cast %swap3A_137 : i32 to index
      %swap3A_139 = memref.load %arg20[%swap3A_138] : memref<2xi32, #tpu.memory_space<smem>>
      memref.store %swap3A_136, %arg20[%swap3A_138] : memref<2xi32, #tpu.memory_space<smem>>
    } else {
    }
    %run_scoped3A = arith.constant 0 : i32
    "tpu.region"() ({
      %run_scoped3A_133 = tpu.sem_alloc : memref<!tpu.dma_semaphore, #tpu.memory_space<semaphore_mem>>
      %dma_start3A = arith.constant 0 : i32
      %dma_start3A_134 = arith.constant 0 : i32
      %dma_start3A_135 = tpu.memref_slice %arg5[%run_scoped3A, %dma_start3A, %dma_start3A_134] : memref<2x80x128xf32, #tpu.memory_space<hbm>> -> memref<1x80x128xf32, #tpu.memory_space<hbm>>
      %dma_start3A_136 = tpu.memref_squeeze %dma_start3A_135 : memref<1x80x128xf32, #tpu.memory_space<hbm>> -> memref<80x128xf32, #tpu.memory_space<hbm>>
      %dma_start3A_137 = arith.constant 0 : i32
      %dma_start3A_138 = arith.constant 0 : i32
      %dma_start3A_139 = tpu.memref_slice %arg5[%run_scoped3A, %dma_start3A_137, %dma_start3A_138] : memref<2x80x128xf32, #tpu.memory_space<hbm>> -> memref<1x80x128xf32, #tpu.memory_space<hbm>>
      %dma_start3A_140 = tpu.memref_squeeze %dma_start3A_139 : memref<1x80x128xf32, #tpu.memory_space<hbm>> -> memref<80x128xf32, #tpu.memory_space<hbm>>
      tpu.enqueue_dma source(%dma_start3A_140 : memref<80x128xf32, #tpu.memory_space<hbm>>) target(%arg13 : memref<80x128xf32, #tpu.memory_space<vmem>>) target_semaphore(%run_scoped3A_133 : memref<!tpu.dma_semaphore, #tpu.memory_space<semaphore_mem>>)
      %dma_wait3A = arith.constant 0 : i32
      %dma_wait3A_141 = arith.constant 0 : i32
      %dma_wait3A_142 = tpu.memref_slice %arg5[%run_scoped3A, %dma_wait3A, %dma_wait3A_141] : memref<2x80x128xf32, #tpu.memory_space<hbm>> -> memref<1x80x128xf32, #tpu.memory_space<hbm>>
      %dma_wait3A_143 = tpu.memref_squeeze %dma_wait3A_142 : memref<1x80x128xf32, #tpu.memory_space<hbm>> -> memref<80x128xf32, #tpu.memory_space<hbm>>
      %dma_wait3A_144 = arith.constant 0 : i32
      %dma_wait3A_145 = arith.constant 0 : i32
      %dma_wait3A_146 = tpu.memref_slice %arg5[%run_scoped3A, %dma_wait3A_144, %dma_wait3A_145] : memref<2x80x128xf32, #tpu.memory_space<hbm>> -> memref<1x80x128xf32, #tpu.memory_space<hbm>>
      %dma_wait3A_147 = tpu.memref_squeeze %dma_wait3A_146 : memref<1x80x128xf32, #tpu.memory_space<hbm>> -> memref<80x128xf32, #tpu.memory_space<hbm>>
      tpu.wait_dma2 semaphore(%run_scoped3A_133 : memref<!tpu.dma_semaphore, #tpu.memory_space<semaphore_mem>>) src(%dma_wait3A_147 : memref<80x128xf32, #tpu.memory_space<hbm>>) dst(%arg13 : memref<80x128xf32, #tpu.memory_space<vmem>>)
      tpu.yield
    }) : () -> ()
    %run_scoped3A_2 = arith.constant 1 : i32
    "tpu.region"() ({
      %run_scoped3A_133 = tpu.sem_alloc : memref<!tpu.dma_semaphore, #tpu.memory_space<semaphore_mem>>
      %dma_start3A = arith.constant 0 : i32
      %dma_start3A_134 = arith.constant 0 : i32
      %dma_start3A_135 = tpu.memref_slice %arg5[%run_scoped3A_2, %dma_start3A, %dma_start3A_134] : memref<2x80x128xf32, #tpu.memory_space<hbm>> -> memref<1x80x128xf32, #tpu.memory_space<hbm>>
      %dma_start3A_136 = tpu.memref_squeeze %dma_start3A_135 : memref<1x80x128xf32, #tpu.memory_space<hbm>> -> memref<80x128xf32, #tpu.memory_space<hbm>>
      %dma_start3A_137 = arith.constant 0 : i32
      %dma_start3A_138 = arith.constant 0 : i32
      %dma_start3A_139 = tpu.memref_slice %arg5[%run_scoped3A_2, %dma_start3A_137, %dma_start3A_138] : memref<2x80x128xf32, #tpu.memory_space<hbm>> -> memref<1x80x128xf32, #tpu.memory_space<hbm>>
      %dma_start3A_140 = tpu.memref_squeeze %dma_start3A_139 : memref<1x80x128xf32, #tpu.memory_space<hbm>> -> memref<80x128xf32, #tpu.memory_space<hbm>>
      tpu.enqueue_dma source(%dma_start3A_140 : memref<80x128xf32, #tpu.memory_space<hbm>>) target(%arg14 : memref<80x128xf32, #tpu.memory_space<vmem>>) target_semaphore(%run_scoped3A_133 : memref<!tpu.dma_semaphore, #tpu.memory_space<semaphore_mem>>)
      %dma_wait3A = arith.constant 0 : i32
      %dma_wait3A_141 = arith.constant 0 : i32
      %dma_wait3A_142 = tpu.memref_slice %arg5[%run_scoped3A_2, %dma_wait3A, %dma_wait3A_141] : memref<2x80x128xf32, #tpu.memory_space<hbm>> -> memref<1x80x128xf32, #tpu.memory_space<hbm>>
      %dma_wait3A_143 = tpu.memref_squeeze %dma_wait3A_142 : memref<1x80x128xf32, #tpu.memory_space<hbm>> -> memref<80x128xf32, #tpu.memory_space<hbm>>
      %dma_wait3A_144 = arith.constant 0 : i32
      %dma_wait3A_145 = arith.constant 0 : i32
      %dma_wait3A_146 = tpu.memref_slice %arg5[%run_scoped3A_2, %dma_wait3A_144, %dma_wait3A_145] : memref<2x80x128xf32, #tpu.memory_space<hbm>> -> memref<1x80x128xf32, #tpu.memory_space<hbm>>
      %dma_wait3A_147 = tpu.memref_squeeze %dma_wait3A_146 : memref<1x80x128xf32, #tpu.memory_space<hbm>> -> memref<80x128xf32, #tpu.memory_space<hbm>>
      tpu.wait_dma2 semaphore(%run_scoped3A_133 : memref<!tpu.dma_semaphore, #tpu.memory_space<semaphore_mem>>) src(%dma_wait3A_147 : memref<80x128xf32, #tpu.memory_space<hbm>>) dst(%arg14 : memref<80x128xf32, #tpu.memory_space<vmem>>)
      tpu.yield
    }) : () -> ()
    "tpu.region"() ({
      %run_scoped3A_133 = tpu.sem_alloc : memref<!tpu.dma_semaphore, #tpu.memory_space<semaphore_mem>>
      %dma_start3A = arith.constant 0 : i32
      %dma_start3A_134 = tpu.memref_slice %arg6[%dma_start3A] : memref<1024xf32, #tpu.memory_space<hbm>> -> memref<16xf32, #tpu.memory_space<hbm>>
      %dma_start3A_135 = arith.constant 0 : i32
      %dma_start3A_136 = tpu.memref_slice %arg6[%dma_start3A_135] : memref<1024xf32, #tpu.memory_space<hbm>> -> memref<16xf32, #tpu.memory_space<hbm>>
      tpu.enqueue_dma source(%dma_start3A_136 : memref<16xf32, #tpu.memory_space<hbm>>) target(%arg15 : memref<16xf32, #tpu.memory_space<vmem>>) target_semaphore(%run_scoped3A_133 : memref<!tpu.dma_semaphore, #tpu.memory_space<semaphore_mem>>)
      %dma_wait3A = arith.constant 0 : i32
      %dma_wait3A_137 = tpu.memref_slice %arg6[%dma_wait3A] : memref<1024xf32, #tpu.memory_space<hbm>> -> memref<16xf32, #tpu.memory_space<hbm>>
      %dma_wait3A_138 = arith.constant 0 : i32
      %dma_wait3A_139 = tpu.memref_slice %arg6[%dma_wait3A_138] : memref<1024xf32, #tpu.memory_space<hbm>> -> memref<16xf32, #tpu.memory_space<hbm>>
      tpu.wait_dma2 semaphore(%run_scoped3A_133 : memref<!tpu.dma_semaphore, #tpu.memory_space<semaphore_mem>>) src(%dma_wait3A_139 : memref<16xf32, #tpu.memory_space<hbm>>) dst(%arg15 : memref<16xf32, #tpu.memory_space<vmem>>)
      tpu.yield
    }) : () -> ()
    "tpu.region"() ({
      %run_scoped3A_133 = tpu.sem_alloc : memref<!tpu.dma_semaphore, #tpu.memory_space<semaphore_mem>>
      %dma_start3A = arith.constant 128 : i32
      %dma_start3A_134 = tpu.memref_slice %arg6[%dma_start3A] : memref<1024xf32, #tpu.memory_space<hbm>> -> memref<16xf32, #tpu.memory_space<hbm>>
      %dma_start3A_135 = arith.constant 128 : i32
      %dma_start3A_136 = tpu.memref_slice %arg6[%dma_start3A_135] : memref<1024xf32, #tpu.memory_space<hbm>> -> memref<16xf32, #tpu.memory_space<hbm>>
      tpu.enqueue_dma source(%dma_start3A_136 : memref<16xf32, #tpu.memory_space<hbm>>) target(%arg16 : memref<16xf32, #tpu.memory_space<vmem>>) target_semaphore(%run_scoped3A_133 : memref<!tpu.dma_semaphore, #tpu.memory_space<semaphore_mem>>)
      %dma_wait3A = arith.constant 128 : i32
      %dma_wait3A_137 = tpu.memref_slice %arg6[%dma_wait3A] : memref<1024xf32, #tpu.memory_space<hbm>> -> memref<16xf32, #tpu.memory_space<hbm>>
      %dma_wait3A_138 = arith.constant 128 : i32
      %dma_wait3A_139 = tpu.memref_slice %arg6[%dma_wait3A_138] : memref<1024xf32, #tpu.memory_space<hbm>> -> memref<16xf32, #tpu.memory_space<hbm>>
      tpu.wait_dma2 semaphore(%run_scoped3A_133 : memref<!tpu.dma_semaphore, #tpu.memory_space<semaphore_mem>>) src(%dma_wait3A_139 : memref<16xf32, #tpu.memory_space<hbm>>) dst(%arg16 : memref<16xf32, #tpu.memory_space<vmem>>)
      tpu.yield
    }) : () -> ()
    %get3A = arith.constant 0 : index
    %get3A_3 = tpu.vector_load %arg15[%get3A] {strides = array<i32>} : memref<16xf32, #tpu.memory_space<vmem>>, vector<16xf32>,
    %get3A_4 = arith.constant 0 : index
    %get3A_5 = tpu.vector_load %arg16[%get3A_4] {strides = array<i32>} : memref<16xf32, #tpu.memory_space<vmem>>, vector<16xf32>,
    %add3A = arith.addf %get3A_3, %get3A_5 : vector<16xf32>
    %ge3A = arith.constant 0.000000e+00 : f32
    %ge3A_6 = vector.broadcast %ge3A : f32 to vector<16xf32>
    %ge3A_7 = arith.cmpf oge, %add3A, %ge3A_6 : vector<16xf32>
    %mul3A = arith.constant 2.000000e-01 : f32
    %mul3A_8 = vector.broadcast %mul3A : f32 to vector<16xf32>
    %mul3A_9 = arith.mulf %mul3A_8, %add3A : vector<16xf32>
    %select_n3A = arith.select %ge3A_7, %add3A, %mul3A_9 : vector<16xi1>, vector<16xf32>
    %iota3A = tpu.iota {dimensions = array<i32: 0>} : vector<16xi32>
    %eq3A_10 = arith.constant 0 : i32
    %eq3A_11 = vector.broadcast %eq3A_10 : i32 to vector<16xi32>
    %eq3A_12 = arith.cmpi eq, %iota3A, %eq3A_11 : vector<16xi32>
    %jit3A = arith.constant 1.000000e+00 : f32
    %jit3A_13 = arith.constant 0.000000e+00 : f32
    %broadcast_in_dim3A = vector.broadcast %jit3A : f32 to vector<16xf32>
    %broadcast_in_dim3A_14 = vector.broadcast %jit3A_13 : f32 to vector<16xf32>
    %select_n3A_15 = arith.select %eq3A_12, %broadcast_in_dim3A, %broadcast_in_dim3A_14 : vector<16xi1>, vector<16xf32>
    %broadcast_in_dim3A_16 = arith.constant 0.000000e+00 : f32
    %broadcast_in_dim3A_17 = vector.broadcast %broadcast_in_dim3A_16 : f32 to vector<16xf32>
    %mul3A_18 = arith.constant 5120 : i32
    %mul3A_19 = arith.muli %arg0, %mul3A_18 : i32
    %scan3A = arith.constant 0 : i32
    %scan3A_20 = arith.constant 0 : i32
    %scan3A_21 = arith.constant 32 : i32
    %scan3A_22 = arith.addi %scan3A_20, %scan3A_21 : i32
    %scan3A_23 = arith.constant 1 : i32
    scf.for %scan3A_133 = %scan3A_20 to %scan3A_22 step %scan3A_23  : i32 {
      %swap3A = arith.index_cast %scan3A_133 : i32 to index
      %swap3A_134 = arith.constant 0 : index
      %swap3A_135 = tpu.vector_load %arg17[%swap3A, %swap3A_134] {strides = array<i32>} : memref<32x128xf32, #tpu.memory_space<vmem>>, vector<16xf32>,
      tpu.vector_store %arg17[%swap3A, %swap3A_134], %broadcast_in_dim3A_17 {strides = array<i32>} : memref<32x128xf32, #tpu.memory_space<vmem>>, vector<16xf32>,
      %swap3A_136 = arith.index_cast %scan3A_133 : i32 to index
      %swap3A_137 = arith.constant 16 : index
      %swap3A_138 = tpu.vector_load %arg17[%swap3A_136, %swap3A_137] {strides = array<i32>} : memref<32x128xf32, #tpu.memory_space<vmem>>, vector<16xf32>,
      tpu.vector_store %arg17[%swap3A_136, %swap3A_137], %broadcast_in_dim3A_17 {strides = array<i32>} : memref<32x128xf32, #tpu.memory_space<vmem>>, vector<16xf32>,
      %swap3A_139 = arith.index_cast %scan3A_133 : i32 to index
      %swap3A_140 = arith.constant 32 : index
      %swap3A_141 = tpu.vector_load %arg17[%swap3A_139, %swap3A_140] {strides = array<i32>} : memref<32x128xf32, #tpu.memory_space<vmem>>, vector<16xf32>,
      tpu.vector_store %arg17[%swap3A_139, %swap3A_140], %broadcast_in_dim3A_17 {strides = array<i32>} : memref<32x128xf32, #tpu.memory_space<vmem>>, vector<16xf32>,
      %swap3A_142 = arith.index_cast %scan3A_133 : i32 to index
      %swap3A_143 = arith.constant 48 : index
      %swap3A_144 = tpu.vector_load %arg17[%swap3A_142, %swap3A_143] {strides = array<i32>} : memref<32x128xf32, #tpu.memory_space<vmem>>, vector<16xf32>,
      tpu.vector_store %arg17[%swap3A_142, %swap3A_143], %broadcast_in_dim3A_17 {strides = array<i32>} : memref<32x128xf32, #tpu.memory_space<vmem>>, vector<16xf32>,
      %swap3A_145 = arith.index_cast %scan3A_133 : i32 to index
      %swap3A_146 = arith.constant 64 : index
      %swap3A_147 = tpu.vector_load %arg17[%swap3A_145, %swap3A_146] {strides = array<i32>} : memref<32x128xf32, #tpu.memory_space<vmem>>, vector<16xf32>,
      tpu.vector_store %arg17[%swap3A_145, %swap3A_146], %broadcast_in_dim3A_17 {strides = array<i32>} : memref<32x128xf32, #tpu.memory_space<vmem>>, vector<16xf32>,
      %swap3A_148 = arith.index_cast %scan3A_133 : i32 to index
      %swap3A_149 = arith.constant 80 : index
      %swap3A_150 = tpu.vector_load %arg17[%swap3A_148, %swap3A_149] {strides = array<i32>} : memref<32x128xf32, #tpu.memory_space<vmem>>, vector<16xf32>,
      tpu.vector_store %arg17[%swap3A_148, %swap3A_149], %broadcast_in_dim3A_17 {strides = array<i32>} : memref<32x128xf32, #tpu.memory_space<vmem>>, vector<16xf32>,
      %swap3A_151 = arith.index_cast %scan3A_133 : i32 to index
      %swap3A_152 = arith.constant 96 : index
      %swap3A_153 = tpu.vector_load %arg17[%swap3A_151, %swap3A_152] {strides = array<i32>} : memref<32x128xf32, #tpu.memory_space<vmem>>, vector<16xf32>,
      tpu.vector_store %arg17[%swap3A_151, %swap3A_152], %broadcast_in_dim3A_17 {strides = array<i32>} : memref<32x128xf32, #tpu.memory_space<vmem>>, vector<16xf32>,
      %swap3A_154 = arith.index_cast %scan3A_133 : i32 to index
      %swap3A_155 = arith.constant 112 : index
      %swap3A_156 = tpu.vector_load %arg17[%swap3A_154, %swap3A_155] {strides = array<i32>} : memref<32x128xf32, #tpu.memory_space<vmem>>, vector<16xf32>,
      tpu.vector_store %arg17[%swap3A_154, %swap3A_155], %broadcast_in_dim3A_17 {strides = array<i32>} : memref<32x128xf32, #tpu.memory_space<vmem>>, vector<16xf32>,
      %swap3A_157 = arith.index_cast %scan3A_133 : i32 to index
      %swap3A_158 = arith.constant 0 : index
      %swap3A_159 = tpu.vector_load %arg19[%swap3A_157, %swap3A_158] {strides = array<i32>} : memref<32x16xf32, #tpu.memory_space<vmem>>, vector<16xf32>,
      tpu.vector_store %arg19[%swap3A_157, %swap3A_158], %broadcast_in_dim3A_17 {strides = array<i32>} : memref<32x16xf32, #tpu.memory_space<vmem>>, vector<16xf32>,
    }
    %scan3A_24 = arith.constant 32 : i32
    %mul3A_25 = arith.constant 640 : i32
    %mul3A_26 = arith.muli %arg1, %mul3A_25 : i32
    %add3A_27 = arith.constant 0 : i32
    %add3A_28 = arith.addi %mul3A_26, %add3A_27 : i32
    "tpu.region"() ({
      %run_scoped3A_133 = tpu.sem_alloc : memref<!tpu.dma_semaphore, #tpu.memory_space<semaphore_mem>>
      %dma_start3A = arith.constant 0 : i32
      %dma_start3A_134 = tpu.memref_slice %arg9[%add3A_28, %dma_start3A] : memref<5120x128xf32, #tpu.memory_space<vmem_shared>> -> memref<32x128xf32, #tpu.memory_space<vmem_shared>>
      %dma_start3A_135 = arith.constant 0 : i32
      %dma_start3A_136 = tpu.memref_slice %arg9[%add3A_28, %dma_start3A_135] : memref<5120x128xf32, #tpu.memory_space<vmem_shared>> -> memref<32x128xf32, #tpu.memory_space<vmem_shared>>
      tpu.enqueue_dma source(%arg17 : memref<32x128xf32, #tpu.memory_space<vmem>>) target(%dma_start3A_136 : memref<32x128xf32, #tpu.memory_space<vmem_shared>>) target_semaphore(%run_scoped3A_133 : memref<!tpu.dma_semaphore, #tpu.memory_space<semaphore_mem>>)
      %dma_wait3A = arith.constant 0 : i32
      %dma_wait3A_137 = tpu.memref_slice %arg9[%add3A_28, %dma_wait3A] : memref<5120x128xf32, #tpu.memory_space<vmem_shared>> -> memref<32x128xf32, #tpu.memory_space<vmem_shared>>
      %dma_wait3A_138 = arith.constant 0 : i32
      %dma_wait3A_139 = tpu.memref_slice %arg9[%add3A_28, %dma_wait3A_138] : memref<5120x128xf32, #tpu.memory_space<vmem_shared>> -> memref<32x128xf32, #tpu.memory_space<vmem_shared>>
      tpu.wait_dma2 semaphore(%run_scoped3A_133 : memref<!tpu.dma_semaphore, #tpu.memory_space<semaphore_mem>>) src(%arg17 : memref<32x128xf32, #tpu.memory_space<vmem>>) dst(%dma_wait3A_139 : memref<32x128xf32, #tpu.memory_space<vmem_shared>>)
      tpu.yield
    }) : () -> ()
    %add3A_29 = arith.constant 0 : i32
    %add3A_30 = arith.addi %mul3A_26, %add3A_29 : i32
    "tpu.region"() ({
      %run_scoped3A_133 = tpu.sem_alloc : memref<!tpu.dma_semaphore, #tpu.memory_space<semaphore_mem>>
      %dma_start3A = arith.constant 0 : i32
      %dma_start3A_134 = tpu.memref_slice %arg10[%add3A_30, %dma_start3A] : memref<5120x16xf32, #tpu.memory_space<vmem_shared>> -> memref<32x16xf32, #tpu.memory_space<vmem_shared>>
      %dma_start3A_135 = arith.constant 0 : i32
      %dma_start3A_136 = tpu.memref_slice %arg10[%add3A_30, %dma_start3A_135] : memref<5120x16xf32, #tpu.memory_space<vmem_shared>> -> memref<32x16xf32, #tpu.memory_space<vmem_shared>>
      tpu.enqueue_dma source(%arg19 : memref<32x16xf32, #tpu.memory_space<vmem>>) target(%dma_start3A_136 : memref<32x16xf32, #tpu.memory_space<vmem_shared>>) target_semaphore(%run_scoped3A_133 : memref<!tpu.dma_semaphore, #tpu.memory_space<semaphore_mem>>)
      %dma_wait3A = arith.constant 0 : i32
      %dma_wait3A_137 = tpu.memref_slice %arg10[%add3A_30, %dma_wait3A] : memref<5120x16xf32, #tpu.memory_space<vmem_shared>> -> memref<32x16xf32, #tpu.memory_space<vmem_shared>>
      %dma_wait3A_138 = arith.constant 0 : i32
      %dma_wait3A_139 = tpu.memref_slice %arg10[%add3A_30, %dma_wait3A_138] : memref<5120x16xf32, #tpu.memory_space<vmem_shared>> -> memref<32x16xf32, #tpu.memory_space<vmem_shared>>
      tpu.wait_dma2 semaphore(%run_scoped3A_133 : memref<!tpu.dma_semaphore, #tpu.memory_space<semaphore_mem>>) src(%arg19 : memref<32x16xf32, #tpu.memory_space<vmem>>) dst(%dma_wait3A_139 : memref<32x16xf32, #tpu.memory_space<vmem_shared>>)
      tpu.yield
    }) : () -> ()
    %add3A_31 = arith.constant 32 : i32
    %add3A_32 = arith.addi %mul3A_26, %add3A_31 : i32
    "tpu.region"() ({
      %run_scoped3A_133 = tpu.sem_alloc : memref<!tpu.dma_semaphore, #tpu.memory_space<semaphore_mem>>
      %dma_start3A = arith.constant 0 : i32
      %dma_start3A_134 = tpu.memref_slice %arg9[%add3A_32, %dma_start3A] : memref<5120x128xf32, #tpu.memory_space<vmem_shared>> -> memref<32x128xf32, #tpu.memory_space<vmem_shared>>
      %dma_start3A_135 = arith.constant 0 : i32
      %dma_start3A_136 = tpu.memref_slice %arg9[%add3A_32, %dma_start3A_135] : memref<5120x128xf32, #tpu.memory_space<vmem_shared>> -> memref<32x128xf32, #tpu.memory_space<vmem_shared>>
      tpu.enqueue_dma source(%arg17 : memref<32x128xf32, #tpu.memory_space<vmem>>) target(%dma_start3A_136 : memref<32x128xf32, #tpu.memory_space<vmem_shared>>) target_semaphore(%run_scoped3A_133 : memref<!tpu.dma_semaphore, #tpu.memory_space<semaphore_mem>>)
      %dma_wait3A = arith.constant 0 : i32
      %dma_wait3A_137 = tpu.memref_slice %arg9[%add3A_32, %dma_wait3A] : memref<5120x128xf32, #tpu.memory_space<vmem_shared>> -> memref<32x128xf32, #tpu.memory_space<vmem_shared>>
      %dma_wait3A_138 = arith.constant 0 : i32
      %dma_wait3A_139 = tpu.memref_slice %arg9[%add3A_32, %dma_wait3A_138] : memref<5120x128xf32, #tpu.memory_space<vmem_shared>> -> memref<32x128xf32, #tpu.memory_space<vmem_shared>>
      tpu.wait_dma2 semaphore(%run_scoped3A_133 : memref<!tpu.dma_semaphore, #tpu.memory_space<semaphore_mem>>) src(%arg17 : memref<32x128xf32, #tpu.memory_space<vmem>>) dst(%dma_wait3A_139 : memref<32x128xf32, #tpu.memory_space<vmem_shared>>)
      tpu.yield
    }) : () -> ()
    %add3A_33 = arith.constant 32 : i32
    %add3A_34 = arith.addi %mul3A_26, %add3A_33 : i32
    "tpu.region"() ({
      %run_scoped3A_133 = tpu.sem_alloc : memref<!tpu.dma_semaphore, #tpu.memory_space<semaphore_mem>>
      %dma_start3A = arith.constant 0 : i32
      %dma_start3A_134 = tpu.memref_slice %arg10[%add3A_34, %dma_start3A] : memref<5120x16xf32, #tpu.memory_space<vmem_shared>> -> memref<32x16xf32, #tpu.memory_space<vmem_shared>>
      %dma_start3A_135 = arith.constant 0 : i32
      %dma_start3A_136 = tpu.memref_slice %arg10[%add3A_34, %dma_start3A_135] : memref<5120x16xf32, #tpu.memory_space<vmem_shared>> -> memref<32x16xf32, #tpu.memory_space<vmem_shared>>
      tpu.enqueue_dma source(%arg19 : memref<32x16xf32, #tpu.memory_space<vmem>>) target(%dma_start3A_136 : memref<32x16xf32, #tpu.memory_space<vmem_shared>>) target_semaphore(%run_scoped3A_133 : memref<!tpu.dma_semaphore, #tpu.memory_space<semaphore_mem>>)
      %dma_wait3A = arith.constant 0 : i32
      %dma_wait3A_137 = tpu.memref_slice %arg10[%add3A_34, %dma_wait3A] : memref<5120x16xf32, #tpu.memory_space<vmem_shared>> -> memref<32x16xf32, #tpu.memory_space<vmem_shared>>
      %dma_wait3A_138 = arith.constant 0 : i32
      %dma_wait3A_139 = tpu.memref_slice %arg10[%add3A_34, %dma_wait3A_138] : memref<5120x16xf32, #tpu.memory_space<vmem_shared>> -> memref<32x16xf32, #tpu.memory_space<vmem_shared>>
      tpu.wait_dma2 semaphore(%run_scoped3A_133 : memref<!tpu.dma_semaphore, #tpu.memory_space<semaphore_mem>>) src(%arg19 : memref<32x16xf32, #tpu.memory_space<vmem>>) dst(%dma_wait3A_139 : memref<32x16xf32, #tpu.memory_space<vmem_shared>>)
      tpu.yield
    }) : () -> ()
    %add3A_35 = arith.constant 64 : i32
    %add3A_36 = arith.addi %mul3A_26, %add3A_35 : i32
    "tpu.region"() ({
      %run_scoped3A_133 = tpu.sem_alloc : memref<!tpu.dma_semaphore, #tpu.memory_space<semaphore_mem>>
      %dma_start3A = arith.constant 0 : i32
      %dma_start3A_134 = tpu.memref_slice %arg9[%add3A_36, %dma_start3A] : memref<5120x128xf32, #tpu.memory_space<vmem_shared>> -> memref<32x128xf32, #tpu.memory_space<vmem_shared>>
      %dma_start3A_135 = arith.constant 0 : i32
      %dma_start3A_136 = tpu.memref_slice %arg9[%add3A_36, %dma_start3A_135] : memref<5120x128xf32, #tpu.memory_space<vmem_shared>> -> memref<32x128xf32, #tpu.memory_space<vmem_shared>>
      tpu.enqueue_dma source(%arg17 : memref<32x128xf32, #tpu.memory_space<vmem>>) target(%dma_start3A_136 : memref<32x128xf32, #tpu.memory_space<vmem_shared>>) target_semaphore(%run_scoped3A_133 : memref<!tpu.dma_semaphore, #tpu.memory_space<semaphore_mem>>)
      %dma_wait3A = arith.constant 0 : i32
      %dma_wait3A_137 = tpu.memref_slice %arg9[%add3A_36, %dma_wait3A] : memref<5120x128xf32, #tpu.memory_space<vmem_shared>> -> memref<32x128xf32, #tpu.memory_space<vmem_shared>>
      %dma_wait3A_138 = arith.constant 0 : i32
      %dma_wait3A_139 = tpu.memref_slice %arg9[%add3A_36, %dma_wait3A_138] : memref<5120x128xf32, #tpu.memory_space<vmem_shared>> -> memref<32x128xf32, #tpu.memory_space<vmem_shared>>
      tpu.wait_dma2 semaphore(%run_scoped3A_133 : memref<!tpu.dma_semaphore, #tpu.memory_space<semaphore_mem>>) src(%arg17 : memref<32x128xf32, #tpu.memory_space<vmem>>) dst(%dma_wait3A_139 : memref<32x128xf32, #tpu.memory_space<vmem_shared>>)
      tpu.yield
    }) : () -> ()
    %add3A_37 = arith.constant 64 : i32
    %add3A_38 = arith.addi %mul3A_26, %add3A_37 : i32
    "tpu.region"() ({
      %run_scoped3A_133 = tpu.sem_alloc : memref<!tpu.dma_semaphore, #tpu.memory_space<semaphore_mem>>
      %dma_start3A = arith.constant 0 : i32
      %dma_start3A_134 = tpu.memref_slice %arg10[%add3A_38, %dma_start3A] : memref<5120x16xf32, #tpu.memory_space<vmem_shared>> -> memref<32x16xf32, #tpu.memory_space<vmem_shared>>
      %dma_start3A_135 = arith.constant 0 : i32
      %dma_start3A_136 = tpu.memref_slice %arg10[%add3A_38, %dma_start3A_135] : memref<5120x16xf32, #tpu.memory_space<vmem_shared>> -> memref<32x16xf32, #tpu.memory_space<vmem_shared>>
      tpu.enqueue_dma source(%arg19 : memref<32x16xf32, #tpu.memory_space<vmem>>) target(%dma_start3A_136 : memref<32x16xf32, #tpu.memory_space<vmem_shared>>) target_semaphore(%run_scoped3A_133 : memref<!tpu.dma_semaphore, #tpu.memory_space<semaphore_mem>>)
      %dma_wait3A = arith.constant 0 : i32
      %dma_wait3A_137 = tpu.memref_slice %arg10[%add3A_38, %dma_wait3A] : memref<5120x16xf32, #tpu.memory_space<vmem_shared>> -> memref<32x16xf32, #tpu.memory_space<vmem_shared>>
      %dma_wait3A_138 = arith.constant 0 : i32
      %dma_wait3A_139 = tpu.memref_slice %arg10[%add3A_38, %dma_wait3A_138] : memref<5120x16xf32, #tpu.memory_space<vmem_shared>> -> memref<32x16xf32, #tpu.memory_space<vmem_shared>>
      tpu.wait_dma2 semaphore(%run_scoped3A_133 : memref<!tpu.dma_semaphore, #tpu.memory_space<semaphore_mem>>) src(%arg19 : memref<32x16xf32, #tpu.memory_space<vmem>>) dst(%dma_wait3A_139 : memref<32x16xf32, #tpu.memory_space<vmem_shared>>)
      tpu.yield
    }) : () -> ()
    %add3A_39 = arith.constant 96 : i32
    %add3A_40 = arith.addi %mul3A_26, %add3A_39 : i32
    "tpu.region"() ({
      %run_scoped3A_133 = tpu.sem_alloc : memref<!tpu.dma_semaphore, #tpu.memory_space<semaphore_mem>>
      %dma_start3A = arith.constant 0 : i32
      %dma_start3A_134 = tpu.memref_slice %arg9[%add3A_40, %dma_start3A] : memref<5120x128xf32, #tpu.memory_space<vmem_shared>> -> memref<32x128xf32, #tpu.memory_space<vmem_shared>>
      %dma_start3A_135 = arith.constant 0 : i32
      %dma_start3A_136 = tpu.memref_slice %arg9[%add3A_40, %dma_start3A_135] : memref<5120x128xf32, #tpu.memory_space<vmem_shared>> -> memref<32x128xf32, #tpu.memory_space<vmem_shared>>
      tpu.enqueue_dma source(%arg17 : memref<32x128xf32, #tpu.memory_space<vmem>>) target(%dma_start3A_136 : memref<32x128xf32, #tpu.memory_space<vmem_shared>>) target_semaphore(%run_scoped3A_133 : memref<!tpu.dma_semaphore, #tpu.memory_space<semaphore_mem>>)
      %dma_wait3A = arith.constant 0 : i32
      %dma_wait3A_137 = tpu.memref_slice %arg9[%add3A_40, %dma_wait3A] : memref<5120x128xf32, #tpu.memory_space<vmem_shared>> -> memref<32x128xf32, #tpu.memory_space<vmem_shared>>
      %dma_wait3A_138 = arith.constant 0 : i32
      %dma_wait3A_139 = tpu.memref_slice %arg9[%add3A_40, %dma_wait3A_138] : memref<5120x128xf32, #tpu.memory_space<vmem_shared>> -> memref<32x128xf32, #tpu.memory_space<vmem_shared>>
      tpu.wait_dma2 semaphore(%run_scoped3A_133 : memref<!tpu.dma_semaphore, #tpu.memory_space<semaphore_mem>>) src(%arg17 : memref<32x128xf32, #tpu.memory_space<vmem>>) dst(%dma_wait3A_139 : memref<32x128xf32, #tpu.memory_space<vmem_shared>>)
      tpu.yield
    }) : () -> ()
    %add3A_41 = arith.constant 96 : i32
    %add3A_42 = arith.addi %mul3A_26, %add3A_41 : i32
    "tpu.region"() ({
      %run_scoped3A_133 = tpu.sem_alloc : memref<!tpu.dma_semaphore, #tpu.memory_space<semaphore_mem>>
      %dma_start3A = arith.constant 0 : i32
      %dma_start3A_134 = tpu.memref_slice %arg10[%add3A_42, %dma_start3A] : memref<5120x16xf32, #tpu.memory_space<vmem_shared>> -> memref<32x16xf32, #tpu.memory_space<vmem_shared>>
      %dma_start3A_135 = arith.constant 0 : i32
      %dma_start3A_136 = tpu.memref_slice %arg10[%add3A_42, %dma_start3A_135] : memref<5120x16xf32, #tpu.memory_space<vmem_shared>> -> memref<32x16xf32, #tpu.memory_space<vmem_shared>>
      tpu.enqueue_dma source(%arg19 : memref<32x16xf32, #tpu.memory_space<vmem>>) target(%dma_start3A_136 : memref<32x16xf32, #tpu.memory_space<vmem_shared>>) target_semaphore(%run_scoped3A_133 : memref<!tpu.dma_semaphore, #tpu.memory_space<semaphore_mem>>)
      %dma_wait3A = arith.constant 0 : i32
      %dma_wait3A_137 = tpu.memref_slice %arg10[%add3A_42, %dma_wait3A] : memref<5120x16xf32, #tpu.memory_space<vmem_shared>> -> memref<32x16xf32, #tpu.memory_space<vmem_shared>>
      %dma_wait3A_138 = arith.constant 0 : i32
      %dma_wait3A_139 = tpu.memref_slice %arg10[%add3A_42, %dma_wait3A_138] : memref<5120x16xf32, #tpu.memory_space<vmem_shared>> -> memref<32x16xf32, #tpu.memory_space<vmem_shared>>
      tpu.wait_dma2 semaphore(%run_scoped3A_133 : memref<!tpu.dma_semaphore, #tpu.memory_space<semaphore_mem>>) src(%arg19 : memref<32x16xf32, #tpu.memory_space<vmem>>) dst(%dma_wait3A_139 : memref<32x16xf32, #tpu.memory_space<vmem_shared>>)
      tpu.yield
    }) : () -> ()
    %add3A_43 = arith.constant 128 : i32
    %add3A_44 = arith.addi %mul3A_26, %add3A_43 : i32
    "tpu.region"() ({
      %run_scoped3A_133 = tpu.sem_alloc : memref<!tpu.dma_semaphore, #tpu.memory_space<semaphore_mem>>
      %dma_start3A = arith.constant 0 : i32
      %dma_start3A_134 = tpu.memref_slice %arg9[%add3A_44, %dma_start3A] : memref<5120x128xf32, #tpu.memory_space<vmem_shared>> -> memref<32x128xf32, #tpu.memory_space<vmem_shared>>
      %dma_start3A_135 = arith.constant 0 : i32
      %dma_start3A_136 = tpu.memref_slice %arg9[%add3A_44, %dma_start3A_135] : memref<5120x128xf32, #tpu.memory_space<vmem_shared>> -> memref<32x128xf32, #tpu.memory_space<vmem_shared>>
      tpu.enqueue_dma source(%arg17 : memref<32x128xf32, #tpu.memory_space<vmem>>) target(%dma_start3A_136 : memref<32x128xf32, #tpu.memory_space<vmem_shared>>) target_semaphore(%run_scoped3A_133 : memref<!tpu.dma_semaphore, #tpu.memory_space<semaphore_mem>>)
      %dma_wait3A = arith.constant 0 : i32
      %dma_wait3A_137 = tpu.memref_slice %arg9[%add3A_44, %dma_wait3A] : memref<5120x128xf32, #tpu.memory_space<vmem_shared>> -> memref<32x128xf32, #tpu.memory_space<vmem_shared>>
      %dma_wait3A_138 = arith.constant 0 : i32
      %dma_wait3A_139 = tpu.memref_slice %arg9[%add3A_44, %dma_wait3A_138] : memref<5120x128xf32, #tpu.memory_space<vmem_shared>> -> memref<32x128xf32, #tpu.memory_space<vmem_shared>>
      tpu.wait_dma2 semaphore(%run_scoped3A_133 : memref<!tpu.dma_semaphore, #tpu.memory_space<semaphore_mem>>) src(%arg17 : memref<32x128xf32, #tpu.memory_space<vmem>>) dst(%dma_wait3A_139 : memref<32x128xf32, #tpu.memory_space<vmem_shared>>)
      tpu.yield
    }) : () -> ()
    %add3A_45 = arith.constant 128 : i32
    %add3A_46 = arith.addi %mul3A_26, %add3A_45 : i32
    "tpu.region"() ({
      %run_scoped3A_133 = tpu.sem_alloc : memref<!tpu.dma_semaphore, #tpu.memory_space<semaphore_mem>>
      %dma_start3A = arith.constant 0 : i32
      %dma_start3A_134 = tpu.memref_slice %arg10[%add3A_46, %dma_start3A] : memref<5120x16xf32, #tpu.memory_space<vmem_shared>> -> memref<32x16xf32, #tpu.memory_space<vmem_shared>>
      %dma_start3A_135 = arith.constant 0 : i32
      %dma_start3A_136 = tpu.memref_slice %arg10[%add3A_46, %dma_start3A_135] : memref<5120x16xf32, #tpu.memory_space<vmem_shared>> -> memref<32x16xf32, #tpu.memory_space<vmem_shared>>
      tpu.enqueue_dma source(%arg19 : memref<32x16xf32, #tpu.memory_space<vmem>>) target(%dma_start3A_136 : memref<32x16xf32, #tpu.memory_space<vmem_shared>>) target_semaphore(%run_scoped3A_133 : memref<!tpu.dma_semaphore, #tpu.memory_space<semaphore_mem>>)
      %dma_wait3A = arith.constant 0 : i32
      %dma_wait3A_137 = tpu.memref_slice %arg10[%add3A_46, %dma_wait3A] : memref<5120x16xf32, #tpu.memory_space<vmem_shared>> -> memref<32x16xf32, #tpu.memory_space<vmem_shared>>
      %dma_wait3A_138 = arith.constant 0 : i32
      %dma_wait3A_139 = tpu.memref_slice %arg10[%add3A_46, %dma_wait3A_138] : memref<5120x16xf32, #tpu.memory_space<vmem_shared>> -> memref<32x16xf32, #tpu.memory_space<vmem_shared>>
      tpu.wait_dma2 semaphore(%run_scoped3A_133 : memref<!tpu.dma_semaphore, #tpu.memory_space<semaphore_mem>>) src(%arg19 : memref<32x16xf32, #tpu.memory_space<vmem>>) dst(%dma_wait3A_139 : memref<32x16xf32, #tpu.memory_space<vmem_shared>>)
      tpu.yield
    }) : () -> ()
    %add3A_47 = arith.constant 160 : i32
    %add3A_48 = arith.addi %mul3A_26, %add3A_47 : i32
    "tpu.region"() ({
      %run_scoped3A_133 = tpu.sem_alloc : memref<!tpu.dma_semaphore, #tpu.memory_space<semaphore_mem>>
      %dma_start3A = arith.constant 0 : i32
      %dma_start3A_134 = tpu.memref_slice %arg9[%add3A_48, %dma_start3A] : memref<5120x128xf32, #tpu.memory_space<vmem_shared>> -> memref<32x128xf32, #tpu.memory_space<vmem_shared>>
      %dma_start3A_135 = arith.constant 0 : i32
      %dma_start3A_136 = tpu.memref_slice %arg9[%add3A_48, %dma_start3A_135] : memref<5120x128xf32, #tpu.memory_space<vmem_shared>> -> memref<32x128xf32, #tpu.memory_space<vmem_shared>>
      tpu.enqueue_dma source(%arg17 : memref<32x128xf32, #tpu.memory_space<vmem>>) target(%dma_start3A_136 : memref<32x128xf32, #tpu.memory_space<vmem_shared>>) target_semaphore(%run_scoped3A_133 : memref<!tpu.dma_semaphore, #tpu.memory_space<semaphore_mem>>)
      %dma_wait3A = arith.constant 0 : i32
      %dma_wait3A_137 = tpu.memref_slice %arg9[%add3A_48, %dma_wait3A] : memref<5120x128xf32, #tpu.memory_space<vmem_shared>> -> memref<32x128xf32, #tpu.memory_space<vmem_shared>>
      %dma_wait3A_138 = arith.constant 0 : i32
      %dma_wait3A_139 = tpu.memref_slice %arg9[%add3A_48, %dma_wait3A_138] : memref<5120x128xf32, #tpu.memory_space<vmem_shared>> -> memref<32x128xf32, #tpu.memory_space<vmem_shared>>
      tpu.wait_dma2 semaphore(%run_scoped3A_133 : memref<!tpu.dma_semaphore, #tpu.memory_space<semaphore_mem>>) src(%arg17 : memref<32x128xf32, #tpu.memory_space<vmem>>) dst(%dma_wait3A_139 : memref<32x128xf32, #tpu.memory_space<vmem_shared>>)
      tpu.yield
    }) : () -> ()
    %add3A_49 = arith.constant 160 : i32
    %add3A_50 = arith.addi %mul3A_26, %add3A_49 : i32
    "tpu.region"() ({
      %run_scoped3A_133 = tpu.sem_alloc : memref<!tpu.dma_semaphore, #tpu.memory_space<semaphore_mem>>
      %dma_start3A = arith.constant 0 : i32
      %dma_start3A_134 = tpu.memref_slice %arg10[%add3A_50, %dma_start3A] : memref<5120x16xf32, #tpu.memory_space<vmem_shared>> -> memref<32x16xf32, #tpu.memory_space<vmem_shared>>
      %dma_start3A_135 = arith.constant 0 : i32
      %dma_start3A_136 = tpu.memref_slice %arg10[%add3A_50, %dma_start3A_135] : memref<5120x16xf32, #tpu.memory_space<vmem_shared>> -> memref<32x16xf32, #tpu.memory_space<vmem_shared>>
      tpu.enqueue_dma source(%arg19 : memref<32x16xf32, #tpu.memory_space<vmem>>) target(%dma_start3A_136 : memref<32x16xf32, #tpu.memory_space<vmem_shared>>) target_semaphore(%run_scoped3A_133 : memref<!tpu.dma_semaphore, #tpu.memory_space<semaphore_mem>>)
      %dma_wait3A = arith.constant 0 : i32
      %dma_wait3A_137 = tpu.memref_slice %arg10[%add3A_50, %dma_wait3A] : memref<5120x16xf32, #tpu.memory_space<vmem_shared>> -> memref<32x16xf32, #tpu.memory_space<vmem_shared>>
      %dma_wait3A_138 = arith.constant 0 : i32
      %dma_wait3A_139 = tpu.memref_slice %arg10[%add3A_50, %dma_wait3A_138] : memref<5120x16xf32, #tpu.memory_space<vmem_shared>> -> memref<32x16xf32, #tpu.memory_space<vmem_shared>>
      tpu.wait_dma2 semaphore(%run_scoped3A_133 : memref<!tpu.dma_semaphore, #tpu.memory_space<semaphore_mem>>) src(%arg19 : memref<32x16xf32, #tpu.memory_space<vmem>>) dst(%dma_wait3A_139 : memref<32x16xf32, #tpu.memory_space<vmem_shared>>)
      tpu.yield
    }) : () -> ()
    %add3A_51 = arith.constant 192 : i32
    %add3A_52 = arith.addi %mul3A_26, %add3A_51 : i32
    "tpu.region"() ({
      %run_scoped3A_133 = tpu.sem_alloc : memref<!tpu.dma_semaphore, #tpu.memory_space<semaphore_mem>>
      %dma_start3A = arith.constant 0 : i32
      %dma_start3A_134 = tpu.memref_slice %arg9[%add3A_52, %dma_start3A] : memref<5120x128xf32, #tpu.memory_space<vmem_shared>> -> memref<32x128xf32, #tpu.memory_space<vmem_shared>>
      %dma_start3A_135 = arith.constant 0 : i32
      %dma_start3A_136 = tpu.memref_slice %arg9[%add3A_52, %dma_start3A_135] : memref<5120x128xf32, #tpu.memory_space<vmem_shared>> -> memref<32x128xf32, #tpu.memory_space<vmem_shared>>
      tpu.enqueue_dma source(%arg17 : memref<32x128xf32, #tpu.memory_space<vmem>>) target(%dma_start3A_136 : memref<32x128xf32, #tpu.memory_space<vmem_shared>>) target_semaphore(%run_scoped3A_133 : memref<!tpu.dma_semaphore, #tpu.memory_space<semaphore_mem>>)
      %dma_wait3A = arith.constant 0 : i32
      %dma_wait3A_137 = tpu.memref_slice %arg9[%add3A_52, %dma_wait3A] : memref<5120x128xf32, #tpu.memory_space<vmem_shared>> -> memref<32x128xf32, #tpu.memory_space<vmem_shared>>
      %dma_wait3A_138 = arith.constant 0 : i32
      %dma_wait3A_139 = tpu.memref_slice %arg9[%add3A_52, %dma_wait3A_138] : memref<5120x128xf32, #tpu.memory_space<vmem_shared>> -> memref<32x128xf32, #tpu.memory_space<vmem_shared>>
      tpu.wait_dma2 semaphore(%run_scoped3A_133 : memref<!tpu.dma_semaphore, #tpu.memory_space<semaphore_mem>>) src(%arg17 : memref<32x128xf32, #tpu.memory_space<vmem>>) dst(%dma_wait3A_139 : memref<32x128xf32, #tpu.memory_space<vmem_shared>>)
      tpu.yield
    }) : () -> ()
    %add3A_53 = arith.constant 192 : i32
    %add3A_54 = arith.addi %mul3A_26, %add3A_53 : i32
    "tpu.region"() ({
      %run_scoped3A_133 = tpu.sem_alloc : memref<!tpu.dma_semaphore, #tpu.memory_space<semaphore_mem>>
      %dma_start3A = arith.constant 0 : i32
      %dma_start3A_134 = tpu.memref_slice %arg10[%add3A_54, %dma_start3A] : memref<5120x16xf32, #tpu.memory_space<vmem_shared>> -> memref<32x16xf32, #tpu.memory_space<vmem_shared>>
      %dma_start3A_135 = arith.constant 0 : i32
      %dma_start3A_136 = tpu.memref_slice %arg10[%add3A_54, %dma_start3A_135] : memref<5120x16xf32, #tpu.memory_space<vmem_shared>> -> memref<32x16xf32, #tpu.memory_space<vmem_shared>>
      tpu.enqueue_dma source(%arg19 : memref<32x16xf32, #tpu.memory_space<vmem>>) target(%dma_start3A_136 : memref<32x16xf32, #tpu.memory_space<vmem_shared>>) target_semaphore(%run_scoped3A_133 : memref<!tpu.dma_semaphore, #tpu.memory_space<semaphore_mem>>)
      %dma_wait3A = arith.constant 0 : i32
      %dma_wait3A_137 = tpu.memref_slice %arg10[%add3A_54, %dma_wait3A] : memref<5120x16xf32, #tpu.memory_space<vmem_shared>> -> memref<32x16xf32, #tpu.memory_space<vmem_shared>>
      %dma_wait3A_138 = arith.constant 0 : i32
      %dma_wait3A_139 = tpu.memref_slice %arg10[%add3A_54, %dma_wait3A_138] : memref<5120x16xf32, #tpu.memory_space<vmem_shared>> -> memref<32x16xf32, #tpu.memory_space<vmem_shared>>
      tpu.wait_dma2 semaphore(%run_scoped3A_133 : memref<!tpu.dma_semaphore, #tpu.memory_space<semaphore_mem>>) src(%arg19 : memref<32x16xf32, #tpu.memory_space<vmem>>) dst(%dma_wait3A_139 : memref<32x16xf32, #tpu.memory_space<vmem_shared>>)
      tpu.yield
    }) : () -> ()
    %add3A_55 = arith.constant 224 : i32
    %add3A_56 = arith.addi %mul3A_26, %add3A_55 : i32
    "tpu.region"() ({
      %run_scoped3A_133 = tpu.sem_alloc : memref<!tpu.dma_semaphore, #tpu.memory_space<semaphore_mem>>
      %dma_start3A = arith.constant 0 : i32
      %dma_start3A_134 = tpu.memref_slice %arg9[%add3A_56, %dma_start3A] : memref<5120x128xf32, #tpu.memory_space<vmem_shared>> -> memref<32x128xf32, #tpu.memory_space<vmem_shared>>
      %dma_start3A_135 = arith.constant 0 : i32
      %dma_start3A_136 = tpu.memref_slice %arg9[%add3A_56, %dma_start3A_135] : memref<5120x128xf32, #tpu.memory_space<vmem_shared>> -> memref<32x128xf32, #tpu.memory_space<vmem_shared>>
      tpu.enqueue_dma source(%arg17 : memref<32x128xf32, #tpu.memory_space<vmem>>) target(%dma_start3A_136 : memref<32x128xf32, #tpu.memory_space<vmem_shared>>) target_semaphore(%run_scoped3A_133 : memref<!tpu.dma_semaphore, #tpu.memory_space<semaphore_mem>>)
      %dma_wait3A = arith.constant 0 : i32
      %dma_wait3A_137 = tpu.memref_slice %arg9[%add3A_56, %dma_wait3A] : memref<5120x128xf32, #tpu.memory_space<vmem_shared>> -> memref<32x128xf32, #tpu.memory_space<vmem_shared>>
      %dma_wait3A_138 = arith.constant 0 : i32
      %dma_wait3A_139 = tpu.memref_slice %arg9[%add3A_56, %dma_wait3A_138] : memref<5120x128xf32, #tpu.memory_space<vmem_shared>> -> memref<32x128xf32, #tpu.memory_space<vmem_shared>>
      tpu.wait_dma2 semaphore(%run_scoped3A_133 : memref<!tpu.dma_semaphore, #tpu.memory_space<semaphore_mem>>) src(%arg17 : memref<32x128xf32, #tpu.memory_space<vmem>>) dst(%dma_wait3A_139 : memref<32x128xf32, #tpu.memory_space<vmem_shared>>)
      tpu.yield
    }) : () -> ()
    %add3A_57 = arith.constant 224 : i32
    %add3A_58 = arith.addi %mul3A_26, %add3A_57 : i32
    "tpu.region"() ({
      %run_scoped3A_133 = tpu.sem_alloc : memref<!tpu.dma_semaphore, #tpu.memory_space<semaphore_mem>>
      %dma_start3A = arith.constant 0 : i32
      %dma_start3A_134 = tpu.memref_slice %arg10[%add3A_58, %dma_start3A] : memref<5120x16xf32, #tpu.memory_space<vmem_shared>> -> memref<32x16xf32, #tpu.memory_space<vmem_shared>>
      %dma_start3A_135 = arith.constant 0 : i32
      %dma_start3A_136 = tpu.memref_slice %arg10[%add3A_58, %dma_start3A_135] : memref<5120x16xf32, #tpu.memory_space<vmem_shared>> -> memref<32x16xf32, #tpu.memory_space<vmem_shared>>
      tpu.enqueue_dma source(%arg19 : memref<32x16xf32, #tpu.memory_space<vmem>>) target(%dma_start3A_136 : memref<32x16xf32, #tpu.memory_space<vmem_shared>>) target_semaphore(%run_scoped3A_133 : memref<!tpu.dma_semaphore, #tpu.memory_space<semaphore_mem>>)
      %dma_wait3A = arith.constant 0 : i32
      %dma_wait3A_137 = tpu.memref_slice %arg10[%add3A_58, %dma_wait3A] : memref<5120x16xf32, #tpu.memory_space<vmem_shared>> -> memref<32x16xf32, #tpu.memory_space<vmem_shared>>
      %dma_wait3A_138 = arith.constant 0 : i32
      %dma_wait3A_139 = tpu.memref_slice %arg10[%add3A_58, %dma_wait3A_138] : memref<5120x16xf32, #tpu.memory_space<vmem_shared>> -> memref<32x16xf32, #tpu.memory_space<vmem_shared>>
      tpu.wait_dma2 semaphore(%run_scoped3A_133 : memref<!tpu.dma_semaphore, #tpu.memory_space<semaphore_mem>>) src(%arg19 : memref<32x16xf32, #tpu.memory_space<vmem>>) dst(%dma_wait3A_139 : memref<32x16xf32, #tpu.memory_space<vmem_shared>>)
      tpu.yield
    }) : () -> ()
    %add3A_59 = arith.constant 256 : i32
    %add3A_60 = arith.addi %mul3A_26, %add3A_59 : i32
    "tpu.region"() ({
      %run_scoped3A_133 = tpu.sem_alloc : memref<!tpu.dma_semaphore, #tpu.memory_space<semaphore_mem>>
      %dma_start3A = arith.constant 0 : i32
      %dma_start3A_134 = tpu.memref_slice %arg9[%add3A_60, %dma_start3A] : memref<5120x128xf32, #tpu.memory_space<vmem_shared>> -> memref<32x128xf32, #tpu.memory_space<vmem_shared>>
      %dma_start3A_135 = arith.constant 0 : i32
      %dma_start3A_136 = tpu.memref_slice %arg9[%add3A_60, %dma_start3A_135] : memref<5120x128xf32, #tpu.memory_space<vmem_shared>> -> memref<32x128xf32, #tpu.memory_space<vmem_shared>>
      tpu.enqueue_dma source(%arg17 : memref<32x128xf32, #tpu.memory_space<vmem>>) target(%dma_start3A_136 : memref<32x128xf32, #tpu.memory_space<vmem_shared>>) target_semaphore(%run_scoped3A_133 : memref<!tpu.dma_semaphore, #tpu.memory_space<semaphore_mem>>)
      %dma_wait3A = arith.constant 0 : i32
      %dma_wait3A_137 = tpu.memref_slice %arg9[%add3A_60, %dma_wait3A] : memref<5120x128xf32, #tpu.memory_space<vmem_shared>> -> memref<32x128xf32, #tpu.memory_space<vmem_shared>>
      %dma_wait3A_138 = arith.constant 0 : i32
      %dma_wait3A_139 = tpu.memref_slice %arg9[%add3A_60, %dma_wait3A_138] : memref<5120x128xf32, #tpu.memory_space<vmem_shared>> -> memref<32x128xf32, #tpu.memory_space<vmem_shared>>
      tpu.wait_dma2 semaphore(%run_scoped3A_133 : memref<!tpu.dma_semaphore, #tpu.memory_space<semaphore_mem>>) src(%arg17 : memref<32x128xf32, #tpu.memory_space<vmem>>) dst(%dma_wait3A_139 : memref<32x128xf32, #tpu.memory_space<vmem_shared>>)
      tpu.yield
    }) : () -> ()
    %add3A_61 = arith.constant 256 : i32
    %add3A_62 = arith.addi %mul3A_26, %add3A_61 : i32
    "tpu.region"() ({
      %run_scoped3A_133 = tpu.sem_alloc : memref<!tpu.dma_semaphore, #tpu.memory_space<semaphore_mem>>
      %dma_start3A = arith.constant 0 : i32
      %dma_start3A_134 = tpu.memref_slice %arg10[%add3A_62, %dma_start3A] : memref<5120x16xf32, #tpu.memory_space<vmem_shared>> -> memref<32x16xf32, #tpu.memory_space<vmem_shared>>
      %dma_start3A_135 = arith.constant 0 : i32
      %dma_start3A_136 = tpu.memref_slice %arg10[%add3A_62, %dma_start3A_135] : memref<5120x16xf32, #tpu.memory_space<vmem_shared>> -> memref<32x16xf32, #tpu.memory_space<vmem_shared>>
      tpu.enqueue_dma source(%arg19 : memref<32x16xf32, #tpu.memory_space<vmem>>) target(%dma_start3A_136 : memref<32x16xf32, #tpu.memory_space<vmem_shared>>) target_semaphore(%run_scoped3A_133 : memref<!tpu.dma_semaphore, #tpu.memory_space<semaphore_mem>>)
      %dma_wait3A = arith.constant 0 : i32
      %dma_wait3A_137 = tpu.memref_slice %arg10[%add3A_62, %dma_wait3A] : memref<5120x16xf32, #tpu.memory_space<vmem_shared>> -> memref<32x16xf32, #tpu.memory_space<vmem_shared>>
      %dma_wait3A_138 = arith.constant 0 : i32
      %dma_wait3A_139 = tpu.memref_slice %arg10[%add3A_62, %dma_wait3A_138] : memref<5120x16xf32, #tpu.memory_space<vmem_shared>> -> memref<32x16xf32, #tpu.memory_space<vmem_shared>>
      tpu.wait_dma2 semaphore(%run_scoped3A_133 : memref<!tpu.dma_semaphore, #tpu.memory_space<semaphore_mem>>) src(%arg19 : memref<32x16xf32, #tpu.memory_space<vmem>>) dst(%dma_wait3A_139 : memref<32x16xf32, #tpu.memory_space<vmem_shared>>)
      tpu.yield
    }) : () -> ()
    %add3A_63 = arith.constant 288 : i32
    %add3A_64 = arith.addi %mul3A_26, %add3A_63 : i32
    "tpu.region"() ({
      %run_scoped3A_133 = tpu.sem_alloc : memref<!tpu.dma_semaphore, #tpu.memory_space<semaphore_mem>>
      %dma_start3A = arith.constant 0 : i32
      %dma_start3A_134 = tpu.memref_slice %arg9[%add3A_64, %dma_start3A] : memref<5120x128xf32, #tpu.memory_space<vmem_shared>> -> memref<32x128xf32, #tpu.memory_space<vmem_shared>>
      %dma_start3A_135 = arith.constant 0 : i32
      %dma_start3A_136 = tpu.memref_slice %arg9[%add3A_64, %dma_start3A_135] : memref<5120x128xf32, #tpu.memory_space<vmem_shared>> -> memref<32x128xf32, #tpu.memory_space<vmem_shared>>
      tpu.enqueue_dma source(%arg17 : memref<32x128xf32, #tpu.memory_space<vmem>>) target(%dma_start3A_136 : memref<32x128xf32, #tpu.memory_space<vmem_shared>>) target_semaphore(%run_scoped3A_133 : memref<!tpu.dma_semaphore, #tpu.memory_space<semaphore_mem>>)
      %dma_wait3A = arith.constant 0 : i32
      %dma_wait3A_137 = tpu.memref_slice %arg9[%add3A_64, %dma_wait3A] : memref<5120x128xf32, #tpu.memory_space<vmem_shared>> -> memref<32x128xf32, #tpu.memory_space<vmem_shared>>
      %dma_wait3A_138 = arith.constant 0 : i32
      %dma_wait3A_139 = tpu.memref_slice %arg9[%add3A_64, %dma_wait3A_138] : memref<5120x128xf32, #tpu.memory_space<vmem_shared>> -> memref<32x128xf32, #tpu.memory_space<vmem_shared>>
      tpu.wait_dma2 semaphore(%run_scoped3A_133 : memref<!tpu.dma_semaphore, #tpu.memory_space<semaphore_mem>>) src(%arg17 : memref<32x128xf32, #tpu.memory_space<vmem>>) dst(%dma_wait3A_139 : memref<32x128xf32, #tpu.memory_space<vmem_shared>>)
      tpu.yield
    }) : () -> ()
    %add3A_65 = arith.constant 288 : i32
    %add3A_66 = arith.addi %mul3A_26, %add3A_65 : i32
    "tpu.region"() ({
      %run_scoped3A_133 = tpu.sem_alloc : memref<!tpu.dma_semaphore, #tpu.memory_space<semaphore_mem>>
      %dma_start3A = arith.constant 0 : i32
      %dma_start3A_134 = tpu.memref_slice %arg10[%add3A_66, %dma_start3A] : memref<5120x16xf32, #tpu.memory_space<vmem_shared>> -> memref<32x16xf32, #tpu.memory_space<vmem_shared>>
      %dma_start3A_135 = arith.constant 0 : i32
      %dma_start3A_136 = tpu.memref_slice %arg10[%add3A_66, %dma_start3A_135] : memref<5120x16xf32, #tpu.memory_space<vmem_shared>> -> memref<32x16xf32, #tpu.memory_space<vmem_shared>>
      tpu.enqueue_dma source(%arg19 : memref<32x16xf32, #tpu.memory_space<vmem>>) target(%dma_start3A_136 : memref<32x16xf32, #tpu.memory_space<vmem_shared>>) target_semaphore(%run_scoped3A_133 : memref<!tpu.dma_semaphore, #tpu.memory_space<semaphore_mem>>)
      %dma_wait3A = arith.constant 0 : i32
      %dma_wait3A_137 = tpu.memref_slice %arg10[%add3A_66, %dma_wait3A] : memref<5120x16xf32, #tpu.memory_space<vmem_shared>> -> memref<32x16xf32, #tpu.memory_space<vmem_shared>>
      %dma_wait3A_138 = arith.constant 0 : i32
      %dma_wait3A_139 = tpu.memref_slice %arg10[%add3A_66, %dma_wait3A_138] : memref<5120x16xf32, #tpu.memory_space<vmem_shared>> -> memref<32x16xf32, #tpu.memory_space<vmem_shared>>
      tpu.wait_dma2 semaphore(%run_scoped3A_133 : memref<!tpu.dma_semaphore, #tpu.memory_space<semaphore_mem>>) src(%arg19 : memref<32x16xf32, #tpu.memory_space<vmem>>) dst(%dma_wait3A_139 : memref<32x16xf32, #tpu.memory_space<vmem_shared>>)
      tpu.yield
    }) : () -> ()
    %add3A_67 = arith.constant 320 : i32
    %add3A_68 = arith.addi %mul3A_26, %add3A_67 : i32
    "tpu.region"() ({
      %run_scoped3A_133 = tpu.sem_alloc : memref<!tpu.dma_semaphore, #tpu.memory_space<semaphore_mem>>
      %dma_start3A = arith.constant 0 : i32
      %dma_start3A_134 = tpu.memref_slice %arg9[%add3A_68, %dma_start3A] : memref<5120x128xf32, #tpu.memory_space<vmem_shared>> -> memref<32x128xf32, #tpu.memory_space<vmem_shared>>
      %dma_start3A_135 = arith.constant 0 : i32
      %dma_start3A_136 = tpu.memref_slice %arg9[%add3A_68, %dma_start3A_135] : memref<5120x128xf32, #tpu.memory_space<vmem_shared>> -> memref<32x128xf32, #tpu.memory_space<vmem_shared>>
      tpu.enqueue_dma source(%arg17 : memref<32x128xf32, #tpu.memory_space<vmem>>) target(%dma_start3A_136 : memref<32x128xf32, #tpu.memory_space<vmem_shared>>) target_semaphore(%run_scoped3A_133 : memref<!tpu.dma_semaphore, #tpu.memory_space<semaphore_mem>>)
      %dma_wait3A = arith.constant 0 : i32
      %dma_wait3A_137 = tpu.memref_slice %arg9[%add3A_68, %dma_wait3A] : memref<5120x128xf32, #tpu.memory_space<vmem_shared>> -> memref<32x128xf32, #tpu.memory_space<vmem_shared>>
      %dma_wait3A_138 = arith.constant 0 : i32
      %dma_wait3A_139 = tpu.memref_slice %arg9[%add3A_68, %dma_wait3A_138] : memref<5120x128xf32, #tpu.memory_space<vmem_shared>> -> memref<32x128xf32, #tpu.memory_space<vmem_shared>>
      tpu.wait_dma2 semaphore(%run_scoped3A_133 : memref<!tpu.dma_semaphore, #tpu.memory_space<semaphore_mem>>) src(%arg17 : memref<32x128xf32, #tpu.memory_space<vmem>>) dst(%dma_wait3A_139 : memref<32x128xf32, #tpu.memory_space<vmem_shared>>)
      tpu.yield
    }) : () -> ()
    %add3A_69 = arith.constant 320 : i32
    %add3A_70 = arith.addi %mul3A_26, %add3A_69 : i32
    "tpu.region"() ({
      %run_scoped3A_133 = tpu.sem_alloc : memref<!tpu.dma_semaphore, #tpu.memory_space<semaphore_mem>>
      %dma_start3A = arith.constant 0 : i32
      %dma_start3A_134 = tpu.memref_slice %arg10[%add3A_70, %dma_start3A] : memref<5120x16xf32, #tpu.memory_space<vmem_shared>> -> memref<32x16xf32, #tpu.memory_space<vmem_shared>>
      %dma_start3A_135 = arith.constant 0 : i32
      %dma_start3A_136 = tpu.memref_slice %arg10[%add3A_70, %dma_start3A_135] : memref<5120x16xf32, #tpu.memory_space<vmem_shared>> -> memref<32x16xf32, #tpu.memory_space<vmem_shared>>
      tpu.enqueue_dma source(%arg19 : memref<32x16xf32, #tpu.memory_space<vmem>>) target(%dma_start3A_136 : memref<32x16xf32, #tpu.memory_space<vmem_shared>>) target_semaphore(%run_scoped3A_133 : memref<!tpu.dma_semaphore, #tpu.memory_space<semaphore_mem>>)
      %dma_wait3A = arith.constant 0 : i32
      %dma_wait3A_137 = tpu.memref_slice %arg10[%add3A_70, %dma_wait3A] : memref<5120x16xf32, #tpu.memory_space<vmem_shared>> -> memref<32x16xf32, #tpu.memory_space<vmem_shared>>
      %dma_wait3A_138 = arith.constant 0 : i32
      %dma_wait3A_139 = tpu.memref_slice %arg10[%add3A_70, %dma_wait3A_138] : memref<5120x16xf32, #tpu.memory_space<vmem_shared>> -> memref<32x16xf32, #tpu.memory_space<vmem_shared>>
      tpu.wait_dma2 semaphore(%run_scoped3A_133 : memref<!tpu.dma_semaphore, #tpu.memory_space<semaphore_mem>>) src(%arg19 : memref<32x16xf32, #tpu.memory_space<vmem>>) dst(%dma_wait3A_139 : memref<32x16xf32, #tpu.memory_space<vmem_shared>>)
      tpu.yield
    }) : () -> ()
    %add3A_71 = arith.constant 352 : i32
    %add3A_72 = arith.addi %mul3A_26, %add3A_71 : i32
    "tpu.region"() ({
      %run_scoped3A_133 = tpu.sem_alloc : memref<!tpu.dma_semaphore, #tpu.memory_space<semaphore_mem>>
      %dma_start3A = arith.constant 0 : i32
      %dma_start3A_134 = tpu.memref_slice %arg9[%add3A_72, %dma_start3A] : memref<5120x128xf32, #tpu.memory_space<vmem_shared>> -> memref<32x128xf32, #tpu.memory_space<vmem_shared>>
      %dma_start3A_135 = arith.constant 0 : i32
      %dma_start3A_136 = tpu.memref_slice %arg9[%add3A_72, %dma_start3A_135] : memref<5120x128xf32, #tpu.memory_space<vmem_shared>> -> memref<32x128xf32, #tpu.memory_space<vmem_shared>>
      tpu.enqueue_dma source(%arg17 : memref<32x128xf32, #tpu.memory_space<vmem>>) target(%dma_start3A_136 : memref<32x128xf32, #tpu.memory_space<vmem_shared>>) target_semaphore(%run_scoped3A_133 : memref<!tpu.dma_semaphore, #tpu.memory_space<semaphore_mem>>)
      %dma_wait3A = arith.constant 0 : i32
      %dma_wait3A_137 = tpu.memref_slice %arg9[%add3A_72, %dma_wait3A] : memref<5120x128xf32, #tpu.memory_space<vmem_shared>> -> memref<32x128xf32, #tpu.memory_space<vmem_shared>>
      %dma_wait3A_138 = arith.constant 0 : i32
      %dma_wait3A_139 = tpu.memref_slice %arg9[%add3A_72, %dma_wait3A_138] : memref<5120x128xf32, #tpu.memory_space<vmem_shared>> -> memref<32x128xf32, #tpu.memory_space<vmem_shared>>
      tpu.wait_dma2 semaphore(%run_scoped3A_133 : memref<!tpu.dma_semaphore, #tpu.memory_space<semaphore_mem>>) src(%arg17 : memref<32x128xf32, #tpu.memory_space<vmem>>) dst(%dma_wait3A_139 : memref<32x128xf32, #tpu.memory_space<vmem_shared>>)
      tpu.yield
    }) : () -> ()
    %add3A_73 = arith.constant 352 : i32
    %add3A_74 = arith.addi %mul3A_26, %add3A_73 : i32
    "tpu.region"() ({
      %run_scoped3A_133 = tpu.sem_alloc : memref<!tpu.dma_semaphore, #tpu.memory_space<semaphore_mem>>
      %dma_start3A = arith.constant 0 : i32
      %dma_start3A_134 = tpu.memref_slice %arg10[%add3A_74, %dma_start3A] : memref<5120x16xf32, #tpu.memory_space<vmem_shared>> -> memref<32x16xf32, #tpu.memory_space<vmem_shared>>
      %dma_start3A_135 = arith.constant 0 : i32
      %dma_start3A_136 = tpu.memref_slice %arg10[%add3A_74, %dma_start3A_135] : memref<5120x16xf32, #tpu.memory_space<vmem_shared>> -> memref<32x16xf32, #tpu.memory_space<vmem_shared>>
      tpu.enqueue_dma source(%arg19 : memref<32x16xf32, #tpu.memory_space<vmem>>) target(%dma_start3A_136 : memref<32x16xf32, #tpu.memory_space<vmem_shared>>) target_semaphore(%run_scoped3A_133 : memref<!tpu.dma_semaphore, #tpu.memory_space<semaphore_mem>>)
      %dma_wait3A = arith.constant 0 : i32
      %dma_wait3A_137 = tpu.memref_slice %arg10[%add3A_74, %dma_wait3A] : memref<5120x16xf32, #tpu.memory_space<vmem_shared>> -> memref<32x16xf32, #tpu.memory_space<vmem_shared>>
      %dma_wait3A_138 = arith.constant 0 : i32
      %dma_wait3A_139 = tpu.memref_slice %arg10[%add3A_74, %dma_wait3A_138] : memref<5120x16xf32, #tpu.memory_space<vmem_shared>> -> memref<32x16xf32, #tpu.memory_space<vmem_shared>>
      tpu.wait_dma2 semaphore(%run_scoped3A_133 : memref<!tpu.dma_semaphore, #tpu.memory_space<semaphore_mem>>) src(%arg19 : memref<32x16xf32, #tpu.memory_space<vmem>>) dst(%dma_wait3A_139 : memref<32x16xf32, #tpu.memory_space<vmem_shared>>)
      tpu.yield
    }) : () -> ()
    %add3A_75 = arith.constant 384 : i32
    %add3A_76 = arith.addi %mul3A_26, %add3A_75 : i32
    "tpu.region"() ({
      %run_scoped3A_133 = tpu.sem_alloc : memref<!tpu.dma_semaphore, #tpu.memory_space<semaphore_mem>>
      %dma_start3A = arith.constant 0 : i32
      %dma_start3A_134 = tpu.memref_slice %arg9[%add3A_76, %dma_start3A] : memref<5120x128xf32, #tpu.memory_space<vmem_shared>> -> memref<32x128xf32, #tpu.memory_space<vmem_shared>>
      %dma_start3A_135 = arith.constant 0 : i32
      %dma_start3A_136 = tpu.memref_slice %arg9[%add3A_76, %dma_start3A_135] : memref<5120x128xf32, #tpu.memory_space<vmem_shared>> -> memref<32x128xf32, #tpu.memory_space<vmem_shared>>
      tpu.enqueue_dma source(%arg17 : memref<32x128xf32, #tpu.memory_space<vmem>>) target(%dma_start3A_136 : memref<32x128xf32, #tpu.memory_space<vmem_shared>>) target_semaphore(%run_scoped3A_133 : memref<!tpu.dma_semaphore, #tpu.memory_space<semaphore_mem>>)
      %dma_wait3A = arith.constant 0 : i32
      %dma_wait3A_137 = tpu.memref_slice %arg9[%add3A_76, %dma_wait3A] : memref<5120x128xf32, #tpu.memory_space<vmem_shared>> -> memref<32x128xf32, #tpu.memory_space<vmem_shared>>
      %dma_wait3A_138 = arith.constant 0 : i32
      %dma_wait3A_139 = tpu.memref_slice %arg9[%add3A_76, %dma_wait3A_138] : memref<5120x128xf32, #tpu.memory_space<vmem_shared>> -> memref<32x128xf32, #tpu.memory_space<vmem_shared>>
      tpu.wait_dma2 semaphore(%run_scoped3A_133 : memref<!tpu.dma_semaphore, #tpu.memory_space<semaphore_mem>>) src(%arg17 : memref<32x128xf32, #tpu.memory_space<vmem>>) dst(%dma_wait3A_139 : memref<32x128xf32, #tpu.memory_space<vmem_shared>>)
      tpu.yield
    }) : () -> ()
    %add3A_77 = arith.constant 384 : i32
    %add3A_78 = arith.addi %mul3A_26, %add3A_77 : i32
    "tpu.region"() ({
      %run_scoped3A_133 = tpu.sem_alloc : memref<!tpu.dma_semaphore, #tpu.memory_space<semaphore_mem>>
      %dma_start3A = arith.constant 0 : i32
      %dma_start3A_134 = tpu.memref_slice %arg10[%add3A_78, %dma_start3A] : memref<5120x16xf32, #tpu.memory_space<vmem_shared>> -> memref<32x16xf32, #tpu.memory_space<vmem_shared>>
      %dma_start3A_135 = arith.constant 0 : i32
      %dma_start3A_136 = tpu.memref_slice %arg10[%add3A_78, %dma_start3A_135] : memref<5120x16xf32, #tpu.memory_space<vmem_shared>> -> memref<32x16xf32, #tpu.memory_space<vmem_shared>>
      tpu.enqueue_dma source(%arg19 : memref<32x16xf32, #tpu.memory_space<vmem>>) target(%dma_start3A_136 : memref<32x16xf32, #tpu.memory_space<vmem_shared>>) target_semaphore(%run_scoped3A_133 : memref<!tpu.dma_semaphore, #tpu.memory_space<semaphore_mem>>)
      %dma_wait3A = arith.constant 0 : i32
      %dma_wait3A_137 = tpu.memref_slice %arg10[%add3A_78, %dma_wait3A] : memref<5120x16xf32, #tpu.memory_space<vmem_shared>> -> memref<32x16xf32, #tpu.memory_space<vmem_shared>>
      %dma_wait3A_138 = arith.constant 0 : i32
      %dma_wait3A_139 = tpu.memref_slice %arg10[%add3A_78, %dma_wait3A_138] : memref<5120x16xf32, #tpu.memory_space<vmem_shared>> -> memref<32x16xf32, #tpu.memory_space<vmem_shared>>
      tpu.wait_dma2 semaphore(%run_scoped3A_133 : memref<!tpu.dma_semaphore, #tpu.memory_space<semaphore_mem>>) src(%arg19 : memref<32x16xf32, #tpu.memory_space<vmem>>) dst(%dma_wait3A_139 : memref<32x16xf32, #tpu.memory_space<vmem_shared>>)
      tpu.yield
    }) : () -> ()
    %add3A_79 = arith.constant 416 : i32
    %add3A_80 = arith.addi %mul3A_26, %add3A_79 : i32
    "tpu.region"() ({
      %run_scoped3A_133 = tpu.sem_alloc : memref<!tpu.dma_semaphore, #tpu.memory_space<semaphore_mem>>
      %dma_start3A = arith.constant 0 : i32
      %dma_start3A_134 = tpu.memref_slice %arg9[%add3A_80, %dma_start3A] : memref<5120x128xf32, #tpu.memory_space<vmem_shared>> -> memref<32x128xf32, #tpu.memory_space<vmem_shared>>
      %dma_start3A_135 = arith.constant 0 : i32
      %dma_start3A_136 = tpu.memref_slice %arg9[%add3A_80, %dma_start3A_135] : memref<5120x128xf32, #tpu.memory_space<vmem_shared>> -> memref<32x128xf32, #tpu.memory_space<vmem_shared>>
      tpu.enqueue_dma source(%arg17 : memref<32x128xf32, #tpu.memory_space<vmem>>) target(%dma_start3A_136 : memref<32x128xf32, #tpu.memory_space<vmem_shared>>) target_semaphore(%run_scoped3A_133 : memref<!tpu.dma_semaphore, #tpu.memory_space<semaphore_mem>>)
      %dma_wait3A = arith.constant 0 : i32
      %dma_wait3A_137 = tpu.memref_slice %arg9[%add3A_80, %dma_wait3A] : memref<5120x128xf32, #tpu.memory_space<vmem_shared>> -> memref<32x128xf32, #tpu.memory_space<vmem_shared>>
      %dma_wait3A_138 = arith.constant 0 : i32
      %dma_wait3A_139 = tpu.memref_slice %arg9[%add3A_80, %dma_wait3A_138] : memref<5120x128xf32, #tpu.memory_space<vmem_shared>> -> memref<32x128xf32, #tpu.memory_space<vmem_shared>>
      tpu.wait_dma2 semaphore(%run_scoped3A_133 : memref<!tpu.dma_semaphore, #tpu.memory_space<semaphore_mem>>) src(%arg17 : memref<32x128xf32, #tpu.memory_space<vmem>>) dst(%dma_wait3A_139 : memref<32x128xf32, #tpu.memory_space<vmem_shared>>)
      tpu.yield
    }) : () -> ()
    %add3A_81 = arith.constant 416 : i32
    %add3A_82 = arith.addi %mul3A_26, %add3A_81 : i32
    "tpu.region"() ({
      %run_scoped3A_133 = tpu.sem_alloc : memref<!tpu.dma_semaphore, #tpu.memory_space<semaphore_mem>>
      %dma_start3A = arith.constant 0 : i32
      %dma_start3A_134 = tpu.memref_slice %arg10[%add3A_82, %dma_start3A] : memref<5120x16xf32, #tpu.memory_space<vmem_shared>> -> memref<32x16xf32, #tpu.memory_space<vmem_shared>>
      %dma_start3A_135 = arith.constant 0 : i32
      %dma_start3A_136 = tpu.memref_slice %arg10[%add3A_82, %dma_start3A_135] : memref<5120x16xf32, #tpu.memory_space<vmem_shared>> -> memref<32x16xf32, #tpu.memory_space<vmem_shared>>
      tpu.enqueue_dma source(%arg19 : memref<32x16xf32, #tpu.memory_space<vmem>>) target(%dma_start3A_136 : memref<32x16xf32, #tpu.memory_space<vmem_shared>>) target_semaphore(%run_scoped3A_133 : memref<!tpu.dma_semaphore, #tpu.memory_space<semaphore_mem>>)
      %dma_wait3A = arith.constant 0 : i32
      %dma_wait3A_137 = tpu.memref_slice %arg10[%add3A_82, %dma_wait3A] : memref<5120x16xf32, #tpu.memory_space<vmem_shared>> -> memref<32x16xf32, #tpu.memory_space<vmem_shared>>
      %dma_wait3A_138 = arith.constant 0 : i32
      %dma_wait3A_139 = tpu.memref_slice %arg10[%add3A_82, %dma_wait3A_138] : memref<5120x16xf32, #tpu.memory_space<vmem_shared>> -> memref<32x16xf32, #tpu.memory_space<vmem_shared>>
      tpu.wait_dma2 semaphore(%run_scoped3A_133 : memref<!tpu.dma_semaphore, #tpu.memory_space<semaphore_mem>>) src(%arg19 : memref<32x16xf32, #tpu.memory_space<vmem>>) dst(%dma_wait3A_139 : memref<32x16xf32, #tpu.memory_space<vmem_shared>>)
      tpu.yield
    }) : () -> ()
    %add3A_83 = arith.constant 448 : i32
    %add3A_84 = arith.addi %mul3A_26, %add3A_83 : i32
    "tpu.region"() ({
      %run_scoped3A_133 = tpu.sem_alloc : memref<!tpu.dma_semaphore, #tpu.memory_space<semaphore_mem>>
      %dma_start3A = arith.constant 0 : i32
      %dma_start3A_134 = tpu.memref_slice %arg9[%add3A_84, %dma_start3A] : memref<5120x128xf32, #tpu.memory_space<vmem_shared>> -> memref<32x128xf32, #tpu.memory_space<vmem_shared>>
      %dma_start3A_135 = arith.constant 0 : i32
      %dma_start3A_136 = tpu.memref_slice %arg9[%add3A_84, %dma_start3A_135] : memref<5120x128xf32, #tpu.memory_space<vmem_shared>> -> memref<32x128xf32, #tpu.memory_space<vmem_shared>>
      tpu.enqueue_dma source(%arg17 : memref<32x128xf32, #tpu.memory_space<vmem>>) target(%dma_start3A_136 : memref<32x128xf32, #tpu.memory_space<vmem_shared>>) target_semaphore(%run_scoped3A_133 : memref<!tpu.dma_semaphore, #tpu.memory_space<semaphore_mem>>)
      %dma_wait3A = arith.constant 0 : i32
      %dma_wait3A_137 = tpu.memref_slice %arg9[%add3A_84, %dma_wait3A] : memref<5120x128xf32, #tpu.memory_space<vmem_shared>> -> memref<32x128xf32, #tpu.memory_space<vmem_shared>>
      %dma_wait3A_138 = arith.constant 0 : i32
      %dma_wait3A_139 = tpu.memref_slice %arg9[%add3A_84, %dma_wait3A_138] : memref<5120x128xf32, #tpu.memory_space<vmem_shared>> -> memref<32x128xf32, #tpu.memory_space<vmem_shared>>
      tpu.wait_dma2 semaphore(%run_scoped3A_133 : memref<!tpu.dma_semaphore, #tpu.memory_space<semaphore_mem>>) src(%arg17 : memref<32x128xf32, #tpu.memory_space<vmem>>) dst(%dma_wait3A_139 : memref<32x128xf32, #tpu.memory_space<vmem_shared>>)
      tpu.yield
    }) : () -> ()
    %add3A_85 = arith.constant 448 : i32
    %add3A_86 = arith.addi %mul3A_26, %add3A_85 : i32
    "tpu.region"() ({
      %run_scoped3A_133 = tpu.sem_alloc : memref<!tpu.dma_semaphore, #tpu.memory_space<semaphore_mem>>
      %dma_start3A = arith.constant 0 : i32
      %dma_start3A_134 = tpu.memref_slice %arg10[%add3A_86, %dma_start3A] : memref<5120x16xf32, #tpu.memory_space<vmem_shared>> -> memref<32x16xf32, #tpu.memory_space<vmem_shared>>
      %dma_start3A_135 = arith.constant 0 : i32
      %dma_start3A_136 = tpu.memref_slice %arg10[%add3A_86, %dma_start3A_135] : memref<5120x16xf32, #tpu.memory_space<vmem_shared>> -> memref<32x16xf32, #tpu.memory_space<vmem_shared>>
      tpu.enqueue_dma source(%arg19 : memref<32x16xf32, #tpu.memory_space<vmem>>) target(%dma_start3A_136 : memref<32x16xf32, #tpu.memory_space<vmem_shared>>) target_semaphore(%run_scoped3A_133 : memref<!tpu.dma_semaphore, #tpu.memory_space<semaphore_mem>>)
      %dma_wait3A = arith.constant 0 : i32
      %dma_wait3A_137 = tpu.memref_slice %arg10[%add3A_86, %dma_wait3A] : memref<5120x16xf32, #tpu.memory_space<vmem_shared>> -> memref<32x16xf32, #tpu.memory_space<vmem_shared>>
      %dma_wait3A_138 = arith.constant 0 : i32
      %dma_wait3A_139 = tpu.memref_slice %arg10[%add3A_86, %dma_wait3A_138] : memref<5120x16xf32, #tpu.memory_space<vmem_shared>> -> memref<32x16xf32, #tpu.memory_space<vmem_shared>>
      tpu.wait_dma2 semaphore(%run_scoped3A_133 : memref<!tpu.dma_semaphore, #tpu.memory_space<semaphore_mem>>) src(%arg19 : memref<32x16xf32, #tpu.memory_space<vmem>>) dst(%dma_wait3A_139 : memref<32x16xf32, #tpu.memory_space<vmem_shared>>)
      tpu.yield
    }) : () -> ()
    %add3A_87 = arith.constant 480 : i32
    %add3A_88 = arith.addi %mul3A_26, %add3A_87 : i32
    "tpu.region"() ({
      %run_scoped3A_133 = tpu.sem_alloc : memref<!tpu.dma_semaphore, #tpu.memory_space<semaphore_mem>>
      %dma_start3A = arith.constant 0 : i32
      %dma_start3A_134 = tpu.memref_slice %arg9[%add3A_88, %dma_start3A] : memref<5120x128xf32, #tpu.memory_space<vmem_shared>> -> memref<32x128xf32, #tpu.memory_space<vmem_shared>>
      %dma_start3A_135 = arith.constant 0 : i32
      %dma_start3A_136 = tpu.memref_slice %arg9[%add3A_88, %dma_start3A_135] : memref<5120x128xf32, #tpu.memory_space<vmem_shared>> -> memref<32x128xf32, #tpu.memory_space<vmem_shared>>
      tpu.enqueue_dma source(%arg17 : memref<32x128xf32, #tpu.memory_space<vmem>>) target(%dma_start3A_136 : memref<32x128xf32, #tpu.memory_space<vmem_shared>>) target_semaphore(%run_scoped3A_133 : memref<!tpu.dma_semaphore, #tpu.memory_space<semaphore_mem>>)
      %dma_wait3A = arith.constant 0 : i32
      %dma_wait3A_137 = tpu.memref_slice %arg9[%add3A_88, %dma_wait3A] : memref<5120x128xf32, #tpu.memory_space<vmem_shared>> -> memref<32x128xf32, #tpu.memory_space<vmem_shared>>
      %dma_wait3A_138 = arith.constant 0 : i32
      %dma_wait3A_139 = tpu.memref_slice %arg9[%add3A_88, %dma_wait3A_138] : memref<5120x128xf32, #tpu.memory_space<vmem_shared>> -> memref<32x128xf32, #tpu.memory_space<vmem_shared>>
      tpu.wait_dma2 semaphore(%run_scoped3A_133 : memref<!tpu.dma_semaphore, #tpu.memory_space<semaphore_mem>>) src(%arg17 : memref<32x128xf32, #tpu.memory_space<vmem>>) dst(%dma_wait3A_139 : memref<32x128xf32, #tpu.memory_space<vmem_shared>>)
      tpu.yield
    }) : () -> ()
    %add3A_89 = arith.constant 480 : i32
    %add3A_90 = arith.addi %mul3A_26, %add3A_89 : i32
    "tpu.region"() ({
      %run_scoped3A_133 = tpu.sem_alloc : memref<!tpu.dma_semaphore, #tpu.memory_space<semaphore_mem>>
      %dma_start3A = arith.constant 0 : i32
      %dma_start3A_134 = tpu.memref_slice %arg10[%add3A_90, %dma_start3A] : memref<5120x16xf32, #tpu.memory_space<vmem_shared>> -> memref<32x16xf32, #tpu.memory_space<vmem_shared>>
      %dma_start3A_135 = arith.constant 0 : i32
      %dma_start3A_136 = tpu.memref_slice %arg10[%add3A_90, %dma_start3A_135] : memref<5120x16xf32, #tpu.memory_space<vmem_shared>> -> memref<32x16xf32, #tpu.memory_space<vmem_shared>>
      tpu.enqueue_dma source(%arg19 : memref<32x16xf32, #tpu.memory_space<vmem>>) target(%dma_start3A_136 : memref<32x16xf32, #tpu.memory_space<vmem_shared>>) target_semaphore(%run_scoped3A_133 : memref<!tpu.dma_semaphore, #tpu.memory_space<semaphore_mem>>)
      %dma_wait3A = arith.constant 0 : i32
      %dma_wait3A_137 = tpu.memref_slice %arg10[%add3A_90, %dma_wait3A] : memref<5120x16xf32, #tpu.memory_space<vmem_shared>> -> memref<32x16xf32, #tpu.memory_space<vmem_shared>>
      %dma_wait3A_138 = arith.constant 0 : i32
      %dma_wait3A_139 = tpu.memref_slice %arg10[%add3A_90, %dma_wait3A_138] : memref<5120x16xf32, #tpu.memory_space<vmem_shared>> -> memref<32x16xf32, #tpu.memory_space<vmem_shared>>
      tpu.wait_dma2 semaphore(%run_scoped3A_133 : memref<!tpu.dma_semaphore, #tpu.memory_space<semaphore_mem>>) src(%arg19 : memref<32x16xf32, #tpu.memory_space<vmem>>) dst(%dma_wait3A_139 : memref<32x16xf32, #tpu.memory_space<vmem_shared>>)
      tpu.yield
    }) : () -> ()
    %add3A_91 = arith.constant 512 : i32
    %add3A_92 = arith.addi %mul3A_26, %add3A_91 : i32
    "tpu.region"() ({
      %run_scoped3A_133 = tpu.sem_alloc : memref<!tpu.dma_semaphore, #tpu.memory_space<semaphore_mem>>
      %dma_start3A = arith.constant 0 : i32
      %dma_start3A_134 = tpu.memref_slice %arg9[%add3A_92, %dma_start3A] : memref<5120x128xf32, #tpu.memory_space<vmem_shared>> -> memref<32x128xf32, #tpu.memory_space<vmem_shared>>
      %dma_start3A_135 = arith.constant 0 : i32
      %dma_start3A_136 = tpu.memref_slice %arg9[%add3A_92, %dma_start3A_135] : memref<5120x128xf32, #tpu.memory_space<vmem_shared>> -> memref<32x128xf32, #tpu.memory_space<vmem_shared>>
      tpu.enqueue_dma source(%arg17 : memref<32x128xf32, #tpu.memory_space<vmem>>) target(%dma_start3A_136 : memref<32x128xf32, #tpu.memory_space<vmem_shared>>) target_semaphore(%run_scoped3A_133 : memref<!tpu.dma_semaphore, #tpu.memory_space<semaphore_mem>>)
      %dma_wait3A = arith.constant 0 : i32
      %dma_wait3A_137 = tpu.memref_slice %arg9[%add3A_92, %dma_wait3A] : memref<5120x128xf32, #tpu.memory_space<vmem_shared>> -> memref<32x128xf32, #tpu.memory_space<vmem_shared>>
      %dma_wait3A_138 = arith.constant 0 : i32
      %dma_wait3A_139 = tpu.memref_slice %arg9[%add3A_92, %dma_wait3A_138] : memref<5120x128xf32, #tpu.memory_space<vmem_shared>> -> memref<32x128xf32, #tpu.memory_space<vmem_shared>>
      tpu.wait_dma2 semaphore(%run_scoped3A_133 : memref<!tpu.dma_semaphore, #tpu.memory_space<semaphore_mem>>) src(%arg17 : memref<32x128xf32, #tpu.memory_space<vmem>>) dst(%dma_wait3A_139 : memref<32x128xf32, #tpu.memory_space<vmem_shared>>)
      tpu.yield
    }) : () -> ()
    %add3A_93 = arith.constant 512 : i32
    %add3A_94 = arith.addi %mul3A_26, %add3A_93 : i32
    "tpu.region"() ({
      %run_scoped3A_133 = tpu.sem_alloc : memref<!tpu.dma_semaphore, #tpu.memory_space<semaphore_mem>>
      %dma_start3A = arith.constant 0 : i32
      %dma_start3A_134 = tpu.memref_slice %arg10[%add3A_94, %dma_start3A] : memref<5120x16xf32, #tpu.memory_space<vmem_shared>> -> memref<32x16xf32, #tpu.memory_space<vmem_shared>>
      %dma_start3A_135 = arith.constant 0 : i32
      %dma_start3A_136 = tpu.memref_slice %arg10[%add3A_94, %dma_start3A_135] : memref<5120x16xf32, #tpu.memory_space<vmem_shared>> -> memref<32x16xf32, #tpu.memory_space<vmem_shared>>
      tpu.enqueue_dma source(%arg19 : memref<32x16xf32, #tpu.memory_space<vmem>>) target(%dma_start3A_136 : memref<32x16xf32, #tpu.memory_space<vmem_shared>>) target_semaphore(%run_scoped3A_133 : memref<!tpu.dma_semaphore, #tpu.memory_space<semaphore_mem>>)
      %dma_wait3A = arith.constant 0 : i32
      %dma_wait3A_137 = tpu.memref_slice %arg10[%add3A_94, %dma_wait3A] : memref<5120x16xf32, #tpu.memory_space<vmem_shared>> -> memref<32x16xf32, #tpu.memory_space<vmem_shared>>
      %dma_wait3A_138 = arith.constant 0 : i32
      %dma_wait3A_139 = tpu.memref_slice %arg10[%add3A_94, %dma_wait3A_138] : memref<5120x16xf32, #tpu.memory_space<vmem_shared>> -> memref<32x16xf32, #tpu.memory_space<vmem_shared>>
      tpu.wait_dma2 semaphore(%run_scoped3A_133 : memref<!tpu.dma_semaphore, #tpu.memory_space<semaphore_mem>>) src(%arg19 : memref<32x16xf32, #tpu.memory_space<vmem>>) dst(%dma_wait3A_139 : memref<32x16xf32, #tpu.memory_space<vmem_shared>>)
      tpu.yield
    }) : () -> ()
    %add3A_95 = arith.constant 544 : i32
    %add3A_96 = arith.addi %mul3A_26, %add3A_95 : i32
    "tpu.region"() ({
      %run_scoped3A_133 = tpu.sem_alloc : memref<!tpu.dma_semaphore, #tpu.memory_space<semaphore_mem>>
      %dma_start3A = arith.constant 0 : i32
      %dma_start3A_134 = tpu.memref_slice %arg9[%add3A_96, %dma_start3A] : memref<5120x128xf32, #tpu.memory_space<vmem_shared>> -> memref<32x128xf32, #tpu.memory_space<vmem_shared>>
      %dma_start3A_135 = arith.constant 0 : i32
      %dma_start3A_136 = tpu.memref_slice %arg9[%add3A_96, %dma_start3A_135] : memref<5120x128xf32, #tpu.memory_space<vmem_shared>> -> memref<32x128xf32, #tpu.memory_space<vmem_shared>>
      tpu.enqueue_dma source(%arg17 : memref<32x128xf32, #tpu.memory_space<vmem>>) target(%dma_start3A_136 : memref<32x128xf32, #tpu.memory_space<vmem_shared>>) target_semaphore(%run_scoped3A_133 : memref<!tpu.dma_semaphore, #tpu.memory_space<semaphore_mem>>)
      %dma_wait3A = arith.constant 0 : i32
      %dma_wait3A_137 = tpu.memref_slice %arg9[%add3A_96, %dma_wait3A] : memref<5120x128xf32, #tpu.memory_space<vmem_shared>> -> memref<32x128xf32, #tpu.memory_space<vmem_shared>>
      %dma_wait3A_138 = arith.constant 0 : i32
      %dma_wait3A_139 = tpu.memref_slice %arg9[%add3A_96, %dma_wait3A_138] : memref<5120x128xf32, #tpu.memory_space<vmem_shared>> -> memref<32x128xf32, #tpu.memory_space<vmem_shared>>
      tpu.wait_dma2 semaphore(%run_scoped3A_133 : memref<!tpu.dma_semaphore, #tpu.memory_space<semaphore_mem>>) src(%arg17 : memref<32x128xf32, #tpu.memory_space<vmem>>) dst(%dma_wait3A_139 : memref<32x128xf32, #tpu.memory_space<vmem_shared>>)
      tpu.yield
    }) : () -> ()
    %add3A_97 = arith.constant 544 : i32
    %add3A_98 = arith.addi %mul3A_26, %add3A_97 : i32
    "tpu.region"() ({
      %run_scoped3A_133 = tpu.sem_alloc : memref<!tpu.dma_semaphore, #tpu.memory_space<semaphore_mem>>
      %dma_start3A = arith.constant 0 : i32
      %dma_start3A_134 = tpu.memref_slice %arg10[%add3A_98, %dma_start3A] : memref<5120x16xf32, #tpu.memory_space<vmem_shared>> -> memref<32x16xf32, #tpu.memory_space<vmem_shared>>
      %dma_start3A_135 = arith.constant 0 : i32
      %dma_start3A_136 = tpu.memref_slice %arg10[%add3A_98, %dma_start3A_135] : memref<5120x16xf32, #tpu.memory_space<vmem_shared>> -> memref<32x16xf32, #tpu.memory_space<vmem_shared>>
      tpu.enqueue_dma source(%arg19 : memref<32x16xf32, #tpu.memory_space<vmem>>) target(%dma_start3A_136 : memref<32x16xf32, #tpu.memory_space<vmem_shared>>) target_semaphore(%run_scoped3A_133 : memref<!tpu.dma_semaphore, #tpu.memory_space<semaphore_mem>>)
      %dma_wait3A = arith.constant 0 : i32
      %dma_wait3A_137 = tpu.memref_slice %arg10[%add3A_98, %dma_wait3A] : memref<5120x16xf32, #tpu.memory_space<vmem_shared>> -> memref<32x16xf32, #tpu.memory_space<vmem_shared>>
      %dma_wait3A_138 = arith.constant 0 : i32
      %dma_wait3A_139 = tpu.memref_slice %arg10[%add3A_98, %dma_wait3A_138] : memref<5120x16xf32, #tpu.memory_space<vmem_shared>> -> memref<32x16xf32, #tpu.memory_space<vmem_shared>>
      tpu.wait_dma2 semaphore(%run_scoped3A_133 : memref<!tpu.dma_semaphore, #tpu.memory_space<semaphore_mem>>) src(%arg19 : memref<32x16xf32, #tpu.memory_space<vmem>>) dst(%dma_wait3A_139 : memref<32x16xf32, #tpu.memory_space<vmem_shared>>)
      tpu.yield
    }) : () -> ()
    %add3A_99 = arith.constant 576 : i32
    %add3A_100 = arith.addi %mul3A_26, %add3A_99 : i32
    "tpu.region"() ({
      %run_scoped3A_133 = tpu.sem_alloc : memref<!tpu.dma_semaphore, #tpu.memory_space<semaphore_mem>>
      %dma_start3A = arith.constant 0 : i32
      %dma_start3A_134 = tpu.memref_slice %arg9[%add3A_100, %dma_start3A] : memref<5120x128xf32, #tpu.memory_space<vmem_shared>> -> memref<32x128xf32, #tpu.memory_space<vmem_shared>>
      %dma_start3A_135 = arith.constant 0 : i32
      %dma_start3A_136 = tpu.memref_slice %arg9[%add3A_100, %dma_start3A_135] : memref<5120x128xf32, #tpu.memory_space<vmem_shared>> -> memref<32x128xf32, #tpu.memory_space<vmem_shared>>
      tpu.enqueue_dma source(%arg17 : memref<32x128xf32, #tpu.memory_space<vmem>>) target(%dma_start3A_136 : memref<32x128xf32, #tpu.memory_space<vmem_shared>>) target_semaphore(%run_scoped3A_133 : memref<!tpu.dma_semaphore, #tpu.memory_space<semaphore_mem>>)
      %dma_wait3A = arith.constant 0 : i32
      %dma_wait3A_137 = tpu.memref_slice %arg9[%add3A_100, %dma_wait3A] : memref<5120x128xf32, #tpu.memory_space<vmem_shared>> -> memref<32x128xf32, #tpu.memory_space<vmem_shared>>
      %dma_wait3A_138 = arith.constant 0 : i32
      %dma_wait3A_139 = tpu.memref_slice %arg9[%add3A_100, %dma_wait3A_138] : memref<5120x128xf32, #tpu.memory_space<vmem_shared>> -> memref<32x128xf32, #tpu.memory_space<vmem_shared>>
      tpu.wait_dma2 semaphore(%run_scoped3A_133 : memref<!tpu.dma_semaphore, #tpu.memory_space<semaphore_mem>>) src(%arg17 : memref<32x128xf32, #tpu.memory_space<vmem>>) dst(%dma_wait3A_139 : memref<32x128xf32, #tpu.memory_space<vmem_shared>>)
      tpu.yield
    }) : () -> ()
    %add3A_101 = arith.constant 576 : i32
    %add3A_102 = arith.addi %mul3A_26, %add3A_101 : i32
    "tpu.region"() ({
      %run_scoped3A_133 = tpu.sem_alloc : memref<!tpu.dma_semaphore, #tpu.memory_space<semaphore_mem>>
      %dma_start3A = arith.constant 0 : i32
      %dma_start3A_134 = tpu.memref_slice %arg10[%add3A_102, %dma_start3A] : memref<5120x16xf32, #tpu.memory_space<vmem_shared>> -> memref<32x16xf32, #tpu.memory_space<vmem_shared>>
      %dma_start3A_135 = arith.constant 0 : i32
      %dma_start3A_136 = tpu.memref_slice %arg10[%add3A_102, %dma_start3A_135] : memref<5120x16xf32, #tpu.memory_space<vmem_shared>> -> memref<32x16xf32, #tpu.memory_space<vmem_shared>>
      tpu.enqueue_dma source(%arg19 : memref<32x16xf32, #tpu.memory_space<vmem>>) target(%dma_start3A_136 : memref<32x16xf32, #tpu.memory_space<vmem_shared>>) target_semaphore(%run_scoped3A_133 : memref<!tpu.dma_semaphore, #tpu.memory_space<semaphore_mem>>)
      %dma_wait3A = arith.constant 0 : i32
      %dma_wait3A_137 = tpu.memref_slice %arg10[%add3A_102, %dma_wait3A] : memref<5120x16xf32, #tpu.memory_space<vmem_shared>> -> memref<32x16xf32, #tpu.memory_space<vmem_shared>>
      %dma_wait3A_138 = arith.constant 0 : i32
      %dma_wait3A_139 = tpu.memref_slice %arg10[%add3A_102, %dma_wait3A_138] : memref<5120x16xf32, #tpu.memory_space<vmem_shared>> -> memref<32x16xf32, #tpu.memory_space<vmem_shared>>
      tpu.wait_dma2 semaphore(%run_scoped3A_133 : memref<!tpu.dma_semaphore, #tpu.memory_space<semaphore_mem>>) src(%arg19 : memref<32x16xf32, #tpu.memory_space<vmem>>) dst(%dma_wait3A_139 : memref<32x16xf32, #tpu.memory_space<vmem_shared>>)
      tpu.yield
    }) : () -> ()
    %add3A_103 = arith.constant 608 : i32
    %add3A_104 = arith.addi %mul3A_26, %add3A_103 : i32
    "tpu.region"() ({
      %run_scoped3A_133 = tpu.sem_alloc : memref<!tpu.dma_semaphore, #tpu.memory_space<semaphore_mem>>
      %dma_start3A = arith.constant 0 : i32
      %dma_start3A_134 = tpu.memref_slice %arg9[%add3A_104, %dma_start3A] : memref<5120x128xf32, #tpu.memory_space<vmem_shared>> -> memref<32x128xf32, #tpu.memory_space<vmem_shared>>
      %dma_start3A_135 = arith.constant 0 : i32
      %dma_start3A_136 = tpu.memref_slice %arg9[%add3A_104, %dma_start3A_135] : memref<5120x128xf32, #tpu.memory_space<vmem_shared>> -> memref<32x128xf32, #tpu.memory_space<vmem_shared>>
      tpu.enqueue_dma source(%arg17 : memref<32x128xf32, #tpu.memory_space<vmem>>) target(%dma_start3A_136 : memref<32x128xf32, #tpu.memory_space<vmem_shared>>) target_semaphore(%run_scoped3A_133 : memref<!tpu.dma_semaphore, #tpu.memory_space<semaphore_mem>>)
      %dma_wait3A = arith.constant 0 : i32
      %dma_wait3A_137 = tpu.memref_slice %arg9[%add3A_104, %dma_wait3A] : memref<5120x128xf32, #tpu.memory_space<vmem_shared>> -> memref<32x128xf32, #tpu.memory_space<vmem_shared>>
      %dma_wait3A_138 = arith.constant 0 : i32
      %dma_wait3A_139 = tpu.memref_slice %arg9[%add3A_104, %dma_wait3A_138] : memref<5120x128xf32, #tpu.memory_space<vmem_shared>> -> memref<32x128xf32, #tpu.memory_space<vmem_shared>>
      tpu.wait_dma2 semaphore(%run_scoped3A_133 : memref<!tpu.dma_semaphore, #tpu.memory_space<semaphore_mem>>) src(%arg17 : memref<32x128xf32, #tpu.memory_space<vmem>>) dst(%dma_wait3A_139 : memref<32x128xf32, #tpu.memory_space<vmem_shared>>)
      tpu.yield
    }) : () -> ()
    %add3A_105 = arith.constant 608 : i32
    %add3A_106 = arith.addi %mul3A_26, %add3A_105 : i32
    "tpu.region"() ({
      %run_scoped3A_133 = tpu.sem_alloc : memref<!tpu.dma_semaphore, #tpu.memory_space<semaphore_mem>>
      %dma_start3A = arith.constant 0 : i32
      %dma_start3A_134 = tpu.memref_slice %arg10[%add3A_106, %dma_start3A] : memref<5120x16xf32, #tpu.memory_space<vmem_shared>> -> memref<32x16xf32, #tpu.memory_space<vmem_shared>>
      %dma_start3A_135 = arith.constant 0 : i32
      %dma_start3A_136 = tpu.memref_slice %arg10[%add3A_106, %dma_start3A_135] : memref<5120x16xf32, #tpu.memory_space<vmem_shared>> -> memref<32x16xf32, #tpu.memory_space<vmem_shared>>
      tpu.enqueue_dma source(%arg19 : memref<32x16xf32, #tpu.memory_space<vmem>>) target(%dma_start3A_136 : memref<32x16xf32, #tpu.memory_space<vmem_shared>>) target_semaphore(%run_scoped3A_133 : memref<!tpu.dma_semaphore, #tpu.memory_space<semaphore_mem>>)
      %dma_wait3A = arith.constant 0 : i32
      %dma_wait3A_137 = tpu.memref_slice %arg10[%add3A_106, %dma_wait3A] : memref<5120x16xf32, #tpu.memory_space<vmem_shared>> -> memref<32x16xf32, #tpu.memory_space<vmem_shared>>
      %dma_wait3A_138 = arith.constant 0 : i32
      %dma_wait3A_139 = tpu.memref_slice %arg10[%add3A_106, %dma_wait3A_138] : memref<5120x16xf32, #tpu.memory_space<vmem_shared>> -> memref<32x16xf32, #tpu.memory_space<vmem_shared>>
      tpu.wait_dma2 semaphore(%run_scoped3A_133 : memref<!tpu.dma_semaphore, #tpu.memory_space<semaphore_mem>>) src(%arg19 : memref<32x16xf32, #tpu.memory_space<vmem>>) dst(%dma_wait3A_139 : memref<32x16xf32, #tpu.memory_space<vmem_shared>>)
      tpu.yield
    }) : () -> ()
    %sc_fetch_and_add3A = arith.constant 1 : i32
    %sc_fetch_and_add3A_107 = arith.constant 0 : i32
    %sc_fetch_and_add3A_108 = arith.constant 0 : i32
    %sc_fetch_and_add3A_109 = tpu.fetch_and_add_sync %arg20[%sc_fetch_and_add3A_107], %sc_fetch_and_add3A, %sc_fetch_and_add3A_108 : memref<2xi32, #tpu.memory_space<smem>>, i32 -> i32
    %while3A = arith.constant 0 : i32
    %while3A_110 = scf.while (%while3A_133 = %while3A) : (i32) -> i32 {
      %lt3A = arith.constant 8 : i32
      %lt3A_134 = arith.cmpi slt, %while3A_133, %lt3A : i32
      scf.condition(%lt3A_134) %while3A_133 : i32
    } do {
    ^bb0(%while3A_133: i32):
      %sc_fetch_and_add3A_134 = arith.constant 0 : i32
      %sc_fetch_and_add3A_135 = arith.constant 0 : i32
      %sc_fetch_and_add3A_136 = arith.constant 0 : i32
      %sc_fetch_and_add3A_137 = tpu.fetch_and_add_sync %arg20[%sc_fetch_and_add3A_135], %sc_fetch_and_add3A_134, %sc_fetch_and_add3A_136 : memref<2xi32, #tpu.memory_space<smem>>, i32 -> i32
      scf.yield %sc_fetch_and_add3A_137 : i32
    }
    %scan3A_111 = arith.constant 0 : i32
    %scan3A_112 = arith.constant 0 : i32
    %scan3A_113 = arith.constant 1250 : i32
    %scan3A_114 = arith.addi %scan3A_112, %scan3A_113 : i32
    %scan3A_115 = arith.constant 1 : i32
    scf.for %scan3A_133 = %scan3A_112 to %scan3A_114 step %scan3A_115  : i32 {
      %mul3A_134 = arith.constant 1250 : i32
      %mul3A_135 = arith.muli %arg1, %mul3A_134 : i32
      %add3A_136 = arith.addi %mul3A_135, %scan3A_133 : i32
      %mul3A_137 = arith.constant 32 : i32
      %mul3A_138 = arith.muli %add3A_136, %mul3A_137 : i32
      "tpu.region"() ({
        %run_scoped3A_258 = tpu.sem_alloc : memref<!tpu.dma_semaphore, #tpu.memory_space<semaphore_mem>>
        %dma_start3A_259 = tpu.memref_slice %arg3[%mul3A_138] : memref<320000xi32, #tpu.memory_space<hbm>> -> memref<32xi32, #tpu.memory_space<hbm>>
        %dma_start3A_260 = tpu.memref_slice %arg3[%mul3A_138] : memref<320000xi32, #tpu.memory_space<hbm>> -> memref<32xi32, #tpu.memory_space<hbm>>
        tpu.enqueue_dma source(%dma_start3A_260 : memref<32xi32, #tpu.memory_space<hbm>>) target(%arg11 : memref<32xi32, #tpu.memory_space<vmem>>) target_semaphore(%run_scoped3A_258 : memref<!tpu.dma_semaphore, #tpu.memory_space<semaphore_mem>>)
        %dma_wait3A_261 = tpu.memref_slice %arg3[%mul3A_138] : memref<320000xi32, #tpu.memory_space<hbm>> -> memref<32xi32, #tpu.memory_space<hbm>>
        %dma_wait3A_262 = tpu.memref_slice %arg3[%mul3A_138] : memref<320000xi32, #tpu.memory_space<hbm>> -> memref<32xi32, #tpu.memory_space<hbm>>
        tpu.wait_dma2 semaphore(%run_scoped3A_258 : memref<!tpu.dma_semaphore, #tpu.memory_space<semaphore_mem>>) src(%dma_wait3A_262 : memref<32xi32, #tpu.memory_space<hbm>>) dst(%arg11 : memref<32xi32, #tpu.memory_space<vmem>>)
        tpu.yield
      }) : () -> ()
      "tpu.region"() ({
        %run_scoped3A_258 = tpu.sem_alloc : memref<!tpu.dma_semaphore, #tpu.memory_space<semaphore_mem>>
        %dma_start3A_259 = tpu.memref_slice %arg4[%mul3A_138] : memref<320000xi32, #tpu.memory_space<hbm>> -> memref<32xi32, #tpu.memory_space<hbm>>
        %dma_start3A_260 = tpu.memref_slice %arg4[%mul3A_138] : memref<320000xi32, #tpu.memory_space<hbm>> -> memref<32xi32, #tpu.memory_space<hbm>>
        tpu.enqueue_dma source(%dma_start3A_260 : memref<32xi32, #tpu.memory_space<hbm>>) target(%arg12 : memref<32xi32, #tpu.memory_space<vmem>>) target_semaphore(%run_scoped3A_258 : memref<!tpu.dma_semaphore, #tpu.memory_space<semaphore_mem>>)
        %dma_wait3A_261 = tpu.memref_slice %arg4[%mul3A_138] : memref<320000xi32, #tpu.memory_space<hbm>> -> memref<32xi32, #tpu.memory_space<hbm>>
        %dma_wait3A_262 = tpu.memref_slice %arg4[%mul3A_138] : memref<320000xi32, #tpu.memory_space<hbm>> -> memref<32xi32, #tpu.memory_space<hbm>>
        tpu.wait_dma2 semaphore(%run_scoped3A_258 : memref<!tpu.dma_semaphore, #tpu.memory_space<semaphore_mem>>) src(%dma_wait3A_262 : memref<32xi32, #tpu.memory_space<hbm>>) dst(%arg12 : memref<32xi32, #tpu.memory_space<vmem>>)
        tpu.yield
      }) : () -> ()
      %dma_start3A = arith.constant 0 : i32
      %dma_start3A_139 = arith.constant 0 : i32
      %dma_start3A_140 = tpu.memref_slice %arg2[%dma_start3A, %dma_start3A_139] : memref<10240x128xf32, #tpu.memory_space<hbm>> -> memref<10240x128xf32, #tpu.memory_space<hbm>>
      tpu.enqueue_indirect_dma source(%dma_start3A_140 : memref<10240x128xf32, #tpu.memory_space<hbm>>) target(%arg17 : memref<32x128xf32, #tpu.memory_space<vmem>>) offsets(%arg11 : memref<32xi32, #tpu.memory_space<vmem>>) semaphore(%arg21 : memref<!tpu.dma_semaphore, #tpu.memory_space<semaphore_mem>>)
      %get3A_141 = arith.constant 0 : index
      %get3A_142 = tpu.vector_load %arg11[%get3A_141] {strides = array<i32>} : memref<32xi32, #tpu.memory_space<vmem>>, vector<16xi32>,
      %get3A_143 = arith.constant 0 : index
      %get3A_144 = tpu.vector_load %arg12[%get3A_143] {strides = array<i32>} : memref<32xi32, #tpu.memory_space<vmem>>, vector<16xi32>,
      %shift_right_arithmetic3A = arith.constant 7 : i32
      %shift_right_arithmetic3A_145 = vector.broadcast %shift_right_arithmetic3A : i32 to vector<16xi32>
      %shift_right_arithmetic3A_146 = arith.shrsi %get3A_142, %shift_right_arithmetic3A_145 : vector<16xi32>
      %and3A = arith.constant 127 : i32
      %and3A_147 = vector.broadcast %and3A : i32 to vector<16xi32>
      %and3A_148 = arith.andi %get3A_142, %and3A_147 : vector<16xi32>
      %gather3A = tpu.vector_load_idx %arg13[%shift_right_arithmetic3A_146, %and3A_148] : memref<80x128xf32, #tpu.memory_space<vmem>>[vector<16xi32>, vector<16xi32>], vector<16xf32>,
      %shift_right_arithmetic3A_149 = arith.constant 7 : i32
      %shift_right_arithmetic3A_150 = vector.broadcast %shift_right_arithmetic3A_149 : i32 to vector<16xi32>
      %shift_right_arithmetic3A_151 = arith.shrsi %get3A_144, %shift_right_arithmetic3A_150 : vector<16xi32>
      %and3A_152 = arith.constant 127 : i32
      %and3A_153 = vector.broadcast %and3A_152 : i32 to vector<16xi32>
      %and3A_154 = arith.andi %get3A_144, %and3A_153 : vector<16xi32>
      %gather3A_155 = tpu.vector_load_idx %arg14[%shift_right_arithmetic3A_151, %and3A_154] : memref<80x128xf32, #tpu.memory_space<vmem>>[vector<16xi32>, vector<16xi32>], vector<16xf32>,
      %add3A_156 = arith.addf %gather3A, %gather3A_155 : vector<16xf32>
      %ge3A_157 = arith.constant 0.000000e+00 : f32
      %ge3A_158 = vector.broadcast %ge3A_157 : f32 to vector<16xf32>
      %ge3A_159 = arith.cmpf oge, %add3A_156, %ge3A_158 : vector<16xf32>
      %mul3A_160 = arith.constant 2.000000e-01 : f32
      %mul3A_161 = vector.broadcast %mul3A_160 : f32 to vector<16xf32>
      %mul3A_162 = arith.mulf %mul3A_161, %add3A_156 : vector<16xf32>
      %select_n3A_163 = arith.select %ge3A_159, %add3A_156, %mul3A_162 : vector<16xi1>, vector<16xf32>
      %sub3A = arith.subf %select_n3A_163, %select_n3A : vector<16xf32>
      %exp3A = math.exp %sub3A : vector<16xf32>
      %sub3A_164 = vector.broadcast %mul3A_19 : i32 to vector<16xi32>
      %sub3A_165 = arith.subi %get3A_144, %sub3A_164 : vector<16xi32>
      %ge3A_166 = arith.constant 0 : i32
      %ge3A_167 = vector.broadcast %ge3A_166 : i32 to vector<16xi32>
      %ge3A_168 = arith.cmpi sge, %sub3A_165, %ge3A_167 : vector<16xi32>
      %lt3A = arith.constant 5120 : i32
      %lt3A_169 = vector.broadcast %lt3A : i32 to vector<16xi32>
      %lt3A_170 = arith.cmpi slt, %sub3A_165, %lt3A_169 : vector<16xi32>
      %and3A_171 = arith.andi %ge3A_168, %lt3A_170 : vector<16xi1>
      %jit3A_172 = arith.constant 0.000000e+00 : f32
      %broadcast_in_dim3A_173 = vector.broadcast %jit3A_172 : f32 to vector<16xf32>
      %select_n3A_174 = arith.select %and3A_171, %exp3A, %broadcast_in_dim3A_173 : vector<16xi1>, vector<16xf32>
      %swap3A = arith.constant 0 : index
      %swap3A_175 = tpu.vector_load %arg18[%swap3A] {strides = array<i32>} : memref<32xf32, #tpu.memory_space<vmem>>, vector<16xf32>,
      tpu.vector_store %arg18[%swap3A], %select_n3A_174 {strides = array<i32>} : memref<32xf32, #tpu.memory_space<vmem>>, vector<16xf32>,
      %lt3A_176 = arith.constant 0 : i32
      %lt3A_177 = vector.broadcast %lt3A_176 : i32 to vector<16xi32>
      %lt3A_178 = arith.cmpi slt, %sub3A_165, %lt3A_177 : vector<16xi32>
      %add3A_179 = arith.constant 5120 : i32
      %add3A_180 = vector.broadcast %add3A_179 : i32 to vector<16xi32>
      %add3A_181 = arith.addi %sub3A_165, %add3A_180 : vector<16xi32>
      %select_n3A_182 = arith.select %lt3A_178, %add3A_181, %sub3A_165 : vector<16xi1>, vector<16xi32>
      %ge3A_183 = arith.constant 5120 : i32
      %ge3A_184 = vector.broadcast %ge3A_183 : i32 to vector<16xi32>
      %ge3A_185 = arith.cmpi sge, %select_n3A_182, %ge3A_184 : vector<16xi32>
      %sub3A_186 = arith.constant 5120 : i32
      %sub3A_187 = vector.broadcast %sub3A_186 : i32 to vector<16xi32>
      %sub3A_188 = arith.subi %select_n3A_182, %sub3A_187 : vector<16xi32>
      %select_n3A_189 = arith.select %ge3A_185, %sub3A_188, %select_n3A_182 : vector<16xi1>, vector<16xi32>
      %swap3A_190 = arith.constant 0 : index
      %swap3A_191 = tpu.vector_load %arg12[%swap3A_190] {strides = array<i32>} : memref<32xi32, #tpu.memory_space<vmem>>, vector<16xi32>,
      tpu.vector_store %arg12[%swap3A_190], %select_n3A_189 {strides = array<i32>} : memref<32xi32, #tpu.memory_space<vmem>>, vector<16xi32>,
      %get3A_192 = arith.constant 16 : index
      %get3A_193 = tpu.vector_load %arg11[%get3A_192] {strides = array<i32>} : memref<32xi32, #tpu.memory_space<vmem>>, vector<16xi32>,
      %get3A_194 = arith.constant 16 : index
      %get3A_195 = tpu.vector_load %arg12[%get3A_194] {strides = array<i32>} : memref<32xi32, #tpu.memory_space<vmem>>, vector<16xi32>,
      %shift_right_arithmetic3A_196 = arith.constant 7 : i32
      %shift_right_arithmetic3A_197 = vector.broadcast %shift_right_arithmetic3A_196 : i32 to vector<16xi32>
      %shift_right_arithmetic3A_198 = arith.shrsi %get3A_193, %shift_right_arithmetic3A_197 : vector<16xi32>
      %and3A_199 = arith.constant 127 : i32
      %and3A_200 = vector.broadcast %and3A_199 : i32 to vector<16xi32>
      %and3A_201 = arith.andi %get3A_193, %and3A_200 : vector<16xi32>
      %gather3A_202 = tpu.vector_load_idx %arg13[%shift_right_arithmetic3A_198, %and3A_201] : memref<80x128xf32, #tpu.memory_space<vmem>>[vector<16xi32>, vector<16xi32>], vector<16xf32>,
      %shift_right_arithmetic3A_203 = arith.constant 7 : i32
      %shift_right_arithmetic3A_204 = vector.broadcast %shift_right_arithmetic3A_203 : i32 to vector<16xi32>
      %shift_right_arithmetic3A_205 = arith.shrsi %get3A_195, %shift_right_arithmetic3A_204 : vector<16xi32>
      %and3A_206 = arith.constant 127 : i32
      %and3A_207 = vector.broadcast %and3A_206 : i32 to vector<16xi32>
      %and3A_208 = arith.andi %get3A_195, %and3A_207 : vector<16xi32>
      %gather3A_209 = tpu.vector_load_idx %arg14[%shift_right_arithmetic3A_205, %and3A_208] : memref<80x128xf32, #tpu.memory_space<vmem>>[vector<16xi32>, vector<16xi32>], vector<16xf32>,
      %add3A_210 = arith.addf %gather3A_202, %gather3A_209 : vector<16xf32>
      %ge3A_211 = arith.constant 0.000000e+00 : f32
      %ge3A_212 = vector.broadcast %ge3A_211 : f32 to vector<16xf32>
      %ge3A_213 = arith.cmpf oge, %add3A_210, %ge3A_212 : vector<16xf32>
      %mul3A_214 = arith.constant 2.000000e-01 : f32
      %mul3A_215 = vector.broadcast %mul3A_214 : f32 to vector<16xf32>
      %mul3A_216 = arith.mulf %mul3A_215, %add3A_210 : vector<16xf32>
      %select_n3A_217 = arith.select %ge3A_213, %add3A_210, %mul3A_216 : vector<16xi1>, vector<16xf32>
      %sub3A_218 = arith.subf %select_n3A_217, %select_n3A : vector<16xf32>
      %exp3A_219 = math.exp %sub3A_218 : vector<16xf32>
      %sub3A_220 = vector.broadcast %mul3A_19 : i32 to vector<16xi32>
      %sub3A_221 = arith.subi %get3A_195, %sub3A_220 : vector<16xi32>
      %ge3A_222 = arith.constant 0 : i32
      %ge3A_223 = vector.broadcast %ge3A_222 : i32 to vector<16xi32>
      %ge3A_224 = arith.cmpi sge, %sub3A_221, %ge3A_223 : vector<16xi32>
      %lt3A_225 = arith.constant 5120 : i32
      %lt3A_226 = vector.broadcast %lt3A_225 : i32 to vector<16xi32>
      %lt3A_227 = arith.cmpi slt, %sub3A_221, %lt3A_226 : vector<16xi32>
      %and3A_228 = arith.andi %ge3A_224, %lt3A_227 : vector<16xi1>
      %jit3A_229 = arith.constant 0.000000e+00 : f32
      %broadcast_in_dim3A_230 = vector.broadcast %jit3A_229 : f32 to vector<16xf32>
      %select_n3A_231 = arith.select %and3A_228, %exp3A_219, %broadcast_in_dim3A_230 : vector<16xi1>, vector<16xf32>
      %swap3A_232 = arith.constant 16 : index
      %swap3A_233 = tpu.vector_load %arg18[%swap3A_232] {strides = array<i32>} : memref<32xf32, #tpu.memory_space<vmem>>, vector<16xf32>,
      tpu.vector_store %arg18[%swap3A_232], %select_n3A_231 {strides = array<i32>} : memref<32xf32, #tpu.memory_space<vmem>>, vector<16xf32>,
      %lt3A_234 = arith.constant 0 : i32
      %lt3A_235 = vector.broadcast %lt3A_234 : i32 to vector<16xi32>
      %lt3A_236 = arith.cmpi slt, %sub3A_221, %lt3A_235 : vector<16xi32>
      %add3A_237 = arith.constant 5120 : i32
      %add3A_238 = vector.broadcast %add3A_237 : i32 to vector<16xi32>
      %add3A_239 = arith.addi %sub3A_221, %add3A_238 : vector<16xi32>
      %select_n3A_240 = arith.select %lt3A_236, %add3A_239, %sub3A_221 : vector<16xi1>, vector<16xi32>
      %ge3A_241 = arith.constant 5120 : i32
      %ge3A_242 = vector.broadcast %ge3A_241 : i32 to vector<16xi32>
      %ge3A_243 = arith.cmpi sge, %select_n3A_240, %ge3A_242 : vector<16xi32>
      %sub3A_244 = arith.constant 5120 : i32
      %sub3A_245 = vector.broadcast %sub3A_244 : i32 to vector<16xi32>
      %sub3A_246 = arith.subi %select_n3A_240, %sub3A_245 : vector<16xi32>
      %select_n3A_247 = arith.select %ge3A_243, %sub3A_246, %select_n3A_240 : vector<16xi1>, vector<16xi32>
      %swap3A_248 = arith.constant 16 : index
      %swap3A_249 = tpu.vector_load %arg12[%swap3A_248] {strides = array<i32>} : memref<32xi32, #tpu.memory_space<vmem>>, vector<16xi32>,
      tpu.vector_store %arg12[%swap3A_248], %select_n3A_247 {strides = array<i32>} : memref<32xi32, #tpu.memory_space<vmem>>, vector<16xi32>,
      %dma_wait3A = arith.constant 0 : i32
      %dma_wait3A_250 = arith.constant 0 : i32
      %dma_wait3A_251 = tpu.memref_slice %arg2[%dma_wait3A, %dma_wait3A_250] : memref<10240x128xf32, #tpu.memory_space<hbm>> -> memref<10240x128xf32, #tpu.memory_space<hbm>>
      tpu.wait_indirect_dma semaphore(%arg21 : memref<!tpu.dma_semaphore, #tpu.memory_space<semaphore_mem>>) src(%dma_wait3A_251 : memref<10240x128xf32, #tpu.memory_space<hbm>>) dst(%arg17 : memref<32x128xf32, #tpu.memory_space<vmem>>)
      %scan3A_252 = arith.constant 0 : i32
      %scan3A_253 = arith.constant 0 : i32
      %scan3A_254 = arith.constant 32 : i32
      %scan3A_255 = arith.addi %scan3A_253, %scan3A_254 : i32
      %scan3A_256 = arith.constant 1 : i32
      scf.for %scan3A_258 = %scan3A_253 to %scan3A_255 step %scan3A_256  : i32 {
        %broadcast_in_dim3A_259 = arith.constant 0 : i32
        %broadcast_in_dim3A_260 = vector.broadcast %broadcast_in_dim3A_259 : i32 to vector<16xi32>
        %add3A_261 = vector.broadcast %scan3A_258 : i32 to vector<16xi32>
        %add3A_262 = arith.addi %broadcast_in_dim3A_260, %add3A_261 : vector<16xi32>
        %gather3A_263 = tpu.vector_load_idx %arg18[%add3A_262] : memref<32xf32, #tpu.memory_space<vmem>>[vector<16xi32>], vector<16xf32>,
        %mul3A_264 = arith.mulf %gather3A_263, %select_n3A_15 : vector<16xf32>
        %swap3A_265 = arith.index_cast %scan3A_258 : i32 to index
        %swap3A_266 = arith.constant 0 : index
        %swap3A_267 = tpu.vector_load %arg19[%swap3A_265, %swap3A_266] {strides = array<i32>} : memref<32x16xf32, #tpu.memory_space<vmem>>, vector<16xf32>,
        tpu.vector_store %arg19[%swap3A_265, %swap3A_266], %mul3A_264 {strides = array<i32>} : memref<32x16xf32, #tpu.memory_space<vmem>>, vector<16xf32>,
        %get3A_268 = arith.index_cast %scan3A_258 : i32 to index
        %get3A_269 = arith.constant 0 : index
        %get3A_270 = tpu.vector_load %arg17[%get3A_268, %get3A_269] {strides = array<i32>} : memref<32x128xf32, #tpu.memory_space<vmem>>, vector<16xf32>,
        %mul3A_271 = arith.mulf %get3A_270, %gather3A_263 : vector<16xf32>
        %swap3A_272 = arith.index_cast %scan3A_258 : i32 to index
        %swap3A_273 = arith.constant 0 : index
        %swap3A_274 = tpu.vector_load %arg17[%swap3A_272, %swap3A_273] {strides = array<i32>} : memref<32x128xf32, #tpu.memory_space<vmem>>, vector<16xf32>,
        tpu.vector_store %arg17[%swap3A_272, %swap3A_273], %mul3A_271 {strides = array<i32>} : memref<32x128xf32, #tpu.memory_space<vmem>>, vector<16xf32>,
        %get3A_275 = arith.index_cast %scan3A_258 : i32 to index
        %get3A_276 = arith.constant 16 : index
        %get3A_277 = tpu.vector_load %arg17[%get3A_275, %get3A_276] {strides = array<i32>} : memref<32x128xf32, #tpu.memory_space<vmem>>, vector<16xf32>,
        %mul3A_278 = arith.mulf %get3A_277, %gather3A_263 : vector<16xf32>
        %swap3A_279 = arith.index_cast %scan3A_258 : i32 to index
        %swap3A_280 = arith.constant 16 : index
        %swap3A_281 = tpu.vector_load %arg17[%swap3A_279, %swap3A_280] {strides = array<i32>} : memref<32x128xf32, #tpu.memory_space<vmem>>, vector<16xf32>,
        tpu.vector_store %arg17[%swap3A_279, %swap3A_280], %mul3A_278 {strides = array<i32>} : memref<32x128xf32, #tpu.memory_space<vmem>>, vector<16xf32>,
        %get3A_282 = arith.index_cast %scan3A_258 : i32 to index
        %get3A_283 = arith.constant 32 : index
        %get3A_284 = tpu.vector_load %arg17[%get3A_282, %get3A_283] {strides = array<i32>} : memref<32x128xf32, #tpu.memory_space<vmem>>, vector<16xf32>,
        %mul3A_285 = arith.mulf %get3A_284, %gather3A_263 : vector<16xf32>
        %swap3A_286 = arith.index_cast %scan3A_258 : i32 to index
        %swap3A_287 = arith.constant 32 : index
        %swap3A_288 = tpu.vector_load %arg17[%swap3A_286, %swap3A_287] {strides = array<i32>} : memref<32x128xf32, #tpu.memory_space<vmem>>, vector<16xf32>,
        tpu.vector_store %arg17[%swap3A_286, %swap3A_287], %mul3A_285 {strides = array<i32>} : memref<32x128xf32, #tpu.memory_space<vmem>>, vector<16xf32>,
        %get3A_289 = arith.index_cast %scan3A_258 : i32 to index
        %get3A_290 = arith.constant 48 : index
        %get3A_291 = tpu.vector_load %arg17[%get3A_289, %get3A_290] {strides = array<i32>} : memref<32x128xf32, #tpu.memory_space<vmem>>, vector<16xf32>,
        %mul3A_292 = arith.mulf %get3A_291, %gather3A_263 : vector<16xf32>
        %swap3A_293 = arith.index_cast %scan3A_258 : i32 to index
        %swap3A_294 = arith.constant 48 : index
        %swap3A_295 = tpu.vector_load %arg17[%swap3A_293, %swap3A_294] {strides = array<i32>} : memref<32x128xf32, #tpu.memory_space<vmem>>, vector<16xf32>,
        tpu.vector_store %arg17[%swap3A_293, %swap3A_294], %mul3A_292 {strides = array<i32>} : memref<32x128xf32, #tpu.memory_space<vmem>>, vector<16xf32>,
        %get3A_296 = arith.index_cast %scan3A_258 : i32 to index
        %get3A_297 = arith.constant 64 : index
        %get3A_298 = tpu.vector_load %arg17[%get3A_296, %get3A_297] {strides = array<i32>} : memref<32x128xf32, #tpu.memory_space<vmem>>, vector<16xf32>,
        %mul3A_299 = arith.mulf %get3A_298, %gather3A_263 : vector<16xf32>
        %swap3A_300 = arith.index_cast %scan3A_258 : i32 to index
        %swap3A_301 = arith.constant 64 : index
        %swap3A_302 = tpu.vector_load %arg17[%swap3A_300, %swap3A_301] {strides = array<i32>} : memref<32x128xf32, #tpu.memory_space<vmem>>, vector<16xf32>,
        tpu.vector_store %arg17[%swap3A_300, %swap3A_301], %mul3A_299 {strides = array<i32>} : memref<32x128xf32, #tpu.memory_space<vmem>>, vector<16xf32>,
        %get3A_303 = arith.index_cast %scan3A_258 : i32 to index
        %get3A_304 = arith.constant 80 : index
        %get3A_305 = tpu.vector_load %arg17[%get3A_303, %get3A_304] {strides = array<i32>} : memref<32x128xf32, #tpu.memory_space<vmem>>, vector<16xf32>,
        %mul3A_306 = arith.mulf %get3A_305, %gather3A_263 : vector<16xf32>
        %swap3A_307 = arith.index_cast %scan3A_258 : i32 to index
        %swap3A_308 = arith.constant 80 : index
        %swap3A_309 = tpu.vector_load %arg17[%swap3A_307, %swap3A_308] {strides = array<i32>} : memref<32x128xf32, #tpu.memory_space<vmem>>, vector<16xf32>,
        tpu.vector_store %arg17[%swap3A_307, %swap3A_308], %mul3A_306 {strides = array<i32>} : memref<32x128xf32, #tpu.memory_space<vmem>>, vector<16xf32>,
        %get3A_310 = arith.index_cast %scan3A_258 : i32 to index
        %get3A_311 = arith.constant 96 : index
        %get3A_312 = tpu.vector_load %arg17[%get3A_310, %get3A_311] {strides = array<i32>} : memref<32x128xf32, #tpu.memory_space<vmem>>, vector<16xf32>,
        %mul3A_313 = arith.mulf %get3A_312, %gather3A_263 : vector<16xf32>
        %swap3A_314 = arith.index_cast %scan3A_258 : i32 to index
        %swap3A_315 = arith.constant 96 : index
        %swap3A_316 = tpu.vector_load %arg17[%swap3A_314, %swap3A_315] {strides = array<i32>} : memref<32x128xf32, #tpu.memory_space<vmem>>, vector<16xf32>,
        tpu.vector_store %arg17[%swap3A_314, %swap3A_315], %mul3A_313 {strides = array<i32>} : memref<32x128xf32, #tpu.memory_space<vmem>>, vector<16xf32>,
        %get3A_317 = arith.index_cast %scan3A_258 : i32 to index
        %get3A_318 = arith.constant 112 : index
        %get3A_319 = tpu.vector_load %arg17[%get3A_317, %get3A_318] {strides = array<i32>} : memref<32x128xf32, #tpu.memory_space<vmem>>, vector<16xf32>,
        %mul3A_320 = arith.mulf %get3A_319, %gather3A_263 : vector<16xf32>
        %swap3A_321 = arith.index_cast %scan3A_258 : i32 to index
        %swap3A_322 = arith.constant 112 : index
        %swap3A_323 = tpu.vector_load %arg17[%swap3A_321, %swap3A_322] {strides = array<i32>} : memref<32x128xf32, #tpu.memory_space<vmem>>, vector<16xf32>,
        tpu.vector_store %arg17[%swap3A_321, %swap3A_322], %mul3A_320 {strides = array<i32>} : memref<32x128xf32, #tpu.memory_space<vmem>>, vector<16xf32>,
      }
      %scan3A_257 = arith.constant 32 : i32
      "tpu.region"() ({
        %run_scoped3A_258 = tpu.sem_alloc : memref<!tpu.dma_semaphore, #tpu.memory_space<semaphore_mem>>
        %dma_start3A_259 = arith.constant 0 : i32
        %dma_start3A_260 = arith.constant 0 : i32
        %dma_start3A_261 = tpu.memref_slice %arg9[%dma_start3A_259, %dma_start3A_260] : memref<5120x128xf32, #tpu.memory_space<vmem_shared>> -> memref<5120x128xf32, #tpu.memory_space<vmem_shared>>
        tpu.enqueue_indirect_dma source(%arg17 : memref<32x128xf32, #tpu.memory_space<vmem>>) target(%dma_start3A_261 : memref<5120x128xf32, #tpu.memory_space<vmem_shared>>) offsets(%arg12 : memref<32xi32, #tpu.memory_space<vmem>>) semaphore(%run_scoped3A_258 : memref<!tpu.dma_semaphore, #tpu.memory_space<semaphore_mem>>) {add = true}
        %dma_wait3A_262 = arith.constant 0 : i32
        %dma_wait3A_263 = arith.constant 0 : i32
        %dma_wait3A_264 = tpu.memref_slice %arg9[%dma_wait3A_262, %dma_wait3A_263] : memref<5120x128xf32, #tpu.memory_space<vmem_shared>> -> memref<5120x128xf32, #tpu.memory_space<vmem_shared>>
        tpu.wait_indirect_dma semaphore(%run_scoped3A_258 : memref<!tpu.dma_semaphore, #tpu.memory_space<semaphore_mem>>) src(%arg17 : memref<32x128xf32, #tpu.memory_space<vmem>>) dst(%dma_wait3A_264 : memref<5120x128xf32, #tpu.memory_space<vmem_shared>>)
        tpu.yield
      }) : () -> ()
      "tpu.region"() ({
        %run_scoped3A_258 = tpu.sem_alloc : memref<!tpu.dma_semaphore, #tpu.memory_space<semaphore_mem>>
        %dma_start3A_259 = arith.constant 0 : i32
        %dma_start3A_260 = arith.constant 0 : i32
        %dma_start3A_261 = tpu.memref_slice %arg10[%dma_start3A_259, %dma_start3A_260] : memref<5120x16xf32, #tpu.memory_space<vmem_shared>> -> memref<5120x16xf32, #tpu.memory_space<vmem_shared>>
        tpu.enqueue_indirect_dma source(%arg19 : memref<32x16xf32, #tpu.memory_space<vmem>>) target(%dma_start3A_261 : memref<5120x16xf32, #tpu.memory_space<vmem_shared>>) offsets(%arg12 : memref<32xi32, #tpu.memory_space<vmem>>) semaphore(%run_scoped3A_258 : memref<!tpu.dma_semaphore, #tpu.memory_space<semaphore_mem>>) {add = true}
        %dma_wait3A_262 = arith.constant 0 : i32
        %dma_wait3A_263 = arith.constant 0 : i32
        %dma_wait3A_264 = tpu.memref_slice %arg10[%dma_wait3A_262, %dma_wait3A_263] : memref<5120x16xf32, #tpu.memory_space<vmem_shared>> -> memref<5120x16xf32, #tpu.memory_space<vmem_shared>>
        tpu.wait_indirect_dma semaphore(%run_scoped3A_258 : memref<!tpu.dma_semaphore, #tpu.memory_space<semaphore_mem>>) src(%arg19 : memref<32x16xf32, #tpu.memory_space<vmem>>) dst(%dma_wait3A_264 : memref<5120x16xf32, #tpu.memory_space<vmem_shared>>)
        tpu.yield
      }) : () -> ()
    }
    %scan3A_116 = arith.constant 1250 : i32
    %sc_fetch_and_add3A_117 = arith.constant 1 : i32
    %sc_fetch_and_add3A_118 = arith.constant 1 : i32
    %sc_fetch_and_add3A_119 = arith.constant 0 : i32
    %sc_fetch_and_add3A_120 = tpu.fetch_and_add_sync %arg20[%sc_fetch_and_add3A_118], %sc_fetch_and_add3A_117, %sc_fetch_and_add3A_119 : memref<2xi32, #tpu.memory_space<smem>>, i32 -> i32
    %while3A_121 = arith.constant 0 : i32
    %while3A_122 = scf.while (%while3A_133 = %while3A_121) : (i32) -> i32 {
      %lt3A = arith.constant 8 : i32
      %lt3A_134 = arith.cmpi slt, %while3A_133, %lt3A : i32
      scf.condition(%lt3A_134) %while3A_133 : i32
    } do {
    ^bb0(%while3A_133: i32):
      %sc_fetch_and_add3A_134 = arith.constant 0 : i32
      %sc_fetch_and_add3A_135 = arith.constant 1 : i32
      %sc_fetch_and_add3A_136 = arith.constant 0 : i32
      %sc_fetch_and_add3A_137 = tpu.fetch_and_add_sync %arg20[%sc_fetch_and_add3A_135], %sc_fetch_and_add3A_134, %sc_fetch_and_add3A_136 : memref<2xi32, #tpu.memory_space<smem>>, i32 -> i32
      scf.yield %sc_fetch_and_add3A_137 : i32
    }
    %mul3A_123 = arith.constant 640 : i32
    %mul3A_124 = arith.muli %arg1, %mul3A_123 : i32
    %mul3A_125 = arith.constant 640 : i32
    %mul3A_126 = arith.muli %arg1, %mul3A_125 : i32
    %add3A_127 = arith.addi %mul3A_19, %mul3A_126 : i32
    "tpu.region"() ({
      %run_scoped3A_133 = tpu.sem_alloc : memref<!tpu.dma_semaphore, #tpu.memory_space<semaphore_mem>>
      %dma_start3A = arith.constant 0 : i32
      %dma_start3A_134 = tpu.memref_slice %arg7[%add3A_127, %dma_start3A] : memref<10240x128xf32, #tpu.memory_space<hbm>> -> memref<640x128xf32, #tpu.memory_space<hbm>>
      %dma_start3A_135 = arith.constant 0 : i32
      %dma_start3A_136 = tpu.memref_slice %arg9[%mul3A_124, %dma_start3A_135] : memref<5120x128xf32, #tpu.memory_space<vmem_shared>> -> memref<640x128xf32, #tpu.memory_space<vmem_shared>>
      tpu.enqueue_dma source(%dma_start3A_136 : memref<640x128xf32, #tpu.memory_space<vmem_shared>>) target(%dma_start3A_134 : memref<640x128xf32, #tpu.memory_space<hbm>>) target_semaphore(%run_scoped3A_133 : memref<!tpu.dma_semaphore, #tpu.memory_space<semaphore_mem>>)
      %dma_wait3A = arith.constant 0 : i32
      %dma_wait3A_137 = tpu.memref_slice %arg7[%add3A_127, %dma_wait3A] : memref<10240x128xf32, #tpu.memory_space<hbm>> -> memref<640x128xf32, #tpu.memory_space<hbm>>
      %dma_wait3A_138 = arith.constant 0 : i32
      %dma_wait3A_139 = tpu.memref_slice %arg9[%mul3A_124, %dma_wait3A_138] : memref<5120x128xf32, #tpu.memory_space<vmem_shared>> -> memref<640x128xf32, #tpu.memory_space<vmem_shared>>
      tpu.wait_dma2 semaphore(%run_scoped3A_133 : memref<!tpu.dma_semaphore, #tpu.memory_space<semaphore_mem>>) src(%dma_wait3A_139 : memref<640x128xf32, #tpu.memory_space<vmem_shared>>) dst(%dma_wait3A_137 : memref<640x128xf32, #tpu.memory_space<hbm>>)
      tpu.yield
    }) : () -> ()
    %mul3A_128 = arith.constant 640 : i32
    %mul3A_129 = arith.muli %arg1, %mul3A_128 : i32
    %mul3A_130 = arith.constant 640 : i32
    %mul3A_131 = arith.muli %arg1, %mul3A_130 : i32
    %add3A_132 = arith.addi %mul3A_19, %mul3A_131 : i32
    "tpu.region"() ({
      %run_scoped3A_133 = tpu.sem_alloc : memref<!tpu.dma_semaphore, #tpu.memory_space<semaphore_mem>>
      %dma_start3A = arith.constant 0 : i32
      %dma_start3A_134 = tpu.memref_slice %arg8[%add3A_132, %dma_start3A] : memref<10240x16xf32, #tpu.memory_space<hbm>> -> memref<640x16xf32, #tpu.memory_space<hbm>>
      %dma_start3A_135 = arith.constant 0 : i32
      %dma_start3A_136 = tpu.memref_slice %arg10[%mul3A_129, %dma_start3A_135] : memref<5120x16xf32, #tpu.memory_space<vmem_shared>> -> memref<640x16xf32, #tpu.memory_space<vmem_shared>>
      tpu.enqueue_dma source(%dma_start3A_136 : memref<640x16xf32, #tpu.memory_space<vmem_shared>>) target(%dma_start3A_134 : memref<640x16xf32, #tpu.memory_space<hbm>>) target_semaphore(%run_scoped3A_133 : memref<!tpu.dma_semaphore, #tpu.memory_space<semaphore_mem>>)
      %dma_wait3A = arith.constant 0 : i32
      %dma_wait3A_137 = tpu.memref_slice %arg8[%add3A_132, %dma_wait3A] : memref<10240x16xf32, #tpu.memory_space<hbm>> -> memref<640x16xf32, #tpu.memory_space<hbm>>
      %dma_wait3A_138 = arith.constant 0 : i32
      %dma_wait3A_139 = tpu.memref_slice %arg10[%mul3A_129, %dma_wait3A_138] : memref<5120x16xf32, #tpu.memory_space<vmem_shared>> -> memref<640x16xf32, #tpu.memory_space<vmem_shared>>
      tpu.wait_dma2 semaphore(%run_scoped3A_133 : memref<!tpu.dma_semaphore, #tpu.memory_space<semaphore_mem>>) src(%dma_wait3A_139 : memref<640x16xf32, #tpu.memory_space<vmem_shared>>) dst(%dma_wait3A_137 : memref<640x16xf32, #tpu.memory_space<hbm>>)
      tpu.yield
    }) : () -> ()
    return
  }
}

module attributes {stable_mosaic.version = 14 : i64} {
  func.func @_t1_body(%arg0: i32, %arg1: memref<1024x128xf32, #tpu.memory_space<vmem>>, %arg2: memref<128x128xf32, #tpu.memory_space<vmem>>, %arg3: memref<1x128xf32, #tpu.memory_space<vmem>>, %arg4: memref<1x128xf32, #tpu.memory_space<vmem>>, %arg5: memref<1024x128xf32, #tpu.memory_space<vmem>>, %arg6: memref<8x128xf32, #tpu.memory_space<vmem>>, %arg7: memref<8x128xf32, #tpu.memory_space<vmem>>, %arg8: memref<8x128xf32, #tpu.memory_space<vmem>>) attributes {dimension_semantics = [#tpu.dimension_semantics<arbitrary>], iteration_bounds = array<i64: 10>, scalar_prefetch = 0 : i64, scratch_operands = 0 : i64, tpu.core_type = #tpu.core_type<tc>, window_params = [{transform_indices = @transform_0, window_bounds = array<i64: 1024, 128>}, {pipeline_mode = #tpu.pipeline_mode<synchronous>, transform_indices = @transform_1, window_bounds = array<i64: 128, 128>}, {pipeline_mode = #tpu.pipeline_mode<synchronous>, transform_indices = @transform_2, window_bounds = array<i64: 1, 128>}, {pipeline_mode = #tpu.pipeline_mode<synchronous>, transform_indices = @transform_3, window_bounds = array<i64: 1, 128>}, {transform_indices = @transform_4, window_bounds = array<i64: 1024, 128>}, {transform_indices = @transform_5, window_bounds = array<i64: 8, 128>}, {transform_indices = @transform_6, window_bounds = array<i64: 8, 128>}, {pipeline_mode = #tpu.pipeline_mode<synchronous>, transform_indices = @transform_7, window_bounds = array<i64: 8, 128>}]} {
    %get3A = arith.constant 0 : index
    %get3A_0 = arith.constant 0 : index
    %get3A_1 = vector.load %arg1[%get3A, %get3A_0] : memref<1024x128xf32, #tpu.memory_space<vmem>>, vector<1024x128xf32>
    %get3A_2 = arith.constant 0 : index
    %get3A_3 = arith.constant 0 : index
    %get3A_4 = vector.load %arg2[%get3A_2, %get3A_3] : memref<128x128xf32, #tpu.memory_space<vmem>>, vector<128x128xf32>
    %dot_general3A = arith.constant dense<0.000000e+00> : vector<1024x128xf32>
    %dot_general3A_5 = tpu.matmul %get3A_1, %get3A_4, %dot_general3A {dimension_numbers = #tpu.dot_dimension_numbers<[1], [0], [0], [1], [0, 0, 1, 1], [], []>, transpose_lhs_hint = false} : vector<1024x128xf32>, vector<128x128xf32>, vector<1024x128xf32> -> vector<1024x128xf32>
    %swap3A = arith.constant 0 : index
    %swap3A_6 = arith.constant 0 : index
    %swap3A_7 = vector.load %arg5[%swap3A, %swap3A_6] : memref<1024x128xf32, #tpu.memory_space<vmem>>, vector<1024x128xf32>
    tpu.vector_store %arg5[%swap3A, %swap3A_6], %dot_general3A_5 {strides = array<i32>} : memref<1024x128xf32, #tpu.memory_space<vmem>>, vector<1024x128xf32>,
    %get3A_8 = arith.constant 0 : index
    %get3A_9 = arith.constant 0 : index
    %get3A_10 = vector.load %arg3[%get3A_8, %get3A_9] : memref<1x128xf32, #tpu.memory_space<vmem>>, vector<1x128xf32>
    %get3A_11 = arith.constant 0 : index
    %get3A_12 = arith.constant 0 : index
    %get3A_13 = vector.load %arg4[%get3A_11, %get3A_12] : memref<1x128xf32, #tpu.memory_space<vmem>>, vector<1x128xf32>
    %mul3A = vector.broadcast %get3A_10 : vector<1x128xf32> to vector<1024x128xf32>
    %mul3A_14 = arith.mulf %dot_general3A_5, %mul3A : vector<1024x128xf32>
    %reduce_sum3A = arith.constant dense<0.000000e+00> : vector<1024xf32>
    %reduce_sum3A_15 = vector.multi_reduction <add>, %mul3A_14, %reduce_sum3A [1] : vector<1024x128xf32> to vector<1024xf32>
    %mul3A_16 = vector.broadcast %get3A_13 : vector<1x128xf32> to vector<1024x128xf32>
    %mul3A_17 = arith.mulf %dot_general3A_5, %mul3A_16 : vector<1024x128xf32>
    %reduce_sum3A_18 = arith.constant dense<0.000000e+00> : vector<1024xf32>
    %reduce_sum3A_19 = vector.multi_reduction <add>, %mul3A_17, %reduce_sum3A_18 [1] : vector<1024x128xf32> to vector<1024xf32>
    %reshape3A = vector.shape_cast %reduce_sum3A_15 : vector<1024xf32> to vector<8x128xf32>
    %swap3A_20 = arith.constant 0 : index
    %swap3A_21 = arith.constant 0 : index
    %swap3A_22 = vector.load %arg6[%swap3A_20, %swap3A_21] : memref<8x128xf32, #tpu.memory_space<vmem>>, vector<8x128xf32>
    tpu.vector_store %arg6[%swap3A_20, %swap3A_21], %reshape3A {strides = array<i32>} : memref<8x128xf32, #tpu.memory_space<vmem>>, vector<8x128xf32>,
    %reshape3A_23 = vector.shape_cast %reduce_sum3A_19 : vector<1024xf32> to vector<8x128xf32>
    %swap3A_24 = arith.constant 0 : index
    %swap3A_25 = arith.constant 0 : index
    %swap3A_26 = vector.load %arg7[%swap3A_24, %swap3A_25] : memref<8x128xf32, #tpu.memory_space<vmem>>, vector<8x128xf32>
    tpu.vector_store %arg7[%swap3A_24, %swap3A_25], %reshape3A_23 {strides = array<i32>} : memref<8x128xf32, #tpu.memory_space<vmem>>, vector<8x128xf32>,
    %eq3A = arith.constant 0 : i32
    %eq3A_27 = arith.cmpi eq, %arg0, %eq3A : i32
    %convert_element_type3A = arith.extui %eq3A_27 : i1 to i32
    %cond3A = arith.constant 0 : i32
    %cond3A_28 = arith.cmpi ne, %convert_element_type3A, %cond3A : i32
    scf.if %cond3A_28 {
      %broadcast_in_dim3A_47 = arith.constant -1.000000e+30 : f32
      %broadcast_in_dim3A_48 = vector.broadcast %broadcast_in_dim3A_47 : f32 to vector<8x128xf32>
      %swap3A_49 = arith.constant 0 : index
      %swap3A_50 = arith.constant 0 : index
      %swap3A_51 = vector.load %arg8[%swap3A_49, %swap3A_50] : memref<8x128xf32, #tpu.memory_space<vmem>>, vector<8x128xf32>
      tpu.vector_store %arg8[%swap3A_49, %swap3A_50], %broadcast_in_dim3A_48 {strides = array<i32>} : memref<8x128xf32, #tpu.memory_space<vmem>>, vector<8x128xf32>,
    } else {
    }
    %reduce_max3A = vector.shape_cast %reduce_sum3A_15 : vector<1024xf32> to vector<1x1024xf32>
    %reduce_max3A_29 = arith.constant dense<0xFF800000> : vector<1xf32>
    %reduce_max3A_30 = vector.multi_reduction <maximumf>, %reduce_max3A, %reduce_max3A_29 [1] : vector<1x1024xf32> to vector<1xf32>
    %reduce_max3A_31 = vector.shape_cast %reduce_max3A_30 : vector<1xf32> to vector<1x1xf32>
    %reduce_max3A_32 = vector.extract %reduce_max3A_31[0, 0] : f32 from vector<1x1xf32>
    %broadcast_in_dim3A = vector.broadcast %reduce_max3A_32 : f32 to vector<1x128xf32>
    %reduce_max3A_33 = vector.shape_cast %reduce_sum3A_19 : vector<1024xf32> to vector<1x1024xf32>
    %reduce_max3A_34 = arith.constant dense<0xFF800000> : vector<1xf32>
    %reduce_max3A_35 = vector.multi_reduction <maximumf>, %reduce_max3A_33, %reduce_max3A_34 [1] : vector<1x1024xf32> to vector<1xf32>
    %reduce_max3A_36 = vector.shape_cast %reduce_max3A_35 : vector<1xf32> to vector<1x1xf32>
    %reduce_max3A_37 = vector.extract %reduce_max3A_36[0, 0] : f32 from vector<1x1xf32>
    %broadcast_in_dim3A_38 = vector.broadcast %reduce_max3A_37 : f32 to vector<1x128xf32>
    %broadcast_in_dim3A_39 = arith.constant -1.000000e+30 : f32
    %broadcast_in_dim3A_40 = vector.broadcast %broadcast_in_dim3A_39 : f32 to vector<6x128xf32>
    %concatenate3A = tpu.concatenate %broadcast_in_dim3A, %broadcast_in_dim3A_38, %broadcast_in_dim3A_40 in 0 : vector<1x128xf32>, vector<1x128xf32>, vector<6x128xf32> -> vector<8x128xf32>
    %get3A_41 = arith.constant 0 : index
    %get3A_42 = arith.constant 0 : index
    %get3A_43 = vector.load %arg8[%get3A_41, %get3A_42] : memref<8x128xf32, #tpu.memory_space<vmem>>, vector<8x128xf32>
    %max3A = arith.maximumf %get3A_43, %concatenate3A : vector<8x128xf32>
    %swap3A_44 = arith.constant 0 : index
    %swap3A_45 = arith.constant 0 : index
    %swap3A_46 = vector.load %arg8[%swap3A_44, %swap3A_45] : memref<8x128xf32, #tpu.memory_space<vmem>>, vector<8x128xf32>
    tpu.vector_store %arg8[%swap3A_44, %swap3A_45], %max3A {strides = array<i32>} : memref<8x128xf32, #tpu.memory_space<vmem>>, vector<8x128xf32>,
    return
  }
  func.func @transform_0(%arg0: i32) -> (i32, i32) {
    %c0_i32 = arith.constant 0 : i32
    %c0_i32_0 = arith.constant 0 : i32
    return %arg0, %c0_i32 : i32, i32
  }
  func.func @transform_1(%arg0: i32) -> (i32, i32) {
    %c0_i32 = arith.constant 0 : i32
    %c0_i32_0 = arith.constant 0 : i32
    %c0_i32_1 = arith.constant 0 : i32
    return %c0_i32, %c0_i32_0 : i32, i32
  }
  func.func @transform_2(%arg0: i32) -> (i32, i32) {
    %c0_i32 = arith.constant 0 : i32
    %c0_i32_0 = arith.constant 0 : i32
    %c0_i32_1 = arith.constant 0 : i32
    return %c0_i32, %c0_i32_0 : i32, i32
  }
  func.func @transform_3(%arg0: i32) -> (i32, i32) {
    %c0_i32 = arith.constant 0 : i32
    %c0_i32_0 = arith.constant 0 : i32
    %c0_i32_1 = arith.constant 0 : i32
    return %c0_i32, %c0_i32_0 : i32, i32
  }
  func.func @transform_4(%arg0: i32) -> (i32, i32) {
    %c0_i32 = arith.constant 0 : i32
    %c0_i32_0 = arith.constant 0 : i32
    return %arg0, %c0_i32 : i32, i32
  }
  func.func @transform_5(%arg0: i32) -> (i32, i32) {
    %c0_i32 = arith.constant 0 : i32
    %c0_i32_0 = arith.constant 0 : i32
    return %arg0, %c0_i32 : i32, i32
  }
  func.func @transform_6(%arg0: i32) -> (i32, i32) {
    %c0_i32 = arith.constant 0 : i32
    %c0_i32_0 = arith.constant 0 : i32
    return %arg0, %c0_i32 : i32, i32
  }
  func.func @transform_7(%arg0: i32) -> (i32, i32) {
    %c0_i32 = arith.constant 0 : i32
    %c0_i32_0 = arith.constant 0 : i32
    %c0_i32_1 = arith.constant 0 : i32
    return %c0_i32, %c0_i32_0 : i32, i32
  }
}

module attributes {stable_mosaic.version = 14 : i64} {
  func.func @_t2_body(%arg0: i32, %arg1: memref<1024x128xf32, #tpu.memory_space<vmem>>, %arg2: memref<1024x16xf32, #tpu.memory_space<vmem>>, %arg3: memref<1x128xf32, #tpu.memory_space<vmem>>, %arg4: memref<128x64xf32, #tpu.memory_space<vmem>>, %arg5: memref<1x64xf32, #tpu.memory_space<vmem>>, %arg6: memref<1x64xf32, #tpu.memory_space<vmem>>, %arg7: memref<1024x128xf32, #tpu.memory_space<vmem>>, %arg8: memref<8x128xf32, #tpu.memory_space<vmem>>, %arg9: memref<8x128xf32, #tpu.memory_space<vmem>>, %arg10: memref<8x128xf32, #tpu.memory_space<vmem>>) attributes {dimension_semantics = [#tpu.dimension_semantics<arbitrary>], iteration_bounds = array<i64: 10>, scalar_prefetch = 0 : i64, scratch_operands = 0 : i64, tpu.core_type = #tpu.core_type<tc>, window_params = [{transform_indices = @transform_0, window_bounds = array<i64: 1024, 128>}, {transform_indices = @transform_1, window_bounds = array<i64: 1024, 16>}, {pipeline_mode = #tpu.pipeline_mode<synchronous>, transform_indices = @transform_2, window_bounds = array<i64: 1, 128>}, {pipeline_mode = #tpu.pipeline_mode<synchronous>, transform_indices = @transform_3, window_bounds = array<i64: 128, 64>}, {pipeline_mode = #tpu.pipeline_mode<synchronous>, transform_indices = @transform_4, window_bounds = array<i64: 1, 64>}, {pipeline_mode = #tpu.pipeline_mode<synchronous>, transform_indices = @transform_5, window_bounds = array<i64: 1, 64>}, {transform_indices = @transform_6, window_bounds = array<i64: 1024, 128>}, {transform_indices = @transform_7, window_bounds = array<i64: 8, 128>}, {transform_indices = @transform_8, window_bounds = array<i64: 8, 128>}, {pipeline_mode = #tpu.pipeline_mode<synchronous>, transform_indices = @transform_9, window_bounds = array<i64: 8, 128>}]} {
    %get3A = arith.constant 0 : index
    %get3A_0 = arith.constant 0 : index
    %get3A_1 = vector.load %arg2[%get3A, %get3A_0] : memref<1024x16xf32, #tpu.memory_space<vmem>>, vector<1024x16xf32>
    %reduce_sum3A = arith.constant dense<0.000000e+00> : vector<1024xf32>
    %reduce_sum3A_2 = vector.multi_reduction <add>, %get3A_1, %reduce_sum3A [1] : vector<1024x16xf32> to vector<1024xf32>
    %broadcast_in_dim3A = vector.shape_cast %reduce_sum3A_2 : vector<1024xf32> to vector<1024x1xf32>
    %get3A_3 = arith.constant 0 : index
    %get3A_4 = arith.constant 0 : index
    %get3A_5 = vector.load %arg1[%get3A_3, %get3A_4] : memref<1024x128xf32, #tpu.memory_space<vmem>>, vector<1024x128xf32>
    %max3A = arith.constant 1.000000e-16 : f32
    %max3A_6 = vector.broadcast %max3A : f32 to vector<1024x1xf32>
    %max3A_7 = arith.maximumf %broadcast_in_dim3A, %max3A_6 : vector<1024x1xf32>
    %div3A = vector.broadcast %max3A_7 : vector<1024x1xf32> to vector<1024x128xf32>
    %div3A_8 = arith.divf %get3A_5, %div3A : vector<1024x128xf32>
    %get3A_9 = arith.constant 0 : index
    %get3A_10 = arith.constant 0 : index
    %get3A_11 = vector.load %arg3[%get3A_9, %get3A_10] : memref<1x128xf32, #tpu.memory_space<vmem>>, vector<1x128xf32>
    %add3A = vector.broadcast %get3A_11 : vector<1x128xf32> to vector<1024x128xf32>
    %add3A_12 = arith.addf %div3A_8, %add3A : vector<1024x128xf32>
    %max3A_13 = arith.constant 0.000000e+00 : f32
    %max3A_14 = vector.broadcast %max3A_13 : f32 to vector<1024x128xf32>
    %max3A_15 = arith.maximumf %add3A_12, %max3A_14 : vector<1024x128xf32>
    %get3A_16 = arith.constant 0 : index
    %get3A_17 = arith.constant 0 : index
    %get3A_18 = vector.load %arg4[%get3A_16, %get3A_17] : memref<128x64xf32, #tpu.memory_space<vmem>>, vector<128x64xf32>
    %dot_general3A = arith.constant dense<0.000000e+00> : vector<1024x64xf32>
    %dot_general3A_19 = tpu.matmul %max3A_15, %get3A_18, %dot_general3A {dimension_numbers = #tpu.dot_dimension_numbers<[1], [0], [0], [1], [0, 0, 1, 1], [], []>, transpose_lhs_hint = false} : vector<1024x128xf32>, vector<128x64xf32>, vector<1024x64xf32> -> vector<1024x64xf32>
    %broadcast_in_dim3A_20 = arith.constant 0.000000e+00 : f32
    %broadcast_in_dim3A_21 = vector.broadcast %broadcast_in_dim3A_20 : f32 to vector<1024x64xf32>
    %concatenate3A = tpu.concatenate %dot_general3A_19, %broadcast_in_dim3A_21 in 1 : vector<1024x64xf32>, vector<1024x64xf32> -> vector<1024x128xf32>
    %swap3A = arith.constant 0 : index
    %swap3A_22 = arith.constant 0 : index
    %swap3A_23 = vector.load %arg7[%swap3A, %swap3A_22] : memref<1024x128xf32, #tpu.memory_space<vmem>>, vector<1024x128xf32>
    tpu.vector_store %arg7[%swap3A, %swap3A_22], %concatenate3A {strides = array<i32>} : memref<1024x128xf32, #tpu.memory_space<vmem>>, vector<1024x128xf32>,
    %get3A_24 = arith.constant 0 : index
    %get3A_25 = arith.constant 0 : index
    %get3A_26 = vector.load %arg5[%get3A_24, %get3A_25] : memref<1x64xf32, #tpu.memory_space<vmem>>, vector<1x64xf32>
    %get3A_27 = arith.constant 0 : index
    %get3A_28 = arith.constant 0 : index
    %get3A_29 = vector.load %arg6[%get3A_27, %get3A_28] : memref<1x64xf32, #tpu.memory_space<vmem>>, vector<1x64xf32>
    %mul3A = vector.broadcast %get3A_26 : vector<1x64xf32> to vector<1024x64xf32>
    %mul3A_30 = arith.mulf %dot_general3A_19, %mul3A : vector<1024x64xf32>
    %reduce_sum3A_31 = arith.constant dense<0.000000e+00> : vector<1024xf32>
    %reduce_sum3A_32 = vector.multi_reduction <add>, %mul3A_30, %reduce_sum3A_31 [1] : vector<1024x64xf32> to vector<1024xf32>
    %mul3A_33 = vector.broadcast %get3A_29 : vector<1x64xf32> to vector<1024x64xf32>
    %mul3A_34 = arith.mulf %dot_general3A_19, %mul3A_33 : vector<1024x64xf32>
    %reduce_sum3A_35 = arith.constant dense<0.000000e+00> : vector<1024xf32>
    %reduce_sum3A_36 = vector.multi_reduction <add>, %mul3A_34, %reduce_sum3A_35 [1] : vector<1024x64xf32> to vector<1024xf32>
    %reshape3A = vector.shape_cast %reduce_sum3A_32 : vector<1024xf32> to vector<8x128xf32>
    %swap3A_37 = arith.constant 0 : index
    %swap3A_38 = arith.constant 0 : index
    %swap3A_39 = vector.load %arg8[%swap3A_37, %swap3A_38] : memref<8x128xf32, #tpu.memory_space<vmem>>, vector<8x128xf32>
    tpu.vector_store %arg8[%swap3A_37, %swap3A_38], %reshape3A {strides = array<i32>} : memref<8x128xf32, #tpu.memory_space<vmem>>, vector<8x128xf32>,
    %reshape3A_40 = vector.shape_cast %reduce_sum3A_36 : vector<1024xf32> to vector<8x128xf32>
    %swap3A_41 = arith.constant 0 : index
    %swap3A_42 = arith.constant 0 : index
    %swap3A_43 = vector.load %arg9[%swap3A_41, %swap3A_42] : memref<8x128xf32, #tpu.memory_space<vmem>>, vector<8x128xf32>
    tpu.vector_store %arg9[%swap3A_41, %swap3A_42], %reshape3A_40 {strides = array<i32>} : memref<8x128xf32, #tpu.memory_space<vmem>>, vector<8x128xf32>,
    %eq3A = arith.constant 0 : i32
    %eq3A_44 = arith.cmpi eq, %arg0, %eq3A : i32
    %convert_element_type3A = arith.extui %eq3A_44 : i1 to i32
    %cond3A = arith.constant 0 : i32
    %cond3A_45 = arith.cmpi ne, %convert_element_type3A, %cond3A : i32
    scf.if %cond3A_45 {
      %broadcast_in_dim3A_67 = arith.constant -1.000000e+30 : f32
      %broadcast_in_dim3A_68 = vector.broadcast %broadcast_in_dim3A_67 : f32 to vector<8x128xf32>
      %swap3A_69 = arith.constant 0 : index
      %swap3A_70 = arith.constant 0 : index
      %swap3A_71 = vector.load %arg10[%swap3A_69, %swap3A_70] : memref<8x128xf32, #tpu.memory_space<vmem>>, vector<8x128xf32>
      tpu.vector_store %arg10[%swap3A_69, %swap3A_70], %broadcast_in_dim3A_68 {strides = array<i32>} : memref<8x128xf32, #tpu.memory_space<vmem>>, vector<8x128xf32>,
    } else {
    }
    %reduce_max3A = vector.shape_cast %reduce_sum3A_32 : vector<1024xf32> to vector<1x1024xf32>
    %reduce_max3A_46 = arith.constant dense<0xFF800000> : vector<1xf32>
    %reduce_max3A_47 = vector.multi_reduction <maximumf>, %reduce_max3A, %reduce_max3A_46 [1] : vector<1x1024xf32> to vector<1xf32>
    %reduce_max3A_48 = vector.shape_cast %reduce_max3A_47 : vector<1xf32> to vector<1x1xf32>
    %reduce_max3A_49 = vector.extract %reduce_max3A_48[0, 0] : f32 from vector<1x1xf32>
    %broadcast_in_dim3A_50 = vector.broadcast %reduce_max3A_49 : f32 to vector<1x128xf32>
    %reduce_max3A_51 = vector.shape_cast %reduce_sum3A_36 : vector<1024xf32> to vector<1x1024xf32>
    %reduce_max3A_52 = arith.constant dense<0xFF800000> : vector<1xf32>
    %reduce_max3A_53 = vector.multi_reduction <maximumf>, %reduce_max3A_51, %reduce_max3A_52 [1] : vector<1x1024xf32> to vector<1xf32>
    %reduce_max3A_54 = vector.shape_cast %reduce_max3A_53 : vector<1xf32> to vector<1x1xf32>
    %reduce_max3A_55 = vector.extract %reduce_max3A_54[0, 0] : f32 from vector<1x1xf32>
    %broadcast_in_dim3A_56 = vector.broadcast %reduce_max3A_55 : f32 to vector<1x128xf32>
    %broadcast_in_dim3A_57 = arith.constant -1.000000e+30 : f32
    %broadcast_in_dim3A_58 = vector.broadcast %broadcast_in_dim3A_57 : f32 to vector<6x128xf32>
    %concatenate3A_59 = tpu.concatenate %broadcast_in_dim3A_50, %broadcast_in_dim3A_56, %broadcast_in_dim3A_58 in 0 : vector<1x128xf32>, vector<1x128xf32>, vector<6x128xf32> -> vector<8x128xf32>
    %get3A_60 = arith.constant 0 : index
    %get3A_61 = arith.constant 0 : index
    %get3A_62 = vector.load %arg10[%get3A_60, %get3A_61] : memref<8x128xf32, #tpu.memory_space<vmem>>, vector<8x128xf32>
    %max3A_63 = arith.maximumf %get3A_62, %concatenate3A_59 : vector<8x128xf32>
    %swap3A_64 = arith.constant 0 : index
    %swap3A_65 = arith.constant 0 : index
    %swap3A_66 = vector.load %arg10[%swap3A_64, %swap3A_65] : memref<8x128xf32, #tpu.memory_space<vmem>>, vector<8x128xf32>
    tpu.vector_store %arg10[%swap3A_64, %swap3A_65], %max3A_63 {strides = array<i32>} : memref<8x128xf32, #tpu.memory_space<vmem>>, vector<8x128xf32>,
    return
  }
  func.func @transform_0(%arg0: i32) -> (i32, i32) {
    %c0_i32 = arith.constant 0 : i32
    %c0_i32_0 = arith.constant 0 : i32
    return %arg0, %c0_i32 : i32, i32
  }
  func.func @transform_1(%arg0: i32) -> (i32, i32) {
    %c0_i32 = arith.constant 0 : i32
    %c0_i32_0 = arith.constant 0 : i32
    return %arg0, %c0_i32 : i32, i32
  }
  func.func @transform_2(%arg0: i32) -> (i32, i32) {
    %c0_i32 = arith.constant 0 : i32
    %c0_i32_0 = arith.constant 0 : i32
    %c0_i32_1 = arith.constant 0 : i32
    return %c0_i32, %c0_i32_0 : i32, i32
  }
  func.func @transform_3(%arg0: i32) -> (i32, i32) {
    %c0_i32 = arith.constant 0 : i32
    %c0_i32_0 = arith.constant 0 : i32
    %c0_i32_1 = arith.constant 0 : i32
    return %c0_i32, %c0_i32_0 : i32, i32
  }
  func.func @transform_4(%arg0: i32) -> (i32, i32) {
    %c0_i32 = arith.constant 0 : i32
    %c0_i32_0 = arith.constant 0 : i32
    %c0_i32_1 = arith.constant 0 : i32
    return %c0_i32, %c0_i32_0 : i32, i32
  }
  func.func @transform_5(%arg0: i32) -> (i32, i32) {
    %c0_i32 = arith.constant 0 : i32
    %c0_i32_0 = arith.constant 0 : i32
    %c0_i32_1 = arith.constant 0 : i32
    return %c0_i32, %c0_i32_0 : i32, i32
  }
  func.func @transform_6(%arg0: i32) -> (i32, i32) {
    %c0_i32 = arith.constant 0 : i32
    %c0_i32_0 = arith.constant 0 : i32
    return %arg0, %c0_i32 : i32, i32
  }
  func.func @transform_7(%arg0: i32) -> (i32, i32) {
    %c0_i32 = arith.constant 0 : i32
    %c0_i32_0 = arith.constant 0 : i32
    return %arg0, %c0_i32 : i32, i32
  }
  func.func @transform_8(%arg0: i32) -> (i32, i32) {
    %c0_i32 = arith.constant 0 : i32
    %c0_i32_0 = arith.constant 0 : i32
    return %arg0, %c0_i32 : i32, i32
  }
  func.func @transform_9(%arg0: i32) -> (i32, i32) {
    %c0_i32 = arith.constant 0 : i32
    %c0_i32_0 = arith.constant 0 : i32
    %c0_i32_1 = arith.constant 0 : i32
    return %c0_i32, %c0_i32_0 : i32, i32
  }
}

module attributes {stable_mosaic.version = 14 : i64} {
  func.func @_t3_body(%arg0: i32, %arg1: memref<1024x128xf32, #tpu.memory_space<vmem>>, %arg2: memref<1024x16xf32, #tpu.memory_space<vmem>>, %arg3: memref<1x64xf32, #tpu.memory_space<vmem>>, %arg4: memref<1024x1xi32, #tpu.memory_space<vmem>>, %arg5: memref<64x10xf32, #tpu.memory_space<vmem>>, %arg6: memref<1x10xf32, #tpu.memory_space<vmem>>, %arg7: memref<32x10xf32, #tpu.memory_space<vmem>>, %arg8: memref<32x64xf32, #tpu.memory_space<vmem>>, %arg9: memref<32x128xf32, #tpu.memory_space<vmem>>) attributes {dimension_semantics = [#tpu.dimension_semantics<arbitrary>], iteration_bounds = array<i64: 10>, scalar_prefetch = 0 : i64, scratch_operands = 2 : i64, tpu.core_type = #tpu.core_type<tc>, window_params = [{transform_indices = @transform_0, window_bounds = array<i64: 1024, 128>}, {transform_indices = @transform_1, window_bounds = array<i64: 1024, 16>}, {pipeline_mode = #tpu.pipeline_mode<synchronous>, transform_indices = @transform_2, window_bounds = array<i64: 1, 64>}, {transform_indices = @transform_3, window_bounds = array<i64: 1024, 1>}, {pipeline_mode = #tpu.pipeline_mode<synchronous>, transform_indices = @transform_4, window_bounds = array<i64: 64, 10>}, {pipeline_mode = #tpu.pipeline_mode<synchronous>, transform_indices = @transform_5, window_bounds = array<i64: 1, 10>}, {pipeline_mode = #tpu.pipeline_mode<synchronous>, transform_indices = @transform_6, window_bounds = array<i64: 32, 10>}]} {
    %get3A = arith.constant 0 : index
    %get3A_0 = arith.constant 0 : index
    %get3A_1 = vector.load %arg2[%get3A, %get3A_0] : memref<1024x16xf32, #tpu.memory_space<vmem>>, vector<1024x16xf32>
    %reduce_sum3A = arith.constant dense<0.000000e+00> : vector<1024xf32>
    %reduce_sum3A_2 = vector.multi_reduction <add>, %get3A_1, %reduce_sum3A [1] : vector<1024x16xf32> to vector<1024xf32>
    %broadcast_in_dim3A = vector.shape_cast %reduce_sum3A_2 : vector<1024xf32> to vector<1024x1xf32>
    %get3A_3 = arith.constant 0 : index
    %get3A_4 = arith.constant 0 : index
    %get3A_5 = vector.load %arg1[%get3A_3, %get3A_4] : memref<1024x128xf32, #tpu.memory_space<vmem>>, vector<1024x64xf32>
    %max3A = arith.constant 1.000000e-16 : f32
    %max3A_6 = vector.broadcast %max3A : f32 to vector<1024x1xf32>
    %max3A_7 = arith.maximumf %broadcast_in_dim3A, %max3A_6 : vector<1024x1xf32>
    %div3A = vector.broadcast %max3A_7 : vector<1024x1xf32> to vector<1024x64xf32>
    %div3A_8 = arith.divf %get3A_5, %div3A : vector<1024x64xf32>
    %get3A_9 = arith.constant 0 : index
    %get3A_10 = arith.constant 0 : index
    %get3A_11 = vector.load %arg3[%get3A_9, %get3A_10] : memref<1x64xf32, #tpu.memory_space<vmem>>, vector<1x64xf32>
    %add3A = vector.broadcast %get3A_11 : vector<1x64xf32> to vector<1024x64xf32>
    %add3A_12 = arith.addf %div3A_8, %add3A : vector<1024x64xf32>
    %max3A_13 = arith.constant 0.000000e+00 : f32
    %max3A_14 = vector.broadcast %max3A_13 : f32 to vector<1024x64xf32>
    %max3A_15 = arith.maximumf %add3A_12, %max3A_14 : vector<1024x64xf32>
    %get3A_16 = arith.constant 0 : index
    %get3A_17 = arith.constant 0 : index
    %get3A_18 = vector.load %arg4[%get3A_16, %get3A_17] : memref<1024x1xi32, #tpu.memory_space<vmem>>, vector<1024x1xi32>
    %iota3A = tpu.iota {dimensions = array<i32: 1>} : vector<1x32xi32>
    %eq3A = vector.broadcast %get3A_18 : vector<1024x1xi32> to vector<1024x32xi32>
    %eq3A_19 = vector.broadcast %iota3A : vector<1x32xi32> to vector<1024x32xi32>
    %eq3A_20 = arith.cmpi eq, %eq3A, %eq3A_19 : vector<1024x32xi32>
    %convert_element_type3A = arith.extui %eq3A_20 : vector<1024x32xi1> to vector<1024x32xi32>
    %convert_element_type3A_21 = arith.sitofp %convert_element_type3A : vector<1024x32xi32> to vector<1024x32xf32>
    %eq3A_22 = arith.constant 0 : i32
    %eq3A_23 = arith.cmpi eq, %arg0, %eq3A_22 : i32
    %convert_element_type3A_24 = arith.extui %eq3A_23 : i1 to i32
    %cond3A = arith.constant 0 : i32
    %cond3A_25 = arith.cmpi ne, %convert_element_type3A_24, %cond3A : i32
    scf.if %cond3A_25 {
      %broadcast_in_dim3A_49 = arith.constant 0.000000e+00 : f32
      %broadcast_in_dim3A_50 = vector.broadcast %broadcast_in_dim3A_49 : f32 to vector<32x64xf32>
      %swap3A_51 = arith.constant 0 : index
      %swap3A_52 = arith.constant 0 : index
      %swap3A_53 = vector.load %arg8[%swap3A_51, %swap3A_52] : memref<32x64xf32, #tpu.memory_space<vmem>>, vector<32x64xf32>
      tpu.vector_store %arg8[%swap3A_51, %swap3A_52], %broadcast_in_dim3A_50 {strides = array<i32>} : memref<32x64xf32, #tpu.memory_space<vmem>>, vector<32x64xf32>,
      %broadcast_in_dim3A_54 = arith.constant 0.000000e+00 : f32
      %broadcast_in_dim3A_55 = vector.broadcast %broadcast_in_dim3A_54 : f32 to vector<32x128xf32>
      %swap3A_56 = arith.constant 0 : index
      %swap3A_57 = arith.constant 0 : index
      %swap3A_58 = vector.load %arg9[%swap3A_56, %swap3A_57] : memref<32x128xf32, #tpu.memory_space<vmem>>, vector<32x128xf32>
      tpu.vector_store %arg9[%swap3A_56, %swap3A_57], %broadcast_in_dim3A_55 {strides = array<i32>} : memref<32x128xf32, #tpu.memory_space<vmem>>, vector<32x128xf32>,
    } else {
    }
    %get3A_26 = arith.constant 0 : index
    %get3A_27 = arith.constant 0 : index
    %get3A_28 = vector.load %arg8[%get3A_26, %get3A_27] : memref<32x64xf32, #tpu.memory_space<vmem>>, vector<32x64xf32>
    %dot_general3A = arith.constant dense<0.000000e+00> : vector<32x64xf32>
    %dot_general3A_29 = tpu.matmul %convert_element_type3A_21, %max3A_15, %dot_general3A {dimension_numbers = #tpu.dot_dimension_numbers<[0], [0], [1], [1], [0, 1, 1, 1], [], []>, transpose_lhs_hint = false} : vector<1024x32xf32>, vector<1024x64xf32>, vector<32x64xf32> -> vector<32x64xf32>
    %add3A_30 = arith.addf %get3A_28, %dot_general3A_29 : vector<32x64xf32>
    %swap3A = arith.constant 0 : index
    %swap3A_31 = arith.constant 0 : index
    %swap3A_32 = vector.load %arg8[%swap3A, %swap3A_31] : memref<32x64xf32, #tpu.memory_space<vmem>>, vector<32x64xf32>
    tpu.vector_store %arg8[%swap3A, %swap3A_31], %add3A_30 {strides = array<i32>} : memref<32x64xf32, #tpu.memory_space<vmem>>, vector<32x64xf32>,
    %get3A_33 = arith.constant 0 : index
    %get3A_34 = arith.constant 0 : index
    %get3A_35 = vector.load %arg9[%get3A_33, %get3A_34] : memref<32x128xf32, #tpu.memory_space<vmem>>, vector<32x128xf32>
    %broadcast_in_dim3A_36 = arith.constant 1.000000e+00 : f32
    %broadcast_in_dim3A_37 = vector.broadcast %broadcast_in_dim3A_36 : f32 to vector<1024x128xf32>
    %dot_general3A_38 = arith.constant dense<0.000000e+00> : vector<32x128xf32>
    %dot_general3A_39 = tpu.matmul %convert_element_type3A_21, %broadcast_in_dim3A_37, %dot_general3A_38 {dimension_numbers = #tpu.dot_dimension_numbers<[0], [0], [1], [1], [0, 1, 1, 1], [], []>, transpose_lhs_hint = false} : vector<1024x32xf32>, vector<1024x128xf32>, vector<32x128xf32> -> vector<32x128xf32>
    %add3A_40 = arith.addf %get3A_35, %dot_general3A_39 : vector<32x128xf32>
    %swap3A_41 = arith.constant 0 : index
    %swap3A_42 = arith.constant 0 : index
    %swap3A_43 = vector.load %arg9[%swap3A_41, %swap3A_42] : memref<32x128xf32, #tpu.memory_space<vmem>>, vector<32x128xf32>
    tpu.vector_store %arg9[%swap3A_41, %swap3A_42], %add3A_40 {strides = array<i32>} : memref<32x128xf32, #tpu.memory_space<vmem>>, vector<32x128xf32>,
    %eq3A_44 = arith.constant 9 : i32
    %eq3A_45 = arith.cmpi eq, %arg0, %eq3A_44 : i32
    %convert_element_type3A_46 = arith.extui %eq3A_45 : i1 to i32
    %cond3A_47 = arith.constant 0 : i32
    %cond3A_48 = arith.cmpi ne, %convert_element_type3A_46, %cond3A_47 : i32
    scf.if %cond3A_48 {
      %get3A_49 = arith.constant 0 : index
      %get3A_50 = arith.constant 0 : index
      %get3A_51 = vector.load %arg9[%get3A_49, %get3A_50] : memref<32x128xf32, #tpu.memory_space<vmem>>, vector<32x1xf32>
      %get3A_52 = arith.constant 0 : index
      %get3A_53 = arith.constant 0 : index
      %get3A_54 = vector.load %arg8[%get3A_52, %get3A_53] : memref<32x64xf32, #tpu.memory_space<vmem>>, vector<32x64xf32>
      %max3A_55 = arith.constant 1.000000e+00 : f32
      %max3A_56 = vector.broadcast %max3A_55 : f32 to vector<32x1xf32>
      %max3A_57 = arith.maximumf %get3A_51, %max3A_56 : vector<32x1xf32>
      %div3A_58 = vector.broadcast %max3A_57 : vector<32x1xf32> to vector<32x64xf32>
      %div3A_59 = arith.divf %get3A_54, %div3A_58 : vector<32x64xf32>
      %get3A_60 = arith.constant 0 : index
      %get3A_61 = arith.constant 0 : index
      %get3A_62 = vector.load %arg5[%get3A_60, %get3A_61] : memref<64x10xf32, #tpu.memory_space<vmem>>, vector<64x10xf32>
      %dot_general3A_63 = arith.constant dense<0.000000e+00> : vector<32x10xf32>
      %dot_general3A_64 = tpu.matmul %div3A_59, %get3A_62, %dot_general3A_63 {dimension_numbers = #tpu.dot_dimension_numbers<[1], [0], [0], [1], [0, 0, 1, 1], [], []>, transpose_lhs_hint = false} : vector<32x64xf32>, vector<64x10xf32>, vector<32x10xf32> -> vector<32x10xf32>
      %get3A_65 = arith.constant 0 : index
      %get3A_66 = arith.constant 0 : index
      %get3A_67 = vector.load %arg6[%get3A_65, %get3A_66] : memref<1x10xf32, #tpu.memory_space<vmem>>, vector<1x10xf32>
      %add3A_68 = vector.broadcast %get3A_67 : vector<1x10xf32> to vector<32x10xf32>
      %add3A_69 = arith.addf %dot_general3A_64, %add3A_68 : vector<32x10xf32>
      %swap3A_70 = arith.constant 0 : index
      %swap3A_71 = arith.constant 0 : index
      %swap3A_72 = vector.load %arg7[%swap3A_70, %swap3A_71] : memref<32x10xf32, #tpu.memory_space<vmem>>, vector<32x10xf32>
      tpu.vector_store %arg7[%swap3A_70, %swap3A_71], %add3A_69 {strides = array<i32>} : memref<32x10xf32, #tpu.memory_space<vmem>>, vector<32x10xf32>,
    } else {
    }
    return
  }
  func.func @transform_0(%arg0: i32) -> (i32, i32) {
    %c0_i32 = arith.constant 0 : i32
    %c0_i32_0 = arith.constant 0 : i32
    return %arg0, %c0_i32 : i32, i32
  }
  func.func @transform_1(%arg0: i32) -> (i32, i32) {
    %c0_i32 = arith.constant 0 : i32
    %c0_i32_0 = arith.constant 0 : i32
    return %arg0, %c0_i32 : i32, i32
  }
  func.func @transform_2(%arg0: i32) -> (i32, i32) {
    %c0_i32 = arith.constant 0 : i32
    %c0_i32_0 = arith.constant 0 : i32
    %c0_i32_1 = arith.constant 0 : i32
    return %c0_i32, %c0_i32_0 : i32, i32
  }
  func.func @transform_3(%arg0: i32) -> (i32, i32) {
    %c0_i32 = arith.constant 0 : i32
    %c0_i32_0 = arith.constant 0 : i32
    return %arg0, %c0_i32 : i32, i32
  }
  func.func @transform_4(%arg0: i32) -> (i32, i32) {
    %c0_i32 = arith.constant 0 : i32
    %c0_i32_0 = arith.constant 0 : i32
    %c0_i32_1 = arith.constant 0 : i32
    return %c0_i32, %c0_i32_0 : i32, i32
  }
  func.func @transform_5(%arg0: i32) -> (i32, i32) {
    %c0_i32 = arith.constant 0 : i32
    %c0_i32_0 = arith.constant 0 : i32
    %c0_i32_1 = arith.constant 0 : i32
    return %c0_i32, %c0_i32_0 : i32, i32
  }
  func.func @transform_6(%arg0: i32) -> (i32, i32) {
    %c0_i32 = arith.constant 0 : i32
    %c0_i32_0 = arith.constant 0 : i32
    %c0_i32_1 = arith.constant 0 : i32
    return %c0_i32, %c0_i32_0 : i32, i32
  }
}

</mosaic_0001>

<sc_bundles>
// kernel: kernel.10.cloned.1.call-start
scs
__scs_entry_jumppad:
0x0: {  	(pc) =	sbr.rel $0x88, $3  }
0x1: {  	(tag) =	ssettag $0x0;
	lr =	simm.s32 $0x1  }
0x2: {  	[smem:$0x3F94] =	sst lr;
	_ =	strace $0xD0000000  }
0x3: {  	_ = 	snop  }
0x4: {  	_ = 	snop  }
0x5: {  	_ = 	snop  }
0x6: {  	_ = 	snop  }
0x7: {  	_ = 	snop  }
__scs_overlays_trampoline_lowered:
0x8: {  	[smem:$0x3FA3] =	sst s0  }
0x9: {  	[smem:$0x3FA4] =	sst s1  }
0xa: {  	[smem:$0x3FA5] =	sst s2  }
0xb: {  	[smem:$0x3FA6] =	sst s3  }
0xc: {  	[smem:$0x3FA7] =	sst s4  }
0xd: {  	[smem:$0x3FA8] =	sst s5  }
0xe: {  	[smem:$0x3FA9] =	sst s6  }
0xf: {  	[smem:$0x3FAA] =	sst s7  }
0x10: {  	[smem:$0x3FAB] =	sst s8  }
0x11: {  	[smem:$0x3FAC] =	sst s9;
	s0 =	simm.s32 @!p0 $0x0  }
0x12: {  	s1 =	sld [smem:$0x3F92];
	s0 =	simm.s32 @p0 $0x1  }
0x13: {  	[smem:$0x3FAD] =	sst s0;
	s0 =	simm.s32 @!p1 $0x0  }
0x14: {  	s2 =	sld [smem:$0x3F91];
	s0 =	simm.s32 @p1 $0x1  }
0x15: {  	[smem:$0x3FAE] =	sst s0;
	s0 =	simm.s32 @!p2 $0x0  }
0x16: {  	s3 =	sld [smem:$0x3FDB];
	s0 =	simm.s32 @p2 $0x1  }
0x17: {  	s4 =	simm.s32 $0x1BF5;
	[smem:$0x3FB0] =	sst s0  }
0x18: {  	s0 =	sld [smem:$0x3F93];
	_ =	swait.ge [sflag:s4], $0x0  }
0x19: {  	s7 =	sld [smem:$0x3F94]  }
0x1a: {  	s8 =	sadd.s32 $0xFFFFE003, lr  }
0x1b: {  	s9 =	sadd.s32 $0xFFFFFEF7, lr;
	s5 =	simm.s32 $0xFFFFFFFF;
	p2 =	slt.u32 s8, $0xFFFFF086  }
0x1c: {  	p1 =	slt.u32 s9, $0xF7A;
	s5 =	simm.s32 @!p2 $0x0  }
0x1d: {  	s5 =	simm.s32 @p1 $0x1;
	p0 =	seq.s32 s7, s2  }
0x1e: {  	s7 =	smul.u32 @!p0 $0xF7A, s2;
	p2 =	seq.s32 @!p0 s5, $0x0  }
0x1f: {  	s9 =	smul.u32 $0xF7A, s1;
	s8 =	simm.s32 @!p0 $0x1BF5;
	p2 =	por !p2, p0  }
0x20: {  	[sflag:s8] =	ssyncset.s32 @!p0 $0xFFFFF086;
	s6 =	sadd.s32 @!p0 s3, s7;
	s7 =	simm.s32 @!p0 $0x108  }
0x21: {  	s3 =	sadd.s32 s3, s9;
	s6 =	sadd.s32 @!p0 $0x88, s6;
	s7 =	simm.s32 @p2 $0x1082  }
0x22: {  	[simem:s7], [sflag:s8] =	dma.local @!p0 [hbm:s6], $0xF7A  }
0x23: {  	s9 =	sor.u32 $0xD0000000, s2;
	s6 =	simm.s32 $0x108;
	_ =	swait.ge @!p0 [sflag:s8], $0x0  }
0x24: {  	s3 =	sadd.s32 $0x88, s3;
	s6 =	simm.s32 @!p1 $0x1082;
	[sflag:s4] =	ssyncset.s32 $0xFFFFF086  }
0x25: {  	[simem:s6], [sflag:s4] =	dma.local [hbm:s3], $0xF7A  }
0x26: {  	[smem:$0x3F94] =	sst s1;
	(tag) =	ssettag s2;
	_ =	strace s9  }
0x27: {  	s1 =	sld [smem:$0x3FA4]  }
0x28: {  	s2 =	sld [smem:$0x3FA5]  }
0x29: {  	s4 =	sld [smem:$0x3FA7]  }
0x2a: {  	p0 =	seq.s32 s5, $0x0;
	s5 =	sld [smem:$0x3FA8]  }
0x2b: {  	s6 =	sld [smem:$0x3FA9]  }
0x2c: {  	s7 =	sld [smem:$0x3FAA]  }
0x2d: {  	s3 =	simm.s32 $0x108;
	s8 =	sld [smem:$0x3FAB]  }
0x2e: {  	s3 =	simm.s32 @!p0 $0x1082;
	s9 =	sld [smem:$0x3FAC]  }
0x2f: {  	lr =	sadd.s32 s0, s3;
	s0 =	sld [smem:$0x3FA3]  }
0x30: {  	s3 =	sld [smem:$0x3FA6]  }
0x31: {  	[smem:$0x3FAF] =	sst s10  }
0x32: {  	s10 =	sld [smem:$0x3FAD];
	_ =	sdelay $0x3  }
0x33: {  	p0 =	seq.s32 s10, $0x1;
	s10 =	sld [smem:$0x3FAF];
	_ =	sdelay $0x3  }
0x34: {  	[smem:$0x3FAF] =	sst s10  }
0x35: {  	s10 =	sld [smem:$0x3FAE];
	_ =	sdelay $0x3  }
0x36: {  	p1 =	seq.s32 s10, $0x1;
	s10 =	sld [smem:$0x3FAF];
	_ =	sdelay $0x3  }
0x37: {  	[smem:$0x3FAF] =	sst s10  }
0x38: {  	s10 =	sld [smem:$0x3FB0]  }
0x39: {  	_ = 	snop;
	(pc) =	sbr.ind lr, $3  }
0x3a: {  	_ = 	snop  }
0x3b: {  	_ = 	snop  }
0x3c: {  	p2 =	seq.s32 s10, $0x1;
	s10 =	sld [smem:$0x3FAF]  }
0x3d: {  	_ =	shalt  }
0x3e: {  	_ =	shalt  }
0x3f: {  	_ =	shalt  }
0x40: {  	_ =	shalt  }
0x41: {  	_ =	shalt  }
0x42: {  	_ =	shalt  }
0x43: {  	_ =	shalt  }
0x44: {  	_ =	shalt  }
0x45: {  	_ =	shalt  }
0x46: {  	_ =	shalt  }
0x47: {  	_ =	shalt  }
0x48: {  	_ =	shalt  }
0x49: {  	_ =	shalt  }
0x4a: {  	_ =	shalt  }
0x4b: {  	_ =	shalt  }
0x4c: {  	_ =	shalt  }
0x4d: {  	_ =	shalt  }
0x4e: {  	_ =	shalt  }
0x4f: {  	_ =	shalt  }
0x50: {  	_ =	shalt  }
0x51: {  	_ =	shalt  }
0x52: {  	_ =	shalt  }
0x53: {  	_ =	shalt  }
0x54: {  	_ =	shalt  }
0x55: {  	_ =	shalt  }
0x56: {  	_ =	shalt  }
0x57: {  	_ =	shalt  }
0x58: {  	_ =	shalt  }
0x59: {  	_ =	shalt  }
0x5a: {  	_ =	shalt  }
0x5b: {  	_ =	shalt  }
0x5c: {  	_ =	shalt  }
0x5d: {  	_ =	shalt  }
0x5e: {  	_ =	shalt  }
0x5f: {  	_ =	shalt  }
0x60: {  	_ =	shalt  }
0x61: {  	_ =	shalt  }
0x62: {  	_ =	shalt  }
0x63: {  	_ =	shalt  }
0x64: {  	_ =	shalt  }
0x65: {  	_ =	shalt  }
0x66: {  	_ =	shalt  }
0x67: {  	_ =	shalt  }
0x68: {  	_ =	shalt  }
0x69: {  	_ =	shalt  }
0x6a: {  	_ =	shalt  }
0x6b: {  	_ =	shalt  }
0x6c: {  	_ =	shalt  }
0x6d: {  	_ =	shalt  }
0x6e: {  	_ =	shalt  }
0x6f: {  	_ =	shalt  }
0x70: {  	_ =	shalt  }
0x71: {  	_ =	shalt  }
0x72: {  	_ =	shalt  }
0x73: {  	_ =	shalt  }
0x74: {  	_ =	shalt  }
0x75: {  	_ =	shalt  }
0x76: {  	_ =	shalt  }
0x77: {  	_ =	shalt  }
0x78: {  	_ =	shalt  }
0x79: {  	_ =	shalt  }
0x7a: {  	_ =	shalt  }
0x7b: {  	_ =	shalt  }
0x7c: {  	_ =	shalt  }
0x7d: {  	_ =	shalt  }
0x7e: {  	_ =	shalt  }
0x7f: {  	_ =	shalt  }
0x80: {  	_ =	shalt  }
0x81: {  	_ =	shalt  }
0x82: {  	_ =	shalt  }
0x83: {  	_ =	shalt  }
0x84: {  	_ =	shalt  }
0x85: {  	_ =	shalt  }
0x86: {  	_ =	shalt  }
0x87: {  	_ =	shalt  }
.Lfunc_end0:
.L_simem_size_0:
called_computation.1_lowered:
.L_overlay_start_0:
0x88: {  	s2 =	sld [smem:$0x3FD9]  }
0x89: {  	s3 =	sld [smem:$0x3FFE];
	_ =	sdelay $0x1  }
0x8a: {  	s1 =	srdreg.scid  }
0x8b: {  	s0 =	sand.u32 $0x1, s1  }
0x8c: {  	s17 =	sshll.u32 s0, $0xA;
	s2 =	sadd.s32 s3, s2  }
0x8d: {  	s2 =	sadd.s32 s2, s17  }
0x8e: {  	[smem:$0x3FBB] =	sst s2  }
0x8f: {  	_ = 	snop  }
0x90: {  	s2 =	sld [smem:$0x3FD0];
	(tm) =	ssettm $0x1  }
0x91: {  	s18 =	sld [smem:$0x3FFB];
	_ =	sdelay $0x3  }
0x92: {  	_ =	strace s18  }
0x93: {  	s3 =	sld [smem:$0x3FFC];
	_ =	sdelay $0x3  }
0x94: {  	_ =	strace s3  }
0x95: {  	s3 =	sld [smem:$0x3FFD];
	_ =	sdelay $0x3  }
0x96: {  	_ =	strace s3  }
0x97: {  	_ =	strace $0x8FFFFFFF  }
0x98: {  	s19 =	sld [smem:$0x3FDB];
	_ =	sdelay $0x1  }
0x99: {  	s4 =	simm.s32 $_scs_section_size  }
0x9a: {  	s5 =	simm.s32 $_size__tile_overlayer_lowered;
	s6 =	simm.s32 $_tile_overlayer_lowered  }
0x9b: {  	s22 =	simm.s32 $0x1BFF;
	s21 =	sshll.u32 s6, $0x1;
	s3 =	sadd.s32 s4, s19  }
0x9c: {  	s7 =	simm.s32 $0x0;
	s20 =	sshll.u32 s5, $0x1;
	s5 =	sadd.s32 s21, s3  }
0x9d: {  	[timem:s7], [sflag:s22] =	dma.local [hbm:s5], s20  }
0x9e: {  	_ =	swait.ge [sflag:s22], s20  }
0x9f: {  	s4 =	ssub.s32 $0x0, s20;
	[sflag:s22] =	ssyncset.done $0x0  }
0xa0: {  	[sflag:s22] =	ssyncadd.s32 s4;
	_ =	sdelay $0x1  }
0xa1: {  	s23 =	simm.s32 $0x1B8B  }
0xa2: {  	_ =	swait.ge [sflag:s23], $0x1  }
0xa3: {  	[sflag:s23] =	ssyncset.done $0x0  }
0xa4: {  	s25 =	simm.s32 $0x1B8E;
	s24 =	sld [smem:$0x3FFE];
	[sflag:s23] =	ssyncadd.s32 $0xFFFFFFFF  }
0xa5: {  	s26 =	simm.s32 $execute0_lowered;
	[smem:$0x3FD2] =	sst s25  }
0xa6: {  	s5 =	sshll.u32 s26, $0x1;
	_ =	strace $0x80000049;
	[dreg:$0x1] =	wrdreg $0xFFFFFFFF  }
0xa7: {  	s28 =	simm.s32 $_size_execute0_lowered;
	s3 =	sadd.s32 s3, s5;
	[dreg:$0x0] =	wrdreg $0x0  }
0xa8: {  	s5 =	sshll.u32 s28, $0x1;
	[dreg:$0x2] =	wrdreg s3  }
0xa9: {  	[dreg:$0x3] =	wrdreg s5  }
0xaa: {  	[dreg:$0x4] =	wrdreg $0xC0  }
0xab: {  	_ =	task [dreg:s7], $0x5FFFF  }
0xac: {  	[dreg:$0x1] =	wrdreg $0xFFFFFFFF  }
0xad: {  	[dreg:$0x0] =	wrdreg $0x60  }
0xae: {  	[dreg:$0x2] =	wrdreg s24  }
0xaf: {  	[dreg:$0x3] =	wrdreg s2  }
0xb0: {  	[dreg:$0x4] =	wrdreg $0x0  }
0xb1: {  	[dreg:$0x5] =	wrdreg $0xA0000  }
0xb2: {  	[dreg:$0x6] =	wrdreg $0x9  }
0xb3: {  	_ =	task.clear_ibuf [dreg:s7], $0x7FFFF;
	_ =	strace $0x90000049  }
0xb4: {  	s29 =	simm.s32 $0x9;
	_ =	strace $0x8000004B  }
0xb5: {  	_ =	swait.ge [sflag:s29], $0x1  }
0xb6: {  	[sflag:s29] =	ssyncadd.s32 $0xFFFFFFFF  }
0xb7: {  	_ =	strace $0x9000004B  }
0xb8: {  	_ =	sfence  }
0xb9: {  	s30 =	sld [smem:$0x0];
	_ =	sdelay $0x2  }
0xba: {  	s31 =	sshll.u32 s1, $0xD;
	s1 =	sshrl.u32 s1, $0x2  }
0xbb: {  	s3 =	sand.u32 $0x4000, s31;
	s1 =	sadd.s32 s1, s30  }
0xbc: {  	s0 =	sor.u32 s3, s0;
	s1 =	sshll.u32 s1, $0x11  }
0xbd: {  	s0 =	sor.u32 s1, s0  }
0xbe: {  	s0 =	sadd.s32 $0x8F2B, s0  }
0xbf: {  	[sflag:s0] =	ssyncadd.remote.s32 $0x1  }
0xc0: {  	_ =	sfence.sel $0xFFFF  }
0xc1: {  	[dreg:$0x0] =	wrdreg $0xFFFFFFFF;
	(pc) =	sbr.abs _section_cstart, $3  }
0xc2: {  	[dreg:$0x1] =	wrdreg $0xFFFFFFFF  }
0xc3: {  	_ =	task.clear_ibuf [dreg:s7], $0x2FFFF;
	_ =	strace $0x9FFFFFFF  }
0xc4: {  	(tm) =	ssettm $0x7FFFFFFF  }
0xc5: {  	_ =	shalt  }
tec
execute0_lowered:
.L_overlay_start_1:
0x0: {  	(tag) =	ssettag $0x1  }
0x1: {  	s1 =	stileid.u32  }
0x2: {  	s0 =	srdreg.scid;
	s3 =	ssub.s32 $0x8, s1  }
0x3: {  	s1 =	sand.u32 $0x1, s0;
	p0 =	sgt.s32 s3, $0x0  }
0x4: {  	s0 =	ssub.s32 $0x2, s1;
	s3 =	simm.s32 @!p0 $0x0  }
0x5: {  	s4 =	sshrl.u32 s0, $0x1;
	s5 =	sadd.s32 $0xF, s3  }
0x6: {  	s0 =	ssub.s32 s0, s4;
	s5 =	sshrl.u32 s5, $0x4  }
0x7: {  	s0 =	smul.u32 s0, s5;
	_ =	sdelay $0x1  }
0x8: {  	p0 =	seq.s32 s0, $0x0  }
.Ltmp0:
0x9: {  	s2 =	rddreg [dreg:$0x0];
	s6 =	simm.s32 $0x0;
	(pc) =	sbr.rel @p0 .LBB2_13-.Ltmp0, $4  }
0xa: {  	[smem:$0x7FF] =	sst s6  }
0xb: {  	s3 =	rddreg [dreg:$0x2]  }
0xc: {  	[dreg:$0x5] =	wrdreg s0  }
0xd: {  	s4 =	rddreg [dreg:$0x3];
	_ =	strace $0x8000004A  }
0xe: {  	s13 =	stileid.u32  }
0xf: {  	s0 =	smul.u32 $0x14000, s13;
	_ =	sdelay $0x1  }
0x10: {  	s14 =	sadd.s32 $0x3F000, s2;
	s17 =	sor.u32 $0x1000, s0  }
0x11: {  	s5 =	smul.u32 $0x1400, s1;
	[dreg:$0x6] =	wrdreg s14;
	s12 =	sadd.s32 s17, s3  }
0x12: {  	s18 =	sor.u32 $0x2000, s0;
	s1 =	sadd.s32 s17, s4;
	[dreg:$0x7] =	wrdreg s12  }
0x13: {  	s20 =	sor.u32 $0x3000, s0;
	s19 =	sadd.s32 s18, s3;
	[dreg:$0x8] =	wrdreg s1  }
0x14: {  	s22 =	sadd.s32 $0x4000, s0;
	s21 =	sadd.s32 s20, s3;
	[dreg:$0x9] =	wrdreg s19  }
0x15: {  	s24 =	sadd.s32 $0x5000, s0;
	s23 =	sadd.s32 s22, s3;
	[dreg:$0xb] =	wrdreg s21  }
0x16: {  	s26 =	sadd.s32 $0x6000, s0;
	s25 =	sadd.s32 s24, s3;
	[dreg:$0xd] =	wrdreg s23  }
0x17: {  	s29 =	sadd.s32 $0x7000, s0;
	s28 =	sadd.s32 s26, s3;
	[dreg:$0xf] =	wrdreg s25  }
0x18: {  	s15 =	sadd.s32 $0x8000, s0;
	s30 =	sadd.s32 s29, s3;
	[dreg:$0x11] =	wrdreg s28  }
0x19: {  	s7 =	sadd.s32 $0x17000, s2;
	s16 =	sadd.s32 s15, s3;
	[dreg:$0x13] =	wrdreg s30  }
0x1a: {  	s8 =	sadd.s32 $0xD200, s2;
	s12 =	sadd.s32 s18, s4;
	[dreg:$0x15] =	wrdreg s16  }
0x1b: {  	s9 =	sadd.s32 $0x3400, s2;
	s1 =	sadd.s32 s20, s4;
	[dreg:$0xa] =	wrdreg s12  }
0x1c: {  	s10 =	sadd.s32 $0x3FA00, s2;
	s18 =	sadd.s32 s15, s4;
	[dreg:$0xc] =	wrdreg s1  }
0x1d: {  	s2 =	sadd.s32 $0x67A00, s2;
	s12 =	sadd.s32 s22, s4;
	[dreg:$0x16] =	wrdreg s18  }
0x1e: {  	s19 =	sadd.s32 $0x9000, s0;
	s1 =	sadd.s32 s24, s4;
	[dreg:$0xe] =	wrdreg s12  }
0x1f: {  	s11 =	smul.u32 $0x280, s13;
	s20 =	sadd.s32 s19, s3;
	[dreg:$0x10] =	wrdreg s1  }
0x20: {  	s23 =	sadd.s32 $0xB000, s0;
	s21 =	sadd.s32 s19, s4;
	[dreg:$0x19] =	wrdreg s20  }
0x21: {  	s28 =	sadd.s32 $0xC000, s0;
	s25 =	sadd.s32 s23, s3;
	[dreg:$0x1a] =	wrdreg s21  }
0x22: {  	s16 =	sadd.s32 $0xF000, s0;
	s30 =	sadd.s32 s28, s3;
	[dreg:$0x1d] =	wrdreg s25  }
0x23: {  	p0 =	sne.s32 s13, $0x0;
	s18 =	sadd.s32 s16, s3;
	[dreg:$0x1f] =	wrdreg s30  }
0x24: {  	s31 =	smul.u32 $0x4E2, s13;
	s19 =	sadd.s32 s16, s4;
	[smem:$0x7F2] =	sst s18  }
0x25: {  	s13 =	simm.s32 $0x2;
	s17 =	sadd.s32 s11, s5;
	[smem:$0x7F3] =	sst s19  }
0x26: {  	s15 =	sadd.s32 $0xE000, s0;
	s12 =	sadd.s32 s26, s4;
	s30 =	rddreg [dreg:$0x1]  }
0x27: {  	s22 =	sadd.s32 $0xA000, s0;
	s1 =	sadd.s32 s29, s4;
	[dreg:$0x12] =	wrdreg s12  }
0x28: {  	s16 =	simm.s32 $0xB480;
	s24 =	sadd.s32 s22, s3;
	[dreg:$0x14] =	wrdreg s1  }
0x29: {  	s26 =	sadd.s32 s23, s4;
	s29 =	sadd.s32 $0xD000, s0;
	[dreg:$0x1b] =	wrdreg s24  }
0x2a: {  	s20 =	sadd.s32 $0x10000, s0;
	[dreg:$0x1e] =	wrdreg s26;
	s11 =	sadd.s32 s29, s3  }
0x2b: {  	s21 =	sadd.s32 $0x11000, s0;
	s12 =	sadd.s32 s29, s4;
	[smem:$0x7EE] =	sst s11  }
0x2c: {  	s1 =	sshll.u32 s17, $0x4;
	s17 =	sadd.s32 s15, s3;
	[smem:$0x7EF] =	sst s12  }
0x2d: {  	s25 =	sadd.s32 $0x12000, s0;
	s23 =	sadd.s32 s21, s3;
	[smem:$0x7F0] =	sst s17  }
0x2e: {  	s18 =	simm.s32 $0x11600;
	s24 =	sadd.s32 s21, s4;
	[smem:$0x7F6] =	sst s23  }
0x2f: {  	s19 =	simm.s32 $0x4;
	s26 =	sadd.s32 s25, s3;
	[smem:$0x7F7] =	sst s24  }
0x30: {  	s29 =	sadd.s32 $0x500, s14;
	s14 =	simm.s32 $0x3;
	[smem:$0x7F8] =	sst s26  }
0x31: {  	s21 =	simm.s32 $0x0;
	s10 =	sadd.s32 s10, s1;
	[smem:$0x7FC] =	sst s29  }
0x32: {  	s1 =	sadd.s32 s2, s1;
	s23 =	sadd.s32 s0, s4;
	[dreg:$0x17] =	wrdreg s10  }
0x33: {  	s2 =	simm.s32 $0xB500;
	[dreg:$0x18] =	wrdreg s1;
	s1 =	sadd.s32 s22, s4  }
0x34: {  	s11 =	simm.s32 $0x10600;
	s22 =	sadd.s32 s20, s3;
	[dreg:$0x1c] =	wrdreg s1  }
0x35: {  	s1 =	sadd.s32 s28, s4;
	[smem:$0x7F4] =	sst s22;
	s22 =	sadd.s32 s0, s3  }
0x36: {  	s0 =	sadd.s32 $0x13000, s0;
	[smem:$0x7ED] =	sst s1;
	s1 =	sadd.s32 s15, s4  }
0x37: {  	s12 =	simm.s32 $0x11680;
	s28 =	sadd.s32 s0, s3;
	[smem:$0x7F1] =	sst s1  }
0x38: {  	s17 =	simm.s32 $0x20;
	s0 =	sadd.s32 s0, s4;
	[smem:$0x7FA] =	sst s28  }
0x39: {  	s10 =	simm.s32 $0x1;
	s1 =	sadd.s32 s20, s4;
	[smem:$0x7FB] =	sst s0  }
0x3a: {  	s15 =	simm.s32 $0xB400;
	s0 =	sadd.s32 $0x10, s30;
	[smem:$0x7F5] =	sst s1  }
0x3b: {  	v0 =	vimm.f32 $0.0e+00;
	vm0 =	vcmask $0x300;
	s20 =	simm.s32 $0x5;
	s1 =	sadd.s32 s25, s4;
	[smem:$0x7FD] =	sst s0  }
0x3c: {  	v2 =	vsel vm0, $0x3F800000, v0;
	v1 =	vmov s5;
	s0 =	simm.s32 $0xDD00;
	[smem:$0x7F9] =	sst s1;
	s1 =	simm.s32 $0x6  }
.LBB2_2:
0x3d: {  	s5 =	simm.s32 @!p0 $0x0;
	s24 =	rddreg [dreg:$0x6]  }
0x3e: {  	[smem:$0x0] =	sst @!p0 s5  }
0x3f: {  	[smem:$0x1] =	sst @!p0 s5;
	s5 =	simm.s32 $0x0  }
0x40: {  	[tilespmem:s2], [sflag:$0x6] =	stream.linear.gather [hbm4b:s24+s5], $0x2800, $0x38;
	[tilespmem:$0x12680] =	vst v63  }
0x41: {  	_ =	swait.ge [sflag:s1], $0x2800  }
0x42: {  	s26 =	sld [smem:$0x7FC]  }
0x43: {  	[sflag:s1] =	ssyncset.done $0x0  }
0x44: {  	[sflag:s1] =	ssyncadd.s32 $0xFFFFD800  }
0x45: {  	[tilespmem:s0], [sflag:$0x6] =	stream.linear.gather [hbm4b:s26+s5], $0x2800, $0x38;
	[tilespmem:$0x12680] =	vst v63  }
0x46: {  	_ =	swait.ge [sflag:s1], $0x2800  }
0x47: {  	[sflag:s1] =	ssyncset.done $0x0  }
0x48: {  	[sflag:s1] =	ssyncadd.s32 $0xFFFFD800  }
0x49: {  	s25 =	simm.s32 $0x10500;
	s28 =	rddreg [dreg:$0x1]  }
0x4a: {  	[tilespmem:s25], [sflag:$0x6] =	stream.linear.gather [hbm4b:s28+s5], $0x10, $0x38;
	[tilespmem:$0x12680] =	vst v63  }
0x4b: {  	_ =	swait.ge [sflag:s1], $0x10  }
0x4c: {  	s29 =	sld [smem:$0x7FD]  }
0x4d: {  	[sflag:s1] =	ssyncset.done $0x0  }
0x4e: {  	s30 =	simm.s32 $0x10580;
	[sflag:s1] =	ssyncadd.s32 $0xFFFFFFF0  }
0x4f: {  	[tilespmem:s30], [sflag:$0x6] =	stream.linear.gather [hbm4b:s29+s5], $0x10, $0x38;
	[tilespmem:$0x12680] =	vst v63  }
0x50: {  	_ =	swait.ge [sflag:s1], $0x10  }
0x51: {  	[sflag:s1] =	ssyncset.done $0x0  }
0x52: {  	[sflag:s1] =	ssyncadd.s32 $0xFFFFFFF0  }
0x53: {  	v3 =	vld [tilespmem:$0x10500]  }
0x54: {  	s24 =	simm.s32 $0x200;
	s5 =	simm.s32 $0x0;
	v4 =	vld [tilespmem:$0x10580]  }
.LBB2_3:
0x55: {  	p1 =	sne.s32 s24, $0x3E00;
	[tilespmem:s5+$0x11680] =	vst v0  }
0x56: {  	[tilespmem:s5+$0x10600] =	vst v0  }
0x57: {  	[tilespmem:s5+$0x10610] =	vst v0  }
0x58: {  	[tilespmem:s5+$0x10620] =	vst v0  }
.Ltmp1:
0x59: {  	[tilespmem:s5+$0x10630] =	vst v0;
	(pc) =	sbr.rel @p1 .LBB2_3-.Ltmp1, $4  }
0x5a: {  	[tilespmem:s5+$0x10640] =	vst v0  }
0x5b: {  	[tilespmem:s5+$0x10650] =	vst v0  }
0x5c: {  	[tilespmem:s5+$0x10660] =	vst v0  }
0x5d: {  	[tilespmem:s5+$0x10670] =	vst v0;
	s5 =	sshra.s32 s24, $0x2;
	s24 =	sadd.s32 $0x200, s24  }
0x5e: {  	[tilespmem:s5+$0x11680] =	vst v0  }
0x5f: {  	[tilespmem:s5+$0x10600] =	vst v0  }
0x60: {  	[tilespmem:s5+$0x10610] =	vst v0  }
0x61: {  	[tilespmem:s5+$0x10620] =	vst v0  }
0x62: {  	[tilespmem:s5+$0x10630] =	vst v0  }
0x63: {  	[tilespmem:s5+$0x10640] =	vst v0  }
0x64: {  	[tilespmem:s5+$0x10650] =	vst v0  }
0x65: {  	[tilespmem:s5+$0x10660] =	vst v0  }
0x66: {  	[tilespmem:s5+$0x10670] =	vst v0  }
0x67: {  	[spmem:s22] =	stream.linear.scatter [tilespmem:s11], [sflag:$0x6], $0x1000, $0x38;
	[tilespmem:$0x12680] =	vst v63  }
0x68: {  	_ =	swait.ge [sflag:s1], $0x1000  }
0x69: {  	[sflag:s1] =	ssyncset.done $0x0  }
0x6a: {  	[sflag:s1] =	ssyncadd.s32 $0xFFFFF000  }
0x6b: {  	[spmem:s23] =	stream.linear.scatter [tilespmem:s12], [sflag:$0x6], $0x1000, $0x38;
	[tilespmem:$0x12680] =	vst v63  }
0x6c: {  	_ =	swait.ge [sflag:s1], $0x1000  }
0x6d: {  	[sflag:s1] =	ssyncset.done $0x0  }
0x6e: {  	s29 =	rddreg [dreg:$0x7];
	[sflag:s1] =	ssyncadd.s32 $0xFFFFF000  }
0x6f: {  	[spmem:s29] =	stream.linear.scatter [tilespmem:s11], [sflag:$0x6], $0x1000, $0x38;
	[tilespmem:$0x12680] =	vst v63  }
0x70: {  	_ =	swait.ge [sflag:s1], $0x1000  }
0x71: {  	[sflag:s1] =	ssyncset.done $0x0  }
0x72: {  	s30 =	rddreg [dreg:$0x8];
	[sflag:s1] =	ssyncadd.s32 $0xFFFFF000  }
0x73: {  	[spmem:s30] =	stream.linear.scatter [tilespmem:s12], [sflag:$0x6], $0x1000, $0x38;
	[tilespmem:$0x12680] =	vst v63  }
0x74: {  	_ =	swait.ge [sflag:s1], $0x1000  }
0x75: {  	[sflag:s1] =	ssyncset.done $0x0  }
0x76: {  	s24 =	rddreg [dreg:$0x9];
	[sflag:s1] =	ssyncadd.s32 $0xFFFFF000  }
0x77: {  	[spmem:s24] =	stream.linear.scatter [tilespmem:s11], [sflag:$0x6], $0x1000, $0x38;
	[tilespmem:$0x12680] =	vst v63  }
0x78: {  	_ =	swait.ge [sflag:s1], $0x1000  }
0x79: {  	[sflag:s1] =	ssyncset.done $0x0  }
0x7a: {  	s25 =	rddreg [dreg:$0xa];
	[sflag:s1] =	ssyncadd.s32 $0xFFFFF000  }
0x7b: {  	[spmem:s25] =	stream.linear.scatter [tilespmem:s12], [sflag:$0x6], $0x1000, $0x38;
	[tilespmem:$0x12680] =	vst v63  }
0x7c: {  	_ =	swait.ge [sflag:s1], $0x1000  }
0x7d: {  	[sflag:s1] =	ssyncset.done $0x0  }
0x7e: {  	s26 =	rddreg [dreg:$0xb];
	[sflag:s1] =	ssyncadd.s32 $0xFFFFF000  }
0x7f: {  	[spmem:s26] =	stream.linear.scatter [tilespmem:s11], [sflag:$0x6], $0x1000, $0x38;
	[tilespmem:$0x12680] =	vst v63  }
0x80: {  	_ =	swait.ge [sflag:s1], $0x1000  }
0x81: {  	[sflag:s1] =	ssyncset.done $0x0  }
0x82: {  	s28 =	rddreg [dreg:$0xc];
	[sflag:s1] =	ssyncadd.s32 $0xFFFFF000  }
0x83: {  	[spmem:s28] =	stream.linear.scatter [tilespmem:s12], [sflag:$0x6], $0x1000, $0x38;
	[tilespmem:$0x12680] =	vst v63  }
0x84: {  	_ =	swait.ge [sflag:s1], $0x1000  }
0x85: {  	[sflag:s1] =	ssyncset.done $0x0  }
0x86: {  	s29 =	rddreg [dreg:$0xd];
	[sflag:s1] =	ssyncadd.s32 $0xFFFFF000  }
0x87: {  	[spmem:s29] =	stream.linear.scatter [tilespmem:s11], [sflag:$0x6], $0x1000, $0x38;
	[tilespmem:$0x12680] =	vst v63  }
0x88: {  	_ =	swait.ge [sflag:s1], $0x1000  }
0x89: {  	[sflag:s1] =	ssyncset.done $0x0  }
0x8a: {  	s30 =	rddreg [dreg:$0xe];
	[sflag:s1] =	ssyncadd.s32 $0xFFFFF000  }
0x8b: {  	[spmem:s30] =	stream.linear.scatter [tilespmem:s12], [sflag:$0x6], $0x1000, $0x38;
	[tilespmem:$0x12680] =	vst v63  }
0x8c: {  	_ =	swait.ge [sflag:s1], $0x1000  }
0x8d: {  	[sflag:s1] =	ssyncset.done $0x0  }
0x8e: {  	s24 =	rddreg [dreg:$0xf];
	[sflag:s1] =	ssyncadd.s32 $0xFFFFF000  }
0x8f: {  	[spmem:s24] =	stream.linear.scatter [tilespmem:s11], [sflag:$0x6], $0x1000, $0x38;
	[tilespmem:$0x12680] =	vst v63  }
0x90: {  	_ =	swait.ge [sflag:s1], $0x1000  }
0x91: {  	[sflag:s1] =	ssyncset.done $0x0  }
0x92: {  	s25 =	rddreg [dreg:$0x10];
	[sflag:s1] =	ssyncadd.s32 $0xFFFFF000  }
0x93: {  	[spmem:s25] =	stream.linear.scatter [tilespmem:s12], [sflag:$0x6], $0x1000, $0x38;
	[tilespmem:$0x12680] =	vst v63  }
0x94: {  	_ =	swait.ge [sflag:s1], $0x1000  }
0x95: {  	[sflag:s1] =	ssyncset.done $0x0  }
0x96: {  	s26 =	rddreg [dreg:$0x11];
	[sflag:s1] =	ssyncadd.s32 $0xFFFFF000  }
0x97: {  	[spmem:s26] =	stream.linear.scatter [tilespmem:s11], [sflag:$0x6], $0x1000, $0x38;
	[tilespmem:$0x12680] =	vst v63  }
0x98: {  	_ =	swait.ge [sflag:s1], $0x1000  }
0x99: {  	[sflag:s1] =	ssyncset.done $0x0  }
0x9a: {  	s28 =	rddreg [dreg:$0x12];
	[sflag:s1] =	ssyncadd.s32 $0xFFFFF000  }
0x9b: {  	[spmem:s28] =	stream.linear.scatter [tilespmem:s12], [sflag:$0x6], $0x1000, $0x38;
	[tilespmem:$0x12680] =	vst v63  }
0x9c: {  	_ =	swait.ge [sflag:s1], $0x1000  }
0x9d: {  	[sflag:s1] =	ssyncset.done $0x0  }
0x9e: {  	s29 =	rddreg [dreg:$0x13];
	[sflag:s1] =	ssyncadd.s32 $0xFFFFF000  }
0x9f: {  	[spmem:s29] =	stream.linear.scatter [tilespmem:s11], [sflag:$0x6], $0x1000, $0x38;
	[tilespmem:$0x12680] =	vst v63  }
0xa0: {  	_ =	swait.ge [sflag:s1], $0x1000  }
0xa1: {  	[sflag:s1] =	ssyncset.done $0x0  }
0xa2: {  	s30 =	rddreg [dreg:$0x14];
	[sflag:s1] =	ssyncadd.s32 $0xFFFFF000  }
0xa3: {  	[spmem:s30] =	stream.linear.scatter [tilespmem:s12], [sflag:$0x6], $0x1000, $0x38;
	[tilespmem:$0x12680] =	vst v63  }
0xa4: {  	_ =	swait.ge [sflag:s1], $0x1000  }
0xa5: {  	[sflag:s1] =	ssyncset.done $0x0  }
0xa6: {  	s24 =	rddreg [dreg:$0x15];
	[sflag:s1] =	ssyncadd.s32 $0xFFFFF000  }
0xa7: {  	[spmem:s24] =	stream.linear.scatter [tilespmem:s11], [sflag:$0x6], $0x1000, $0x38;
	[tilespmem:$0x12680] =	vst v63  }
0xa8: {  	_ =	swait.ge [sflag:s1], $0x1000  }
0xa9: {  	[sflag:s1] =	ssyncset.done $0x0  }
0xaa: {  	s25 =	rddreg [dreg:$0x16];
	[sflag:s1] =	ssyncadd.s32 $0xFFFFF000  }
0xab: {  	[spmem:s25] =	stream.linear.scatter [tilespmem:s12], [sflag:$0x6], $0x1000, $0x38;
	[tilespmem:$0x12680] =	vst v63  }
0xac: {  	_ =	swait.ge [sflag:s1], $0x1000  }
0xad: {  	[sflag:s1] =	ssyncset.done $0x0  }
0xae: {  	s26 =	rddreg [dreg:$0x19];
	[sflag:s1] =	ssyncadd.s32 $0xFFFFF000  }
0xaf: {  	[spmem:s26] =	stream.linear.scatter [tilespmem:s11], [sflag:$0x6], $0x1000, $0x38;
	[tilespmem:$0x12680] =	vst v63  }
0xb0: {  	_ =	swait.ge [sflag:s1], $0x1000  }
0xb1: {  	[sflag:s1] =	ssyncset.done $0x0  }
0xb2: {  	s28 =	rddreg [dreg:$0x1a];
	[sflag:s1] =	ssyncadd.s32 $0xFFFFF000  }
0xb3: {  	[spmem:s28] =	stream.linear.scatter [tilespmem:s12], [sflag:$0x6], $0x1000, $0x38;
	[tilespmem:$0x12680] =	vst v63  }
0xb4: {  	_ =	swait.ge [sflag:s1], $0x1000  }
0xb5: {  	[sflag:s1] =	ssyncset.done $0x0  }
0xb6: {  	s29 =	rddreg [dreg:$0x1b];
	[sflag:s1] =	ssyncadd.s32 $0xFFFFF000  }
0xb7: {  	[spmem:s29] =	stream.linear.scatter [tilespmem:s11], [sflag:$0x6], $0x1000, $0x38;
	[tilespmem:$0x12680] =	vst v63  }
0xb8: {  	_ =	swait.ge [sflag:s1], $0x1000  }
0xb9: {  	[sflag:s1] =	ssyncset.done $0x0  }
0xba: {  	s30 =	rddreg [dreg:$0x1c];
	[sflag:s1] =	ssyncadd.s32 $0xFFFFF000  }
0xbb: {  	[spmem:s30] =	stream.linear.scatter [tilespmem:s12], [sflag:$0x6], $0x1000, $0x38;
	[tilespmem:$0x12680] =	vst v63  }
0xbc: {  	_ =	swait.ge [sflag:s1], $0x1000  }
0xbd: {  	[sflag:s1] =	ssyncset.done $0x0  }
0xbe: {  	s24 =	rddreg [dreg:$0x1d];
	[sflag:s1] =	ssyncadd.s32 $0xFFFFF000  }
0xbf: {  	[spmem:s24] =	stream.linear.scatter [tilespmem:s11], [sflag:$0x6], $0x1000, $0x38;
	[tilespmem:$0x12680] =	vst v63  }
0xc0: {  	_ =	swait.ge [sflag:s1], $0x1000  }
0xc1: {  	[sflag:s1] =	ssyncset.done $0x0  }
0xc2: {  	s25 =	rddreg [dreg:$0x1e];
	[sflag:s1] =	ssyncadd.s32 $0xFFFFF000  }
0xc3: {  	[spmem:s25] =	stream.linear.scatter [tilespmem:s12], [sflag:$0x6], $0x1000, $0x38;
	[tilespmem:$0x12680] =	vst v63  }
0xc4: {  	_ =	swait.ge [sflag:s1], $0x1000  }
0xc5: {  	[sflag:s1] =	ssyncset.done $0x0  }
0xc6: {  	s26 =	rddreg [dreg:$0x1f];
	[sflag:s1] =	ssyncadd.s32 $0xFFFFF000  }
0xc7: {  	[spmem:s26] =	stream.linear.scatter [tilespmem:s11], [sflag:$0x6], $0x1000, $0x38;
	[tilespmem:$0x12680] =	vst v63  }
0xc8: {  	_ =	swait.ge [sflag:s1], $0x1000  }
0xc9: {  	s28 =	sld [smem:$0x7ED]  }
0xca: {  	[sflag:s1] =	ssyncset.done $0x0  }
0xcb: {  	[sflag:s1] =	ssyncadd.s32 $0xFFFFF000  }
0xcc: {  	[spmem:s28] =	stream.linear.scatter [tilespmem:s12], [sflag:$0x6], $0x1000, $0x38;
	[tilespmem:$0x12680] =	vst v63  }
0xcd: {  	_ =	swait.ge [sflag:s1], $0x1000  }
0xce: {  	s29 =	sld [smem:$0x7EE]  }
0xcf: {  	[sflag:s1] =	ssyncset.done $0x0  }
0xd0: {  	[sflag:s1] =	ssyncadd.s32 $0xFFFFF000  }
0xd1: {  	[spmem:s29] =	stream.linear.scatter [tilespmem:s11], [sflag:$0x6], $0x1000, $0x38;
	[tilespmem:$0x12680] =	vst v63  }
0xd2: {  	_ =	swait.ge [sflag:s1], $0x1000  }
0xd3: {  	s30 =	sld [smem:$0x7EF]  }
0xd4: {  	[sflag:s1] =	ssyncset.done $0x0  }
0xd5: {  	[sflag:s1] =	ssyncadd.s32 $0xFFFFF000  }
0xd6: {  	[spmem:s30] =	stream.linear.scatter [tilespmem:s12], [sflag:$0x6], $0x1000, $0x38;
	[tilespmem:$0x12680] =	vst v63  }
0xd7: {  	_ =	swait.ge [sflag:s1], $0x1000  }
0xd8: {  	s24 =	sld [smem:$0x7F0]  }
0xd9: {  	[sflag:s1] =	ssyncset.done $0x0  }
0xda: {  	[sflag:s1] =	ssyncadd.s32 $0xFFFFF000  }
0xdb: {  	[spmem:s24] =	stream.linear.scatter [tilespmem:s11], [sflag:$0x6], $0x1000, $0x38;
	[tilespmem:$0x12680] =	vst v63  }
0xdc: {  	_ =	swait.ge [sflag:s1], $0x1000  }
0xdd: {  	s25 =	sld [smem:$0x7F1]  }
0xde: {  	[sflag:s1] =	ssyncset.done $0x0  }
0xdf: {  	[sflag:s1] =	ssyncadd.s32 $0xFFFFF000  }
0xe0: {  	[spmem:s25] =	stream.linear.scatter [tilespmem:s12], [sflag:$0x6], $0x1000, $0x38;
	[tilespmem:$0x12680] =	vst v63  }
0xe1: {  	_ =	swait.ge [sflag:s1], $0x1000  }
0xe2: {  	s26 =	sld [smem:$0x7F2]  }
0xe3: {  	[sflag:s1] =	ssyncset.done $0x0  }
0xe4: {  	[sflag:s1] =	ssyncadd.s32 $0xFFFFF000  }
0xe5: {  	[spmem:s26] =	stream.linear.scatter [tilespmem:s11], [sflag:$0x6], $0x1000, $0x38;
	[tilespmem:$0x12680] =	vst v63  }
0xe6: {  	_ =	swait.ge [sflag:s1], $0x1000  }
0xe7: {  	s28 =	sld [smem:$0x7F3]  }
0xe8: {  	[sflag:s1] =	ssyncset.done $0x0  }
0xe9: {  	[sflag:s1] =	ssyncadd.s32 $0xFFFFF000  }
0xea: {  	[spmem:s28] =	stream.linear.scatter [tilespmem:s12], [sflag:$0x6], $0x1000, $0x38;
	[tilespmem:$0x12680] =	vst v63  }
0xeb: {  	_ =	swait.ge [sflag:s1], $0x1000  }
0xec: {  	s29 =	sld [smem:$0x7F4]  }
0xed: {  	[sflag:s1] =	ssyncset.done $0x0  }
0xee: {  	[sflag:s1] =	ssyncadd.s32 $0xFFFFF000  }
0xef: {  	[spmem:s29] =	stream.linear.scatter [tilespmem:s11], [sflag:$0x6], $0x1000, $0x38;
	[tilespmem:$0x12680] =	vst v63  }
0xf0: {  	_ =	swait.ge [sflag:s1], $0x1000  }
0xf1: {  	s30 =	sld [smem:$0x7F5]  }
0xf2: {  	[sflag:s1] =	ssyncset.done $0x0  }
0xf3: {  	[sflag:s1] =	ssyncadd.s32 $0xFFFFF000  }
0xf4: {  	[spmem:s30] =	stream.linear.scatter [tilespmem:s12], [sflag:$0x6], $0x1000, $0x38;
	[tilespmem:$0x12680] =	vst v63  }
0xf5: {  	_ =	swait.ge [sflag:s1], $0x1000  }
0xf6: {  	s24 =	sld [smem:$0x7F6]  }
0xf7: {  	[sflag:s1] =	ssyncset.done $0x0  }
0xf8: {  	[sflag:s1] =	ssyncadd.s32 $0xFFFFF000  }
0xf9: {  	[spmem:s24] =	stream.linear.scatter [tilespmem:s11], [sflag:$0x6], $0x1000, $0x38;
	[tilespmem:$0x12680] =	vst v63  }
0xfa: {  	_ =	swait.ge [sflag:s1], $0x1000  }
0xfb: {  	s25 =	sld [smem:$0x7F7]  }
0xfc: {  	[sflag:s1] =	ssyncset.done $0x0  }
0xfd: {  	[sflag:s1] =	ssyncadd.s32 $0xFFFFF000  }
0xfe: {  	[spmem:s25] =	stream.linear.scatter [tilespmem:s12], [sflag:$0x6], $0x1000, $0x38;
	[tilespmem:$0x12680] =	vst v63  }
0xff: {  	_ =	swait.ge [sflag:s1], $0x1000  }
0x100: {  	s26 =	sld [smem:$0x7F8]  }
0x101: {  	[sflag:s1] =	ssyncset.done $0x0  }
0x102: {  	[sflag:s1] =	ssyncadd.s32 $0xFFFFF000  }
0x103: {  	[spmem:s26] =	stream.linear.scatter [tilespmem:s11], [sflag:$0x6], $0x1000, $0x38;
	[tilespmem:$0x12680] =	vst v63  }
0x104: {  	_ =	swait.ge [sflag:s1], $0x1000  }
0x105: {  	s28 =	sld [smem:$0x7F9]  }
0x106: {  	[sflag:s1] =	ssyncset.done $0x0  }
0x107: {  	[sflag:s1] =	ssyncadd.s32 $0xFFFFF000  }
0x108: {  	[spmem:s28] =	stream.linear.scatter [tilespmem:s12], [sflag:$0x6], $0x1000, $0x38;
	[tilespmem:$0x12680] =	vst v63  }
0x109: {  	_ =	swait.ge [sflag:s1], $0x1000  }
0x10a: {  	s29 =	sld [smem:$0x7FA]  }
0x10b: {  	[sflag:s1] =	ssyncset.done $0x0  }
0x10c: {  	[sflag:s1] =	ssyncadd.s32 $0xFFFFF000  }
0x10d: {  	[spmem:s29] =	stream.linear.scatter [tilespmem:s11], [sflag:$0x6], $0x1000, $0x38;
	[tilespmem:$0x12680] =	vst v63  }
0x10e: {  	_ =	swait.ge [sflag:s1], $0x1000  }
0x10f: {  	s30 =	sld [smem:$0x7FB]  }
0x110: {  	[sflag:s1] =	ssyncset.done $0x0  }
0x111: {  	[sflag:s1] =	ssyncadd.s32 $0xFFFFF000  }
0x112: {  	[spmem:s30] =	stream.linear.scatter [tilespmem:s12], [sflag:$0x6], $0x1000, $0x38;
	[tilespmem:$0x12680] =	vst v63  }
0x113: {  	_ =	swait.ge [sflag:s1], $0x1000  }
0x114: {  	[sflag:s1] =	ssyncset.done $0x0  }
0x115: {  	[sflag:s1] =	ssyncadd.s32 $0xFFFFF000  }
0x116: {  	[sflag:s13] =	ssyncset.done $0x0  }
0x117: {  	[smem:s6], [sflag:$0x2] =	smem.add.s32 $0x1  }
0x118: {  	_ =	swait.done [sflag:s13]  }
0x119: {  	[sflag:s13] =	ssyncset.s32 $0x0  }
0x11a: {  	[sflag:s13] =	ssyncset.done $0x0  }
.LBB2_5:
0x11b: {  	[sflag:s14] =	ssyncset.done $0x0  }
0x11c: {  	[smem:s6], [sflag:$0x3] =	smem.add.s32 $0x0  }
0x11d: {  	_ =	swait.done [sflag:s14]  }
0x11e: {  	s5 =	ssyncread [sflag:$0x3];
	_ =	sdelay $0x2  }
0x11f: {  	p1 =	slt.s32 s5, $0x8  }
.Ltmp2:
0x120: {  	_ = 	snop;
	(pc) =	sbr.rel @p1 .LBB2_5-.Ltmp2, $3  }
0x121: {  	_ =	sdelay $0x1  }
0x122: {  	[sflag:s14] =	ssyncset.s32 $0x0  }
0x123: {  	[sflag:s14] =	ssyncset.done $0x0  }
0x124: {  	v3 =	vadd.f32 v4, v3;
	_ =	sdelay $0x1  }
0x125: {  	v4 =	vmul.f32 $2.000000030e-01, v3  }
0x126: {  	vm0 =	vge.f32 v3, $0.0e+00  }
0x127: {  	s5 =	simm.s32 $0x0;
	s24 =	simm.s32 $0x0;
	v3 =	vsel vm0, v3, v4  }
.LBB2_7:
0x128: {  	s25 =	sadd.s32 s31, s24  }
0x129: {  	s25 =	sshll.u32 s25, $0x2  }
0x12a: {  	s26 =	sadd.s32 s8, s25  }
0x12b: {  	[tilespmem:s15], [sflag:$0x6] =	stream.linear.gather [hbm4b:s26+s5], $0x20, $0x38;
	[tilespmem:$0x12680] =	vst v63  }
0x12c: {  	_ =	swait.ge [sflag:s1], $0x20  }
0x12d: {  	[sflag:s1] =	ssyncset.done $0x0  }
0x12e: {  	s25 =	sadd.s32 s9, s25;
	[sflag:s1] =	ssyncadd.s32 $0xFFFFFFE0  }
0x12f: {  	[tilespmem:s16], [sflag:$0x6] =	stream.linear.gather [hbm4b:s25+s5], $0x20, $0x38;
	[tilespmem:$0x12680] =	vst v63  }
0x130: {  	_ =	swait.ge [sflag:s1], $0x20  }
0x131: {  	[sflag:s1] =	ssyncset.done $0x0  }
0x132: {  	[sflag:s1] =	ssyncadd.s32 $0xFFFFFFE0  }
0x133: {  	[tilespmem:s11], [sflag:$0x1] =	stream.indirect.gather [hbm4b:s7+s17], $0x80, s15, s17, $0xb8;
	[tilespmem:$0x12680] =	vst v63  }
0x134: {  	v4 =	vld [tilespmem:$0xB400]  }
0x135: {  	v5 =	vld [tilespmem:$0xB480];
	_ =	sdelay $0x6  }
0x136: {  	v4 =	vld.idx.msk [tilespmem:v4+s2+$0x0], $0xffff  }
0x137: {  	v6 =	vld.idx.msk [tilespmem:v5+s0+$0x0], $0xffff;
	_ =	sdelay $0x4  }
0x138: {  	v4 =	vadd.f32 v6, v4;
	_ =	sdelay $0x1  }
0x139: {  	v6 =	vmul.f32 $2.000000030e-01, v4  }
0x13a: {  	vm0 =	vge.f32 v4, $0.0e+00  }
0x13b: {  	v4 =	vsel vm0, v4, v6  }
0x13c: {  	v4 =	vsub.f32 v4, v3;
	_ =	sdelay $0x1  }
0x13d: {  	v4 =	vmul.f32 $1.442695020e+00, v4;
	_ =	sdelay $0x1  }
0x13e: {  	(erf) = vpow2.f32 v4;
	_ =	sdelay $0x4  }
0x13f: {  	v4 =	vld [tilespmem:$0xB410]  }
0x140: {  	v6 =	vld [tilespmem:$0xB490]  }
0x141: {  	v5 =	vsub.s32 v5, v1  }
0x142: {  	vm9 =	vlt.s32 v5, $0x0;
	v7 =	vadd.s32 $0x1400, v5  }
0x143: {  	vm10 =	vlt.u32 v5, $0x1400;
	v7 =	vsel vm9, v7, v5;
	v8 =	vpop (erf)  }
0x144: {  	vm11 =	vgt.s32 v7, $0x13FF;
	v5 =	vnsel vm10, $0x0, v8;
	v8 =	vadd.s32 $0xFFFFEC00, v7  }
0x145: {  	[tilespmem:$0x11600] =	vst v5;
	v5 =	vsel vm11, v8, v7  }
0x146: {  	[tilespmem:$0xB480] =	vst v5  }
0x147: {  	v4 =	vld.idx.msk [tilespmem:v4+s2+$0x0], $0xffff  }
0x148: {  	v5 =	vld.idx.msk [tilespmem:v6+s0+$0x0], $0xffff;
	_ =	sdelay $0x4  }
0x149: {  	v4 =	vadd.f32 v5, v4;
	_ =	sdelay $0x1  }
0x14a: {  	v5 =	vmul.f32 $2.000000030e-01, v4  }
0x14b: {  	vm12 =	vge.f32 v4, $0.0e+00  }
0x14c: {  	v4 =	vsel vm12, v4, v5  }
0x14d: {  	v4 =	vsub.f32 v4, v3;
	_ =	sdelay $0x1  }
0x14e: {  	v4 =	vmul.f32 $1.442695020e+00, v4;
	_ =	sdelay $0x1  }
0x14f: {  	(erf) = vpow2.f32 v4;
	_ =	sdelay $0x6  }
0x150: {  	v4 =	vsub.s32 v6, v1  }
0x151: {  	vm13 =	vlt.s32 v4, $0x0;
	v5 =	vadd.s32 $0x1400, v4  }
0x152: {  	vm14 =	vlt.u32 v4, $0x1400;
	v5 =	vsel vm13, v5, v4;
	v6 =	vpop (erf)  }
0x153: {  	vm15 =	vgt.s32 v5, $0x13FF;
	v4 =	vnsel vm14, $0x0, v6;
	v6 =	vadd.s32 $0xFFFFEC00, v5  }
0x154: {  	[tilespmem:$0x11610] =	vst v4;
	v4 =	vsel vm15, v6, v5;
	v5 =	vmov s5  }
0x155: {  	[tilespmem:$0xB490] =	vst v4  }
0x156: {  	_ =	swait.ge [sflag:s10], $0x1000  }
0x157: {  	[sflag:s10] =	ssyncset.done $0x0  }
0x158: {  	[sflag:s10] =	ssyncadd.s32 $0xFFFFF000  }
0x159: {  	v4 =	vld.idx.msk [tilespmem:v5+s18+$0x0], $0xffff;
	_ =	sdelay $0x4  }
0x15a: {  	v5 =	vmul.f32 v2, v4  }
0x15b: {  	s26 =	simm.s32 $0x11680  }
0x15c: {  	s25 =	simm.s32 $0x10640;
	[tilespmem:s26+$0x0] =	vst v5  }
0x15d: {  	v10 =	vld [tilespmem:s25+$0x30]  }
0x15e: {  	v9 =	vld [tilespmem:s25+$0x10]  }
0x15f: {  	v8 =	vld [tilespmem:s25+$0xFFFFFFE0]  }
0x160: {  	v7 =	vld [tilespmem:s25+$0xFFFFFFF0]  }
0x161: {  	v6 =	vld [tilespmem:s25+$0x0]  }
0x162: {  	s28 =	simm.s32 $0x1;
	s29 =	simm.s32 $0x10640;
	v5 =	vld [tilespmem:s25+$0x20];
	v10 =	vmul.f32 v10, v4  }
.LBB2_8:
0x163: {  	p1 =	sne.s32 s28, $0x1F;
	v11 =	vld [tilespmem:s25+$0xFFFFFFD0];
	v9 =	vmul.f32 v9, v4;
	s26 =	sadd.s32 $0x80, s26;
	s29 =	sadd.s32 $0x80, s29  }
0x164: {  	s30 =	smov.u32 s28;
	s28 =	sadd.s32 $0x1, s28;
	v12 =	vld [tilespmem:s25+$0xFFFFFFC0];
	v8 =	vmul.f32 v8, v4;
	[tilespmem:s25+$0x30] =	vst v10  }
0x165: {  	v7 =	vmul.f32 v7, v4;
	[tilespmem:s25+$0x10] =	vst v9  }
0x166: {  	v9 =	vmov s30;
	[tilespmem:s25+$0xFFFFFFE0] =	vst v8;
	v6 =	vmul.f32 v6, v4  }
0x167: {  	[tilespmem:s25+$0xFFFFFFF0] =	vst v7;
	v5 =	vmul.f32 v5, v4  }
0x168: {  	v7 =	vmul.f32 v11, v4;
	[tilespmem:s25+$0x0] =	vst v6  }
0x169: {  	v4 =	vmul.f32 v12, v4;
	[tilespmem:s25+$0x20] =	vst v5  }
0x16a: {  	[tilespmem:s25+$0xFFFFFFD0] =	vst v7  }
0x16b: {  	[tilespmem:s25+$0xFFFFFFC0] =	vst v4;
	s25 =	smov.u32 s29  }
0x16c: {  	v4 =	vld.idx.msk [tilespmem:v9+s18+$0x0], $0xffff;
	_ =	sdelay $0x5  }
0x16d: {  	v5 =	vmul.f32 v2, v4;
	_ =	sdelay $0x1  }
0x16e: {  	[tilespmem:s26+$0x0] =	vst v5  }
0x16f: {  	v10 =	vld [tilespmem:s29+$0x30]  }
.Ltmp3:
0x170: {  	v9 =	vld [tilespmem:s29+$0x10];
	(pc) =	sbr.rel @p1 .LBB2_8-.Ltmp3, $4  }
0x171: {  	v8 =	vld [tilespmem:s29+$0xFFFFFFE0]  }
0x172: {  	v7 =	vld [tilespmem:s29+$0xFFFFFFF0]  }
0x173: {  	v6 =	vld [tilespmem:s29+$0x0]  }
0x174: {  	v5 =	vld [tilespmem:s29+$0x20];
	v10 =	vmul.f32 v10, v4  }
0x175: {  	v11 =	vld [tilespmem:s25+$0xFFFFFFD0];
	v9 =	vmul.f32 v9, v4  }
0x176: {  	v12 =	vld [tilespmem:s25+$0xFFFFFFC0];
	v8 =	vmul.f32 v8, v4;
	[tilespmem:s25+$0x30] =	vst v10  }
0x177: {  	v7 =	vmul.f32 v7, v4;
	[tilespmem:s25+$0x10] =	vst v9  }
0x178: {  	[tilespmem:s25+$0xFFFFFFE0] =	vst v8;
	v6 =	vmul.f32 v6, v4  }
0x179: {  	[tilespmem:s25+$0xFFFFFFF0] =	vst v7;
	v5 =	vmul.f32 v5, v4  }
0x17a: {  	v63 =	vmul.f32 v11, v4;
	[tilespmem:s25+$0x0] =	vst v6  }
0x17b: {  	v4 =	vmul.f32 v12, v4;
	[tilespmem:s25+$0x20] =	vst v5  }
0x17c: {  	[tilespmem:s25+$0xFFFFFFD0] =	vst v63  }
0x17d: {  	[tilespmem:s25+$0xFFFFFFC0] =	vst v4  }
0x17e: {  	[spmem:s3] =	stream.indirect.scatter.add.f32 [tilespmem:s11], [sflag:$0x6], $0x80, s16, s17, $0xb8;
	[tilespmem:$0x12680] =	vst v63  }
0x17f: {  	s24 =	sadd.s32 $0x1, s24;
	_ =	swait.ge [sflag:s1], $0x1000  }
0x180: {  	p1 =	sne.s32 s24, $0x4E2;
	[sflag:s1] =	ssyncset.done $0x0  }
.Ltmp4:
0x181: {  	[sflag:s1] =	ssyncadd.s32 $0xFFFFF000;
	(pc) =	sbr.rel @p1 .LBB2_7-.Ltmp4, $4  }
0x182: {  	[spmem:s4] =	stream.indirect.scatter.add.f32 [tilespmem:s12], [sflag:$0x6], $0x10, s16, s17, $0xb8;
	[tilespmem:$0x12680] =	vst v63  }
0x183: {  	_ =	swait.ge [sflag:s1], $0x200  }
0x184: {  	[sflag:s1] =	ssyncset.done $0x0  }
0x185: {  	[sflag:s1] =	ssyncadd.s32 $0xFFFFFE00  }
0x186: {  	[sflag:s19] =	ssyncset.done $0x0  }
0x187: {  	[smem:s10], [sflag:$0x4] =	smem.add.s32 $0x1  }
0x188: {  	_ =	swait.done [sflag:s19]  }
0x189: {  	[sflag:s19] =	ssyncset.s32 $0x0  }
0x18a: {  	[sflag:s19] =	ssyncset.done $0x0  }
.LBB2_11:
0x18b: {  	[sflag:s20] =	ssyncset.done $0x0  }
0x18c: {  	[smem:s10], [sflag:$0x5] =	smem.add.s32 $0x0  }
0x18d: {  	_ =	swait.done [sflag:s20]  }
0x18e: {  	s5 =	ssyncread [sflag:$0x5];
	_ =	sdelay $0x2  }
0x18f: {  	p1 =	slt.s32 s5, $0x8  }
.Ltmp5:
0x190: {  	_ = 	snop;
	(pc) =	sbr.rel @p1 .LBB2_11-.Ltmp5, $3  }
0x191: {  	_ =	sdelay $0x1  }
0x192: {  	[sflag:s20] =	ssyncset.s32 $0x0  }
0x193: {  	[sflag:s20] =	ssyncset.done $0x0  }
0x194: {  	s5 =	stileid.u32  }
0x195: {  	s5 =	sshll.u32 s5, $0x6  }
0x196: {  	s24 =	sshrl.u32 s22, $0x3;
	s25 =	rddreg [dreg:$0x17];
	s5 =	sor.u32 $0x1C06, s5  }
0x197: {  	[hbm:s25], [sflag:s5] =	dma.local [spmem:s24], $0x2800  }
0x198: {  	_ =	swait.ge [sflag:s1], $0x2800  }
0x199: {  	[sflag:s1] =	ssyncset.done $0x0  }
0x19a: {  	s28 =	sshrl.u32 s23, $0x3;
	s29 =	rddreg [dreg:$0x18];
	[sflag:s1] =	ssyncadd.s32 $0xFFFFD800  }
0x19b: {  	[hbm:s29], [sflag:s5] =	dma.local [spmem:s28], $0x2800  }
0x19c: {  	_ =	swait.ge [sflag:s1], $0x2800  }
0x19d: {  	s21 =	sadd.s32 $0x1, s21;
	s30 =	rddreg [dreg:$0x5]  }
0x19e: {  	p1 =	sne.s32 s21, s30  }
.Ltmp6:
0x19f: {  	_ = 	snop;
	(pc) =	sbr.rel @p1 .LBB2_2-.Ltmp6, $3  }
0x1a0: {  	_ =	sdelay $0x1  }
0x1a1: {  	[sflag:s1] =	ssyncset.done $0x0  }
0x1a2: {  	[sflag:s1] =	ssyncadd.s32 $0xFFFFD800  }
.LBB2_13:
0x1a3: {  	_ =	sfence.sel $0x180000  }
0x1a4: {  	[bflag:$0x0] =	sbarrier.arrive $0xFFFF  }
0x1a5: {  	_ =	strace $0x9000004A  }
0x1a6: {  	s0 =	stileid.u32;
	[bflag:$0x2] =	sbarrier.arrive $0xFFFF  }
0x1a7: {  	p0 =	sne.s32 s0, $0x0;
	s0 =	rddreg [dreg:$0x4]  }
0x1a8: {  	s0 =	sadd.s32 @!p0 $0x100000, s0  }
0x1a9: {  	[sflag:s0] =	ssyncadd.tile.s32 @!p0 $0x1;
	_ =	shalt  }
.Lfunc_end2:
_tile_overlayer_lowered:
.L_overlay_start_2:
0x1aa: {  	(tag) =	ssettag $0x2  }
0x1ab: {  	s0 =	rddreg [dreg:$0x0];
	s2 =	stileid.u32  }
0x1ac: {  	s1 =	rddreg [dreg:$0x1];
	p0 =	sne.s32 s2, $0x0  }
0x1ad: {  	s3 =	rddreg [dreg:$0x2];
	[bflag:$0x3] =	sbarrier.arrive $0xFFFF;
	s2 =	simm.s32 @!p0 $0x1C02  }
0x1ae: {  	[timem:s3], [sflag:s2] =	dma.local @!p0 [hbm:s0], s1  }
0x1af: {  	s0 =	simm.s32 @!p0 $0x2  }
0x1b0: {  	_ =	swait.ge @!p0 [sflag:s0], s1  }
0x1b1: {  	s1 =	ssub.s32 @!p0 $0x0, s1;
	[sflag:s0] =	ssyncset.done @!p0 $0x0  }
0x1b2: {  	[sflag:s0] =	ssyncadd.s32 @!p0 s1  }
0x1b3: {  	[bflag:$0x3] =	sbarrier.arrive $0xFFFF  }
0x1b4: {  	_ =	shalt  }

// kernel: kernel.7.cloned.1.call-start
scs
__scs_entry_jumppad:
0x0: {  	(pc) =	sbr.rel $0x88, $3  }
0x1: {  	(tag) =	ssettag $0x0;
	lr =	simm.s32 $0x1  }
0x2: {  	[smem:$0x3F94] =	sst lr;
	_ =	strace $0xD0000000  }
0x3: {  	_ = 	snop  }
0x4: {  	_ = 	snop  }
0x5: {  	_ = 	snop  }
0x6: {  	_ = 	snop  }
0x7: {  	_ = 	snop  }
__scs_overlays_trampoline_lowered:
0x8: {  	[smem:$0x3FA3] =	sst s0  }
0x9: {  	[smem:$0x3FA4] =	sst s1  }
0xa: {  	[smem:$0x3FA5] =	sst s2  }
0xb: {  	[smem:$0x3FA6] =	sst s3  }
0xc: {  	[smem:$0x3FA7] =	sst s4  }
0xd: {  	[smem:$0x3FA8] =	sst s5  }
0xe: {  	[smem:$0x3FA9] =	sst s6  }
0xf: {  	[smem:$0x3FAA] =	sst s7  }
0x10: {  	[smem:$0x3FAB] =	sst s8  }
0x11: {  	[smem:$0x3FAC] =	sst s9;
	s0 =	simm.s32 @!p0 $0x0  }
0x12: {  	s1 =	sld [smem:$0x3F92];
	s0 =	simm.s32 @p0 $0x1  }
0x13: {  	[smem:$0x3FAD] =	sst s0;
	s0 =	simm.s32 @!p1 $0x0  }
0x14: {  	s2 =	sld [smem:$0x3F91];
	s0 =	simm.s32 @p1 $0x1  }
0x15: {  	[smem:$0x3FAE] =	sst s0;
	s0 =	simm.s32 @!p2 $0x0  }
0x16: {  	s3 =	sld [smem:$0x3FDB];
	s0 =	simm.s32 @p2 $0x1  }
0x17: {  	s4 =	simm.s32 $0x1BF5;
	[smem:$0x3FB0] =	sst s0  }
0x18: {  	s0 =	sld [smem:$0x3F93];
	_ =	swait.ge [sflag:s4], $0x0  }
0x19: {  	s7 =	sld [smem:$0x3F94]  }
0x1a: {  	s8 =	sadd.s32 $0xFFFFE003, lr  }
0x1b: {  	s9 =	sadd.s32 $0xFFFFFEF7, lr;
	s5 =	simm.s32 $0xFFFFFFFF;
	p2 =	slt.u32 s8, $0xFFFFF086  }
0x1c: {  	p1 =	slt.u32 s9, $0xF7A;
	s5 =	simm.s32 @!p2 $0x0  }
0x1d: {  	s5 =	simm.s32 @p1 $0x1;
	p0 =	seq.s32 s7, s2  }
0x1e: {  	s7 =	smul.u32 @!p0 $0xF7A, s2;
	p2 =	seq.s32 @!p0 s5, $0x0  }
0x1f: {  	s9 =	smul.u32 $0xF7A, s1;
	s8 =	simm.s32 @!p0 $0x1BF5;
	p2 =	por !p2, p0  }
0x20: {  	[sflag:s8] =	ssyncset.s32 @!p0 $0xFFFFF086;
	s6 =	sadd.s32 @!p0 s3, s7;
	s7 =	simm.s32 @!p0 $0x108  }
0x21: {  	s3 =	sadd.s32 s3, s9;
	s6 =	sadd.s32 @!p0 $0x88, s6;
	s7 =	simm.s32 @p2 $0x1082  }
0x22: {  	[simem:s7], [sflag:s8] =	dma.local @!p0 [hbm:s6], $0xF7A  }
0x23: {  	s9 =	sor.u32 $0xD0000000, s2;
	s6 =	simm.s32 $0x108;
	_ =	swait.ge @!p0 [sflag:s8], $0x0  }
0x24: {  	s3 =	sadd.s32 $0x88, s3;
	s6 =	simm.s32 @!p1 $0x1082;
	[sflag:s4] =	ssyncset.s32 $0xFFFFF086  }
0x25: {  	[simem:s6], [sflag:s4] =	dma.local [hbm:s3], $0xF7A  }
0x26: {  	[smem:$0x3F94] =	sst s1;
	(tag) =	ssettag s2;
	_ =	strace s9  }
0x27: {  	s1 =	sld [smem:$0x3FA4]  }
0x28: {  	s2 =	sld [smem:$0x3FA5]  }
0x29: {  	s4 =	sld [smem:$0x3FA7]  }
0x2a: {  	p0 =	seq.s32 s5, $0x0;
	s5 =	sld [smem:$0x3FA8]  }
0x2b: {  	s6 =	sld [smem:$0x3FA9]  }
0x2c: {  	s7 =	sld [smem:$0x3FAA]  }
0x2d: {  	s3 =	simm.s32 $0x108;
	s8 =	sld [smem:$0x3FAB]  }
0x2e: {  	s3 =	simm.s32 @!p0 $0x1082;
	s9 =	sld [smem:$0x3FAC]  }
0x2f: {  	lr =	sadd.s32 s0, s3;
	s0 =	sld [smem:$0x3FA3]  }
0x30: {  	s3 =	sld [smem:$0x3FA6]  }
0x31: {  	[smem:$0x3FAF] =	sst s10  }
0x32: {  	s10 =	sld [smem:$0x3FAD];
	_ =	sdelay $0x3  }
0x33: {  	p0 =	seq.s32 s10, $0x1;
	s10 =	sld [smem:$0x3FAF];
	_ =	sdelay $0x3  }
0x34: {  	[smem:$0x3FAF] =	sst s10  }
0x35: {  	s10 =	sld [smem:$0x3FAE];
	_ =	sdelay $0x3  }
0x36: {  	p1 =	seq.s32 s10, $0x1;
	s10 =	sld [smem:$0x3FAF];
	_ =	sdelay $0x3  }
0x37: {  	[smem:$0x3FAF] =	sst s10  }
0x38: {  	s10 =	sld [smem:$0x3FB0]  }
0x39: {  	_ = 	snop;
	(pc) =	sbr.ind lr, $3  }
0x3a: {  	_ = 	snop  }
0x3b: {  	_ = 	snop  }
0x3c: {  	p2 =	seq.s32 s10, $0x1;
	s10 =	sld [smem:$0x3FAF]  }
0x3d: {  	_ =	shalt  }
0x3e: {  	_ =	shalt  }
0x3f: {  	_ =	shalt  }
0x40: {  	_ =	shalt  }
0x41: {  	_ =	shalt  }
0x42: {  	_ =	shalt  }
0x43: {  	_ =	shalt  }
0x44: {  	_ =	shalt  }
0x45: {  	_ =	shalt  }
0x46: {  	_ =	shalt  }
0x47: {  	_ =	shalt  }
0x48: {  	_ =	shalt  }
0x49: {  	_ =	shalt  }
0x4a: {  	_ =	shalt  }
0x4b: {  	_ =	shalt  }
0x4c: {  	_ =	shalt  }
0x4d: {  	_ =	shalt  }
0x4e: {  	_ =	shalt  }
0x4f: {  	_ =	shalt  }
0x50: {  	_ =	shalt  }
0x51: {  	_ =	shalt  }
0x52: {  	_ =	shalt  }
0x53: {  	_ =	shalt  }
0x54: {  	_ =	shalt  }
0x55: {  	_ =	shalt  }
0x56: {  	_ =	shalt  }
0x57: {  	_ =	shalt  }
0x58: {  	_ =	shalt  }
0x59: {  	_ =	shalt  }
0x5a: {  	_ =	shalt  }
0x5b: {  	_ =	shalt  }
0x5c: {  	_ =	shalt  }
0x5d: {  	_ =	shalt  }
0x5e: {  	_ =	shalt  }
0x5f: {  	_ =	shalt  }
0x60: {  	_ =	shalt  }
0x61: {  	_ =	shalt  }
0x62: {  	_ =	shalt  }
0x63: {  	_ =	shalt  }
0x64: {  	_ =	shalt  }
0x65: {  	_ =	shalt  }
0x66: {  	_ =	shalt  }
0x67: {  	_ =	shalt  }
0x68: {  	_ =	shalt  }
0x69: {  	_ =	shalt  }
0x6a: {  	_ =	shalt  }
0x6b: {  	_ =	shalt  }
0x6c: {  	_ =	shalt  }
0x6d: {  	_ =	shalt  }
0x6e: {  	_ =	shalt  }
0x6f: {  	_ =	shalt  }
0x70: {  	_ =	shalt  }
0x71: {  	_ =	shalt  }
0x72: {  	_ =	shalt  }
0x73: {  	_ =	shalt  }
0x74: {  	_ =	shalt  }
0x75: {  	_ =	shalt  }
0x76: {  	_ =	shalt  }
0x77: {  	_ =	shalt  }
0x78: {  	_ =	shalt  }
0x79: {  	_ =	shalt  }
0x7a: {  	_ =	shalt  }
0x7b: {  	_ =	shalt  }
0x7c: {  	_ =	shalt  }
0x7d: {  	_ =	shalt  }
0x7e: {  	_ =	shalt  }
0x7f: {  	_ =	shalt  }
0x80: {  	_ =	shalt  }
0x81: {  	_ =	shalt  }
0x82: {  	_ =	shalt  }
0x83: {  	_ =	shalt  }
0x84: {  	_ =	shalt  }
0x85: {  	_ =	shalt  }
0x86: {  	_ =	shalt  }
0x87: {  	_ =	shalt  }
.Lfunc_end0:
.L_simem_size_0:
called_computation_lowered:
.L_overlay_start_0:
0x88: {  	s2 =	sld [smem:$0x3FD9]  }
0x89: {  	s3 =	sld [smem:$0x3FFE];
	_ =	sdelay $0x1  }
0x8a: {  	s1 =	srdreg.scid  }
0x8b: {  	s0 =	sand.u32 $0x1, s1  }
0x8c: {  	s17 =	sshll.u32 s0, $0xA;
	s2 =	sadd.s32 s3, s2  }
0x8d: {  	s2 =	sadd.s32 s2, s17  }
0x8e: {  	[smem:$0x3FBB] =	sst s2  }
0x8f: {  	_ = 	snop  }
0x90: {  	s2 =	sld [smem:$0x3FD0];
	(tm) =	ssettm $0x1  }
0x91: {  	s18 =	sld [smem:$0x3FFB];
	_ =	sdelay $0x3  }
0x92: {  	_ =	strace s18  }
0x93: {  	s3 =	sld [smem:$0x3FFC];
	_ =	sdelay $0x3  }
0x94: {  	_ =	strace s3  }
0x95: {  	s3 =	sld [smem:$0x3FFD];
	_ =	sdelay $0x3  }
0x96: {  	_ =	strace s3  }
0x97: {  	_ =	strace $0x8FFFFFFF  }
0x98: {  	s19 =	sld [smem:$0x3FDB];
	_ =	sdelay $0x1  }
0x99: {  	s4 =	simm.s32 $_scs_section_size  }
0x9a: {  	s5 =	simm.s32 $_size__tile_overlayer_lowered;
	s6 =	simm.s32 $_tile_overlayer_lowered  }
0x9b: {  	s22 =	simm.s32 $0x1BFF;
	s21 =	sshll.u32 s6, $0x1;
	s3 =	sadd.s32 s4, s19  }
0x9c: {  	s7 =	simm.s32 $0x0;
	s20 =	sshll.u32 s5, $0x1;
	s5 =	sadd.s32 s21, s3  }
0x9d: {  	[timem:s7], [sflag:s22] =	dma.local [hbm:s5], s20  }
0x9e: {  	_ =	swait.ge [sflag:s22], s20  }
0x9f: {  	s4 =	ssub.s32 $0x0, s20;
	[sflag:s22] =	ssyncset.done $0x0  }
0xa0: {  	[sflag:s22] =	ssyncadd.s32 s4;
	_ =	sdelay $0x1  }
0xa1: {  	s23 =	simm.s32 $0x1B8B  }
0xa2: {  	_ =	swait.ge [sflag:s23], $0x1  }
0xa3: {  	[sflag:s23] =	ssyncset.done $0x0  }
0xa4: {  	s25 =	simm.s32 $0x1B8E;
	s24 =	sld [smem:$0x3FFE];
	[sflag:s23] =	ssyncadd.s32 $0xFFFFFFFF  }
0xa5: {  	s26 =	simm.s32 $execute0_lowered;
	[smem:$0x3FD2] =	sst s25  }
0xa6: {  	s5 =	sshll.u32 s26, $0x1;
	_ =	strace $0x80000046;
	[dreg:$0x1] =	wrdreg $0xFFFFFFFF  }
0xa7: {  	s28 =	simm.s32 $_size_execute0_lowered;
	s3 =	sadd.s32 s3, s5;
	[dreg:$0x0] =	wrdreg $0x0  }
0xa8: {  	s5 =	sshll.u32 s28, $0x1;
	[dreg:$0x2] =	wrdreg s3  }
0xa9: {  	[dreg:$0x3] =	wrdreg s5  }
0xaa: {  	[dreg:$0x4] =	wrdreg $0xC0  }
0xab: {  	_ =	task [dreg:s7], $0x5FFFF  }
0xac: {  	[dreg:$0x1] =	wrdreg $0xFFFFFFFF  }
0xad: {  	[dreg:$0x0] =	wrdreg $0x60  }
0xae: {  	[dreg:$0x2] =	wrdreg s24  }
0xaf: {  	[dreg:$0x3] =	wrdreg s2  }
0xb0: {  	[dreg:$0x4] =	wrdreg $0x0  }
0xb1: {  	[dreg:$0x5] =	wrdreg $0xA0000  }
0xb2: {  	[dreg:$0x6] =	wrdreg $0x9  }
0xb3: {  	_ =	task.clear_ibuf [dreg:s7], $0x7FFFF;
	_ =	strace $0x90000046  }
0xb4: {  	s29 =	simm.s32 $0x9;
	_ =	strace $0x80000048  }
0xb5: {  	_ =	swait.ge [sflag:s29], $0x1  }
0xb6: {  	[sflag:s29] =	ssyncadd.s32 $0xFFFFFFFF  }
0xb7: {  	_ =	strace $0x90000048  }
0xb8: {  	_ =	sfence  }
0xb9: {  	s30 =	sld [smem:$0x0];
	_ =	sdelay $0x2  }
0xba: {  	s31 =	sshll.u32 s1, $0xD;
	s1 =	sshrl.u32 s1, $0x2  }
0xbb: {  	s3 =	sand.u32 $0x4000, s31;
	s1 =	sadd.s32 s1, s30  }
0xbc: {  	s0 =	sor.u32 s3, s0;
	s1 =	sshll.u32 s1, $0x11  }
0xbd: {  	s0 =	sor.u32 s1, s0  }
0xbe: {  	s0 =	sadd.s32 $0x8F2B, s0  }
0xbf: {  	[sflag:s0] =	ssyncadd.remote.s32 $0x1  }
0xc0: {  	_ =	sfence.sel $0xFFFF  }
0xc1: {  	[dreg:$0x0] =	wrdreg $0xFFFFFFFF;
	(pc) =	sbr.abs _section_cstart, $3  }
0xc2: {  	[dreg:$0x1] =	wrdreg $0xFFFFFFFF  }
0xc3: {  	_ =	task.clear_ibuf [dreg:s7], $0x2FFFF;
	_ =	strace $0x9FFFFFFF  }
0xc4: {  	(tm) =	ssettm $0x7FFFFFFF  }
0xc5: {  	_ =	shalt  }
tec
execute0_lowered:
.L_overlay_start_1:
0x0: {  	(tag) =	ssettag $0x1  }
0x1: {  	s1 =	stileid.u32  }
0x2: {  	s0 =	srdreg.scid;
	s3 =	ssub.s32 $0x8, s1  }
0x3: {  	s1 =	sand.u32 $0x1, s0;
	p0 =	sgt.s32 s3, $0x0  }
0x4: {  	s0 =	ssub.s32 $0x2, s1;
	s3 =	simm.s32 @!p0 $0x0  }
0x5: {  	s4 =	sshrl.u32 s0, $0x1;
	s5 =	sadd.s32 $0xF, s3  }
0x6: {  	s0 =	ssub.s32 s0, s4;
	s5 =	sshrl.u32 s5, $0x4  }
0x7: {  	s0 =	smul.u32 s0, s5;
	_ =	sdelay $0x1  }
0x8: {  	p0 =	seq.s32 s0, $0x0  }
.Ltmp0:
0x9: {  	s2 =	rddreg [dreg:$0x0];
	s6 =	simm.s32 $0x0;
	(pc) =	sbr.rel @p0 .LBB2_13-.Ltmp0, $4  }
0xa: {  	[smem:$0x7FF] =	sst s6  }
0xb: {  	s3 =	rddreg [dreg:$0x2]  }
0xc: {  	[dreg:$0x5] =	wrdreg s0  }
0xd: {  	s4 =	rddreg [dreg:$0x3];
	_ =	strace $0x80000047  }
0xe: {  	s13 =	stileid.u32  }
0xf: {  	s0 =	smul.u32 $0x14000, s13;
	_ =	sdelay $0x1  }
0x10: {  	s14 =	sadd.s32 $0x3F000, s2;
	s17 =	sor.u32 $0x1000, s0  }
0x11: {  	s5 =	smul.u32 $0x1400, s1;
	[dreg:$0x6] =	wrdreg s14;
	s12 =	sadd.s32 s17, s3  }
0x12: {  	s18 =	sor.u32 $0x2000, s0;
	s1 =	sadd.s32 s17, s4;
	[dreg:$0x7] =	wrdreg s12  }
0x13: {  	s20 =	sor.u32 $0x3000, s0;
	s19 =	sadd.s32 s18, s3;
	[dreg:$0x8] =	wrdreg s1  }
0x14: {  	s22 =	sadd.s32 $0x4000, s0;
	s21 =	sadd.s32 s20, s3;
	[dreg:$0x9] =	wrdreg s19  }
0x15: {  	s24 =	sadd.s32 $0x5000, s0;
	s23 =	sadd.s32 s22, s3;
	[dreg:$0xb] =	wrdreg s21  }
0x16: {  	s26 =	sadd.s32 $0x6000, s0;
	s25 =	sadd.s32 s24, s3;
	[dreg:$0xd] =	wrdreg s23  }
0x17: {  	s29 =	sadd.s32 $0x7000, s0;
	s28 =	sadd.s32 s26, s3;
	[dreg:$0xf] =	wrdreg s25  }
0x18: {  	s15 =	sadd.s32 $0x8000, s0;
	s30 =	sadd.s32 s29, s3;
	[dreg:$0x11] =	wrdreg s28  }
0x19: {  	s7 =	sadd.s32 $0x17000, s2;
	s16 =	sadd.s32 s15, s3;
	[dreg:$0x13] =	wrdreg s30  }
0x1a: {  	s8 =	sadd.s32 $0xD200, s2;
	s12 =	sadd.s32 s18, s4;
	[dreg:$0x15] =	wrdreg s16  }
0x1b: {  	s9 =	sadd.s32 $0x3400, s2;
	s1 =	sadd.s32 s20, s4;
	[dreg:$0xa] =	wrdreg s12  }
0x1c: {  	s10 =	sadd.s32 $0x3FA00, s2;
	s18 =	sadd.s32 s15, s4;
	[dreg:$0xc] =	wrdreg s1  }
0x1d: {  	s2 =	sadd.s32 $0x67A00, s2;
	s12 =	sadd.s32 s22, s4;
	[dreg:$0x16] =	wrdreg s18  }
0x1e: {  	s19 =	sadd.s32 $0x9000, s0;
	s1 =	sadd.s32 s24, s4;
	[dreg:$0xe] =	wrdreg s12  }
0x1f: {  	s11 =	smul.u32 $0x280, s13;
	s20 =	sadd.s32 s19, s3;
	[dreg:$0x10] =	wrdreg s1  }
0x20: {  	s23 =	sadd.s32 $0xB000, s0;
	s21 =	sadd.s32 s19, s4;
	[dreg:$0x19] =	wrdreg s20  }
0x21: {  	s28 =	sadd.s32 $0xC000, s0;
	s25 =	sadd.s32 s23, s3;
	[dreg:$0x1a] =	wrdreg s21  }
0x22: {  	s16 =	sadd.s32 $0xF000, s0;
	s30 =	sadd.s32 s28, s3;
	[dreg:$0x1d] =	wrdreg s25  }
0x23: {  	p0 =	sne.s32 s13, $0x0;
	s18 =	sadd.s32 s16, s3;
	[dreg:$0x1f] =	wrdreg s30  }
0x24: {  	s31 =	smul.u32 $0x4E2, s13;
	s19 =	sadd.s32 s16, s4;
	[smem:$0x7F2] =	sst s18  }
0x25: {  	s13 =	simm.s32 $0x2;
	s17 =	sadd.s32 s11, s5;
	[smem:$0x7F3] =	sst s19  }
0x26: {  	s15 =	sadd.s32 $0xE000, s0;
	s12 =	sadd.s32 s26, s4;
	s30 =	rddreg [dreg:$0x1]  }
0x27: {  	s22 =	sadd.s32 $0xA000, s0;
	s1 =	sadd.s32 s29, s4;
	[dreg:$0x12] =	wrdreg s12  }
0x28: {  	s16 =	simm.s32 $0xB480;
	s24 =	sadd.s32 s22, s3;
	[dreg:$0x14] =	wrdreg s1  }
0x29: {  	s26 =	sadd.s32 s23, s4;
	s29 =	sadd.s32 $0xD000, s0;
	[dreg:$0x1b] =	wrdreg s24  }
0x2a: {  	s20 =	sadd.s32 $0x10000, s0;
	[dreg:$0x1e] =	wrdreg s26;
	s11 =	sadd.s32 s29, s3  }
0x2b: {  	s21 =	sadd.s32 $0x11000, s0;
	s12 =	sadd.s32 s29, s4;
	[smem:$0x7EE] =	sst s11  }
0x2c: {  	s1 =	sshll.u32 s17, $0x4;
	s17 =	sadd.s32 s15, s3;
	[smem:$0x7EF] =	sst s12  }
0x2d: {  	s25 =	sadd.s32 $0x12000, s0;
	s23 =	sadd.s32 s21, s3;
	[smem:$0x7F0] =	sst s17  }
0x2e: {  	s18 =	simm.s32 $0x11600;
	s24 =	sadd.s32 s21, s4;
	[smem:$0x7F6] =	sst s23  }
0x2f: {  	s19 =	simm.s32 $0x4;
	s26 =	sadd.s32 s25, s3;
	[smem:$0x7F7] =	sst s24  }
0x30: {  	s29 =	sadd.s32 $0x500, s14;
	s14 =	simm.s32 $0x3;
	[smem:$0x7F8] =	sst s26  }
0x31: {  	s21 =	simm.s32 $0x0;
	s10 =	sadd.s32 s10, s1;
	[smem:$0x7FC] =	sst s29  }
0x32: {  	s1 =	sadd.s32 s2, s1;
	s23 =	sadd.s32 s0, s4;
	[dreg:$0x17] =	wrdreg s10  }
0x33: {  	s2 =	simm.s32 $0xB500;
	[dreg:$0x18] =	wrdreg s1;
	s1 =	sadd.s32 s22, s4  }
0x34: {  	s11 =	simm.s32 $0x10600;
	s22 =	sadd.s32 s20, s3;
	[dreg:$0x1c] =	wrdreg s1  }
0x35: {  	s1 =	sadd.s32 s28, s4;
	[smem:$0x7F4] =	sst s22;
	s22 =	sadd.s32 s0, s3  }
0x36: {  	s0 =	sadd.s32 $0x13000, s0;
	[smem:$0x7ED] =	sst s1;
	s1 =	sadd.s32 s15, s4  }
0x37: {  	s12 =	simm.s32 $0x11680;
	s28 =	sadd.s32 s0, s3;
	[smem:$0x7F1] =	sst s1  }
0x38: {  	s17 =	simm.s32 $0x20;
	s0 =	sadd.s32 s0, s4;
	[smem:$0x7FA] =	sst s28  }
0x39: {  	s10 =	simm.s32 $0x1;
	s1 =	sadd.s32 s20, s4;
	[smem:$0x7FB] =	sst s0  }
0x3a: {  	s15 =	simm.s32 $0xB400;
	s0 =	sadd.s32 $0x10, s30;
	[smem:$0x7F5] =	sst s1  }
0x3b: {  	v0 =	vimm.f32 $0.0e+00;
	vm0 =	vcmask $0x300;
	s20 =	simm.s32 $0x5;
	s1 =	sadd.s32 s25, s4;
	[smem:$0x7FD] =	sst s0  }
0x3c: {  	v2 =	vsel vm0, $0x3F800000, v0;
	v1 =	vmov s5;
	s0 =	simm.s32 $0xDD00;
	[smem:$0x7F9] =	sst s1;
	s1 =	simm.s32 $0x6  }
.LBB2_2:
0x3d: {  	s5 =	simm.s32 @!p0 $0x0;
	s24 =	rddreg [dreg:$0x6]  }
0x3e: {  	[smem:$0x0] =	sst @!p0 s5  }
0x3f: {  	[smem:$0x1] =	sst @!p0 s5;
	s5 =	simm.s32 $0x0  }
0x40: {  	[tilespmem:s2], [sflag:$0x6] =	stream.linear.gather [hbm4b:s24+s5], $0x2800, $0x38;
	[tilespmem:$0x12680] =	vst v63  }
0x41: {  	_ =	swait.ge [sflag:s1], $0x2800  }
0x42: {  	s26 =	sld [smem:$0x7FC]  }
0x43: {  	[sflag:s1] =	ssyncset.done $0x0  }
0x44: {  	[sflag:s1] =	ssyncadd.s32 $0xFFFFD800  }
0x45: {  	[tilespmem:s0], [sflag:$0x6] =	stream.linear.gather [hbm4b:s26+s5], $0x2800, $0x38;
	[tilespmem:$0x12680] =	vst v63  }
0x46: {  	_ =	swait.ge [sflag:s1], $0x2800  }
0x47: {  	[sflag:s1] =	ssyncset.done $0x0  }
0x48: {  	[sflag:s1] =	ssyncadd.s32 $0xFFFFD800  }
0x49: {  	s25 =	simm.s32 $0x10500;
	s28 =	rddreg [dreg:$0x1]  }
0x4a: {  	[tilespmem:s25], [sflag:$0x6] =	stream.linear.gather [hbm4b:s28+s5], $0x10, $0x38;
	[tilespmem:$0x12680] =	vst v63  }
0x4b: {  	_ =	swait.ge [sflag:s1], $0x10  }
0x4c: {  	s29 =	sld [smem:$0x7FD]  }
0x4d: {  	[sflag:s1] =	ssyncset.done $0x0  }
0x4e: {  	s30 =	simm.s32 $0x10580;
	[sflag:s1] =	ssyncadd.s32 $0xFFFFFFF0  }
0x4f: {  	[tilespmem:s30], [sflag:$0x6] =	stream.linear.gather [hbm4b:s29+s5], $0x10, $0x38;
	[tilespmem:$0x12680] =	vst v63  }
0x50: {  	_ =	swait.ge [sflag:s1], $0x10  }
0x51: {  	[sflag:s1] =	ssyncset.done $0x0  }
0x52: {  	[sflag:s1] =	ssyncadd.s32 $0xFFFFFFF0  }
0x53: {  	v3 =	vld [tilespmem:$0x10500]  }
0x54: {  	s24 =	simm.s32 $0x200;
	s5 =	simm.s32 $0x0;
	v4 =	vld [tilespmem:$0x10580]  }
.LBB2_3:
0x55: {  	p1 =	sne.s32 s24, $0x3E00;
	[tilespmem:s5+$0x11680] =	vst v0  }
0x56: {  	[tilespmem:s5+$0x10600] =	vst v0  }
0x57: {  	[tilespmem:s5+$0x10610] =	vst v0  }
0x58: {  	[tilespmem:s5+$0x10620] =	vst v0  }
.Ltmp1:
0x59: {  	[tilespmem:s5+$0x10630] =	vst v0;
	(pc) =	sbr.rel @p1 .LBB2_3-.Ltmp1, $4  }
0x5a: {  	[tilespmem:s5+$0x10640] =	vst v0  }
0x5b: {  	[tilespmem:s5+$0x10650] =	vst v0  }
0x5c: {  	[tilespmem:s5+$0x10660] =	vst v0  }
0x5d: {  	[tilespmem:s5+$0x10670] =	vst v0;
	s5 =	sshra.s32 s24, $0x2;
	s24 =	sadd.s32 $0x200, s24  }
0x5e: {  	[tilespmem:s5+$0x11680] =	vst v0  }
0x5f: {  	[tilespmem:s5+$0x10600] =	vst v0  }
0x60: {  	[tilespmem:s5+$0x10610] =	vst v0  }
0x61: {  	[tilespmem:s5+$0x10620] =	vst v0  }
0x62: {  	[tilespmem:s5+$0x10630] =	vst v0  }
0x63: {  	[tilespmem:s5+$0x10640] =	vst v0  }
0x64: {  	[tilespmem:s5+$0x10650] =	vst v0  }
0x65: {  	[tilespmem:s5+$0x10660] =	vst v0  }
0x66: {  	[tilespmem:s5+$0x10670] =	vst v0  }
0x67: {  	[spmem:s22] =	stream.linear.scatter [tilespmem:s11], [sflag:$0x6], $0x1000, $0x38;
	[tilespmem:$0x12680] =	vst v63  }
0x68: {  	_ =	swait.ge [sflag:s1], $0x1000  }
0x69: {  	[sflag:s1] =	ssyncset.done $0x0  }
0x6a: {  	[sflag:s1] =	ssyncadd.s32 $0xFFFFF000  }
0x6b: {  	[spmem:s23] =	stream.linear.scatter [tilespmem:s12], [sflag:$0x6], $0x1000, $0x38;
	[tilespmem:$0x12680] =	vst v63  }
0x6c: {  	_ =	swait.ge [sflag:s1], $0x1000  }
0x6d: {  	[sflag:s1] =	ssyncset.done $0x0  }
0x6e: {  	s29 =	rddreg [dreg:$0x7];
	[sflag:s1] =	ssyncadd.s32 $0xFFFFF000  }
0x6f: {  	[spmem:s29] =	stream.linear.scatter [tilespmem:s11], [sflag:$0x6], $0x1000, $0x38;
	[tilespmem:$0x12680] =	vst v63  }
0x70: {  	_ =	swait.ge [sflag:s1], $0x1000  }
0x71: {  	[sflag:s1] =	ssyncset.done $0x0  }
0x72: {  	s30 =	rddreg [dreg:$0x8];
	[sflag:s1] =	ssyncadd.s32 $0xFFFFF000  }
0x73: {  	[spmem:s30] =	stream.linear.scatter [tilespmem:s12], [sflag:$0x6], $0x1000, $0x38;
	[tilespmem:$0x12680] =	vst v63  }
0x74: {  	_ =	swait.ge [sflag:s1], $0x1000  }
0x75: {  	[sflag:s1] =	ssyncset.done $0x0  }
0x76: {  	s24 =	rddreg [dreg:$0x9];
	[sflag:s1] =	ssyncadd.s32 $0xFFFFF000  }
0x77: {  	[spmem:s24] =	stream.linear.scatter [tilespmem:s11], [sflag:$0x6], $0x1000, $0x38;
	[tilespmem:$0x12680] =	vst v63  }
0x78: {  	_ =	swait.ge [sflag:s1], $0x1000  }
0x79: {  	[sflag:s1] =	ssyncset.done $0x0  }
0x7a: {  	s25 =	rddreg [dreg:$0xa];
	[sflag:s1] =	ssyncadd.s32 $0xFFFFF000  }
0x7b: {  	[spmem:s25] =	stream.linear.scatter [tilespmem:s12], [sflag:$0x6], $0x1000, $0x38;
	[tilespmem:$0x12680] =	vst v63  }
0x7c: {  	_ =	swait.ge [sflag:s1], $0x1000  }
0x7d: {  	[sflag:s1] =	ssyncset.done $0x0  }
0x7e: {  	s26 =	rddreg [dreg:$0xb];
	[sflag:s1] =	ssyncadd.s32 $0xFFFFF000  }
0x7f: {  	[spmem:s26] =	stream.linear.scatter [tilespmem:s11], [sflag:$0x6], $0x1000, $0x38;
	[tilespmem:$0x12680] =	vst v63  }
0x80: {  	_ =	swait.ge [sflag:s1], $0x1000  }
0x81: {  	[sflag:s1] =	ssyncset.done $0x0  }
0x82: {  	s28 =	rddreg [dreg:$0xc];
	[sflag:s1] =	ssyncadd.s32 $0xFFFFF000  }
0x83: {  	[spmem:s28] =	stream.linear.scatter [tilespmem:s12], [sflag:$0x6], $0x1000, $0x38;
	[tilespmem:$0x12680] =	vst v63  }
0x84: {  	_ =	swait.ge [sflag:s1], $0x1000  }
0x85: {  	[sflag:s1] =	ssyncset.done $0x0  }
0x86: {  	s29 =	rddreg [dreg:$0xd];
	[sflag:s1] =	ssyncadd.s32 $0xFFFFF000  }
0x87: {  	[spmem:s29] =	stream.linear.scatter [tilespmem:s11], [sflag:$0x6], $0x1000, $0x38;
	[tilespmem:$0x12680] =	vst v63  }
0x88: {  	_ =	swait.ge [sflag:s1], $0x1000  }
0x89: {  	[sflag:s1] =	ssyncset.done $0x0  }
0x8a: {  	s30 =	rddreg [dreg:$0xe];
	[sflag:s1] =	ssyncadd.s32 $0xFFFFF000  }
0x8b: {  	[spmem:s30] =	stream.linear.scatter [tilespmem:s12], [sflag:$0x6], $0x1000, $0x38;
	[tilespmem:$0x12680] =	vst v63  }
0x8c: {  	_ =	swait.ge [sflag:s1], $0x1000  }
0x8d: {  	[sflag:s1] =	ssyncset.done $0x0  }
0x8e: {  	s24 =	rddreg [dreg:$0xf];
	[sflag:s1] =	ssyncadd.s32 $0xFFFFF000  }
0x8f: {  	[spmem:s24] =	stream.linear.scatter [tilespmem:s11], [sflag:$0x6], $0x1000, $0x38;
	[tilespmem:$0x12680] =	vst v63  }
0x90: {  	_ =	swait.ge [sflag:s1], $0x1000  }
0x91: {  	[sflag:s1] =	ssyncset.done $0x0  }
0x92: {  	s25 =	rddreg [dreg:$0x10];
	[sflag:s1] =	ssyncadd.s32 $0xFFFFF000  }
0x93: {  	[spmem:s25] =	stream.linear.scatter [tilespmem:s12], [sflag:$0x6], $0x1000, $0x38;
	[tilespmem:$0x12680] =	vst v63  }
0x94: {  	_ =	swait.ge [sflag:s1], $0x1000  }
0x95: {  	[sflag:s1] =	ssyncset.done $0x0  }
0x96: {  	s26 =	rddreg [dreg:$0x11];
	[sflag:s1] =	ssyncadd.s32 $0xFFFFF000  }
0x97: {  	[spmem:s26] =	stream.linear.scatter [tilespmem:s11], [sflag:$0x6], $0x1000, $0x38;
	[tilespmem:$0x12680] =	vst v63  }
0x98: {  	_ =	swait.ge [sflag:s1], $0x1000  }
0x99: {  	[sflag:s1] =	ssyncset.done $0x0  }
0x9a: {  	s28 =	rddreg [dreg:$0x12];
	[sflag:s1] =	ssyncadd.s32 $0xFFFFF000  }
0x9b: {  	[spmem:s28] =	stream.linear.scatter [tilespmem:s12], [sflag:$0x6], $0x1000, $0x38;
	[tilespmem:$0x12680] =	vst v63  }
0x9c: {  	_ =	swait.ge [sflag:s1], $0x1000  }
0x9d: {  	[sflag:s1] =	ssyncset.done $0x0  }
0x9e: {  	s29 =	rddreg [dreg:$0x13];
	[sflag:s1] =	ssyncadd.s32 $0xFFFFF000  }
0x9f: {  	[spmem:s29] =	stream.linear.scatter [tilespmem:s11], [sflag:$0x6], $0x1000, $0x38;
	[tilespmem:$0x12680] =	vst v63  }
0xa0: {  	_ =	swait.ge [sflag:s1], $0x1000  }
0xa1: {  	[sflag:s1] =	ssyncset.done $0x0  }
0xa2: {  	s30 =	rddreg [dreg:$0x14];
	[sflag:s1] =	ssyncadd.s32 $0xFFFFF000  }
0xa3: {  	[spmem:s30] =	stream.linear.scatter [tilespmem:s12], [sflag:$0x6], $0x1000, $0x38;
	[tilespmem:$0x12680] =	vst v63  }
0xa4: {  	_ =	swait.ge [sflag:s1], $0x1000  }
0xa5: {  	[sflag:s1] =	ssyncset.done $0x0  }
0xa6: {  	s24 =	rddreg [dreg:$0x15];
	[sflag:s1] =	ssyncadd.s32 $0xFFFFF000  }
0xa7: {  	[spmem:s24] =	stream.linear.scatter [tilespmem:s11], [sflag:$0x6], $0x1000, $0x38;
	[tilespmem:$0x12680] =	vst v63  }
0xa8: {  	_ =	swait.ge [sflag:s1], $0x1000  }
0xa9: {  	[sflag:s1] =	ssyncset.done $0x0  }
0xaa: {  	s25 =	rddreg [dreg:$0x16];
	[sflag:s1] =	ssyncadd.s32 $0xFFFFF000  }
0xab: {  	[spmem:s25] =	stream.linear.scatter [tilespmem:s12], [sflag:$0x6], $0x1000, $0x38;
	[tilespmem:$0x12680] =	vst v63  }
0xac: {  	_ =	swait.ge [sflag:s1], $0x1000  }
0xad: {  	[sflag:s1] =	ssyncset.done $0x0  }
0xae: {  	s26 =	rddreg [dreg:$0x19];
	[sflag:s1] =	ssyncadd.s32 $0xFFFFF000  }
0xaf: {  	[spmem:s26] =	stream.linear.scatter [tilespmem:s11], [sflag:$0x6], $0x1000, $0x38;
	[tilespmem:$0x12680] =	vst v63  }
0xb0: {  	_ =	swait.ge [sflag:s1], $0x1000  }
0xb1: {  	[sflag:s1] =	ssyncset.done $0x0  }
0xb2: {  	s28 =	rddreg [dreg:$0x1a];
	[sflag:s1] =	ssyncadd.s32 $0xFFFFF000  }
0xb3: {  	[spmem:s28] =	stream.linear.scatter [tilespmem:s12], [sflag:$0x6], $0x1000, $0x38;
	[tilespmem:$0x12680] =	vst v63  }
0xb4: {  	_ =	swait.ge [sflag:s1], $0x1000  }
0xb5: {  	[sflag:s1] =	ssyncset.done $0x0  }
0xb6: {  	s29 =	rddreg [dreg:$0x1b];
	[sflag:s1] =	ssyncadd.s32 $0xFFFFF000  }
0xb7: {  	[spmem:s29] =	stream.linear.scatter [tilespmem:s11], [sflag:$0x6], $0x1000, $0x38;
	[tilespmem:$0x12680] =	vst v63  }
0xb8: {  	_ =	swait.ge [sflag:s1], $0x1000  }
0xb9: {  	[sflag:s1] =	ssyncset.done $0x0  }
0xba: {  	s30 =	rddreg [dreg:$0x1c];
	[sflag:s1] =	ssyncadd.s32 $0xFFFFF000  }
0xbb: {  	[spmem:s30] =	stream.linear.scatter [tilespmem:s12], [sflag:$0x6], $0x1000, $0x38;
	[tilespmem:$0x12680] =	vst v63  }
0xbc: {  	_ =	swait.ge [sflag:s1], $0x1000  }
0xbd: {  	[sflag:s1] =	ssyncset.done $0x0  }
0xbe: {  	s24 =	rddreg [dreg:$0x1d];
	[sflag:s1] =	ssyncadd.s32 $0xFFFFF000  }
0xbf: {  	[spmem:s24] =	stream.linear.scatter [tilespmem:s11], [sflag:$0x6], $0x1000, $0x38;
	[tilespmem:$0x12680] =	vst v63  }
0xc0: {  	_ =	swait.ge [sflag:s1], $0x1000  }
0xc1: {  	[sflag:s1] =	ssyncset.done $0x0  }
0xc2: {  	s25 =	rddreg [dreg:$0x1e];
	[sflag:s1] =	ssyncadd.s32 $0xFFFFF000  }
0xc3: {  	[spmem:s25] =	stream.linear.scatter [tilespmem:s12], [sflag:$0x6], $0x1000, $0x38;
	[tilespmem:$0x12680] =	vst v63  }
0xc4: {  	_ =	swait.ge [sflag:s1], $0x1000  }
0xc5: {  	[sflag:s1] =	ssyncset.done $0x0  }
0xc6: {  	s26 =	rddreg [dreg:$0x1f];
	[sflag:s1] =	ssyncadd.s32 $0xFFFFF000  }
0xc7: {  	[spmem:s26] =	stream.linear.scatter [tilespmem:s11], [sflag:$0x6], $0x1000, $0x38;
	[tilespmem:$0x12680] =	vst v63  }
0xc8: {  	_ =	swait.ge [sflag:s1], $0x1000  }
0xc9: {  	s28 =	sld [smem:$0x7ED]  }
0xca: {  	[sflag:s1] =	ssyncset.done $0x0  }
0xcb: {  	[sflag:s1] =	ssyncadd.s32 $0xFFFFF000  }
0xcc: {  	[spmem:s28] =	stream.linear.scatter [tilespmem:s12], [sflag:$0x6], $0x1000, $0x38;
	[tilespmem:$0x12680] =	vst v63  }
0xcd: {  	_ =	swait.ge [sflag:s1], $0x1000  }
0xce: {  	s29 =	sld [smem:$0x7EE]  }
0xcf: {  	[sflag:s1] =	ssyncset.done $0x0  }
0xd0: {  	[sflag:s1] =	ssyncadd.s32 $0xFFFFF000  }
0xd1: {  	[spmem:s29] =	stream.linear.scatter [tilespmem:s11], [sflag:$0x6], $0x1000, $0x38;
	[tilespmem:$0x12680] =	vst v63  }
0xd2: {  	_ =	swait.ge [sflag:s1], $0x1000  }
0xd3: {  	s30 =	sld [smem:$0x7EF]  }
0xd4: {  	[sflag:s1] =	ssyncset.done $0x0  }
0xd5: {  	[sflag:s1] =	ssyncadd.s32 $0xFFFFF000  }
0xd6: {  	[spmem:s30] =	stream.linear.scatter [tilespmem:s12], [sflag:$0x6], $0x1000, $0x38;
	[tilespmem:$0x12680] =	vst v63  }
0xd7: {  	_ =	swait.ge [sflag:s1], $0x1000  }
0xd8: {  	s24 =	sld [smem:$0x7F0]  }
0xd9: {  	[sflag:s1] =	ssyncset.done $0x0  }
0xda: {  	[sflag:s1] =	ssyncadd.s32 $0xFFFFF000  }
0xdb: {  	[spmem:s24] =	stream.linear.scatter [tilespmem:s11], [sflag:$0x6], $0x1000, $0x38;
	[tilespmem:$0x12680] =	vst v63  }
0xdc: {  	_ =	swait.ge [sflag:s1], $0x1000  }
0xdd: {  	s25 =	sld [smem:$0x7F1]  }
0xde: {  	[sflag:s1] =	ssyncset.done $0x0  }
0xdf: {  	[sflag:s1] =	ssyncadd.s32 $0xFFFFF000  }
0xe0: {  	[spmem:s25] =	stream.linear.scatter [tilespmem:s12], [sflag:$0x6], $0x1000, $0x38;
	[tilespmem:$0x12680] =	vst v63  }
0xe1: {  	_ =	swait.ge [sflag:s1], $0x1000  }
0xe2: {  	s26 =	sld [smem:$0x7F2]  }
0xe3: {  	[sflag:s1] =	ssyncset.done $0x0  }
0xe4: {  	[sflag:s1] =	ssyncadd.s32 $0xFFFFF000  }
0xe5: {  	[spmem:s26] =	stream.linear.scatter [tilespmem:s11], [sflag:$0x6], $0x1000, $0x38;
	[tilespmem:$0x12680] =	vst v63  }
0xe6: {  	_ =	swait.ge [sflag:s1], $0x1000  }
0xe7: {  	s28 =	sld [smem:$0x7F3]  }
0xe8: {  	[sflag:s1] =	ssyncset.done $0x0  }
0xe9: {  	[sflag:s1] =	ssyncadd.s32 $0xFFFFF000  }
0xea: {  	[spmem:s28] =	stream.linear.scatter [tilespmem:s12], [sflag:$0x6], $0x1000, $0x38;
	[tilespmem:$0x12680] =	vst v63  }
0xeb: {  	_ =	swait.ge [sflag:s1], $0x1000  }
0xec: {  	s29 =	sld [smem:$0x7F4]  }
0xed: {  	[sflag:s1] =	ssyncset.done $0x0  }
0xee: {  	[sflag:s1] =	ssyncadd.s32 $0xFFFFF000  }
0xef: {  	[spmem:s29] =	stream.linear.scatter [tilespmem:s11], [sflag:$0x6], $0x1000, $0x38;
	[tilespmem:$0x12680] =	vst v63  }
0xf0: {  	_ =	swait.ge [sflag:s1], $0x1000  }
0xf1: {  	s30 =	sld [smem:$0x7F5]  }
0xf2: {  	[sflag:s1] =	ssyncset.done $0x0  }
0xf3: {  	[sflag:s1] =	ssyncadd.s32 $0xFFFFF000  }
0xf4: {  	[spmem:s30] =	stream.linear.scatter [tilespmem:s12], [sflag:$0x6], $0x1000, $0x38;
	[tilespmem:$0x12680] =	vst v63  }
0xf5: {  	_ =	swait.ge [sflag:s1], $0x1000  }
0xf6: {  	s24 =	sld [smem:$0x7F6]  }
0xf7: {  	[sflag:s1] =	ssyncset.done $0x0  }
0xf8: {  	[sflag:s1] =	ssyncadd.s32 $0xFFFFF000  }
0xf9: {  	[spmem:s24] =	stream.linear.scatter [tilespmem:s11], [sflag:$0x6], $0x1000, $0x38;
	[tilespmem:$0x12680] =	vst v63  }
0xfa: {  	_ =	swait.ge [sflag:s1], $0x1000  }
0xfb: {  	s25 =	sld [smem:$0x7F7]  }
0xfc: {  	[sflag:s1] =	ssyncset.done $0x0  }
0xfd: {  	[sflag:s1] =	ssyncadd.s32 $0xFFFFF000  }
0xfe: {  	[spmem:s25] =	stream.linear.scatter [tilespmem:s12], [sflag:$0x6], $0x1000, $0x38;
	[tilespmem:$0x12680] =	vst v63  }
0xff: {  	_ =	swait.ge [sflag:s1], $0x1000  }
0x100: {  	s26 =	sld [smem:$0x7F8]  }
0x101: {  	[sflag:s1] =	ssyncset.done $0x0  }
0x102: {  	[sflag:s1] =	ssyncadd.s32 $0xFFFFF000  }
0x103: {  	[spmem:s26] =	stream.linear.scatter [tilespmem:s11], [sflag:$0x6], $0x1000, $0x38;
	[tilespmem:$0x12680] =	vst v63  }
0x104: {  	_ =	swait.ge [sflag:s1], $0x1000  }
0x105: {  	s28 =	sld [smem:$0x7F9]  }
0x106: {  	[sflag:s1] =	ssyncset.done $0x0  }
0x107: {  	[sflag:s1] =	ssyncadd.s32 $0xFFFFF000  }
0x108: {  	[spmem:s28] =	stream.linear.scatter [tilespmem:s12], [sflag:$0x6], $0x1000, $0x38;
	[tilespmem:$0x12680] =	vst v63  }
0x109: {  	_ =	swait.ge [sflag:s1], $0x1000  }
0x10a: {  	s29 =	sld [smem:$0x7FA]  }
0x10b: {  	[sflag:s1] =	ssyncset.done $0x0  }
0x10c: {  	[sflag:s1] =	ssyncadd.s32 $0xFFFFF000  }
0x10d: {  	[spmem:s29] =	stream.linear.scatter [tilespmem:s11], [sflag:$0x6], $0x1000, $0x38;
	[tilespmem:$0x12680] =	vst v63  }
0x10e: {  	_ =	swait.ge [sflag:s1], $0x1000  }
0x10f: {  	s30 =	sld [smem:$0x7FB]  }
0x110: {  	[sflag:s1] =	ssyncset.done $0x0  }
0x111: {  	[sflag:s1] =	ssyncadd.s32 $0xFFFFF000  }
0x112: {  	[spmem:s30] =	stream.linear.scatter [tilespmem:s12], [sflag:$0x6], $0x1000, $0x38;
	[tilespmem:$0x12680] =	vst v63  }
0x113: {  	_ =	swait.ge [sflag:s1], $0x1000  }
0x114: {  	[sflag:s1] =	ssyncset.done $0x0  }
0x115: {  	[sflag:s1] =	ssyncadd.s32 $0xFFFFF000  }
0x116: {  	[sflag:s13] =	ssyncset.done $0x0  }
0x117: {  	[smem:s6], [sflag:$0x2] =	smem.add.s32 $0x1  }
0x118: {  	_ =	swait.done [sflag:s13]  }
0x119: {  	[sflag:s13] =	ssyncset.s32 $0x0  }
0x11a: {  	[sflag:s13] =	ssyncset.done $0x0  }
.LBB2_5:
0x11b: {  	[sflag:s14] =	ssyncset.done $0x0  }
0x11c: {  	[smem:s6], [sflag:$0x3] =	smem.add.s32 $0x0  }
0x11d: {  	_ =	swait.done [sflag:s14]  }
0x11e: {  	s5 =	ssyncread [sflag:$0x3];
	_ =	sdelay $0x2  }
0x11f: {  	p1 =	slt.s32 s5, $0x8  }
.Ltmp2:
0x120: {  	_ = 	snop;
	(pc) =	sbr.rel @p1 .LBB2_5-.Ltmp2, $3  }
0x121: {  	_ =	sdelay $0x1  }
0x122: {  	[sflag:s14] =	ssyncset.s32 $0x0  }
0x123: {  	[sflag:s14] =	ssyncset.done $0x0  }
0x124: {  	v3 =	vadd.f32 v4, v3;
	_ =	sdelay $0x1  }
0x125: {  	v4 =	vmul.f32 $2.000000030e-01, v3  }
0x126: {  	vm0 =	vge.f32 v3, $0.0e+00  }
0x127: {  	s5 =	simm.s32 $0x0;
	s24 =	simm.s32 $0x0;
	v3 =	vsel vm0, v3, v4  }
.LBB2_7:
0x128: {  	s25 =	sadd.s32 s31, s24  }
0x129: {  	s25 =	sshll.u32 s25, $0x2  }
0x12a: {  	s26 =	sadd.s32 s8, s25  }
0x12b: {  	[tilespmem:s15], [sflag:$0x6] =	stream.linear.gather [hbm4b:s26+s5], $0x20, $0x38;
	[tilespmem:$0x12680] =	vst v63  }
0x12c: {  	_ =	swait.ge [sflag:s1], $0x20  }
0x12d: {  	[sflag:s1] =	ssyncset.done $0x0  }
0x12e: {  	s25 =	sadd.s32 s9, s25;
	[sflag:s1] =	ssyncadd.s32 $0xFFFFFFE0  }
0x12f: {  	[tilespmem:s16], [sflag:$0x6] =	stream.linear.gather [hbm4b:s25+s5], $0x20, $0x38;
	[tilespmem:$0x12680] =	vst v63  }
0x130: {  	_ =	swait.ge [sflag:s1], $0x20  }
0x131: {  	[sflag:s1] =	ssyncset.done $0x0  }
0x132: {  	[sflag:s1] =	ssyncadd.s32 $0xFFFFFFE0  }
0x133: {  	[tilespmem:s11], [sflag:$0x1] =	stream.indirect.gather [hbm4b:s7+s17], $0x80, s15, s17, $0xb8;
	[tilespmem:$0x12680] =	vst v63  }
0x134: {  	v4 =	vld [tilespmem:$0xB400]  }
0x135: {  	v5 =	vld [tilespmem:$0xB480];
	_ =	sdelay $0x6  }
0x136: {  	v4 =	vld.idx.msk [tilespmem:v4+s2+$0x0], $0xffff  }
0x137: {  	v6 =	vld.idx.msk [tilespmem:v5+s0+$0x0], $0xffff;
	_ =	sdelay $0x4  }
0x138: {  	v4 =	vadd.f32 v6, v4;
	_ =	sdelay $0x1  }
0x139: {  	v6 =	vmul.f32 $2.000000030e-01, v4  }
0x13a: {  	vm0 =	vge.f32 v4, $0.0e+00  }
0x13b: {  	v4 =	vsel vm0, v4, v6  }
0x13c: {  	v4 =	vsub.f32 v4, v3;
	_ =	sdelay $0x1  }
0x13d: {  	v4 =	vmul.f32 $1.442695020e+00, v4;
	_ =	sdelay $0x1  }
0x13e: {  	(erf) = vpow2.f32 v4;
	_ =	sdelay $0x4  }
0x13f: {  	v4 =	vld [tilespmem:$0xB410]  }
0x140: {  	v6 =	vld [tilespmem:$0xB490]  }
0x141: {  	v5 =	vsub.s32 v5, v1  }
0x142: {  	vm9 =	vlt.s32 v5, $0x0;
	v7 =	vadd.s32 $0x1400, v5  }
0x143: {  	vm10 =	vlt.u32 v5, $0x1400;
	v7 =	vsel vm9, v7, v5;
	v8 =	vpop (erf)  }
0x144: {  	vm11 =	vgt.s32 v7, $0x13FF;
	v5 =	vnsel vm10, $0x0, v8;
	v8 =	vadd.s32 $0xFFFFEC00, v7  }
0x145: {  	[tilespmem:$0x11600] =	vst v5;
	v5 =	vsel vm11, v8, v7  }
0x146: {  	[tilespmem:$0xB480] =	vst v5  }
0x147: {  	v4 =	vld.idx.msk [tilespmem:v4+s2+$0x0], $0xffff  }
0x148: {  	v5 =	vld.idx.msk [tilespmem:v6+s0+$0x0], $0xffff;
	_ =	sdelay $0x4  }
0x149: {  	v4 =	vadd.f32 v5, v4;
	_ =	sdelay $0x1  }
0x14a: {  	v5 =	vmul.f32 $2.000000030e-01, v4  }
0x14b: {  	vm12 =	vge.f32 v4, $0.0e+00  }
0x14c: {  	v4 =	vsel vm12, v4, v5  }
0x14d: {  	v4 =	vsub.f32 v4, v3;
	_ =	sdelay $0x1  }
0x14e: {  	v4 =	vmul.f32 $1.442695020e+00, v4;
	_ =	sdelay $0x1  }
0x14f: {  	(erf) = vpow2.f32 v4;
	_ =	sdelay $0x6  }
0x150: {  	v4 =	vsub.s32 v6, v1  }
0x151: {  	vm13 =	vlt.s32 v4, $0x0;
	v5 =	vadd.s32 $0x1400, v4  }
0x152: {  	vm14 =	vlt.u32 v4, $0x1400;
	v5 =	vsel vm13, v5, v4;
	v6 =	vpop (erf)  }
0x153: {  	vm15 =	vgt.s32 v5, $0x13FF;
	v4 =	vnsel vm14, $0x0, v6;
	v6 =	vadd.s32 $0xFFFFEC00, v5  }
0x154: {  	[tilespmem:$0x11610] =	vst v4;
	v4 =	vsel vm15, v6, v5;
	v5 =	vmov s5  }
0x155: {  	[tilespmem:$0xB490] =	vst v4  }
0x156: {  	_ =	swait.ge [sflag:s10], $0x1000  }
0x157: {  	[sflag:s10] =	ssyncset.done $0x0  }
0x158: {  	[sflag:s10] =	ssyncadd.s32 $0xFFFFF000  }
0x159: {  	v4 =	vld.idx.msk [tilespmem:v5+s18+$0x0], $0xffff;
	_ =	sdelay $0x4  }
0x15a: {  	v5 =	vmul.f32 v2, v4  }
0x15b: {  	s26 =	simm.s32 $0x11680  }
0x15c: {  	s25 =	simm.s32 $0x10640;
	[tilespmem:s26+$0x0] =	vst v5  }
0x15d: {  	v10 =	vld [tilespmem:s25+$0x30]  }
0x15e: {  	v9 =	vld [tilespmem:s25+$0x10]  }
0x15f: {  	v8 =	vld [tilespmem:s25+$0xFFFFFFE0]  }
0x160: {  	v7 =	vld [tilespmem:s25+$0xFFFFFFF0]  }
0x161: {  	v6 =	vld [tilespmem:s25+$0x0]  }
0x162: {  	s28 =	simm.s32 $0x1;
	s29 =	simm.s32 $0x10640;
	v5 =	vld [tilespmem:s25+$0x20];
	v10 =	vmul.f32 v10, v4  }
.LBB2_8:
0x163: {  	p1 =	sne.s32 s28, $0x1F;
	v11 =	vld [tilespmem:s25+$0xFFFFFFD0];
	v9 =	vmul.f32 v9, v4;
	s26 =	sadd.s32 $0x80, s26;
	s29 =	sadd.s32 $0x80, s29  }
0x164: {  	s30 =	smov.u32 s28;
	s28 =	sadd.s32 $0x1, s28;
	v12 =	vld [tilespmem:s25+$0xFFFFFFC0];
	v8 =	vmul.f32 v8, v4;
	[tilespmem:s25+$0x30] =	vst v10  }
0x165: {  	v7 =	vmul.f32 v7, v4;
	[tilespmem:s25+$0x10] =	vst v9  }
0x166: {  	v9 =	vmov s30;
	[tilespmem:s25+$0xFFFFFFE0] =	vst v8;
	v6 =	vmul.f32 v6, v4  }
0x167: {  	[tilespmem:s25+$0xFFFFFFF0] =	vst v7;
	v5 =	vmul.f32 v5, v4  }
0x168: {  	v7 =	vmul.f32 v11, v4;
	[tilespmem:s25+$0x0] =	vst v6  }
0x169: {  	v4 =	vmul.f32 v12, v4;
	[tilespmem:s25+$0x20] =	vst v5  }
0x16a: {  	[tilespmem:s25+$0xFFFFFFD0] =	vst v7  }
0x16b: {  	[tilespmem:s25+$0xFFFFFFC0] =	vst v4;
	s25 =	smov.u32 s29  }
0x16c: {  	v4 =	vld.idx.msk [tilespmem:v9+s18+$0x0], $0xffff;
	_ =	sdelay $0x5  }
0x16d: {  	v5 =	vmul.f32 v2, v4;
	_ =	sdelay $0x1  }
0x16e: {  	[tilespmem:s26+$0x0] =	vst v5  }
0x16f: {  	v10 =	vld [tilespmem:s29+$0x30]  }
.Ltmp3:
0x170: {  	v9 =	vld [tilespmem:s29+$0x10];
	(pc) =	sbr.rel @p1 .LBB2_8-.Ltmp3, $4  }
0x171: {  	v8 =	vld [tilespmem:s29+$0xFFFFFFE0]  }
0x172: {  	v7 =	vld [tilespmem:s29+$0xFFFFFFF0]  }
0x173: {  	v6 =	vld [tilespmem:s29+$0x0]  }
0x174: {  	v5 =	vld [tilespmem:s29+$0x20];
	v10 =	vmul.f32 v10, v4  }
0x175: {  	v11 =	vld [tilespmem:s25+$0xFFFFFFD0];
	v9 =	vmul.f32 v9, v4  }
0x176: {  	v12 =	vld [tilespmem:s25+$0xFFFFFFC0];
	v8 =	vmul.f32 v8, v4;
	[tilespmem:s25+$0x30] =	vst v10  }
0x177: {  	v7 =	vmul.f32 v7, v4;
	[tilespmem:s25+$0x10] =	vst v9  }
0x178: {  	[tilespmem:s25+$0xFFFFFFE0] =	vst v8;
	v6 =	vmul.f32 v6, v4  }
0x179: {  	[tilespmem:s25+$0xFFFFFFF0] =	vst v7;
	v5 =	vmul.f32 v5, v4  }
0x17a: {  	v63 =	vmul.f32 v11, v4;
	[tilespmem:s25+$0x0] =	vst v6  }
0x17b: {  	v4 =	vmul.f32 v12, v4;
	[tilespmem:s25+$0x20] =	vst v5  }
0x17c: {  	[tilespmem:s25+$0xFFFFFFD0] =	vst v63  }
0x17d: {  	[tilespmem:s25+$0xFFFFFFC0] =	vst v4  }
0x17e: {  	[spmem:s3] =	stream.indirect.scatter.add.f32 [tilespmem:s11], [sflag:$0x6], $0x80, s16, s17, $0xb8;
	[tilespmem:$0x12680] =	vst v63  }
0x17f: {  	s24 =	sadd.s32 $0x1, s24;
	_ =	swait.ge [sflag:s1], $0x1000  }
0x180: {  	p1 =	sne.s32 s24, $0x4E2;
	[sflag:s1] =	ssyncset.done $0x0  }
.Ltmp4:
0x181: {  	[sflag:s1] =	ssyncadd.s32 $0xFFFFF000;
	(pc) =	sbr.rel @p1 .LBB2_7-.Ltmp4, $4  }
0x182: {  	[spmem:s4] =	stream.indirect.scatter.add.f32 [tilespmem:s12], [sflag:$0x6], $0x10, s16, s17, $0xb8;
	[tilespmem:$0x12680] =	vst v63  }
0x183: {  	_ =	swait.ge [sflag:s1], $0x200  }
0x184: {  	[sflag:s1] =	ssyncset.done $0x0  }
0x185: {  	[sflag:s1] =	ssyncadd.s32 $0xFFFFFE00  }
0x186: {  	[sflag:s19] =	ssyncset.done $0x0  }
0x187: {  	[smem:s10], [sflag:$0x4] =	smem.add.s32 $0x1  }
0x188: {  	_ =	swait.done [sflag:s19]  }
0x189: {  	[sflag:s19] =	ssyncset.s32 $0x0  }
0x18a: {  	[sflag:s19] =	ssyncset.done $0x0  }
.LBB2_11:
0x18b: {  	[sflag:s20] =	ssyncset.done $0x0  }
0x18c: {  	[smem:s10], [sflag:$0x5] =	smem.add.s32 $0x0  }
0x18d: {  	_ =	swait.done [sflag:s20]  }
0x18e: {  	s5 =	ssyncread [sflag:$0x5];
	_ =	sdelay $0x2  }
0x18f: {  	p1 =	slt.s32 s5, $0x8  }
.Ltmp5:
0x190: {  	_ = 	snop;
	(pc) =	sbr.rel @p1 .LBB2_11-.Ltmp5, $3  }
0x191: {  	_ =	sdelay $0x1  }
0x192: {  	[sflag:s20] =	ssyncset.s32 $0x0  }
0x193: {  	[sflag:s20] =	ssyncset.done $0x0  }
0x194: {  	s5 =	stileid.u32  }
0x195: {  	s5 =	sshll.u32 s5, $0x6  }
0x196: {  	s24 =	sshrl.u32 s22, $0x3;
	s25 =	rddreg [dreg:$0x17];
	s5 =	sor.u32 $0x1C06, s5  }
0x197: {  	[hbm:s25], [sflag:s5] =	dma.local [spmem:s24], $0x2800  }
0x198: {  	_ =	swait.ge [sflag:s1], $0x2800  }
0x199: {  	[sflag:s1] =	ssyncset.done $0x0  }
0x19a: {  	s28 =	sshrl.u32 s23, $0x3;
	s29 =	rddreg [dreg:$0x18];
	[sflag:s1] =	ssyncadd.s32 $0xFFFFD800  }
0x19b: {  	[hbm:s29], [sflag:s5] =	dma.local [spmem:s28], $0x2800  }
0x19c: {  	_ =	swait.ge [sflag:s1], $0x2800  }
0x19d: {  	s21 =	sadd.s32 $0x1, s21;
	s30 =	rddreg [dreg:$0x5]  }
0x19e: {  	p1 =	sne.s32 s21, s30  }
.Ltmp6:
0x19f: {  	_ = 	snop;
	(pc) =	sbr.rel @p1 .LBB2_2-.Ltmp6, $3  }
0x1a0: {  	_ =	sdelay $0x1  }
0x1a1: {  	[sflag:s1] =	ssyncset.done $0x0  }
0x1a2: {  	[sflag:s1] =	ssyncadd.s32 $0xFFFFD800  }
.LBB2_13:
0x1a3: {  	_ =	sfence.sel $0x180000  }
0x1a4: {  	[bflag:$0x0] =	sbarrier.arrive $0xFFFF  }
0x1a5: {  	_ =	strace $0x90000047  }
0x1a6: {  	s0 =	stileid.u32;
	[bflag:$0x2] =	sbarrier.arrive $0xFFFF  }
0x1a7: {  	p0 =	sne.s32 s0, $0x0;
	s0 =	rddreg [dreg:$0x4]  }
0x1a8: {  	s0 =	sadd.s32 @!p0 $0x100000, s0  }
0x1a9: {  	[sflag:s0] =	ssyncadd.tile.s32 @!p0 $0x1;
	_ =	shalt  }
.Lfunc_end2:
_tile_overlayer_lowered:
.L_overlay_start_2:
0x1aa: {  	(tag) =	ssettag $0x2  }
0x1ab: {  	s0 =	rddreg [dreg:$0x0];
	s2 =	stileid.u32  }
0x1ac: {  	s1 =	rddreg [dreg:$0x1];
	p0 =	sne.s32 s2, $0x0  }
0x1ad: {  	s3 =	rddreg [dreg:$0x2];
	[bflag:$0x3] =	sbarrier.arrive $0xFFFF;
	s2 =	simm.s32 @!p0 $0x1C02  }
0x1ae: {  	[timem:s3], [sflag:s2] =	dma.local @!p0 [hbm:s0], s1  }
0x1af: {  	s0 =	simm.s32 @!p0 $0x2  }
0x1b0: {  	_ =	swait.ge @!p0 [sflag:s0], s1  }
0x1b1: {  	s1 =	ssub.s32 @!p0 $0x0, s1;
	[sflag:s0] =	ssyncset.done @!p0 $0x0  }
0x1b2: {  	[sflag:s0] =	ssyncadd.s32 @!p0 s1  }
0x1b3: {  	[bflag:$0x3] =	sbarrier.arrive $0xFFFF  }
0x1b4: {  	_ =	shalt  }

</sc_bundles>
